<compile_context>
chip_gen: v7x
topology: tpu7x:2x2x1
jax: 0.10.2.dev20260603
libtpu: 0.0.44.dev20260713+nightly
codegen_flags: <defaults>
</compile_context>

<pallas_src>
import functools

import jax
import jax.numpy as jnp
from jax import lax
from jax.experimental import pallas as pl
from jax.experimental.pallas import tpu as pltpu
from jax.experimental.pallas import tpu_sc as plsc

_NUM_FIELDS = 26
_VOCAB = 100000
_EMB = 32
_BATCH = 16384
_NCOMP = _NUM_FIELDS * _EMB
_NW = 32
_CPW = _NCOMP // _NW
_CH = 2048
_NCHK = _BATCH // _CH
_LANES = 16

_mesh = plsc.VectorSubcoreMesh(core_axis_name="c", subcore_axis_name="s")


@functools.partial(
    pl.kernel,
    mesh=_mesh,
    out_type=jax.ShapeDtypeStruct((_NCOMP, _BATCH), jnp.float32),
    scratch_types=[
        pltpu.VMEM((_VOCAB,), jnp.float32),
        pltpu.VMEM((_BATCH,), jnp.int32),
        pltpu.VMEM((2, _CH), jnp.float32),
        pltpu.SemaphoreType.DMA,
        pltpu.SemaphoreType.DMA,
        pltpu.SemaphoreType.DMA,
    ],
    compiler_params=pltpu.CompilerParams(
        use_tc_tiling_on_sc=True, needs_layout_passes=False),
)
def _sc_embed(xt_hbm, tablest_hbm, out_hbm, vec, xrow, ob,
              sem_v, sem_x, sem_st):
    wid = lax.axis_index("s") * 2 + lax.axis_index("c")
    c0 = wid * _CPW

    pltpu.async_copy(
        tablest_hbm.at[c0 // _EMB, lax.rem(c0, _EMB)], vec, sem_v)

    def component(j, carry):
        cc = c0 + j
        fld = cc // _EMB
        comp = lax.rem(cc, _EMB)
        prev_fld = (cc - 1) // _EMB

        @pl.when(jnp.logical_or(j == 0, fld != prev_fld))
        def _():
            pltpu.async_copy(xt_hbm.at[fld], xrow, sem_x).wait()

        pltpu.make_async_copy(tablest_hbm.at[fld, comp], vec, sem_v).wait()

        for k in range(_NCHK):
            buf = k % 2
            if k >= 2:
                pltpu.make_async_copy(
                    ob.at[(k - 2) % 2],
                    out_hbm.at[cc, pl.ds((k - 2) * _CH, _CH)],
                    sem_st).wait()

            def gstep(t, carry2):
                idx = xrow[pl.ds(k * _CH + t * _LANES, _LANES)]
                ob[buf, pl.ds(t * _LANES, _LANES)] = plsc.load_gather(
                    vec, [idx])
                return carry2

            lax.fori_loop(0, _CH // _LANES, gstep, 0, unroll=32)
            pltpu.async_copy(
                ob.at[buf], out_hbm.at[cc, pl.ds(k * _CH, _CH)], sem_st)
        @pl.when(j + 1 < _CPW)
        def _():
            nc = cc + 1
            pltpu.async_copy(
                tablest_hbm.at[nc // _EMB, lax.rem(nc, _EMB)], vec, sem_v)

        for k in (_NCHK - 2, _NCHK - 1):
            pltpu.make_async_copy(
                ob.at[k % 2],
                out_hbm.at[cc, pl.ds(k * _CH, _CH)],
                sem_st).wait()
        return carry

    lax.fori_loop(0, _CPW, component, 0)


def kernel(x_cat, tables):
    out_t = _sc_embed(x_cat.T, tables.transpose(0, 2, 1))
    return out_t.T

# --- scband reference (transcript-rebuilt; emitter-appended) ---
"""Pipeline reference for scband-entity-embedding-20143396619064 (READ-ONLY COPY).

The authoritative reference and input builder live on the scoring server;
editing this copy changes nothing except your own understanding.
"""

import jax, jax.numpy as jnp
import numpy as np

NUM_FIELDS = 26
VOCAB = 100000
EMB = 32
BATCH = 16384


def setup_inputs(seed: int = 0) -> dict:
    key = jax.random.key(seed)
    k1, k2 = jax.random.split(key)
    x_cat = jax.random.randint(k1, (BATCH, NUM_FIELDS), 0, VOCAB, dtype=jnp.int32)
    # All 26 embedding tables have identical shape (VOCAB, EMB); stack into one array.
    tables = jax.random.normal(k2, (NUM_FIELDS, VOCAB, EMB), dtype=jnp.float32)
    return {"x_cat": x_cat, "tables": tables}


def reference(x_cat, tables):
    # Faithful translation of EntityEmbedding.forward:
    # per-field embedding lookup followed by concatenation along feature dim.
    embs = [jnp.take(tables[i], x_cat[:, i], axis=0) for i in range(NUM_FIELDS)]
    return jnp.concatenate(embs, axis=1)

if __name__ == "__main__":
    import jax
    _d = setup_inputs()
    print(jax.jit(kernel)(*tuple(_d.values())))

</pallas_src>

<mosaic_0001>
#map = affine_map<(d0, d1) -> (0, 0)>
#map1 = affine_map<(d0, d1) -> (0, 0, 0)>
module attributes {stable_mosaic.version = 14 : i64} {
  func.func @_sc_embed(%arg0: i32, %arg1: i32, %arg2: memref<26x16384xi32, #tpu.memory_space<hbm>>, %arg3: memref<26x32x100000xf32, #tpu.memory_space<hbm>>, %arg4: memref<832x16384xf32, #tpu.memory_space<hbm>>, %arg5: memref<100000xf32, #tpu.memory_space<vmem>>, %arg6: memref<16384xi32, #tpu.memory_space<vmem>>, %arg7: memref<2x2048xf32, #tpu.memory_space<vmem>>, %arg8: memref<!tpu.dma_semaphore, #tpu.memory_space<semaphore_mem>>, %arg9: memref<!tpu.dma_semaphore, #tpu.memory_space<semaphore_mem>>, %arg10: memref<!tpu.dma_semaphore, #tpu.memory_space<semaphore_mem>>) attributes {dimension_semantics = [#tpu.dimension_semantics<core_parallel>, #tpu.dimension_semantics<subcore_parallel>], iteration_bounds = array<i64: 2, 16>, scalar_prefetch = 0 : i64, scratch_operands = 6 : i64, tpu.core_type = #tpu.core_type<sc_vector_subcore>, window_params = [{transform_indices = #map}, {transform_indices = #map1}, {transform_indices = #map}]} {
    %mul3A = arith.constant 2 : i32
    %mul3A_0 = arith.muli %arg1, %mul3A : i32
    %add3A = arith.addi %mul3A_0, %arg0 : i32
    %mul3A_1 = arith.constant 26 : i32
    %mul3A_2 = arith.muli %add3A, %mul3A_1 : i32
    %jit3A = arith.constant 32 : i32
    %div3A = arith.divsi %mul3A_2, %jit3A : i32
    %sign3A = arith.constant 0 : i32
    %sign3A_3 = arith.cmpi sgt, %mul3A_2, %sign3A : i32
    %sign3A_4 = arith.extui %sign3A_3 : i1 to i32
    %sign3A_5 = arith.constant 0 : i32
    %sign3A_6 = arith.cmpi slt, %mul3A_2, %sign3A_5 : i32
    %sign3A_7 = arith.extui %sign3A_6 : i1 to i32
    %sign3A_8 = arith.subi %sign3A_4, %sign3A_7 : i32
    %sign3A_9 = arith.constant 0 : i32
    %sign3A_10 = arith.cmpi sgt, %jit3A, %sign3A_9 : i32
    %sign3A_11 = arith.extui %sign3A_10 : i1 to i32
    %sign3A_12 = arith.constant 0 : i32
    %sign3A_13 = arith.cmpi slt, %jit3A, %sign3A_12 : i32
    %sign3A_14 = arith.extui %sign3A_13 : i1 to i32
    %sign3A_15 = arith.subi %sign3A_11, %sign3A_14 : i32
    %ne3A = arith.cmpi ne, %sign3A_8, %sign3A_15 : i32
    %rem3A = arith.remsi %mul3A_2, %jit3A : i32
    %ne3A_16 = arith.constant 0 : i32
    %ne3A_17 = arith.cmpi ne, %rem3A, %ne3A_16 : i32
    %and3A = arith.andi %ne3A, %ne3A_17 : i1
    %sub3A = arith.constant 1 : i32
    %sub3A_18 = arith.subi %div3A, %sub3A : i32
    %select_n3A = arith.select %and3A, %sub3A_18, %div3A : i32
    %rem3A_19 = arith.constant 32 : i32
    %rem3A_20 = arith.remsi %mul3A_2, %rem3A_19 : i32
    %dma_start3A = arith.constant 0 : i32
    %dma_start3A_21 = tpu.memref_slice %arg3[%select_n3A, %rem3A_20, %dma_start3A] : memref<26x32x100000xf32, #tpu.memory_space<hbm>> -> memref<1x1x100000xf32, #tpu.memory_space<hbm>>
    %dma_start3A_22 = tpu.memref_squeeze %dma_start3A_21 : memref<1x1x100000xf32, #tpu.memory_space<hbm>> -> memref<100000xf32, #tpu.memory_space<hbm>>
    %dma_start3A_23 = arith.constant 0 : i32
    %dma_start3A_24 = tpu.memref_slice %arg3[%select_n3A, %rem3A_20, %dma_start3A_23] : memref<26x32x100000xf32, #tpu.memory_space<hbm>> -> memref<1x1x100000xf32, #tpu.memory_space<hbm>>
    %dma_start3A_25 = tpu.memref_squeeze %dma_start3A_24 : memref<1x1x100000xf32, #tpu.memory_space<hbm>> -> memref<100000xf32, #tpu.memory_space<hbm>>
    tpu.enqueue_dma source(%dma_start3A_25 : memref<100000xf32, #tpu.memory_space<hbm>>) target(%arg5 : memref<100000xf32, #tpu.memory_space<vmem>>) target_semaphore(%arg8 : memref<!tpu.dma_semaphore, #tpu.memory_space<semaphore_mem>>)
    %scan3A = arith.constant 0 : i32
    %scan3A_26 = arith.constant 0 : i32
    %scan3A_27 = arith.constant 26 : i32
    %scan3A_28 = arith.addi %scan3A_26, %scan3A_27 : i32
    %scan3A_29 = arith.constant 1 : i32
    scf.for %scan3A_31 = %scan3A_26 to %scan3A_28 step %scan3A_29  : i32 {
      %add3A_32 = arith.addi %mul3A_2, %scan3A_31 : i32
      %jit3A_33 = arith.constant 32 : i32
      %div3A_34 = arith.divsi %add3A_32, %jit3A_33 : i32
      %sign3A_35 = arith.constant 0 : i32
      %sign3A_36 = arith.cmpi sgt, %add3A_32, %sign3A_35 : i32
      %sign3A_37 = arith.extui %sign3A_36 : i1 to i32
      %sign3A_38 = arith.constant 0 : i32
      %sign3A_39 = arith.cmpi slt, %add3A_32, %sign3A_38 : i32
      %sign3A_40 = arith.extui %sign3A_39 : i1 to i32
      %sign3A_41 = arith.subi %sign3A_37, %sign3A_40 : i32
      %sign3A_42 = arith.constant 0 : i32
      %sign3A_43 = arith.cmpi sgt, %jit3A_33, %sign3A_42 : i32
      %sign3A_44 = arith.extui %sign3A_43 : i1 to i32
      %sign3A_45 = arith.constant 0 : i32
      %sign3A_46 = arith.cmpi slt, %jit3A_33, %sign3A_45 : i32
      %sign3A_47 = arith.extui %sign3A_46 : i1 to i32
      %sign3A_48 = arith.subi %sign3A_44, %sign3A_47 : i32
      %ne3A_49 = arith.cmpi ne, %sign3A_41, %sign3A_48 : i32
      %rem3A_50 = arith.remsi %add3A_32, %jit3A_33 : i32
      %ne3A_51 = arith.constant 0 : i32
      %ne3A_52 = arith.cmpi ne, %rem3A_50, %ne3A_51 : i32
      %and3A_53 = arith.andi %ne3A_49, %ne3A_52 : i1
      %sub3A_54 = arith.constant 1 : i32
      %sub3A_55 = arith.subi %div3A_34, %sub3A_54 : i32
      %select_n3A_56 = arith.select %and3A_53, %sub3A_55, %div3A_34 : i32
      %rem3A_57 = arith.constant 32 : i32
      %rem3A_58 = arith.remsi %add3A_32, %rem3A_57 : i32
      %sub3A_59 = arith.constant 1 : i32
      %sub3A_60 = arith.subi %add3A_32, %sub3A_59 : i32
      %jit3A_61 = arith.constant 32 : i32
      %div3A_62 = arith.divsi %sub3A_60, %jit3A_61 : i32
      %sign3A_63 = arith.constant 0 : i32
      %sign3A_64 = arith.cmpi sgt, %sub3A_60, %sign3A_63 : i32
      %sign3A_65 = arith.extui %sign3A_64 : i1 to i32
      %sign3A_66 = arith.constant 0 : i32
      %sign3A_67 = arith.cmpi slt, %sub3A_60, %sign3A_66 : i32
      %sign3A_68 = arith.extui %sign3A_67 : i1 to i32
      %sign3A_69 = arith.subi %sign3A_65, %sign3A_68 : i32
      %sign3A_70 = arith.constant 0 : i32
      %sign3A_71 = arith.cmpi sgt, %jit3A_61, %sign3A_70 : i32
      %sign3A_72 = arith.extui %sign3A_71 : i1 to i32
      %sign3A_73 = arith.constant 0 : i32
      %sign3A_74 = arith.cmpi slt, %jit3A_61, %sign3A_73 : i32
      %sign3A_75 = arith.extui %sign3A_74 : i1 to i32
      %sign3A_76 = arith.subi %sign3A_72, %sign3A_75 : i32
      %ne3A_77 = arith.cmpi ne, %sign3A_69, %sign3A_76 : i32
      %rem3A_78 = arith.remsi %sub3A_60, %jit3A_61 : i32
      %ne3A_79 = arith.constant 0 : i32
      %ne3A_80 = arith.cmpi ne, %rem3A_78, %ne3A_79 : i32
      %and3A_81 = arith.andi %ne3A_77, %ne3A_80 : i1
      %sub3A_82 = arith.constant 1 : i32
      %sub3A_83 = arith.subi %div3A_62, %sub3A_82 : i32
      %select_n3A_84 = arith.select %and3A_81, %sub3A_83, %div3A_62 : i32
      %eq3A = arith.constant 0 : i32
      %eq3A_85 = arith.cmpi eq, %scan3A_31, %eq3A : i32
      %ne3A_86 = arith.cmpi ne, %select_n3A_56, %select_n3A_84 : i32
      %or3A = arith.ori %eq3A_85, %ne3A_86 : i1
      %convert_element_type3A = arith.extui %or3A : i1 to i32
      %cond3A = arith.constant 0 : i32
      %cond3A_87 = arith.cmpi ne, %convert_element_type3A, %cond3A : i32
      scf.if %cond3A_87 {
        %dma_start3A_355 = arith.constant 0 : i32
        %dma_start3A_356 = tpu.memref_slice %arg2[%select_n3A_56, %dma_start3A_355] : memref<26x16384xi32, #tpu.memory_space<hbm>> -> memref<1x16384xi32, #tpu.memory_space<hbm>>
        %dma_start3A_357 = tpu.memref_squeeze %dma_start3A_356 : memref<1x16384xi32, #tpu.memory_space<hbm>> -> memref<16384xi32, #tpu.memory_space<hbm>>
        %dma_start3A_358 = arith.constant 0 : i32
        %dma_start3A_359 = tpu.memref_slice %arg2[%select_n3A_56, %dma_start3A_358] : memref<26x16384xi32, #tpu.memory_space<hbm>> -> memref<1x16384xi32, #tpu.memory_space<hbm>>
        %dma_start3A_360 = tpu.memref_squeeze %dma_start3A_359 : memref<1x16384xi32, #tpu.memory_space<hbm>> -> memref<16384xi32, #tpu.memory_space<hbm>>
        tpu.enqueue_dma source(%dma_start3A_360 : memref<16384xi32, #tpu.memory_space<hbm>>) target(%arg6 : memref<16384xi32, #tpu.memory_space<vmem>>) target_semaphore(%arg9 : memref<!tpu.dma_semaphore, #tpu.memory_space<semaphore_mem>>)
        %dma_wait3A_361 = arith.constant 0 : i32
        %dma_wait3A_362 = tpu.memref_slice %arg2[%select_n3A_56, %dma_wait3A_361] : memref<26x16384xi32, #tpu.memory_space<hbm>> -> memref<1x16384xi32, #tpu.memory_space<hbm>>
        %dma_wait3A_363 = tpu.memref_squeeze %dma_wait3A_362 : memref<1x16384xi32, #tpu.memory_space<hbm>> -> memref<16384xi32, #tpu.memory_space<hbm>>
        %dma_wait3A_364 = arith.constant 0 : i32
        %dma_wait3A_365 = tpu.memref_slice %arg2[%select_n3A_56, %dma_wait3A_364] : memref<26x16384xi32, #tpu.memory_space<hbm>> -> memref<1x16384xi32, #tpu.memory_space<hbm>>
        %dma_wait3A_366 = tpu.memref_squeeze %dma_wait3A_365 : memref<1x16384xi32, #tpu.memory_space<hbm>> -> memref<16384xi32, #tpu.memory_space<hbm>>
        tpu.wait_dma2 semaphore(%arg9 : memref<!tpu.dma_semaphore, #tpu.memory_space<semaphore_mem>>) src(%dma_wait3A_366 : memref<16384xi32, #tpu.memory_space<hbm>>) dst(%arg6 : memref<16384xi32, #tpu.memory_space<vmem>>)
      } else {
      }
      %dma_wait3A = arith.constant 0 : i32
      %dma_wait3A_88 = tpu.memref_slice %arg3[%select_n3A_56, %rem3A_58, %dma_wait3A] : memref<26x32x100000xf32, #tpu.memory_space<hbm>> -> memref<1x1x100000xf32, #tpu.memory_space<hbm>>
      %dma_wait3A_89 = tpu.memref_squeeze %dma_wait3A_88 : memref<1x1x100000xf32, #tpu.memory_space<hbm>> -> memref<100000xf32, #tpu.memory_space<hbm>>
      %dma_wait3A_90 = arith.constant 0 : i32
      %dma_wait3A_91 = tpu.memref_slice %arg3[%select_n3A_56, %rem3A_58, %dma_wait3A_90] : memref<26x32x100000xf32, #tpu.memory_space<hbm>> -> memref<1x1x100000xf32, #tpu.memory_space<hbm>>
      %dma_wait3A_92 = tpu.memref_squeeze %dma_wait3A_91 : memref<1x1x100000xf32, #tpu.memory_space<hbm>> -> memref<100000xf32, #tpu.memory_space<hbm>>
      tpu.wait_dma2 semaphore(%arg8 : memref<!tpu.dma_semaphore, #tpu.memory_space<semaphore_mem>>) src(%dma_wait3A_92 : memref<100000xf32, #tpu.memory_space<hbm>>) dst(%arg5 : memref<100000xf32, #tpu.memory_space<vmem>>)
      %scan3A_93 = arith.constant 0 : i32
      %scan3A_94 = arith.constant 0 : i32
      %scan3A_95 = arith.constant 128 : i32
      %scan3A_96 = arith.addi %scan3A_94, %scan3A_95 : i32
      %scan3A_97 = arith.constant 32 : i32
      scf.for %scan3A_355 = %scan3A_94 to %scan3A_96 step %scan3A_97  : i32 {
        %mul3A_356 = arith.constant 16 : i32
        %mul3A_357 = arith.muli %scan3A_355, %mul3A_356 : i32
        %add3A_358 = arith.constant 0 : i32
        %add3A_359 = arith.addi %add3A_358, %mul3A_357 : i32
        %get3A = arith.index_cast %add3A_359 : i32 to index
        %get3A_360 = tpu.vector_load %arg6[%get3A] {strides = array<i32>} : memref<16384xi32, #tpu.memory_space<vmem>>, vector<16xi32>,
        %gather3A = tpu.vector_load_idx %arg5[%get3A_360] : memref<100000xf32, #tpu.memory_space<vmem>>[vector<16xi32>], vector<16xf32>,
        %mul3A_361 = arith.constant 16 : i32
        %mul3A_362 = arith.muli %scan3A_355, %mul3A_361 : i32
        %swap3A = arith.constant 0 : i32
        %swap3A_363 = arith.index_cast %swap3A : i32 to index
        %swap3A_364 = arith.index_cast %mul3A_362 : i32 to index
        %swap3A_365 = tpu.vector_load %arg7[%swap3A_363, %swap3A_364] {strides = array<i32>} : memref<2x2048xf32, #tpu.memory_space<vmem>>, vector<16xf32>,
        tpu.vector_store %arg7[%swap3A_363, %swap3A_364], %gather3A {strides = array<i32>} : memref<2x2048xf32, #tpu.memory_space<vmem>>, vector<16xf32>,
        %scan3A_366 = arith.constant 1 : i32
        %scan3A_367 = arith.addi %scan3A_355, %scan3A_366 : i32
        %mul3A_368 = arith.constant 16 : i32
        %mul3A_369 = arith.muli %scan3A_367, %mul3A_368 : i32
        %add3A_370 = arith.constant 0 : i32
        %add3A_371 = arith.addi %add3A_370, %mul3A_369 : i32
        %get3A_372 = arith.index_cast %add3A_371 : i32 to index
        %get3A_373 = tpu.vector_load %arg6[%get3A_372] {strides = array<i32>} : memref<16384xi32, #tpu.memory_space<vmem>>, vector<16xi32>,
        %gather3A_374 = tpu.vector_load_idx %arg5[%get3A_373] : memref<100000xf32, #tpu.memory_space<vmem>>[vector<16xi32>], vector<16xf32>,
        %mul3A_375 = arith.constant 16 : i32
        %mul3A_376 = arith.muli %scan3A_367, %mul3A_375 : i32
        %swap3A_377 = arith.constant 0 : i32
        %swap3A_378 = arith.index_cast %swap3A_377 : i32 to index
        %swap3A_379 = arith.index_cast %mul3A_376 : i32 to index
        %swap3A_380 = tpu.vector_load %arg7[%swap3A_378, %swap3A_379] {strides = array<i32>} : memref<2x2048xf32, #tpu.memory_space<vmem>>, vector<16xf32>,
        tpu.vector_store %arg7[%swap3A_378, %swap3A_379], %gather3A_374 {strides = array<i32>} : memref<2x2048xf32, #tpu.memory_space<vmem>>, vector<16xf32>,
        %scan3A_381 = arith.constant 2 : i32
        %scan3A_382 = arith.addi %scan3A_355, %scan3A_381 : i32
        %mul3A_383 = arith.constant 16 : i32
        %mul3A_384 = arith.muli %scan3A_382, %mul3A_383 : i32
        %add3A_385 = arith.constant 0 : i32
        %add3A_386 = arith.addi %add3A_385, %mul3A_384 : i32
        %get3A_387 = arith.index_cast %add3A_386 : i32 to index
        %get3A_388 = tpu.vector_load %arg6[%get3A_387] {strides = array<i32>} : memref<16384xi32, #tpu.memory_space<vmem>>, vector<16xi32>,
        %gather3A_389 = tpu.vector_load_idx %arg5[%get3A_388] : memref<100000xf32, #tpu.memory_space<vmem>>[vector<16xi32>], vector<16xf32>,
        %mul3A_390 = arith.constant 16 : i32
        %mul3A_391 = arith.muli %scan3A_382, %mul3A_390 : i32
        %swap3A_392 = arith.constant 0 : i32
        %swap3A_393 = arith.index_cast %swap3A_392 : i32 to index
        %swap3A_394 = arith.index_cast %mul3A_391 : i32 to index
        %swap3A_395 = tpu.vector_load %arg7[%swap3A_393, %swap3A_394] {strides = array<i32>} : memref<2x2048xf32, #tpu.memory_space<vmem>>, vector<16xf32>,
        tpu.vector_store %arg7[%swap3A_393, %swap3A_394], %gather3A_389 {strides = array<i32>} : memref<2x2048xf32, #tpu.memory_space<vmem>>, vector<16xf32>,
        %scan3A_396 = arith.constant 3 : i32
        %scan3A_397 = arith.addi %scan3A_355, %scan3A_396 : i32
        %mul3A_398 = arith.constant 16 : i32
        %mul3A_399 = arith.muli %scan3A_397, %mul3A_398 : i32
        %add3A_400 = arith.constant 0 : i32
        %add3A_401 = arith.addi %add3A_400, %mul3A_399 : i32
        %get3A_402 = arith.index_cast %add3A_401 : i32 to index
        %get3A_403 = tpu.vector_load %arg6[%get3A_402] {strides = array<i32>} : memref<16384xi32, #tpu.memory_space<vmem>>, vector<16xi32>,
        %gather3A_404 = tpu.vector_load_idx %arg5[%get3A_403] : memref<100000xf32, #tpu.memory_space<vmem>>[vector<16xi32>], vector<16xf32>,
        %mul3A_405 = arith.constant 16 : i32
        %mul3A_406 = arith.muli %scan3A_397, %mul3A_405 : i32
        %swap3A_407 = arith.constant 0 : i32
        %swap3A_408 = arith.index_cast %swap3A_407 : i32 to index
        %swap3A_409 = arith.index_cast %mul3A_406 : i32 to index
        %swap3A_410 = tpu.vector_load %arg7[%swap3A_408, %swap3A_409] {strides = array<i32>} : memref<2x2048xf32, #tpu.memory_space<vmem>>, vector<16xf32>,
        tpu.vector_store %arg7[%swap3A_408, %swap3A_409], %gather3A_404 {strides = array<i32>} : memref<2x2048xf32, #tpu.memory_space<vmem>>, vector<16xf32>,
        %scan3A_411 = arith.constant 4 : i32
        %scan3A_412 = arith.addi %scan3A_355, %scan3A_411 : i32
        %mul3A_413 = arith.constant 16 : i32
        %mul3A_414 = arith.muli %scan3A_412, %mul3A_413 : i32
        %add3A_415 = arith.constant 0 : i32
        %add3A_416 = arith.addi %add3A_415, %mul3A_414 : i32
        %get3A_417 = arith.index_cast %add3A_416 : i32 to index
        %get3A_418 = tpu.vector_load %arg6[%get3A_417] {strides = array<i32>} : memref<16384xi32, #tpu.memory_space<vmem>>, vector<16xi32>,
        %gather3A_419 = tpu.vector_load_idx %arg5[%get3A_418] : memref<100000xf32, #tpu.memory_space<vmem>>[vector<16xi32>], vector<16xf32>,
        %mul3A_420 = arith.constant 16 : i32
        %mul3A_421 = arith.muli %scan3A_412, %mul3A_420 : i32
        %swap3A_422 = arith.constant 0 : i32
        %swap3A_423 = arith.index_cast %swap3A_422 : i32 to index
        %swap3A_424 = arith.index_cast %mul3A_421 : i32 to index
        %swap3A_425 = tpu.vector_load %arg7[%swap3A_423, %swap3A_424] {strides = array<i32>} : memref<2x2048xf32, #tpu.memory_space<vmem>>, vector<16xf32>,
        tpu.vector_store %arg7[%swap3A_423, %swap3A_424], %gather3A_419 {strides = array<i32>} : memref<2x2048xf32, #tpu.memory_space<vmem>>, vector<16xf32>,
        %scan3A_426 = arith.constant 5 : i32
        %scan3A_427 = arith.addi %scan3A_355, %scan3A_426 : i32
        %mul3A_428 = arith.constant 16 : i32
        %mul3A_429 = arith.muli %scan3A_427, %mul3A_428 : i32
        %add3A_430 = arith.constant 0 : i32
        %add3A_431 = arith.addi %add3A_430, %mul3A_429 : i32
        %get3A_432 = arith.index_cast %add3A_431 : i32 to index
        %get3A_433 = tpu.vector_load %arg6[%get3A_432] {strides = array<i32>} : memref<16384xi32, #tpu.memory_space<vmem>>, vector<16xi32>,
        %gather3A_434 = tpu.vector_load_idx %arg5[%get3A_433] : memref<100000xf32, #tpu.memory_space<vmem>>[vector<16xi32>], vector<16xf32>,
        %mul3A_435 = arith.constant 16 : i32
        %mul3A_436 = arith.muli %scan3A_427, %mul3A_435 : i32
        %swap3A_437 = arith.constant 0 : i32
        %swap3A_438 = arith.index_cast %swap3A_437 : i32 to index
        %swap3A_439 = arith.index_cast %mul3A_436 : i32 to index
        %swap3A_440 = tpu.vector_load %arg7[%swap3A_438, %swap3A_439] {strides = array<i32>} : memref<2x2048xf32, #tpu.memory_space<vmem>>, vector<16xf32>,
        tpu.vector_store %arg7[%swap3A_438, %swap3A_439], %gather3A_434 {strides = array<i32>} : memref<2x2048xf32, #tpu.memory_space<vmem>>, vector<16xf32>,
        %scan3A_441 = arith.constant 6 : i32
        %scan3A_442 = arith.addi %scan3A_355, %scan3A_441 : i32
        %mul3A_443 = arith.constant 16 : i32
        %mul3A_444 = arith.muli %scan3A_442, %mul3A_443 : i32
        %add3A_445 = arith.constant 0 : i32
        %add3A_446 = arith.addi %add3A_445, %mul3A_444 : i32
        %get3A_447 = arith.index_cast %add3A_446 : i32 to index
        %get3A_448 = tpu.vector_load %arg6[%get3A_447] {strides = array<i32>} : memref<16384xi32, #tpu.memory_space<vmem>>, vector<16xi32>,
        %gather3A_449 = tpu.vector_load_idx %arg5[%get3A_448] : memref<100000xf32, #tpu.memory_space<vmem>>[vector<16xi32>], vector<16xf32>,
        %mul3A_450 = arith.constant 16 : i32
        %mul3A_451 = arith.muli %scan3A_442, %mul3A_450 : i32
        %swap3A_452 = arith.constant 0 : i32
        %swap3A_453 = arith.index_cast %swap3A_452 : i32 to index
        %swap3A_454 = arith.index_cast %mul3A_451 : i32 to index
        %swap3A_455 = tpu.vector_load %arg7[%swap3A_453, %swap3A_454] {strides = array<i32>} : memref<2x2048xf32, #tpu.memory_space<vmem>>, vector<16xf32>,
        tpu.vector_store %arg7[%swap3A_453, %swap3A_454], %gather3A_449 {strides = array<i32>} : memref<2x2048xf32, #tpu.memory_space<vmem>>, vector<16xf32>,
        %scan3A_456 = arith.constant 7 : i32
        %scan3A_457 = arith.addi %scan3A_355, %scan3A_456 : i32
        %mul3A_458 = arith.constant 16 : i32
        %mul3A_459 = arith.muli %scan3A_457, %mul3A_458 : i32
        %add3A_460 = arith.constant 0 : i32
        %add3A_461 = arith.addi %add3A_460, %mul3A_459 : i32
        %get3A_462 = arith.index_cast %add3A_461 : i32 to index
        %get3A_463 = tpu.vector_load %arg6[%get3A_462] {strides = array<i32>} : memref<16384xi32, #tpu.memory_space<vmem>>, vector<16xi32>,
        %gather3A_464 = tpu.vector_load_idx %arg5[%get3A_463] : memref<100000xf32, #tpu.memory_space<vmem>>[vector<16xi32>], vector<16xf32>,
        %mul3A_465 = arith.constant 16 : i32
        %mul3A_466 = arith.muli %scan3A_457, %mul3A_465 : i32
        %swap3A_467 = arith.constant 0 : i32
        %swap3A_468 = arith.index_cast %swap3A_467 : i32 to index
        %swap3A_469 = arith.index_cast %mul3A_466 : i32 to index
        %swap3A_470 = tpu.vector_load %arg7[%swap3A_468, %swap3A_469] {strides = array<i32>} : memref<2x2048xf32, #tpu.memory_space<vmem>>, vector<16xf32>,
        tpu.vector_store %arg7[%swap3A_468, %swap3A_469], %gather3A_464 {strides = array<i32>} : memref<2x2048xf32, #tpu.memory_space<vmem>>, vector<16xf32>,
        %scan3A_471 = arith.constant 8 : i32
        %scan3A_472 = arith.addi %scan3A_355, %scan3A_471 : i32
        %mul3A_473 = arith.constant 16 : i32
        %mul3A_474 = arith.muli %scan3A_472, %mul3A_473 : i32
        %add3A_475 = arith.constant 0 : i32
        %add3A_476 = arith.addi %add3A_475, %mul3A_474 : i32
        %get3A_477 = arith.index_cast %add3A_476 : i32 to index
        %get3A_478 = tpu.vector_load %arg6[%get3A_477] {strides = array<i32>} : memref<16384xi32, #tpu.memory_space<vmem>>, vector<16xi32>,
        %gather3A_479 = tpu.vector_load_idx %arg5[%get3A_478] : memref<100000xf32, #tpu.memory_space<vmem>>[vector<16xi32>], vector<16xf32>,
        %mul3A_480 = arith.constant 16 : i32
        %mul3A_481 = arith.muli %scan3A_472, %mul3A_480 : i32
        %swap3A_482 = arith.constant 0 : i32
        %swap3A_483 = arith.index_cast %swap3A_482 : i32 to index
        %swap3A_484 = arith.index_cast %mul3A_481 : i32 to index
        %swap3A_485 = tpu.vector_load %arg7[%swap3A_483, %swap3A_484] {strides = array<i32>} : memref<2x2048xf32, #tpu.memory_space<vmem>>, vector<16xf32>,
        tpu.vector_store %arg7[%swap3A_483, %swap3A_484], %gather3A_479 {strides = array<i32>} : memref<2x2048xf32, #tpu.memory_space<vmem>>, vector<16xf32>,
        %scan3A_486 = arith.constant 9 : i32
        %scan3A_487 = arith.addi %scan3A_355, %scan3A_486 : i32
        %mul3A_488 = arith.constant 16 : i32
        %mul3A_489 = arith.muli %scan3A_487, %mul3A_488 : i32
        %add3A_490 = arith.constant 0 : i32
        %add3A_491 = arith.addi %add3A_490, %mul3A_489 : i32
        %get3A_492 = arith.index_cast %add3A_491 : i32 to index
        %get3A_493 = tpu.vector_load %arg6[%get3A_492] {strides = array<i32>} : memref<16384xi32, #tpu.memory_space<vmem>>, vector<16xi32>,
        %gather3A_494 = tpu.vector_load_idx %arg5[%get3A_493] : memref<100000xf32, #tpu.memory_space<vmem>>[vector<16xi32>], vector<16xf32>,
        %mul3A_495 = arith.constant 16 : i32
        %mul3A_496 = arith.muli %scan3A_487, %mul3A_495 : i32
        %swap3A_497 = arith.constant 0 : i32
        %swap3A_498 = arith.index_cast %swap3A_497 : i32 to index
        %swap3A_499 = arith.index_cast %mul3A_496 : i32 to index
        %swap3A_500 = tpu.vector_load %arg7[%swap3A_498, %swap3A_499] {strides = array<i32>} : memref<2x2048xf32, #tpu.memory_space<vmem>>, vector<16xf32>,
        tpu.vector_store %arg7[%swap3A_498, %swap3A_499], %gather3A_494 {strides = array<i32>} : memref<2x2048xf32, #tpu.memory_space<vmem>>, vector<16xf32>,
        %scan3A_501 = arith.constant 10 : i32
        %scan3A_502 = arith.addi %scan3A_355, %scan3A_501 : i32
        %mul3A_503 = arith.constant 16 : i32
        %mul3A_504 = arith.muli %scan3A_502, %mul3A_503 : i32
        %add3A_505 = arith.constant 0 : i32
        %add3A_506 = arith.addi %add3A_505, %mul3A_504 : i32
        %get3A_507 = arith.index_cast %add3A_506 : i32 to index
        %get3A_508 = tpu.vector_load %arg6[%get3A_507] {strides = array<i32>} : memref<16384xi32, #tpu.memory_space<vmem>>, vector<16xi32>,
        %gather3A_509 = tpu.vector_load_idx %arg5[%get3A_508] : memref<100000xf32, #tpu.memory_space<vmem>>[vector<16xi32>], vector<16xf32>,
        %mul3A_510 = arith.constant 16 : i32
        %mul3A_511 = arith.muli %scan3A_502, %mul3A_510 : i32
        %swap3A_512 = arith.constant 0 : i32
        %swap3A_513 = arith.index_cast %swap3A_512 : i32 to index
        %swap3A_514 = arith.index_cast %mul3A_511 : i32 to index
        %swap3A_515 = tpu.vector_load %arg7[%swap3A_513, %swap3A_514] {strides = array<i32>} : memref<2x2048xf32, #tpu.memory_space<vmem>>, vector<16xf32>,
        tpu.vector_store %arg7[%swap3A_513, %swap3A_514], %gather3A_509 {strides = array<i32>} : memref<2x2048xf32, #tpu.memory_space<vmem>>, vector<16xf32>,
        %scan3A_516 = arith.constant 11 : i32
        %scan3A_517 = arith.addi %scan3A_355, %scan3A_516 : i32
        %mul3A_518 = arith.constant 16 : i32
        %mul3A_519 = arith.muli %scan3A_517, %mul3A_518 : i32
        %add3A_520 = arith.constant 0 : i32
        %add3A_521 = arith.addi %add3A_520, %mul3A_519 : i32
        %get3A_522 = arith.index_cast %add3A_521 : i32 to index
        %get3A_523 = tpu.vector_load %arg6[%get3A_522] {strides = array<i32>} : memref<16384xi32, #tpu.memory_space<vmem>>, vector<16xi32>,
        %gather3A_524 = tpu.vector_load_idx %arg5[%get3A_523] : memref<100000xf32, #tpu.memory_space<vmem>>[vector<16xi32>], vector<16xf32>,
        %mul3A_525 = arith.constant 16 : i32
        %mul3A_526 = arith.muli %scan3A_517, %mul3A_525 : i32
        %swap3A_527 = arith.constant 0 : i32
        %swap3A_528 = arith.index_cast %swap3A_527 : i32 to index
        %swap3A_529 = arith.index_cast %mul3A_526 : i32 to index
        %swap3A_530 = tpu.vector_load %arg7[%swap3A_528, %swap3A_529] {strides = array<i32>} : memref<2x2048xf32, #tpu.memory_space<vmem>>, vector<16xf32>,
        tpu.vector_store %arg7[%swap3A_528, %swap3A_529], %gather3A_524 {strides = array<i32>} : memref<2x2048xf32, #tpu.memory_space<vmem>>, vector<16xf32>,
        %scan3A_531 = arith.constant 12 : i32
        %scan3A_532 = arith.addi %scan3A_355, %scan3A_531 : i32
        %mul3A_533 = arith.constant 16 : i32
        %mul3A_534 = arith.muli %scan3A_532, %mul3A_533 : i32
        %add3A_535 = arith.constant 0 : i32
        %add3A_536 = arith.addi %add3A_535, %mul3A_534 : i32
        %get3A_537 = arith.index_cast %add3A_536 : i32 to index
        %get3A_538 = tpu.vector_load %arg6[%get3A_537] {strides = array<i32>} : memref<16384xi32, #tpu.memory_space<vmem>>, vector<16xi32>,
        %gather3A_539 = tpu.vector_load_idx %arg5[%get3A_538] : memref<100000xf32, #tpu.memory_space<vmem>>[vector<16xi32>], vector<16xf32>,
        %mul3A_540 = arith.constant 16 : i32
        %mul3A_541 = arith.muli %scan3A_532, %mul3A_540 : i32
        %swap3A_542 = arith.constant 0 : i32
        %swap3A_543 = arith.index_cast %swap3A_542 : i32 to index
        %swap3A_544 = arith.index_cast %mul3A_541 : i32 to index
        %swap3A_545 = tpu.vector_load %arg7[%swap3A_543, %swap3A_544] {strides = array<i32>} : memref<2x2048xf32, #tpu.memory_space<vmem>>, vector<16xf32>,
        tpu.vector_store %arg7[%swap3A_543, %swap3A_544], %gather3A_539 {strides = array<i32>} : memref<2x2048xf32, #tpu.memory_space<vmem>>, vector<16xf32>,
        %scan3A_546 = arith.constant 13 : i32
        %scan3A_547 = arith.addi %scan3A_355, %scan3A_546 : i32
        %mul3A_548 = arith.constant 16 : i32
        %mul3A_549 = arith.muli %scan3A_547, %mul3A_548 : i32
        %add3A_550 = arith.constant 0 : i32
        %add3A_551 = arith.addi %add3A_550, %mul3A_549 : i32
        %get3A_552 = arith.index_cast %add3A_551 : i32 to index
        %get3A_553 = tpu.vector_load %arg6[%get3A_552] {strides = array<i32>} : memref<16384xi32, #tpu.memory_space<vmem>>, vector<16xi32>,
        %gather3A_554 = tpu.vector_load_idx %arg5[%get3A_553] : memref<100000xf32, #tpu.memory_space<vmem>>[vector<16xi32>], vector<16xf32>,
        %mul3A_555 = arith.constant 16 : i32
        %mul3A_556 = arith.muli %scan3A_547, %mul3A_555 : i32
        %swap3A_557 = arith.constant 0 : i32
        %swap3A_558 = arith.index_cast %swap3A_557 : i32 to index
        %swap3A_559 = arith.index_cast %mul3A_556 : i32 to index
        %swap3A_560 = tpu.vector_load %arg7[%swap3A_558, %swap3A_559] {strides = array<i32>} : memref<2x2048xf32, #tpu.memory_space<vmem>>, vector<16xf32>,
        tpu.vector_store %arg7[%swap3A_558, %swap3A_559], %gather3A_554 {strides = array<i32>} : memref<2x2048xf32, #tpu.memory_space<vmem>>, vector<16xf32>,
        %scan3A_561 = arith.constant 14 : i32
        %scan3A_562 = arith.addi %scan3A_355, %scan3A_561 : i32
        %mul3A_563 = arith.constant 16 : i32
        %mul3A_564 = arith.muli %scan3A_562, %mul3A_563 : i32
        %add3A_565 = arith.constant 0 : i32
        %add3A_566 = arith.addi %add3A_565, %mul3A_564 : i32
        %get3A_567 = arith.index_cast %add3A_566 : i32 to index
        %get3A_568 = tpu.vector_load %arg6[%get3A_567] {strides = array<i32>} : memref<16384xi32, #tpu.memory_space<vmem>>, vector<16xi32>,
        %gather3A_569 = tpu.vector_load_idx %arg5[%get3A_568] : memref<100000xf32, #tpu.memory_space<vmem>>[vector<16xi32>], vector<16xf32>,
        %mul3A_570 = arith.constant 16 : i32
        %mul3A_571 = arith.muli %scan3A_562, %mul3A_570 : i32
        %swap3A_572 = arith.constant 0 : i32
        %swap3A_573 = arith.index_cast %swap3A_572 : i32 to index
        %swap3A_574 = arith.index_cast %mul3A_571 : i32 to index
        %swap3A_575 = tpu.vector_load %arg7[%swap3A_573, %swap3A_574] {strides = array<i32>} : memref<2x2048xf32, #tpu.memory_space<vmem>>, vector<16xf32>,
        tpu.vector_store %arg7[%swap3A_573, %swap3A_574], %gather3A_569 {strides = array<i32>} : memref<2x2048xf32, #tpu.memory_space<vmem>>, vector<16xf32>,
        %scan3A_576 = arith.constant 15 : i32
        %scan3A_577 = arith.addi %scan3A_355, %scan3A_576 : i32
        %mul3A_578 = arith.constant 16 : i32
        %mul3A_579 = arith.muli %scan3A_577, %mul3A_578 : i32
        %add3A_580 = arith.constant 0 : i32
        %add3A_581 = arith.addi %add3A_580, %mul3A_579 : i32
        %get3A_582 = arith.index_cast %add3A_581 : i32 to index
        %get3A_583 = tpu.vector_load %arg6[%get3A_582] {strides = array<i32>} : memref<16384xi32, #tpu.memory_space<vmem>>, vector<16xi32>,
        %gather3A_584 = tpu.vector_load_idx %arg5[%get3A_583] : memref<100000xf32, #tpu.memory_space<vmem>>[vector<16xi32>], vector<16xf32>,
        %mul3A_585 = arith.constant 16 : i32
        %mul3A_586 = arith.muli %scan3A_577, %mul3A_585 : i32
        %swap3A_587 = arith.constant 0 : i32
        %swap3A_588 = arith.index_cast %swap3A_587 : i32 to index
        %swap3A_589 = arith.index_cast %mul3A_586 : i32 to index
        %swap3A_590 = tpu.vector_load %arg7[%swap3A_588, %swap3A_589] {strides = array<i32>} : memref<2x2048xf32, #tpu.memory_space<vmem>>, vector<16xf32>,
        tpu.vector_store %arg7[%swap3A_588, %swap3A_589], %gather3A_584 {strides = array<i32>} : memref<2x2048xf32, #tpu.memory_space<vmem>>, vector<16xf32>,
        %scan3A_591 = arith.constant 16 : i32
        %scan3A_592 = arith.addi %scan3A_355, %scan3A_591 : i32
        %mul3A_593 = arith.constant 16 : i32
        %mul3A_594 = arith.muli %scan3A_592, %mul3A_593 : i32
        %add3A_595 = arith.constant 0 : i32
        %add3A_596 = arith.addi %add3A_595, %mul3A_594 : i32
        %get3A_597 = arith.index_cast %add3A_596 : i32 to index
        %get3A_598 = tpu.vector_load %arg6[%get3A_597] {strides = array<i32>} : memref<16384xi32, #tpu.memory_space<vmem>>, vector<16xi32>,
        %gather3A_599 = tpu.vector_load_idx %arg5[%get3A_598] : memref<100000xf32, #tpu.memory_space<vmem>>[vector<16xi32>], vector<16xf32>,
        %mul3A_600 = arith.constant 16 : i32
        %mul3A_601 = arith.muli %scan3A_592, %mul3A_600 : i32
        %swap3A_602 = arith.constant 0 : i32
        %swap3A_603 = arith.index_cast %swap3A_602 : i32 to index
        %swap3A_604 = arith.index_cast %mul3A_601 : i32 to index
        %swap3A_605 = tpu.vector_load %arg7[%swap3A_603, %swap3A_604] {strides = array<i32>} : memref<2x2048xf32, #tpu.memory_space<vmem>>, vector<16xf32>,
        tpu.vector_store %arg7[%swap3A_603, %swap3A_604], %gather3A_599 {strides = array<i32>} : memref<2x2048xf32, #tpu.memory_space<vmem>>, vector<16xf32>,
        %scan3A_606 = arith.constant 17 : i32
        %scan3A_607 = arith.addi %scan3A_355, %scan3A_606 : i32
        %mul3A_608 = arith.constant 16 : i32
        %mul3A_609 = arith.muli %scan3A_607, %mul3A_608 : i32
        %add3A_610 = arith.constant 0 : i32
        %add3A_611 = arith.addi %add3A_610, %mul3A_609 : i32
        %get3A_612 = arith.index_cast %add3A_611 : i32 to index
        %get3A_613 = tpu.vector_load %arg6[%get3A_612] {strides = array<i32>} : memref<16384xi32, #tpu.memory_space<vmem>>, vector<16xi32>,
        %gather3A_614 = tpu.vector_load_idx %arg5[%get3A_613] : memref<100000xf32, #tpu.memory_space<vmem>>[vector<16xi32>], vector<16xf32>,
        %mul3A_615 = arith.constant 16 : i32
        %mul3A_616 = arith.muli %scan3A_607, %mul3A_615 : i32
        %swap3A_617 = arith.constant 0 : i32
        %swap3A_618 = arith.index_cast %swap3A_617 : i32 to index
        %swap3A_619 = arith.index_cast %mul3A_616 : i32 to index
        %swap3A_620 = tpu.vector_load %arg7[%swap3A_618, %swap3A_619] {strides = array<i32>} : memref<2x2048xf32, #tpu.memory_space<vmem>>, vector<16xf32>,
        tpu.vector_store %arg7[%swap3A_618, %swap3A_619], %gather3A_614 {strides = array<i32>} : memref<2x2048xf32, #tpu.memory_space<vmem>>, vector<16xf32>,
        %scan3A_621 = arith.constant 18 : i32
        %scan3A_622 = arith.addi %scan3A_355, %scan3A_621 : i32
        %mul3A_623 = arith.constant 16 : i32
        %mul3A_624 = arith.muli %scan3A_622, %mul3A_623 : i32
        %add3A_625 = arith.constant 0 : i32
        %add3A_626 = arith.addi %add3A_625, %mul3A_624 : i32
        %get3A_627 = arith.index_cast %add3A_626 : i32 to index
        %get3A_628 = tpu.vector_load %arg6[%get3A_627] {strides = array<i32>} : memref<16384xi32, #tpu.memory_space<vmem>>, vector<16xi32>,
        %gather3A_629 = tpu.vector_load_idx %arg5[%get3A_628] : memref<100000xf32, #tpu.memory_space<vmem>>[vector<16xi32>], vector<16xf32>,
        %mul3A_630 = arith.constant 16 : i32
        %mul3A_631 = arith.muli %scan3A_622, %mul3A_630 : i32
        %swap3A_632 = arith.constant 0 : i32
        %swap3A_633 = arith.index_cast %swap3A_632 : i32 to index
        %swap3A_634 = arith.index_cast %mul3A_631 : i32 to index
        %swap3A_635 = tpu.vector_load %arg7[%swap3A_633, %swap3A_634] {strides = array<i32>} : memref<2x2048xf32, #tpu.memory_space<vmem>>, vector<16xf32>,
        tpu.vector_store %arg7[%swap3A_633, %swap3A_634], %gather3A_629 {strides = array<i32>} : memref<2x2048xf32, #tpu.memory_space<vmem>>, vector<16xf32>,
        %scan3A_636 = arith.constant 19 : i32
        %scan3A_637 = arith.addi %scan3A_355, %scan3A_636 : i32
        %mul3A_638 = arith.constant 16 : i32
        %mul3A_639 = arith.muli %scan3A_637, %mul3A_638 : i32
        %add3A_640 = arith.constant 0 : i32
        %add3A_641 = arith.addi %add3A_640, %mul3A_639 : i32
        %get3A_642 = arith.index_cast %add3A_641 : i32 to index
        %get3A_643 = tpu.vector_load %arg6[%get3A_642] {strides = array<i32>} : memref<16384xi32, #tpu.memory_space<vmem>>, vector<16xi32>,
        %gather3A_644 = tpu.vector_load_idx %arg5[%get3A_643] : memref<100000xf32, #tpu.memory_space<vmem>>[vector<16xi32>], vector<16xf32>,
        %mul3A_645 = arith.constant 16 : i32
        %mul3A_646 = arith.muli %scan3A_637, %mul3A_645 : i32
        %swap3A_647 = arith.constant 0 : i32
        %swap3A_648 = arith.index_cast %swap3A_647 : i32 to index
        %swap3A_649 = arith.index_cast %mul3A_646 : i32 to index
        %swap3A_650 = tpu.vector_load %arg7[%swap3A_648, %swap3A_649] {strides = array<i32>} : memref<2x2048xf32, #tpu.memory_space<vmem>>, vector<16xf32>,
        tpu.vector_store %arg7[%swap3A_648, %swap3A_649], %gather3A_644 {strides = array<i32>} : memref<2x2048xf32, #tpu.memory_space<vmem>>, vector<16xf32>,
        %scan3A_651 = arith.constant 20 : i32
        %scan3A_652 = arith.addi %scan3A_355, %scan3A_651 : i32
        %mul3A_653 = arith.constant 16 : i32
        %mul3A_654 = arith.muli %scan3A_652, %mul3A_653 : i32
        %add3A_655 = arith.constant 0 : i32
        %add3A_656 = arith.addi %add3A_655, %mul3A_654 : i32
        %get3A_657 = arith.index_cast %add3A_656 : i32 to index
        %get3A_658 = tpu.vector_load %arg6[%get3A_657] {strides = array<i32>} : memref<16384xi32, #tpu.memory_space<vmem>>, vector<16xi32>,
        %gather3A_659 = tpu.vector_load_idx %arg5[%get3A_658] : memref<100000xf32, #tpu.memory_space<vmem>>[vector<16xi32>], vector<16xf32>,
        %mul3A_660 = arith.constant 16 : i32
        %mul3A_661 = arith.muli %scan3A_652, %mul3A_660 : i32
        %swap3A_662 = arith.constant 0 : i32
        %swap3A_663 = arith.index_cast %swap3A_662 : i32 to index
        %swap3A_664 = arith.index_cast %mul3A_661 : i32 to index
        %swap3A_665 = tpu.vector_load %arg7[%swap3A_663, %swap3A_664] {strides = array<i32>} : memref<2x2048xf32, #tpu.memory_space<vmem>>, vector<16xf32>,
        tpu.vector_store %arg7[%swap3A_663, %swap3A_664], %gather3A_659 {strides = array<i32>} : memref<2x2048xf32, #tpu.memory_space<vmem>>, vector<16xf32>,
        %scan3A_666 = arith.constant 21 : i32
        %scan3A_667 = arith.addi %scan3A_355, %scan3A_666 : i32
        %mul3A_668 = arith.constant 16 : i32
        %mul3A_669 = arith.muli %scan3A_667, %mul3A_668 : i32
        %add3A_670 = arith.constant 0 : i32
        %add3A_671 = arith.addi %add3A_670, %mul3A_669 : i32
        %get3A_672 = arith.index_cast %add3A_671 : i32 to index
        %get3A_673 = tpu.vector_load %arg6[%get3A_672] {strides = array<i32>} : memref<16384xi32, #tpu.memory_space<vmem>>, vector<16xi32>,
        %gather3A_674 = tpu.vector_load_idx %arg5[%get3A_673] : memref<100000xf32, #tpu.memory_space<vmem>>[vector<16xi32>], vector<16xf32>,
        %mul3A_675 = arith.constant 16 : i32
        %mul3A_676 = arith.muli %scan3A_667, %mul3A_675 : i32
        %swap3A_677 = arith.constant 0 : i32
        %swap3A_678 = arith.index_cast %swap3A_677 : i32 to index
        %swap3A_679 = arith.index_cast %mul3A_676 : i32 to index
        %swap3A_680 = tpu.vector_load %arg7[%swap3A_678, %swap3A_679] {strides = array<i32>} : memref<2x2048xf32, #tpu.memory_space<vmem>>, vector<16xf32>,
        tpu.vector_store %arg7[%swap3A_678, %swap3A_679], %gather3A_674 {strides = array<i32>} : memref<2x2048xf32, #tpu.memory_space<vmem>>, vector<16xf32>,
        %scan3A_681 = arith.constant 22 : i32
        %scan3A_682 = arith.addi %scan3A_355, %scan3A_681 : i32
        %mul3A_683 = arith.constant 16 : i32
        %mul3A_684 = arith.muli %scan3A_682, %mul3A_683 : i32
        %add3A_685 = arith.constant 0 : i32
        %add3A_686 = arith.addi %add3A_685, %mul3A_684 : i32
        %get3A_687 = arith.index_cast %add3A_686 : i32 to index
        %get3A_688 = tpu.vector_load %arg6[%get3A_687] {strides = array<i32>} : memref<16384xi32, #tpu.memory_space<vmem>>, vector<16xi32>,
        %gather3A_689 = tpu.vector_load_idx %arg5[%get3A_688] : memref<100000xf32, #tpu.memory_space<vmem>>[vector<16xi32>], vector<16xf32>,
        %mul3A_690 = arith.constant 16 : i32
        %mul3A_691 = arith.muli %scan3A_682, %mul3A_690 : i32
        %swap3A_692 = arith.constant 0 : i32
        %swap3A_693 = arith.index_cast %swap3A_692 : i32 to index
        %swap3A_694 = arith.index_cast %mul3A_691 : i32 to index
        %swap3A_695 = tpu.vector_load %arg7[%swap3A_693, %swap3A_694] {strides = array<i32>} : memref<2x2048xf32, #tpu.memory_space<vmem>>, vector<16xf32>,
        tpu.vector_store %arg7[%swap3A_693, %swap3A_694], %gather3A_689 {strides = array<i32>} : memref<2x2048xf32, #tpu.memory_space<vmem>>, vector<16xf32>,
        %scan3A_696 = arith.constant 23 : i32
        %scan3A_697 = arith.addi %scan3A_355, %scan3A_696 : i32
        %mul3A_698 = arith.constant 16 : i32
        %mul3A_699 = arith.muli %scan3A_697, %mul3A_698 : i32
        %add3A_700 = arith.constant 0 : i32
        %add3A_701 = arith.addi %add3A_700, %mul3A_699 : i32
        %get3A_702 = arith.index_cast %add3A_701 : i32 to index
        %get3A_703 = tpu.vector_load %arg6[%get3A_702] {strides = array<i32>} : memref<16384xi32, #tpu.memory_space<vmem>>, vector<16xi32>,
        %gather3A_704 = tpu.vector_load_idx %arg5[%get3A_703] : memref<100000xf32, #tpu.memory_space<vmem>>[vector<16xi32>], vector<16xf32>,
        %mul3A_705 = arith.constant 16 : i32
        %mul3A_706 = arith.muli %scan3A_697, %mul3A_705 : i32
        %swap3A_707 = arith.constant 0 : i32
        %swap3A_708 = arith.index_cast %swap3A_707 : i32 to index
        %swap3A_709 = arith.index_cast %mul3A_706 : i32 to index
        %swap3A_710 = tpu.vector_load %arg7[%swap3A_708, %swap3A_709] {strides = array<i32>} : memref<2x2048xf32, #tpu.memory_space<vmem>>, vector<16xf32>,
        tpu.vector_store %arg7[%swap3A_708, %swap3A_709], %gather3A_704 {strides = array<i32>} : memref<2x2048xf32, #tpu.memory_space<vmem>>, vector<16xf32>,
        %scan3A_711 = arith.constant 24 : i32
        %scan3A_712 = arith.addi %scan3A_355, %scan3A_711 : i32
        %mul3A_713 = arith.constant 16 : i32
        %mul3A_714 = arith.muli %scan3A_712, %mul3A_713 : i32
        %add3A_715 = arith.constant 0 : i32
        %add3A_716 = arith.addi %add3A_715, %mul3A_714 : i32
        %get3A_717 = arith.index_cast %add3A_716 : i32 to index
        %get3A_718 = tpu.vector_load %arg6[%get3A_717] {strides = array<i32>} : memref<16384xi32, #tpu.memory_space<vmem>>, vector<16xi32>,
        %gather3A_719 = tpu.vector_load_idx %arg5[%get3A_718] : memref<100000xf32, #tpu.memory_space<vmem>>[vector<16xi32>], vector<16xf32>,
        %mul3A_720 = arith.constant 16 : i32
        %mul3A_721 = arith.muli %scan3A_712, %mul3A_720 : i32
        %swap3A_722 = arith.constant 0 : i32
        %swap3A_723 = arith.index_cast %swap3A_722 : i32 to index
        %swap3A_724 = arith.index_cast %mul3A_721 : i32 to index
        %swap3A_725 = tpu.vector_load %arg7[%swap3A_723, %swap3A_724] {strides = array<i32>} : memref<2x2048xf32, #tpu.memory_space<vmem>>, vector<16xf32>,
        tpu.vector_store %arg7[%swap3A_723, %swap3A_724], %gather3A_719 {strides = array<i32>} : memref<2x2048xf32, #tpu.memory_space<vmem>>, vector<16xf32>,
        %scan3A_726 = arith.constant 25 : i32
        %scan3A_727 = arith.addi %scan3A_355, %scan3A_726 : i32
        %mul3A_728 = arith.constant 16 : i32
        %mul3A_729 = arith.muli %scan3A_727, %mul3A_728 : i32
        %add3A_730 = arith.constant 0 : i32
        %add3A_731 = arith.addi %add3A_730, %mul3A_729 : i32
        %get3A_732 = arith.index_cast %add3A_731 : i32 to index
        %get3A_733 = tpu.vector_load %arg6[%get3A_732] {strides = array<i32>} : memref<16384xi32, #tpu.memory_space<vmem>>, vector<16xi32>,
        %gather3A_734 = tpu.vector_load_idx %arg5[%get3A_733] : memref<100000xf32, #tpu.memory_space<vmem>>[vector<16xi32>], vector<16xf32>,
        %mul3A_735 = arith.constant 16 : i32
        %mul3A_736 = arith.muli %scan3A_727, %mul3A_735 : i32
        %swap3A_737 = arith.constant 0 : i32
        %swap3A_738 = arith.index_cast %swap3A_737 : i32 to index
        %swap3A_739 = arith.index_cast %mul3A_736 : i32 to index
        %swap3A_740 = tpu.vector_load %arg7[%swap3A_738, %swap3A_739] {strides = array<i32>} : memref<2x2048xf32, #tpu.memory_space<vmem>>, vector<16xf32>,
        tpu.vector_store %arg7[%swap3A_738, %swap3A_739], %gather3A_734 {strides = array<i32>} : memref<2x2048xf32, #tpu.memory_space<vmem>>, vector<16xf32>,
        %scan3A_741 = arith.constant 26 : i32
        %scan3A_742 = arith.addi %scan3A_355, %scan3A_741 : i32
        %mul3A_743 = arith.constant 16 : i32
        %mul3A_744 = arith.muli %scan3A_742, %mul3A_743 : i32
        %add3A_745 = arith.constant 0 : i32
        %add3A_746 = arith.addi %add3A_745, %mul3A_744 : i32
        %get3A_747 = arith.index_cast %add3A_746 : i32 to index
        %get3A_748 = tpu.vector_load %arg6[%get3A_747] {strides = array<i32>} : memref<16384xi32, #tpu.memory_space<vmem>>, vector<16xi32>,
        %gather3A_749 = tpu.vector_load_idx %arg5[%get3A_748] : memref<100000xf32, #tpu.memory_space<vmem>>[vector<16xi32>], vector<16xf32>,
        %mul3A_750 = arith.constant 16 : i32
        %mul3A_751 = arith.muli %scan3A_742, %mul3A_750 : i32
        %swap3A_752 = arith.constant 0 : i32
        %swap3A_753 = arith.index_cast %swap3A_752 : i32 to index
        %swap3A_754 = arith.index_cast %mul3A_751 : i32 to index
        %swap3A_755 = tpu.vector_load %arg7[%swap3A_753, %swap3A_754] {strides = array<i32>} : memref<2x2048xf32, #tpu.memory_space<vmem>>, vector<16xf32>,
        tpu.vector_store %arg7[%swap3A_753, %swap3A_754], %gather3A_749 {strides = array<i32>} : memref<2x2048xf32, #tpu.memory_space<vmem>>, vector<16xf32>,
        %scan3A_756 = arith.constant 27 : i32
        %scan3A_757 = arith.addi %scan3A_355, %scan3A_756 : i32
        %mul3A_758 = arith.constant 16 : i32
        %mul3A_759 = arith.muli %scan3A_757, %mul3A_758 : i32
        %add3A_760 = arith.constant 0 : i32
        %add3A_761 = arith.addi %add3A_760, %mul3A_759 : i32
        %get3A_762 = arith.index_cast %add3A_761 : i32 to index
        %get3A_763 = tpu.vector_load %arg6[%get3A_762] {strides = array<i32>} : memref<16384xi32, #tpu.memory_space<vmem>>, vector<16xi32>,
        %gather3A_764 = tpu.vector_load_idx %arg5[%get3A_763] : memref<100000xf32, #tpu.memory_space<vmem>>[vector<16xi32>], vector<16xf32>,
        %mul3A_765 = arith.constant 16 : i32
        %mul3A_766 = arith.muli %scan3A_757, %mul3A_765 : i32
        %swap3A_767 = arith.constant 0 : i32
        %swap3A_768 = arith.index_cast %swap3A_767 : i32 to index
        %swap3A_769 = arith.index_cast %mul3A_766 : i32 to index
        %swap3A_770 = tpu.vector_load %arg7[%swap3A_768, %swap3A_769] {strides = array<i32>} : memref<2x2048xf32, #tpu.memory_space<vmem>>, vector<16xf32>,
        tpu.vector_store %arg7[%swap3A_768, %swap3A_769], %gather3A_764 {strides = array<i32>} : memref<2x2048xf32, #tpu.memory_space<vmem>>, vector<16xf32>,
        %scan3A_771 = arith.constant 28 : i32
        %scan3A_772 = arith.addi %scan3A_355, %scan3A_771 : i32
        %mul3A_773 = arith.constant 16 : i32
        %mul3A_774 = arith.muli %scan3A_772, %mul3A_773 : i32
        %add3A_775 = arith.constant 0 : i32
        %add3A_776 = arith.addi %add3A_775, %mul3A_774 : i32
        %get3A_777 = arith.index_cast %add3A_776 : i32 to index
        %get3A_778 = tpu.vector_load %arg6[%get3A_777] {strides = array<i32>} : memref<16384xi32, #tpu.memory_space<vmem>>, vector<16xi32>,
        %gather3A_779 = tpu.vector_load_idx %arg5[%get3A_778] : memref<100000xf32, #tpu.memory_space<vmem>>[vector<16xi32>], vector<16xf32>,
        %mul3A_780 = arith.constant 16 : i32
        %mul3A_781 = arith.muli %scan3A_772, %mul3A_780 : i32
        %swap3A_782 = arith.constant 0 : i32
        %swap3A_783 = arith.index_cast %swap3A_782 : i32 to index
        %swap3A_784 = arith.index_cast %mul3A_781 : i32 to index
        %swap3A_785 = tpu.vector_load %arg7[%swap3A_783, %swap3A_784] {strides = array<i32>} : memref<2x2048xf32, #tpu.memory_space<vmem>>, vector<16xf32>,
        tpu.vector_store %arg7[%swap3A_783, %swap3A_784], %gather3A_779 {strides = array<i32>} : memref<2x2048xf32, #tpu.memory_space<vmem>>, vector<16xf32>,
        %scan3A_786 = arith.constant 29 : i32
        %scan3A_787 = arith.addi %scan3A_355, %scan3A_786 : i32
        %mul3A_788 = arith.constant 16 : i32
        %mul3A_789 = arith.muli %scan3A_787, %mul3A_788 : i32
        %add3A_790 = arith.constant 0 : i32
        %add3A_791 = arith.addi %add3A_790, %mul3A_789 : i32
        %get3A_792 = arith.index_cast %add3A_791 : i32 to index
        %get3A_793 = tpu.vector_load %arg6[%get3A_792] {strides = array<i32>} : memref<16384xi32, #tpu.memory_space<vmem>>, vector<16xi32>,
        %gather3A_794 = tpu.vector_load_idx %arg5[%get3A_793] : memref<100000xf32, #tpu.memory_space<vmem>>[vector<16xi32>], vector<16xf32>,
        %mul3A_795 = arith.constant 16 : i32
        %mul3A_796 = arith.muli %scan3A_787, %mul3A_795 : i32
        %swap3A_797 = arith.constant 0 : i32
        %swap3A_798 = arith.index_cast %swap3A_797 : i32 to index
        %swap3A_799 = arith.index_cast %mul3A_796 : i32 to index
        %swap3A_800 = tpu.vector_load %arg7[%swap3A_798, %swap3A_799] {strides = array<i32>} : memref<2x2048xf32, #tpu.memory_space<vmem>>, vector<16xf32>,
        tpu.vector_store %arg7[%swap3A_798, %swap3A_799], %gather3A_794 {strides = array<i32>} : memref<2x2048xf32, #tpu.memory_space<vmem>>, vector<16xf32>,
        %scan3A_801 = arith.constant 30 : i32
        %scan3A_802 = arith.addi %scan3A_355, %scan3A_801 : i32
        %mul3A_803 = arith.constant 16 : i32
        %mul3A_804 = arith.muli %scan3A_802, %mul3A_803 : i32
        %add3A_805 = arith.constant 0 : i32
        %add3A_806 = arith.addi %add3A_805, %mul3A_804 : i32
        %get3A_807 = arith.index_cast %add3A_806 : i32 to index
        %get3A_808 = tpu.vector_load %arg6[%get3A_807] {strides = array<i32>} : memref<16384xi32, #tpu.memory_space<vmem>>, vector<16xi32>,
        %gather3A_809 = tpu.vector_load_idx %arg5[%get3A_808] : memref<100000xf32, #tpu.memory_space<vmem>>[vector<16xi32>], vector<16xf32>,
        %mul3A_810 = arith.constant 16 : i32
        %mul3A_811 = arith.muli %scan3A_802, %mul3A_810 : i32
        %swap3A_812 = arith.constant 0 : i32
        %swap3A_813 = arith.index_cast %swap3A_812 : i32 to index
        %swap3A_814 = arith.index_cast %mul3A_811 : i32 to index
        %swap3A_815 = tpu.vector_load %arg7[%swap3A_813, %swap3A_814] {strides = array<i32>} : memref<2x2048xf32, #tpu.memory_space<vmem>>, vector<16xf32>,
        tpu.vector_store %arg7[%swap3A_813, %swap3A_814], %gather3A_809 {strides = array<i32>} : memref<2x2048xf32, #tpu.memory_space<vmem>>, vector<16xf32>,
        %scan3A_816 = arith.constant 31 : i32
        %scan3A_817 = arith.addi %scan3A_355, %scan3A_816 : i32
        %mul3A_818 = arith.constant 16 : i32
        %mul3A_819 = arith.muli %scan3A_817, %mul3A_818 : i32
        %add3A_820 = arith.constant 0 : i32
        %add3A_821 = arith.addi %add3A_820, %mul3A_819 : i32
        %get3A_822 = arith.index_cast %add3A_821 : i32 to index
        %get3A_823 = tpu.vector_load %arg6[%get3A_822] {strides = array<i32>} : memref<16384xi32, #tpu.memory_space<vmem>>, vector<16xi32>,
        %gather3A_824 = tpu.vector_load_idx %arg5[%get3A_823] : memref<100000xf32, #tpu.memory_space<vmem>>[vector<16xi32>], vector<16xf32>,
        %mul3A_825 = arith.constant 16 : i32
        %mul3A_826 = arith.muli %scan3A_817, %mul3A_825 : i32
        %swap3A_827 = arith.constant 0 : i32
        %swap3A_828 = arith.index_cast %swap3A_827 : i32 to index
        %swap3A_829 = arith.index_cast %mul3A_826 : i32 to index
        %swap3A_830 = tpu.vector_load %arg7[%swap3A_828, %swap3A_829] {strides = array<i32>} : memref<2x2048xf32, #tpu.memory_space<vmem>>, vector<16xf32>,
        tpu.vector_store %arg7[%swap3A_828, %swap3A_829], %gather3A_824 {strides = array<i32>} : memref<2x2048xf32, #tpu.memory_space<vmem>>, vector<16xf32>,
      }
      %scan3A_98 = arith.constant 128 : i32
      %dma_start3A_99 = arith.constant 0 : i32
      %dma_start3A_100 = arith.constant 0 : i32
      %dma_start3A_101 = tpu.memref_slice %arg7[%dma_start3A_99, %dma_start3A_100] : memref<2x2048xf32, #tpu.memory_space<vmem>> -> memref<1x2048xf32, #tpu.memory_space<vmem>>
      %dma_start3A_102 = tpu.memref_squeeze %dma_start3A_101 : memref<1x2048xf32, #tpu.memory_space<vmem>> -> memref<2048xf32, #tpu.memory_space<vmem>>
      %dma_start3A_103 = arith.constant 0 : i32
      %dma_start3A_104 = tpu.memref_slice %arg4[%add3A_32, %dma_start3A_103] : memref<832x16384xf32, #tpu.memory_space<hbm>> -> memref<1x2048xf32, #tpu.memory_space<hbm>>
      %dma_start3A_105 = tpu.memref_squeeze %dma_start3A_104 : memref<1x2048xf32, #tpu.memory_space<hbm>> -> memref<2048xf32, #tpu.memory_space<hbm>>
      %dma_start3A_106 = arith.constant 0 : i32
      %dma_start3A_107 = tpu.memref_slice %arg4[%add3A_32, %dma_start3A_106] : memref<832x16384xf32, #tpu.memory_space<hbm>> -> memref<1x2048xf32, #tpu.memory_space<hbm>>
      %dma_start3A_108 = tpu.memref_squeeze %dma_start3A_107 : memref<1x2048xf32, #tpu.memory_space<hbm>> -> memref<2048xf32, #tpu.memory_space<hbm>>
      %dma_start3A_109 = arith.constant 0 : i32
      %dma_start3A_110 = tpu.memref_slice %arg7[%dma_start3A_99, %dma_start3A_109] : memref<2x2048xf32, #tpu.memory_space<vmem>> -> memref<1x2048xf32, #tpu.memory_space<vmem>>
      %dma_start3A_111 = tpu.memref_squeeze %dma_start3A_110 : memref<1x2048xf32, #tpu.memory_space<vmem>> -> memref<2048xf32, #tpu.memory_space<vmem>>
      tpu.enqueue_dma source(%dma_start3A_111 : memref<2048xf32, #tpu.memory_space<vmem>>) target(%dma_start3A_108 : memref<2048xf32, #tpu.memory_space<hbm>>) target_semaphore(%arg10 : memref<!tpu.dma_semaphore, #tpu.memory_space<semaphore_mem>>)
      %scan3A_112 = arith.constant 0 : i32
      %scan3A_113 = arith.constant 0 : i32
      %scan3A_114 = arith.constant 128 : i32
      %scan3A_115 = arith.addi %scan3A_113, %scan3A_114 : i32
      %scan3A_116 = arith.constant 32 : i32
      scf.for %scan3A_355 = %scan3A_113 to %scan3A_115 step %scan3A_116  : i32 {
        %mul3A_356 = arith.constant 16 : i32
        %mul3A_357 = arith.muli %scan3A_355, %mul3A_356 : i32
        %add3A_358 = arith.constant 2048 : i32
        %add3A_359 = arith.addi %add3A_358, %mul3A_357 : i32
        %get3A = arith.index_cast %add3A_359 : i32 to index
        %get3A_360 = tpu.vector_load %arg6[%get3A] {strides = array<i32>} : memref<16384xi32, #tpu.memory_space<vmem>>, vector<16xi32>,
        %gather3A = tpu.vector_load_idx %arg5[%get3A_360] : memref<100000xf32, #tpu.memory_space<vmem>>[vector<16xi32>], vector<16xf32>,
        %mul3A_361 = arith.constant 16 : i32
        %mul3A_362 = arith.muli %scan3A_355, %mul3A_361 : i32
        %swap3A = arith.constant 1 : i32
        %swap3A_363 = arith.index_cast %swap3A : i32 to index
        %swap3A_364 = arith.index_cast %mul3A_362 : i32 to index
        %swap3A_365 = tpu.vector_load %arg7[%swap3A_363, %swap3A_364] {strides = array<i32>} : memref<2x2048xf32, #tpu.memory_space<vmem>>, vector<16xf32>,
        tpu.vector_store %arg7[%swap3A_363, %swap3A_364], %gather3A {strides = array<i32>} : memref<2x2048xf32, #tpu.memory_space<vmem>>, vector<16xf32>,
        %scan3A_366 = arith.constant 1 : i32
        %scan3A_367 = arith.addi %scan3A_355, %scan3A_366 : i32
        %mul3A_368 = arith.constant 16 : i32
        %mul3A_369 = arith.muli %scan3A_367, %mul3A_368 : i32
        %add3A_370 = arith.constant 2048 : i32
        %add3A_371 = arith.addi %add3A_370, %mul3A_369 : i32
        %get3A_372 = arith.index_cast %add3A_371 : i32 to index
        %get3A_373 = tpu.vector_load %arg6[%get3A_372] {strides = array<i32>} : memref<16384xi32, #tpu.memory_space<vmem>>, vector<16xi32>,
        %gather3A_374 = tpu.vector_load_idx %arg5[%get3A_373] : memref<100000xf32, #tpu.memory_space<vmem>>[vector<16xi32>], vector<16xf32>,
        %mul3A_375 = arith.constant 16 : i32
        %mul3A_376 = arith.muli %scan3A_367, %mul3A_375 : i32
        %swap3A_377 = arith.constant 1 : i32
        %swap3A_378 = arith.index_cast %swap3A_377 : i32 to index
        %swap3A_379 = arith.index_cast %mul3A_376 : i32 to index
        %swap3A_380 = tpu.vector_load %arg7[%swap3A_378, %swap3A_379] {strides = array<i32>} : memref<2x2048xf32, #tpu.memory_space<vmem>>, vector<16xf32>,
        tpu.vector_store %arg7[%swap3A_378, %swap3A_379], %gather3A_374 {strides = array<i32>} : memref<2x2048xf32, #tpu.memory_space<vmem>>, vector<16xf32>,
        %scan3A_381 = arith.constant 2 : i32
        %scan3A_382 = arith.addi %scan3A_355, %scan3A_381 : i32
        %mul3A_383 = arith.constant 16 : i32
        %mul3A_384 = arith.muli %scan3A_382, %mul3A_383 : i32
        %add3A_385 = arith.constant 2048 : i32
        %add3A_386 = arith.addi %add3A_385, %mul3A_384 : i32
        %get3A_387 = arith.index_cast %add3A_386 : i32 to index
        %get3A_388 = tpu.vector_load %arg6[%get3A_387] {strides = array<i32>} : memref<16384xi32, #tpu.memory_space<vmem>>, vector<16xi32>,
        %gather3A_389 = tpu.vector_load_idx %arg5[%get3A_388] : memref<100000xf32, #tpu.memory_space<vmem>>[vector<16xi32>], vector<16xf32>,
        %mul3A_390 = arith.constant 16 : i32
        %mul3A_391 = arith.muli %scan3A_382, %mul3A_390 : i32
        %swap3A_392 = arith.constant 1 : i32
        %swap3A_393 = arith.index_cast %swap3A_392 : i32 to index
        %swap3A_394 = arith.index_cast %mul3A_391 : i32 to index
        %swap3A_395 = tpu.vector_load %arg7[%swap3A_393, %swap3A_394] {strides = array<i32>} : memref<2x2048xf32, #tpu.memory_space<vmem>>, vector<16xf32>,
        tpu.vector_store %arg7[%swap3A_393, %swap3A_394], %gather3A_389 {strides = array<i32>} : memref<2x2048xf32, #tpu.memory_space<vmem>>, vector<16xf32>,
        %scan3A_396 = arith.constant 3 : i32
        %scan3A_397 = arith.addi %scan3A_355, %scan3A_396 : i32
        %mul3A_398 = arith.constant 16 : i32
        %mul3A_399 = arith.muli %scan3A_397, %mul3A_398 : i32
        %add3A_400 = arith.constant 2048 : i32
        %add3A_401 = arith.addi %add3A_400, %mul3A_399 : i32
        %get3A_402 = arith.index_cast %add3A_401 : i32 to index
        %get3A_403 = tpu.vector_load %arg6[%get3A_402] {strides = array<i32>} : memref<16384xi32, #tpu.memory_space<vmem>>, vector<16xi32>,
        %gather3A_404 = tpu.vector_load_idx %arg5[%get3A_403] : memref<100000xf32, #tpu.memory_space<vmem>>[vector<16xi32>], vector<16xf32>,
        %mul3A_405 = arith.constant 16 : i32
        %mul3A_406 = arith.muli %scan3A_397, %mul3A_405 : i32
        %swap3A_407 = arith.constant 1 : i32
        %swap3A_408 = arith.index_cast %swap3A_407 : i32 to index
        %swap3A_409 = arith.index_cast %mul3A_406 : i32 to index
        %swap3A_410 = tpu.vector_load %arg7[%swap3A_408, %swap3A_409] {strides = array<i32>} : memref<2x2048xf32, #tpu.memory_space<vmem>>, vector<16xf32>,
        tpu.vector_store %arg7[%swap3A_408, %swap3A_409], %gather3A_404 {strides = array<i32>} : memref<2x2048xf32, #tpu.memory_space<vmem>>, vector<16xf32>,
        %scan3A_411 = arith.constant 4 : i32
        %scan3A_412 = arith.addi %scan3A_355, %scan3A_411 : i32
        %mul3A_413 = arith.constant 16 : i32
        %mul3A_414 = arith.muli %scan3A_412, %mul3A_413 : i32
        %add3A_415 = arith.constant 2048 : i32
        %add3A_416 = arith.addi %add3A_415, %mul3A_414 : i32
        %get3A_417 = arith.index_cast %add3A_416 : i32 to index
        %get3A_418 = tpu.vector_load %arg6[%get3A_417] {strides = array<i32>} : memref<16384xi32, #tpu.memory_space<vmem>>, vector<16xi32>,
        %gather3A_419 = tpu.vector_load_idx %arg5[%get3A_418] : memref<100000xf32, #tpu.memory_space<vmem>>[vector<16xi32>], vector<16xf32>,
        %mul3A_420 = arith.constant 16 : i32
        %mul3A_421 = arith.muli %scan3A_412, %mul3A_420 : i32
        %swap3A_422 = arith.constant 1 : i32
        %swap3A_423 = arith.index_cast %swap3A_422 : i32 to index
        %swap3A_424 = arith.index_cast %mul3A_421 : i32 to index
        %swap3A_425 = tpu.vector_load %arg7[%swap3A_423, %swap3A_424] {strides = array<i32>} : memref<2x2048xf32, #tpu.memory_space<vmem>>, vector<16xf32>,
        tpu.vector_store %arg7[%swap3A_423, %swap3A_424], %gather3A_419 {strides = array<i32>} : memref<2x2048xf32, #tpu.memory_space<vmem>>, vector<16xf32>,
        %scan3A_426 = arith.constant 5 : i32
        %scan3A_427 = arith.addi %scan3A_355, %scan3A_426 : i32
        %mul3A_428 = arith.constant 16 : i32
        %mul3A_429 = arith.muli %scan3A_427, %mul3A_428 : i32
        %add3A_430 = arith.constant 2048 : i32
        %add3A_431 = arith.addi %add3A_430, %mul3A_429 : i32
        %get3A_432 = arith.index_cast %add3A_431 : i32 to index
        %get3A_433 = tpu.vector_load %arg6[%get3A_432] {strides = array<i32>} : memref<16384xi32, #tpu.memory_space<vmem>>, vector<16xi32>,
        %gather3A_434 = tpu.vector_load_idx %arg5[%get3A_433] : memref<100000xf32, #tpu.memory_space<vmem>>[vector<16xi32>], vector<16xf32>,
        %mul3A_435 = arith.constant 16 : i32
        %mul3A_436 = arith.muli %scan3A_427, %mul3A_435 : i32
        %swap3A_437 = arith.constant 1 : i32
        %swap3A_438 = arith.index_cast %swap3A_437 : i32 to index
        %swap3A_439 = arith.index_cast %mul3A_436 : i32 to index
        %swap3A_440 = tpu.vector_load %arg7[%swap3A_438, %swap3A_439] {strides = array<i32>} : memref<2x2048xf32, #tpu.memory_space<vmem>>, vector<16xf32>,
        tpu.vector_store %arg7[%swap3A_438, %swap3A_439], %gather3A_434 {strides = array<i32>} : memref<2x2048xf32, #tpu.memory_space<vmem>>, vector<16xf32>,
        %scan3A_441 = arith.constant 6 : i32
        %scan3A_442 = arith.addi %scan3A_355, %scan3A_441 : i32
        %mul3A_443 = arith.constant 16 : i32
        %mul3A_444 = arith.muli %scan3A_442, %mul3A_443 : i32
        %add3A_445 = arith.constant 2048 : i32
        %add3A_446 = arith.addi %add3A_445, %mul3A_444 : i32
        %get3A_447 = arith.index_cast %add3A_446 : i32 to index
        %get3A_448 = tpu.vector_load %arg6[%get3A_447] {strides = array<i32>} : memref<16384xi32, #tpu.memory_space<vmem>>, vector<16xi32>,
        %gather3A_449 = tpu.vector_load_idx %arg5[%get3A_448] : memref<100000xf32, #tpu.memory_space<vmem>>[vector<16xi32>], vector<16xf32>,
        %mul3A_450 = arith.constant 16 : i32
        %mul3A_451 = arith.muli %scan3A_442, %mul3A_450 : i32
        %swap3A_452 = arith.constant 1 : i32
        %swap3A_453 = arith.index_cast %swap3A_452 : i32 to index
        %swap3A_454 = arith.index_cast %mul3A_451 : i32 to index
        %swap3A_455 = tpu.vector_load %arg7[%swap3A_453, %swap3A_454] {strides = array<i32>} : memref<2x2048xf32, #tpu.memory_space<vmem>>, vector<16xf32>,
        tpu.vector_store %arg7[%swap3A_453, %swap3A_454], %gather3A_449 {strides = array<i32>} : memref<2x2048xf32, #tpu.memory_space<vmem>>, vector<16xf32>,
        %scan3A_456 = arith.constant 7 : i32
        %scan3A_457 = arith.addi %scan3A_355, %scan3A_456 : i32
        %mul3A_458 = arith.constant 16 : i32
        %mul3A_459 = arith.muli %scan3A_457, %mul3A_458 : i32
        %add3A_460 = arith.constant 2048 : i32
        %add3A_461 = arith.addi %add3A_460, %mul3A_459 : i32
        %get3A_462 = arith.index_cast %add3A_461 : i32 to index
        %get3A_463 = tpu.vector_load %arg6[%get3A_462] {strides = array<i32>} : memref<16384xi32, #tpu.memory_space<vmem>>, vector<16xi32>,
        %gather3A_464 = tpu.vector_load_idx %arg5[%get3A_463] : memref<100000xf32, #tpu.memory_space<vmem>>[vector<16xi32>], vector<16xf32>,
        %mul3A_465 = arith.constant 16 : i32
        %mul3A_466 = arith.muli %scan3A_457, %mul3A_465 : i32
        %swap3A_467 = arith.constant 1 : i32
        %swap3A_468 = arith.index_cast %swap3A_467 : i32 to index
        %swap3A_469 = arith.index_cast %mul3A_466 : i32 to index
        %swap3A_470 = tpu.vector_load %arg7[%swap3A_468, %swap3A_469] {strides = array<i32>} : memref<2x2048xf32, #tpu.memory_space<vmem>>, vector<16xf32>,
        tpu.vector_store %arg7[%swap3A_468, %swap3A_469], %gather3A_464 {strides = array<i32>} : memref<2x2048xf32, #tpu.memory_space<vmem>>, vector<16xf32>,
        %scan3A_471 = arith.constant 8 : i32
        %scan3A_472 = arith.addi %scan3A_355, %scan3A_471 : i32
        %mul3A_473 = arith.constant 16 : i32
        %mul3A_474 = arith.muli %scan3A_472, %mul3A_473 : i32
        %add3A_475 = arith.constant 2048 : i32
        %add3A_476 = arith.addi %add3A_475, %mul3A_474 : i32
        %get3A_477 = arith.index_cast %add3A_476 : i32 to index
        %get3A_478 = tpu.vector_load %arg6[%get3A_477] {strides = array<i32>} : memref<16384xi32, #tpu.memory_space<vmem>>, vector<16xi32>,
        %gather3A_479 = tpu.vector_load_idx %arg5[%get3A_478] : memref<100000xf32, #tpu.memory_space<vmem>>[vector<16xi32>], vector<16xf32>,
        %mul3A_480 = arith.constant 16 : i32
        %mul3A_481 = arith.muli %scan3A_472, %mul3A_480 : i32
        %swap3A_482 = arith.constant 1 : i32
        %swap3A_483 = arith.index_cast %swap3A_482 : i32 to index
        %swap3A_484 = arith.index_cast %mul3A_481 : i32 to index
        %swap3A_485 = tpu.vector_load %arg7[%swap3A_483, %swap3A_484] {strides = array<i32>} : memref<2x2048xf32, #tpu.memory_space<vmem>>, vector<16xf32>,
        tpu.vector_store %arg7[%swap3A_483, %swap3A_484], %gather3A_479 {strides = array<i32>} : memref<2x2048xf32, #tpu.memory_space<vmem>>, vector<16xf32>,
        %scan3A_486 = arith.constant 9 : i32
        %scan3A_487 = arith.addi %scan3A_355, %scan3A_486 : i32
        %mul3A_488 = arith.constant 16 : i32
        %mul3A_489 = arith.muli %scan3A_487, %mul3A_488 : i32
        %add3A_490 = arith.constant 2048 : i32
        %add3A_491 = arith.addi %add3A_490, %mul3A_489 : i32
        %get3A_492 = arith.index_cast %add3A_491 : i32 to index
        %get3A_493 = tpu.vector_load %arg6[%get3A_492] {strides = array<i32>} : memref<16384xi32, #tpu.memory_space<vmem>>, vector<16xi32>,
        %gather3A_494 = tpu.vector_load_idx %arg5[%get3A_493] : memref<100000xf32, #tpu.memory_space<vmem>>[vector<16xi32>], vector<16xf32>,
        %mul3A_495 = arith.constant 16 : i32
        %mul3A_496 = arith.muli %scan3A_487, %mul3A_495 : i32
        %swap3A_497 = arith.constant 1 : i32
        %swap3A_498 = arith.index_cast %swap3A_497 : i32 to index
        %swap3A_499 = arith.index_cast %mul3A_496 : i32 to index
        %swap3A_500 = tpu.vector_load %arg7[%swap3A_498, %swap3A_499] {strides = array<i32>} : memref<2x2048xf32, #tpu.memory_space<vmem>>, vector<16xf32>,
        tpu.vector_store %arg7[%swap3A_498, %swap3A_499], %gather3A_494 {strides = array<i32>} : memref<2x2048xf32, #tpu.memory_space<vmem>>, vector<16xf32>,
        %scan3A_501 = arith.constant 10 : i32
        %scan3A_502 = arith.addi %scan3A_355, %scan3A_501 : i32
        %mul3A_503 = arith.constant 16 : i32
        %mul3A_504 = arith.muli %scan3A_502, %mul3A_503 : i32
        %add3A_505 = arith.constant 2048 : i32
        %add3A_506 = arith.addi %add3A_505, %mul3A_504 : i32
        %get3A_507 = arith.index_cast %add3A_506 : i32 to index
        %get3A_508 = tpu.vector_load %arg6[%get3A_507] {strides = array<i32>} : memref<16384xi32, #tpu.memory_space<vmem>>, vector<16xi32>,
        %gather3A_509 = tpu.vector_load_idx %arg5[%get3A_508] : memref<100000xf32, #tpu.memory_space<vmem>>[vector<16xi32>], vector<16xf32>,
        %mul3A_510 = arith.constant 16 : i32
        %mul3A_511 = arith.muli %scan3A_502, %mul3A_510 : i32
        %swap3A_512 = arith.constant 1 : i32
        %swap3A_513 = arith.index_cast %swap3A_512 : i32 to index
        %swap3A_514 = arith.index_cast %mul3A_511 : i32 to index
        %swap3A_515 = tpu.vector_load %arg7[%swap3A_513, %swap3A_514] {strides = array<i32>} : memref<2x2048xf32, #tpu.memory_space<vmem>>, vector<16xf32>,
        tpu.vector_store %arg7[%swap3A_513, %swap3A_514], %gather3A_509 {strides = array<i32>} : memref<2x2048xf32, #tpu.memory_space<vmem>>, vector<16xf32>,
        %scan3A_516 = arith.constant 11 : i32
        %scan3A_517 = arith.addi %scan3A_355, %scan3A_516 : i32
        %mul3A_518 = arith.constant 16 : i32
        %mul3A_519 = arith.muli %scan3A_517, %mul3A_518 : i32
        %add3A_520 = arith.constant 2048 : i32
        %add3A_521 = arith.addi %add3A_520, %mul3A_519 : i32
        %get3A_522 = arith.index_cast %add3A_521 : i32 to index
        %get3A_523 = tpu.vector_load %arg6[%get3A_522] {strides = array<i32>} : memref<16384xi32, #tpu.memory_space<vmem>>, vector<16xi32>,
        %gather3A_524 = tpu.vector_load_idx %arg5[%get3A_523] : memref<100000xf32, #tpu.memory_space<vmem>>[vector<16xi32>], vector<16xf32>,
        %mul3A_525 = arith.constant 16 : i32
        %mul3A_526 = arith.muli %scan3A_517, %mul3A_525 : i32
        %swap3A_527 = arith.constant 1 : i32
        %swap3A_528 = arith.index_cast %swap3A_527 : i32 to index
        %swap3A_529 = arith.index_cast %mul3A_526 : i32 to index
        %swap3A_530 = tpu.vector_load %arg7[%swap3A_528, %swap3A_529] {strides = array<i32>} : memref<2x2048xf32, #tpu.memory_space<vmem>>, vector<16xf32>,
        tpu.vector_store %arg7[%swap3A_528, %swap3A_529], %gather3A_524 {strides = array<i32>} : memref<2x2048xf32, #tpu.memory_space<vmem>>, vector<16xf32>,
        %scan3A_531 = arith.constant 12 : i32
        %scan3A_532 = arith.addi %scan3A_355, %scan3A_531 : i32
        %mul3A_533 = arith.constant 16 : i32
        %mul3A_534 = arith.muli %scan3A_532, %mul3A_533 : i32
        %add3A_535 = arith.constant 2048 : i32
        %add3A_536 = arith.addi %add3A_535, %mul3A_534 : i32
        %get3A_537 = arith.index_cast %add3A_536 : i32 to index
        %get3A_538 = tpu.vector_load %arg6[%get3A_537] {strides = array<i32>} : memref<16384xi32, #tpu.memory_space<vmem>>, vector<16xi32>,
        %gather3A_539 = tpu.vector_load_idx %arg5[%get3A_538] : memref<100000xf32, #tpu.memory_space<vmem>>[vector<16xi32>], vector<16xf32>,
        %mul3A_540 = arith.constant 16 : i32
        %mul3A_541 = arith.muli %scan3A_532, %mul3A_540 : i32
        %swap3A_542 = arith.constant 1 : i32
        %swap3A_543 = arith.index_cast %swap3A_542 : i32 to index
        %swap3A_544 = arith.index_cast %mul3A_541 : i32 to index
        %swap3A_545 = tpu.vector_load %arg7[%swap3A_543, %swap3A_544] {strides = array<i32>} : memref<2x2048xf32, #tpu.memory_space<vmem>>, vector<16xf32>,
        tpu.vector_store %arg7[%swap3A_543, %swap3A_544], %gather3A_539 {strides = array<i32>} : memref<2x2048xf32, #tpu.memory_space<vmem>>, vector<16xf32>,
        %scan3A_546 = arith.constant 13 : i32
        %scan3A_547 = arith.addi %scan3A_355, %scan3A_546 : i32
        %mul3A_548 = arith.constant 16 : i32
        %mul3A_549 = arith.muli %scan3A_547, %mul3A_548 : i32
        %add3A_550 = arith.constant 2048 : i32
        %add3A_551 = arith.addi %add3A_550, %mul3A_549 : i32
        %get3A_552 = arith.index_cast %add3A_551 : i32 to index
        %get3A_553 = tpu.vector_load %arg6[%get3A_552] {strides = array<i32>} : memref<16384xi32, #tpu.memory_space<vmem>>, vector<16xi32>,
        %gather3A_554 = tpu.vector_load_idx %arg5[%get3A_553] : memref<100000xf32, #tpu.memory_space<vmem>>[vector<16xi32>], vector<16xf32>,
        %mul3A_555 = arith.constant 16 : i32
        %mul3A_556 = arith.muli %scan3A_547, %mul3A_555 : i32
        %swap3A_557 = arith.constant 1 : i32
        %swap3A_558 = arith.index_cast %swap3A_557 : i32 to index
        %swap3A_559 = arith.index_cast %mul3A_556 : i32 to index
        %swap3A_560 = tpu.vector_load %arg7[%swap3A_558, %swap3A_559] {strides = array<i32>} : memref<2x2048xf32, #tpu.memory_space<vmem>>, vector<16xf32>,
        tpu.vector_store %arg7[%swap3A_558, %swap3A_559], %gather3A_554 {strides = array<i32>} : memref<2x2048xf32, #tpu.memory_space<vmem>>, vector<16xf32>,
        %scan3A_561 = arith.constant 14 : i32
        %scan3A_562 = arith.addi %scan3A_355, %scan3A_561 : i32
        %mul3A_563 = arith.constant 16 : i32
        %mul3A_564 = arith.muli %scan3A_562, %mul3A_563 : i32
        %add3A_565 = arith.constant 2048 : i32
        %add3A_566 = arith.addi %add3A_565, %mul3A_564 : i32
        %get3A_567 = arith.index_cast %add3A_566 : i32 to index
        %get3A_568 = tpu.vector_load %arg6[%get3A_567] {strides = array<i32>} : memref<16384xi32, #tpu.memory_space<vmem>>, vector<16xi32>,
        %gather3A_569 = tpu.vector_load_idx %arg5[%get3A_568] : memref<100000xf32, #tpu.memory_space<vmem>>[vector<16xi32>], vector<16xf32>,
        %mul3A_570 = arith.constant 16 : i32
        %mul3A_571 = arith.muli %scan3A_562, %mul3A_570 : i32
        %swap3A_572 = arith.constant 1 : i32
        %swap3A_573 = arith.index_cast %swap3A_572 : i32 to index
        %swap3A_574 = arith.index_cast %mul3A_571 : i32 to index
        %swap3A_575 = tpu.vector_load %arg7[%swap3A_573, %swap3A_574] {strides = array<i32>} : memref<2x2048xf32, #tpu.memory_space<vmem>>, vector<16xf32>,
        tpu.vector_store %arg7[%swap3A_573, %swap3A_574], %gather3A_569 {strides = array<i32>} : memref<2x2048xf32, #tpu.memory_space<vmem>>, vector<16xf32>,
        %scan3A_576 = arith.constant 15 : i32
        %scan3A_577 = arith.addi %scan3A_355, %scan3A_576 : i32
        %mul3A_578 = arith.constant 16 : i32
        %mul3A_579 = arith.muli %scan3A_577, %mul3A_578 : i32
        %add3A_580 = arith.constant 2048 : i32
        %add3A_581 = arith.addi %add3A_580, %mul3A_579 : i32
        %get3A_582 = arith.index_cast %add3A_581 : i32 to index
        %get3A_583 = tpu.vector_load %arg6[%get3A_582] {strides = array<i32>} : memref<16384xi32, #tpu.memory_space<vmem>>, vector<16xi32>,
        %gather3A_584 = tpu.vector_load_idx %arg5[%get3A_583] : memref<100000xf32, #tpu.memory_space<vmem>>[vector<16xi32>], vector<16xf32>,
        %mul3A_585 = arith.constant 16 : i32
        %mul3A_586 = arith.muli %scan3A_577, %mul3A_585 : i32
        %swap3A_587 = arith.constant 1 : i32
        %swap3A_588 = arith.index_cast %swap3A_587 : i32 to index
        %swap3A_589 = arith.index_cast %mul3A_586 : i32 to index
        %swap3A_590 = tpu.vector_load %arg7[%swap3A_588, %swap3A_589] {strides = array<i32>} : memref<2x2048xf32, #tpu.memory_space<vmem>>, vector<16xf32>,
        tpu.vector_store %arg7[%swap3A_588, %swap3A_589], %gather3A_584 {strides = array<i32>} : memref<2x2048xf32, #tpu.memory_space<vmem>>, vector<16xf32>,
        %scan3A_591 = arith.constant 16 : i32
        %scan3A_592 = arith.addi %scan3A_355, %scan3A_591 : i32
        %mul3A_593 = arith.constant 16 : i32
        %mul3A_594 = arith.muli %scan3A_592, %mul3A_593 : i32
        %add3A_595 = arith.constant 2048 : i32
        %add3A_596 = arith.addi %add3A_595, %mul3A_594 : i32
        %get3A_597 = arith.index_cast %add3A_596 : i32 to index
        %get3A_598 = tpu.vector_load %arg6[%get3A_597] {strides = array<i32>} : memref<16384xi32, #tpu.memory_space<vmem>>, vector<16xi32>,
        %gather3A_599 = tpu.vector_load_idx %arg5[%get3A_598] : memref<100000xf32, #tpu.memory_space<vmem>>[vector<16xi32>], vector<16xf32>,
        %mul3A_600 = arith.constant 16 : i32
        %mul3A_601 = arith.muli %scan3A_592, %mul3A_600 : i32
        %swap3A_602 = arith.constant 1 : i32
        %swap3A_603 = arith.index_cast %swap3A_602 : i32 to index
        %swap3A_604 = arith.index_cast %mul3A_601 : i32 to index
        %swap3A_605 = tpu.vector_load %arg7[%swap3A_603, %swap3A_604] {strides = array<i32>} : memref<2x2048xf32, #tpu.memory_space<vmem>>, vector<16xf32>,
        tpu.vector_store %arg7[%swap3A_603, %swap3A_604], %gather3A_599 {strides = array<i32>} : memref<2x2048xf32, #tpu.memory_space<vmem>>, vector<16xf32>,
        %scan3A_606 = arith.constant 17 : i32
        %scan3A_607 = arith.addi %scan3A_355, %scan3A_606 : i32
        %mul3A_608 = arith.constant 16 : i32
        %mul3A_609 = arith.muli %scan3A_607, %mul3A_608 : i32
        %add3A_610 = arith.constant 2048 : i32
        %add3A_611 = arith.addi %add3A_610, %mul3A_609 : i32
        %get3A_612 = arith.index_cast %add3A_611 : i32 to index
        %get3A_613 = tpu.vector_load %arg6[%get3A_612] {strides = array<i32>} : memref<16384xi32, #tpu.memory_space<vmem>>, vector<16xi32>,
        %gather3A_614 = tpu.vector_load_idx %arg5[%get3A_613] : memref<100000xf32, #tpu.memory_space<vmem>>[vector<16xi32>], vector<16xf32>,
        %mul3A_615 = arith.constant 16 : i32
        %mul3A_616 = arith.muli %scan3A_607, %mul3A_615 : i32
        %swap3A_617 = arith.constant 1 : i32
        %swap3A_618 = arith.index_cast %swap3A_617 : i32 to index
        %swap3A_619 = arith.index_cast %mul3A_616 : i32 to index
        %swap3A_620 = tpu.vector_load %arg7[%swap3A_618, %swap3A_619] {strides = array<i32>} : memref<2x2048xf32, #tpu.memory_space<vmem>>, vector<16xf32>,
        tpu.vector_store %arg7[%swap3A_618, %swap3A_619], %gather3A_614 {strides = array<i32>} : memref<2x2048xf32, #tpu.memory_space<vmem>>, vector<16xf32>,
        %scan3A_621 = arith.constant 18 : i32
        %scan3A_622 = arith.addi %scan3A_355, %scan3A_621 : i32
        %mul3A_623 = arith.constant 16 : i32
        %mul3A_624 = arith.muli %scan3A_622, %mul3A_623 : i32
        %add3A_625 = arith.constant 2048 : i32
        %add3A_626 = arith.addi %add3A_625, %mul3A_624 : i32
        %get3A_627 = arith.index_cast %add3A_626 : i32 to index
        %get3A_628 = tpu.vector_load %arg6[%get3A_627] {strides = array<i32>} : memref<16384xi32, #tpu.memory_space<vmem>>, vector<16xi32>,
        %gather3A_629 = tpu.vector_load_idx %arg5[%get3A_628] : memref<100000xf32, #tpu.memory_space<vmem>>[vector<16xi32>], vector<16xf32>,
        %mul3A_630 = arith.constant 16 : i32
        %mul3A_631 = arith.muli %scan3A_622, %mul3A_630 : i32
        %swap3A_632 = arith.constant 1 : i32
        %swap3A_633 = arith.index_cast %swap3A_632 : i32 to index
        %swap3A_634 = arith.index_cast %mul3A_631 : i32 to index
        %swap3A_635 = tpu.vector_load %arg7[%swap3A_633, %swap3A_634] {strides = array<i32>} : memref<2x2048xf32, #tpu.memory_space<vmem>>, vector<16xf32>,
        tpu.vector_store %arg7[%swap3A_633, %swap3A_634], %gather3A_629 {strides = array<i32>} : memref<2x2048xf32, #tpu.memory_space<vmem>>, vector<16xf32>,
        %scan3A_636 = arith.constant 19 : i32
        %scan3A_637 = arith.addi %scan3A_355, %scan3A_636 : i32
        %mul3A_638 = arith.constant 16 : i32
        %mul3A_639 = arith.muli %scan3A_637, %mul3A_638 : i32
        %add3A_640 = arith.constant 2048 : i32
        %add3A_641 = arith.addi %add3A_640, %mul3A_639 : i32
        %get3A_642 = arith.index_cast %add3A_641 : i32 to index
        %get3A_643 = tpu.vector_load %arg6[%get3A_642] {strides = array<i32>} : memref<16384xi32, #tpu.memory_space<vmem>>, vector<16xi32>,
        %gather3A_644 = tpu.vector_load_idx %arg5[%get3A_643] : memref<100000xf32, #tpu.memory_space<vmem>>[vector<16xi32>], vector<16xf32>,
        %mul3A_645 = arith.constant 16 : i32
        %mul3A_646 = arith.muli %scan3A_637, %mul3A_645 : i32
        %swap3A_647 = arith.constant 1 : i32
        %swap3A_648 = arith.index_cast %swap3A_647 : i32 to index
        %swap3A_649 = arith.index_cast %mul3A_646 : i32 to index
        %swap3A_650 = tpu.vector_load %arg7[%swap3A_648, %swap3A_649] {strides = array<i32>} : memref<2x2048xf32, #tpu.memory_space<vmem>>, vector<16xf32>,
        tpu.vector_store %arg7[%swap3A_648, %swap3A_649], %gather3A_644 {strides = array<i32>} : memref<2x2048xf32, #tpu.memory_space<vmem>>, vector<16xf32>,
        %scan3A_651 = arith.constant 20 : i32
        %scan3A_652 = arith.addi %scan3A_355, %scan3A_651 : i32
        %mul3A_653 = arith.constant 16 : i32
        %mul3A_654 = arith.muli %scan3A_652, %mul3A_653 : i32
        %add3A_655 = arith.constant 2048 : i32
        %add3A_656 = arith.addi %add3A_655, %mul3A_654 : i32
        %get3A_657 = arith.index_cast %add3A_656 : i32 to index
        %get3A_658 = tpu.vector_load %arg6[%get3A_657] {strides = array<i32>} : memref<16384xi32, #tpu.memory_space<vmem>>, vector<16xi32>,
        %gather3A_659 = tpu.vector_load_idx %arg5[%get3A_658] : memref<100000xf32, #tpu.memory_space<vmem>>[vector<16xi32>], vector<16xf32>,
        %mul3A_660 = arith.constant 16 : i32
        %mul3A_661 = arith.muli %scan3A_652, %mul3A_660 : i32
        %swap3A_662 = arith.constant 1 : i32
        %swap3A_663 = arith.index_cast %swap3A_662 : i32 to index
        %swap3A_664 = arith.index_cast %mul3A_661 : i32 to index
        %swap3A_665 = tpu.vector_load %arg7[%swap3A_663, %swap3A_664] {strides = array<i32>} : memref<2x2048xf32, #tpu.memory_space<vmem>>, vector<16xf32>,
        tpu.vector_store %arg7[%swap3A_663, %swap3A_664], %gather3A_659 {strides = array<i32>} : memref<2x2048xf32, #tpu.memory_space<vmem>>, vector<16xf32>,
        %scan3A_666 = arith.constant 21 : i32
        %scan3A_667 = arith.addi %scan3A_355, %scan3A_666 : i32
        %mul3A_668 = arith.constant 16 : i32
        %mul3A_669 = arith.muli %scan3A_667, %mul3A_668 : i32
        %add3A_670 = arith.constant 2048 : i32
        %add3A_671 = arith.addi %add3A_670, %mul3A_669 : i32
        %get3A_672 = arith.index_cast %add3A_671 : i32 to index
        %get3A_673 = tpu.vector_load %arg6[%get3A_672] {strides = array<i32>} : memref<16384xi32, #tpu.memory_space<vmem>>, vector<16xi32>,
        %gather3A_674 = tpu.vector_load_idx %arg5[%get3A_673] : memref<100000xf32, #tpu.memory_space<vmem>>[vector<16xi32>], vector<16xf32>,
        %mul3A_675 = arith.constant 16 : i32
        %mul3A_676 = arith.muli %scan3A_667, %mul3A_675 : i32
        %swap3A_677 = arith.constant 1 : i32
        %swap3A_678 = arith.index_cast %swap3A_677 : i32 to index
        %swap3A_679 = arith.index_cast %mul3A_676 : i32 to index
        %swap3A_680 = tpu.vector_load %arg7[%swap3A_678, %swap3A_679] {strides = array<i32>} : memref<2x2048xf32, #tpu.memory_space<vmem>>, vector<16xf32>,
        tpu.vector_store %arg7[%swap3A_678, %swap3A_679], %gather3A_674 {strides = array<i32>} : memref<2x2048xf32, #tpu.memory_space<vmem>>, vector<16xf32>,
        %scan3A_681 = arith.constant 22 : i32
        %scan3A_682 = arith.addi %scan3A_355, %scan3A_681 : i32
        %mul3A_683 = arith.constant 16 : i32
        %mul3A_684 = arith.muli %scan3A_682, %mul3A_683 : i32
        %add3A_685 = arith.constant 2048 : i32
        %add3A_686 = arith.addi %add3A_685, %mul3A_684 : i32
        %get3A_687 = arith.index_cast %add3A_686 : i32 to index
        %get3A_688 = tpu.vector_load %arg6[%get3A_687] {strides = array<i32>} : memref<16384xi32, #tpu.memory_space<vmem>>, vector<16xi32>,
        %gather3A_689 = tpu.vector_load_idx %arg5[%get3A_688] : memref<100000xf32, #tpu.memory_space<vmem>>[vector<16xi32>], vector<16xf32>,
        %mul3A_690 = arith.constant 16 : i32
        %mul3A_691 = arith.muli %scan3A_682, %mul3A_690 : i32
        %swap3A_692 = arith.constant 1 : i32
        %swap3A_693 = arith.index_cast %swap3A_692 : i32 to index
        %swap3A_694 = arith.index_cast %mul3A_691 : i32 to index
        %swap3A_695 = tpu.vector_load %arg7[%swap3A_693, %swap3A_694] {strides = array<i32>} : memref<2x2048xf32, #tpu.memory_space<vmem>>, vector<16xf32>,
        tpu.vector_store %arg7[%swap3A_693, %swap3A_694], %gather3A_689 {strides = array<i32>} : memref<2x2048xf32, #tpu.memory_space<vmem>>, vector<16xf32>,
        %scan3A_696 = arith.constant 23 : i32
        %scan3A_697 = arith.addi %scan3A_355, %scan3A_696 : i32
        %mul3A_698 = arith.constant 16 : i32
        %mul3A_699 = arith.muli %scan3A_697, %mul3A_698 : i32
        %add3A_700 = arith.constant 2048 : i32
        %add3A_701 = arith.addi %add3A_700, %mul3A_699 : i32
        %get3A_702 = arith.index_cast %add3A_701 : i32 to index
        %get3A_703 = tpu.vector_load %arg6[%get3A_702] {strides = array<i32>} : memref<16384xi32, #tpu.memory_space<vmem>>, vector<16xi32>,
        %gather3A_704 = tpu.vector_load_idx %arg5[%get3A_703] : memref<100000xf32, #tpu.memory_space<vmem>>[vector<16xi32>], vector<16xf32>,
        %mul3A_705 = arith.constant 16 : i32
        %mul3A_706 = arith.muli %scan3A_697, %mul3A_705 : i32
        %swap3A_707 = arith.constant 1 : i32
        %swap3A_708 = arith.index_cast %swap3A_707 : i32 to index
        %swap3A_709 = arith.index_cast %mul3A_706 : i32 to index
        %swap3A_710 = tpu.vector_load %arg7[%swap3A_708, %swap3A_709] {strides = array<i32>} : memref<2x2048xf32, #tpu.memory_space<vmem>>, vector<16xf32>,
        tpu.vector_store %arg7[%swap3A_708, %swap3A_709], %gather3A_704 {strides = array<i32>} : memref<2x2048xf32, #tpu.memory_space<vmem>>, vector<16xf32>,
        %scan3A_711 = arith.constant 24 : i32
        %scan3A_712 = arith.addi %scan3A_355, %scan3A_711 : i32
        %mul3A_713 = arith.constant 16 : i32
        %mul3A_714 = arith.muli %scan3A_712, %mul3A_713 : i32
        %add3A_715 = arith.constant 2048 : i32
        %add3A_716 = arith.addi %add3A_715, %mul3A_714 : i32
        %get3A_717 = arith.index_cast %add3A_716 : i32 to index
        %get3A_718 = tpu.vector_load %arg6[%get3A_717] {strides = array<i32>} : memref<16384xi32, #tpu.memory_space<vmem>>, vector<16xi32>,
        %gather3A_719 = tpu.vector_load_idx %arg5[%get3A_718] : memref<100000xf32, #tpu.memory_space<vmem>>[vector<16xi32>], vector<16xf32>,
        %mul3A_720 = arith.constant 16 : i32
        %mul3A_721 = arith.muli %scan3A_712, %mul3A_720 : i32
        %swap3A_722 = arith.constant 1 : i32
        %swap3A_723 = arith.index_cast %swap3A_722 : i32 to index
        %swap3A_724 = arith.index_cast %mul3A_721 : i32 to index
        %swap3A_725 = tpu.vector_load %arg7[%swap3A_723, %swap3A_724] {strides = array<i32>} : memref<2x2048xf32, #tpu.memory_space<vmem>>, vector<16xf32>,
        tpu.vector_store %arg7[%swap3A_723, %swap3A_724], %gather3A_719 {strides = array<i32>} : memref<2x2048xf32, #tpu.memory_space<vmem>>, vector<16xf32>,
        %scan3A_726 = arith.constant 25 : i32
        %scan3A_727 = arith.addi %scan3A_355, %scan3A_726 : i32
        %mul3A_728 = arith.constant 16 : i32
        %mul3A_729 = arith.muli %scan3A_727, %mul3A_728 : i32
        %add3A_730 = arith.constant 2048 : i32
        %add3A_731 = arith.addi %add3A_730, %mul3A_729 : i32
        %get3A_732 = arith.index_cast %add3A_731 : i32 to index
        %get3A_733 = tpu.vector_load %arg6[%get3A_732] {strides = array<i32>} : memref<16384xi32, #tpu.memory_space<vmem>>, vector<16xi32>,
        %gather3A_734 = tpu.vector_load_idx %arg5[%get3A_733] : memref<100000xf32, #tpu.memory_space<vmem>>[vector<16xi32>], vector<16xf32>,
        %mul3A_735 = arith.constant 16 : i32
        %mul3A_736 = arith.muli %scan3A_727, %mul3A_735 : i32
        %swap3A_737 = arith.constant 1 : i32
        %swap3A_738 = arith.index_cast %swap3A_737 : i32 to index
        %swap3A_739 = arith.index_cast %mul3A_736 : i32 to index
        %swap3A_740 = tpu.vector_load %arg7[%swap3A_738, %swap3A_739] {strides = array<i32>} : memref<2x2048xf32, #tpu.memory_space<vmem>>, vector<16xf32>,
        tpu.vector_store %arg7[%swap3A_738, %swap3A_739], %gather3A_734 {strides = array<i32>} : memref<2x2048xf32, #tpu.memory_space<vmem>>, vector<16xf32>,
        %scan3A_741 = arith.constant 26 : i32
        %scan3A_742 = arith.addi %scan3A_355, %scan3A_741 : i32
        %mul3A_743 = arith.constant 16 : i32
        %mul3A_744 = arith.muli %scan3A_742, %mul3A_743 : i32
        %add3A_745 = arith.constant 2048 : i32
        %add3A_746 = arith.addi %add3A_745, %mul3A_744 : i32
        %get3A_747 = arith.index_cast %add3A_746 : i32 to index
        %get3A_748 = tpu.vector_load %arg6[%get3A_747] {strides = array<i32>} : memref<16384xi32, #tpu.memory_space<vmem>>, vector<16xi32>,
        %gather3A_749 = tpu.vector_load_idx %arg5[%get3A_748] : memref<100000xf32, #tpu.memory_space<vmem>>[vector<16xi32>], vector<16xf32>,
        %mul3A_750 = arith.constant 16 : i32
        %mul3A_751 = arith.muli %scan3A_742, %mul3A_750 : i32
        %swap3A_752 = arith.constant 1 : i32
        %swap3A_753 = arith.index_cast %swap3A_752 : i32 to index
        %swap3A_754 = arith.index_cast %mul3A_751 : i32 to index
        %swap3A_755 = tpu.vector_load %arg7[%swap3A_753, %swap3A_754] {strides = array<i32>} : memref<2x2048xf32, #tpu.memory_space<vmem>>, vector<16xf32>,
        tpu.vector_store %arg7[%swap3A_753, %swap3A_754], %gather3A_749 {strides = array<i32>} : memref<2x2048xf32, #tpu.memory_space<vmem>>, vector<16xf32>,
        %scan3A_756 = arith.constant 27 : i32
        %scan3A_757 = arith.addi %scan3A_355, %scan3A_756 : i32
        %mul3A_758 = arith.constant 16 : i32
        %mul3A_759 = arith.muli %scan3A_757, %mul3A_758 : i32
        %add3A_760 = arith.constant 2048 : i32
        %add3A_761 = arith.addi %add3A_760, %mul3A_759 : i32
        %get3A_762 = arith.index_cast %add3A_761 : i32 to index
        %get3A_763 = tpu.vector_load %arg6[%get3A_762] {strides = array<i32>} : memref<16384xi32, #tpu.memory_space<vmem>>, vector<16xi32>,
        %gather3A_764 = tpu.vector_load_idx %arg5[%get3A_763] : memref<100000xf32, #tpu.memory_space<vmem>>[vector<16xi32>], vector<16xf32>,
        %mul3A_765 = arith.constant 16 : i32
        %mul3A_766 = arith.muli %scan3A_757, %mul3A_765 : i32
        %swap3A_767 = arith.constant 1 : i32
        %swap3A_768 = arith.index_cast %swap3A_767 : i32 to index
        %swap3A_769 = arith.index_cast %mul3A_766 : i32 to index
        %swap3A_770 = tpu.vector_load %arg7[%swap3A_768, %swap3A_769] {strides = array<i32>} : memref<2x2048xf32, #tpu.memory_space<vmem>>, vector<16xf32>,
        tpu.vector_store %arg7[%swap3A_768, %swap3A_769], %gather3A_764 {strides = array<i32>} : memref<2x2048xf32, #tpu.memory_space<vmem>>, vector<16xf32>,
        %scan3A_771 = arith.constant 28 : i32
        %scan3A_772 = arith.addi %scan3A_355, %scan3A_771 : i32
        %mul3A_773 = arith.constant 16 : i32
        %mul3A_774 = arith.muli %scan3A_772, %mul3A_773 : i32
        %add3A_775 = arith.constant 2048 : i32
        %add3A_776 = arith.addi %add3A_775, %mul3A_774 : i32
        %get3A_777 = arith.index_cast %add3A_776 : i32 to index
        %get3A_778 = tpu.vector_load %arg6[%get3A_777] {strides = array<i32>} : memref<16384xi32, #tpu.memory_space<vmem>>, vector<16xi32>,
        %gather3A_779 = tpu.vector_load_idx %arg5[%get3A_778] : memref<100000xf32, #tpu.memory_space<vmem>>[vector<16xi32>], vector<16xf32>,
        %mul3A_780 = arith.constant 16 : i32
        %mul3A_781 = arith.muli %scan3A_772, %mul3A_780 : i32
        %swap3A_782 = arith.constant 1 : i32
        %swap3A_783 = arith.index_cast %swap3A_782 : i32 to index
        %swap3A_784 = arith.index_cast %mul3A_781 : i32 to index
        %swap3A_785 = tpu.vector_load %arg7[%swap3A_783, %swap3A_784] {strides = array<i32>} : memref<2x2048xf32, #tpu.memory_space<vmem>>, vector<16xf32>,
        tpu.vector_store %arg7[%swap3A_783, %swap3A_784], %gather3A_779 {strides = array<i32>} : memref<2x2048xf32, #tpu.memory_space<vmem>>, vector<16xf32>,
        %scan3A_786 = arith.constant 29 : i32
        %scan3A_787 = arith.addi %scan3A_355, %scan3A_786 : i32
        %mul3A_788 = arith.constant 16 : i32
        %mul3A_789 = arith.muli %scan3A_787, %mul3A_788 : i32
        %add3A_790 = arith.constant 2048 : i32
        %add3A_791 = arith.addi %add3A_790, %mul3A_789 : i32
        %get3A_792 = arith.index_cast %add3A_791 : i32 to index
        %get3A_793 = tpu.vector_load %arg6[%get3A_792] {strides = array<i32>} : memref<16384xi32, #tpu.memory_space<vmem>>, vector<16xi32>,
        %gather3A_794 = tpu.vector_load_idx %arg5[%get3A_793] : memref<100000xf32, #tpu.memory_space<vmem>>[vector<16xi32>], vector<16xf32>,
        %mul3A_795 = arith.constant 16 : i32
        %mul3A_796 = arith.muli %scan3A_787, %mul3A_795 : i32
        %swap3A_797 = arith.constant 1 : i32
        %swap3A_798 = arith.index_cast %swap3A_797 : i32 to index
        %swap3A_799 = arith.index_cast %mul3A_796 : i32 to index
        %swap3A_800 = tpu.vector_load %arg7[%swap3A_798, %swap3A_799] {strides = array<i32>} : memref<2x2048xf32, #tpu.memory_space<vmem>>, vector<16xf32>,
        tpu.vector_store %arg7[%swap3A_798, %swap3A_799], %gather3A_794 {strides = array<i32>} : memref<2x2048xf32, #tpu.memory_space<vmem>>, vector<16xf32>,
        %scan3A_801 = arith.constant 30 : i32
        %scan3A_802 = arith.addi %scan3A_355, %scan3A_801 : i32
        %mul3A_803 = arith.constant 16 : i32
        %mul3A_804 = arith.muli %scan3A_802, %mul3A_803 : i32
        %add3A_805 = arith.constant 2048 : i32
        %add3A_806 = arith.addi %add3A_805, %mul3A_804 : i32
        %get3A_807 = arith.index_cast %add3A_806 : i32 to index
        %get3A_808 = tpu.vector_load %arg6[%get3A_807] {strides = array<i32>} : memref<16384xi32, #tpu.memory_space<vmem>>, vector<16xi32>,
        %gather3A_809 = tpu.vector_load_idx %arg5[%get3A_808] : memref<100000xf32, #tpu.memory_space<vmem>>[vector<16xi32>], vector<16xf32>,
        %mul3A_810 = arith.constant 16 : i32
        %mul3A_811 = arith.muli %scan3A_802, %mul3A_810 : i32
        %swap3A_812 = arith.constant 1 : i32
        %swap3A_813 = arith.index_cast %swap3A_812 : i32 to index
        %swap3A_814 = arith.index_cast %mul3A_811 : i32 to index
        %swap3A_815 = tpu.vector_load %arg7[%swap3A_813, %swap3A_814] {strides = array<i32>} : memref<2x2048xf32, #tpu.memory_space<vmem>>, vector<16xf32>,
        tpu.vector_store %arg7[%swap3A_813, %swap3A_814], %gather3A_809 {strides = array<i32>} : memref<2x2048xf32, #tpu.memory_space<vmem>>, vector<16xf32>,
        %scan3A_816 = arith.constant 31 : i32
        %scan3A_817 = arith.addi %scan3A_355, %scan3A_816 : i32
        %mul3A_818 = arith.constant 16 : i32
        %mul3A_819 = arith.muli %scan3A_817, %mul3A_818 : i32
        %add3A_820 = arith.constant 2048 : i32
        %add3A_821 = arith.addi %add3A_820, %mul3A_819 : i32
        %get3A_822 = arith.index_cast %add3A_821 : i32 to index
        %get3A_823 = tpu.vector_load %arg6[%get3A_822] {strides = array<i32>} : memref<16384xi32, #tpu.memory_space<vmem>>, vector<16xi32>,
        %gather3A_824 = tpu.vector_load_idx %arg5[%get3A_823] : memref<100000xf32, #tpu.memory_space<vmem>>[vector<16xi32>], vector<16xf32>,
        %mul3A_825 = arith.constant 16 : i32
        %mul3A_826 = arith.muli %scan3A_817, %mul3A_825 : i32
        %swap3A_827 = arith.constant 1 : i32
        %swap3A_828 = arith.index_cast %swap3A_827 : i32 to index
        %swap3A_829 = arith.index_cast %mul3A_826 : i32 to index
        %swap3A_830 = tpu.vector_load %arg7[%swap3A_828, %swap3A_829] {strides = array<i32>} : memref<2x2048xf32, #tpu.memory_space<vmem>>, vector<16xf32>,
        tpu.vector_store %arg7[%swap3A_828, %swap3A_829], %gather3A_824 {strides = array<i32>} : memref<2x2048xf32, #tpu.memory_space<vmem>>, vector<16xf32>,
      }
      %scan3A_117 = arith.constant 128 : i32
      %dma_start3A_118 = arith.constant 1 : i32
      %dma_start3A_119 = arith.constant 0 : i32
      %dma_start3A_120 = tpu.memref_slice %arg7[%dma_start3A_118, %dma_start3A_119] : memref<2x2048xf32, #tpu.memory_space<vmem>> -> memref<1x2048xf32, #tpu.memory_space<vmem>>
      %dma_start3A_121 = tpu.memref_squeeze %dma_start3A_120 : memref<1x2048xf32, #tpu.memory_space<vmem>> -> memref<2048xf32, #tpu.memory_space<vmem>>
      %dma_start3A_122 = arith.constant 2048 : i32
      %dma_start3A_123 = tpu.memref_slice %arg4[%add3A_32, %dma_start3A_122] : memref<832x16384xf32, #tpu.memory_space<hbm>> -> memref<1x2048xf32, #tpu.memory_space<hbm>>
      %dma_start3A_124 = tpu.memref_squeeze %dma_start3A_123 : memref<1x2048xf32, #tpu.memory_space<hbm>> -> memref<2048xf32, #tpu.memory_space<hbm>>
      %dma_start3A_125 = arith.constant 2048 : i32
      %dma_start3A_126 = tpu.memref_slice %arg4[%add3A_32, %dma_start3A_125] : memref<832x16384xf32, #tpu.memory_space<hbm>> -> memref<1x2048xf32, #tpu.memory_space<hbm>>
      %dma_start3A_127 = tpu.memref_squeeze %dma_start3A_126 : memref<1x2048xf32, #tpu.memory_space<hbm>> -> memref<2048xf32, #tpu.memory_space<hbm>>
      %dma_start3A_128 = arith.constant 0 : i32
      %dma_start3A_129 = tpu.memref_slice %arg7[%dma_start3A_118, %dma_start3A_128] : memref<2x2048xf32, #tpu.memory_space<vmem>> -> memref<1x2048xf32, #tpu.memory_space<vmem>>
      %dma_start3A_130 = tpu.memref_squeeze %dma_start3A_129 : memref<1x2048xf32, #tpu.memory_space<vmem>> -> memref<2048xf32, #tpu.memory_space<vmem>>
      tpu.enqueue_dma source(%dma_start3A_130 : memref<2048xf32, #tpu.memory_space<vmem>>) target(%dma_start3A_127 : memref<2048xf32, #tpu.memory_space<hbm>>) target_semaphore(%arg10 : memref<!tpu.dma_semaphore, #tpu.memory_space<semaphore_mem>>)
      %dma_wait3A_131 = arith.constant 0 : i32
      %dma_wait3A_132 = arith.constant 0 : i32
      %dma_wait3A_133 = tpu.memref_slice %arg7[%dma_wait3A_131, %dma_wait3A_132] : memref<2x2048xf32, #tpu.memory_space<vmem>> -> memref<1x2048xf32, #tpu.memory_space<vmem>>
      %dma_wait3A_134 = tpu.memref_squeeze %dma_wait3A_133 : memref<1x2048xf32, #tpu.memory_space<vmem>> -> memref<2048xf32, #tpu.memory_space<vmem>>
      %dma_wait3A_135 = arith.constant 0 : i32
      %dma_wait3A_136 = tpu.memref_slice %arg4[%add3A_32, %dma_wait3A_135] : memref<832x16384xf32, #tpu.memory_space<hbm>> -> memref<1x2048xf32, #tpu.memory_space<hbm>>
      %dma_wait3A_137 = tpu.memref_squeeze %dma_wait3A_136 : memref<1x2048xf32, #tpu.memory_space<hbm>> -> memref<2048xf32, #tpu.memory_space<hbm>>
      %dma_wait3A_138 = arith.constant 0 : i32
      %dma_wait3A_139 = tpu.memref_slice %arg4[%add3A_32, %dma_wait3A_138] : memref<832x16384xf32, #tpu.memory_space<hbm>> -> memref<1x2048xf32, #tpu.memory_space<hbm>>
      %dma_wait3A_140 = tpu.memref_squeeze %dma_wait3A_139 : memref<1x2048xf32, #tpu.memory_space<hbm>> -> memref<2048xf32, #tpu.memory_space<hbm>>
      %dma_wait3A_141 = arith.constant 0 : i32
      %dma_wait3A_142 = tpu.memref_slice %arg7[%dma_wait3A_131, %dma_wait3A_141] : memref<2x2048xf32, #tpu.memory_space<vmem>> -> memref<1x2048xf32, #tpu.memory_space<vmem>>
      %dma_wait3A_143 = tpu.memref_squeeze %dma_wait3A_142 : memref<1x2048xf32, #tpu.memory_space<vmem>> -> memref<2048xf32, #tpu.memory_space<vmem>>
      tpu.wait_dma2 semaphore(%arg10 : memref<!tpu.dma_semaphore, #tpu.memory_space<semaphore_mem>>) src(%dma_wait3A_143 : memref<2048xf32, #tpu.memory_space<vmem>>) dst(%dma_wait3A_140 : memref<2048xf32, #tpu.memory_space<hbm>>)
      %scan3A_144 = arith.constant 0 : i32
      %scan3A_145 = arith.constant 0 : i32
      %scan3A_146 = arith.constant 128 : i32
      %scan3A_147 = arith.addi %scan3A_145, %scan3A_146 : i32
      %scan3A_148 = arith.constant 32 : i32
      scf.for %scan3A_355 = %scan3A_145 to %scan3A_147 step %scan3A_148  : i32 {
        %mul3A_356 = arith.constant 16 : i32
        %mul3A_357 = arith.muli %scan3A_355, %mul3A_356 : i32
        %add3A_358 = arith.constant 4096 : i32
        %add3A_359 = arith.addi %add3A_358, %mul3A_357 : i32
        %get3A = arith.index_cast %add3A_359 : i32 to index
        %get3A_360 = tpu.vector_load %arg6[%get3A] {strides = array<i32>} : memref<16384xi32, #tpu.memory_space<vmem>>, vector<16xi32>,
        %gather3A = tpu.vector_load_idx %arg5[%get3A_360] : memref<100000xf32, #tpu.memory_space<vmem>>[vector<16xi32>], vector<16xf32>,
        %mul3A_361 = arith.constant 16 : i32
        %mul3A_362 = arith.muli %scan3A_355, %mul3A_361 : i32
        %swap3A = arith.constant 0 : i32
        %swap3A_363 = arith.index_cast %swap3A : i32 to index
        %swap3A_364 = arith.index_cast %mul3A_362 : i32 to index
        %swap3A_365 = tpu.vector_load %arg7[%swap3A_363, %swap3A_364] {strides = array<i32>} : memref<2x2048xf32, #tpu.memory_space<vmem>>, vector<16xf32>,
        tpu.vector_store %arg7[%swap3A_363, %swap3A_364], %gather3A {strides = array<i32>} : memref<2x2048xf32, #tpu.memory_space<vmem>>, vector<16xf32>,
        %scan3A_366 = arith.constant 1 : i32
        %scan3A_367 = arith.addi %scan3A_355, %scan3A_366 : i32
        %mul3A_368 = arith.constant 16 : i32
        %mul3A_369 = arith.muli %scan3A_367, %mul3A_368 : i32
        %add3A_370 = arith.constant 4096 : i32
        %add3A_371 = arith.addi %add3A_370, %mul3A_369 : i32
        %get3A_372 = arith.index_cast %add3A_371 : i32 to index
        %get3A_373 = tpu.vector_load %arg6[%get3A_372] {strides = array<i32>} : memref<16384xi32, #tpu.memory_space<vmem>>, vector<16xi32>,
        %gather3A_374 = tpu.vector_load_idx %arg5[%get3A_373] : memref<100000xf32, #tpu.memory_space<vmem>>[vector<16xi32>], vector<16xf32>,
        %mul3A_375 = arith.constant 16 : i32
        %mul3A_376 = arith.muli %scan3A_367, %mul3A_375 : i32
        %swap3A_377 = arith.constant 0 : i32
        %swap3A_378 = arith.index_cast %swap3A_377 : i32 to index
        %swap3A_379 = arith.index_cast %mul3A_376 : i32 to index
        %swap3A_380 = tpu.vector_load %arg7[%swap3A_378, %swap3A_379] {strides = array<i32>} : memref<2x2048xf32, #tpu.memory_space<vmem>>, vector<16xf32>,
        tpu.vector_store %arg7[%swap3A_378, %swap3A_379], %gather3A_374 {strides = array<i32>} : memref<2x2048xf32, #tpu.memory_space<vmem>>, vector<16xf32>,
        %scan3A_381 = arith.constant 2 : i32
        %scan3A_382 = arith.addi %scan3A_355, %scan3A_381 : i32
        %mul3A_383 = arith.constant 16 : i32
        %mul3A_384 = arith.muli %scan3A_382, %mul3A_383 : i32
        %add3A_385 = arith.constant 4096 : i32
        %add3A_386 = arith.addi %add3A_385, %mul3A_384 : i32
        %get3A_387 = arith.index_cast %add3A_386 : i32 to index
        %get3A_388 = tpu.vector_load %arg6[%get3A_387] {strides = array<i32>} : memref<16384xi32, #tpu.memory_space<vmem>>, vector<16xi32>,
        %gather3A_389 = tpu.vector_load_idx %arg5[%get3A_388] : memref<100000xf32, #tpu.memory_space<vmem>>[vector<16xi32>], vector<16xf32>,
        %mul3A_390 = arith.constant 16 : i32
        %mul3A_391 = arith.muli %scan3A_382, %mul3A_390 : i32
        %swap3A_392 = arith.constant 0 : i32
        %swap3A_393 = arith.index_cast %swap3A_392 : i32 to index
        %swap3A_394 = arith.index_cast %mul3A_391 : i32 to index
        %swap3A_395 = tpu.vector_load %arg7[%swap3A_393, %swap3A_394] {strides = array<i32>} : memref<2x2048xf32, #tpu.memory_space<vmem>>, vector<16xf32>,
        tpu.vector_store %arg7[%swap3A_393, %swap3A_394], %gather3A_389 {strides = array<i32>} : memref<2x2048xf32, #tpu.memory_space<vmem>>, vector<16xf32>,
        %scan3A_396 = arith.constant 3 : i32
        %scan3A_397 = arith.addi %scan3A_355, %scan3A_396 : i32
        %mul3A_398 = arith.constant 16 : i32
        %mul3A_399 = arith.muli %scan3A_397, %mul3A_398 : i32
        %add3A_400 = arith.constant 4096 : i32
        %add3A_401 = arith.addi %add3A_400, %mul3A_399 : i32
        %get3A_402 = arith.index_cast %add3A_401 : i32 to index
        %get3A_403 = tpu.vector_load %arg6[%get3A_402] {strides = array<i32>} : memref<16384xi32, #tpu.memory_space<vmem>>, vector<16xi32>,
        %gather3A_404 = tpu.vector_load_idx %arg5[%get3A_403] : memref<100000xf32, #tpu.memory_space<vmem>>[vector<16xi32>], vector<16xf32>,
        %mul3A_405 = arith.constant 16 : i32
        %mul3A_406 = arith.muli %scan3A_397, %mul3A_405 : i32
        %swap3A_407 = arith.constant 0 : i32
        %swap3A_408 = arith.index_cast %swap3A_407 : i32 to index
        %swap3A_409 = arith.index_cast %mul3A_406 : i32 to index
        %swap3A_410 = tpu.vector_load %arg7[%swap3A_408, %swap3A_409] {strides = array<i32>} : memref<2x2048xf32, #tpu.memory_space<vmem>>, vector<16xf32>,
        tpu.vector_store %arg7[%swap3A_408, %swap3A_409], %gather3A_404 {strides = array<i32>} : memref<2x2048xf32, #tpu.memory_space<vmem>>, vector<16xf32>,
        %scan3A_411 = arith.constant 4 : i32
        %scan3A_412 = arith.addi %scan3A_355, %scan3A_411 : i32
        %mul3A_413 = arith.constant 16 : i32
        %mul3A_414 = arith.muli %scan3A_412, %mul3A_413 : i32
        %add3A_415 = arith.constant 4096 : i32
        %add3A_416 = arith.addi %add3A_415, %mul3A_414 : i32
        %get3A_417 = arith.index_cast %add3A_416 : i32 to index
        %get3A_418 = tpu.vector_load %arg6[%get3A_417] {strides = array<i32>} : memref<16384xi32, #tpu.memory_space<vmem>>, vector<16xi32>,
        %gather3A_419 = tpu.vector_load_idx %arg5[%get3A_418] : memref<100000xf32, #tpu.memory_space<vmem>>[vector<16xi32>], vector<16xf32>,
        %mul3A_420 = arith.constant 16 : i32
        %mul3A_421 = arith.muli %scan3A_412, %mul3A_420 : i32
        %swap3A_422 = arith.constant 0 : i32
        %swap3A_423 = arith.index_cast %swap3A_422 : i32 to index
        %swap3A_424 = arith.index_cast %mul3A_421 : i32 to index
        %swap3A_425 = tpu.vector_load %arg7[%swap3A_423, %swap3A_424] {strides = array<i32>} : memref<2x2048xf32, #tpu.memory_space<vmem>>, vector<16xf32>,
        tpu.vector_store %arg7[%swap3A_423, %swap3A_424], %gather3A_419 {strides = array<i32>} : memref<2x2048xf32, #tpu.memory_space<vmem>>, vector<16xf32>,
        %scan3A_426 = arith.constant 5 : i32
        %scan3A_427 = arith.addi %scan3A_355, %scan3A_426 : i32
        %mul3A_428 = arith.constant 16 : i32
        %mul3A_429 = arith.muli %scan3A_427, %mul3A_428 : i32
        %add3A_430 = arith.constant 4096 : i32
        %add3A_431 = arith.addi %add3A_430, %mul3A_429 : i32
        %get3A_432 = arith.index_cast %add3A_431 : i32 to index
        %get3A_433 = tpu.vector_load %arg6[%get3A_432] {strides = array<i32>} : memref<16384xi32, #tpu.memory_space<vmem>>, vector<16xi32>,
        %gather3A_434 = tpu.vector_load_idx %arg5[%get3A_433] : memref<100000xf32, #tpu.memory_space<vmem>>[vector<16xi32>], vector<16xf32>,
        %mul3A_435 = arith.constant 16 : i32
        %mul3A_436 = arith.muli %scan3A_427, %mul3A_435 : i32
        %swap3A_437 = arith.constant 0 : i32
        %swap3A_438 = arith.index_cast %swap3A_437 : i32 to index
        %swap3A_439 = arith.index_cast %mul3A_436 : i32 to index
        %swap3A_440 = tpu.vector_load %arg7[%swap3A_438, %swap3A_439] {strides = array<i32>} : memref<2x2048xf32, #tpu.memory_space<vmem>>, vector<16xf32>,
        tpu.vector_store %arg7[%swap3A_438, %swap3A_439], %gather3A_434 {strides = array<i32>} : memref<2x2048xf32, #tpu.memory_space<vmem>>, vector<16xf32>,
        %scan3A_441 = arith.constant 6 : i32
        %scan3A_442 = arith.addi %scan3A_355, %scan3A_441 : i32
        %mul3A_443 = arith.constant 16 : i32
        %mul3A_444 = arith.muli %scan3A_442, %mul3A_443 : i32
        %add3A_445 = arith.constant 4096 : i32
        %add3A_446 = arith.addi %add3A_445, %mul3A_444 : i32
        %get3A_447 = arith.index_cast %add3A_446 : i32 to index
        %get3A_448 = tpu.vector_load %arg6[%get3A_447] {strides = array<i32>} : memref<16384xi32, #tpu.memory_space<vmem>>, vector<16xi32>,
        %gather3A_449 = tpu.vector_load_idx %arg5[%get3A_448] : memref<100000xf32, #tpu.memory_space<vmem>>[vector<16xi32>], vector<16xf32>,
        %mul3A_450 = arith.constant 16 : i32
        %mul3A_451 = arith.muli %scan3A_442, %mul3A_450 : i32
        %swap3A_452 = arith.constant 0 : i32
        %swap3A_453 = arith.index_cast %swap3A_452 : i32 to index
        %swap3A_454 = arith.index_cast %mul3A_451 : i32 to index
        %swap3A_455 = tpu.vector_load %arg7[%swap3A_453, %swap3A_454] {strides = array<i32>} : memref<2x2048xf32, #tpu.memory_space<vmem>>, vector<16xf32>,
        tpu.vector_store %arg7[%swap3A_453, %swap3A_454], %gather3A_449 {strides = array<i32>} : memref<2x2048xf32, #tpu.memory_space<vmem>>, vector<16xf32>,
        %scan3A_456 = arith.constant 7 : i32
        %scan3A_457 = arith.addi %scan3A_355, %scan3A_456 : i32
        %mul3A_458 = arith.constant 16 : i32
        %mul3A_459 = arith.muli %scan3A_457, %mul3A_458 : i32
        %add3A_460 = arith.constant 4096 : i32
        %add3A_461 = arith.addi %add3A_460, %mul3A_459 : i32
        %get3A_462 = arith.index_cast %add3A_461 : i32 to index
        %get3A_463 = tpu.vector_load %arg6[%get3A_462] {strides = array<i32>} : memref<16384xi32, #tpu.memory_space<vmem>>, vector<16xi32>,
        %gather3A_464 = tpu.vector_load_idx %arg5[%get3A_463] : memref<100000xf32, #tpu.memory_space<vmem>>[vector<16xi32>], vector<16xf32>,
        %mul3A_465 = arith.constant 16 : i32
        %mul3A_466 = arith.muli %scan3A_457, %mul3A_465 : i32
        %swap3A_467 = arith.constant 0 : i32
        %swap3A_468 = arith.index_cast %swap3A_467 : i32 to index
        %swap3A_469 = arith.index_cast %mul3A_466 : i32 to index
        %swap3A_470 = tpu.vector_load %arg7[%swap3A_468, %swap3A_469] {strides = array<i32>} : memref<2x2048xf32, #tpu.memory_space<vmem>>, vector<16xf32>,
        tpu.vector_store %arg7[%swap3A_468, %swap3A_469], %gather3A_464 {strides = array<i32>} : memref<2x2048xf32, #tpu.memory_space<vmem>>, vector<16xf32>,
        %scan3A_471 = arith.constant 8 : i32
        %scan3A_472 = arith.addi %scan3A_355, %scan3A_471 : i32
        %mul3A_473 = arith.constant 16 : i32
        %mul3A_474 = arith.muli %scan3A_472, %mul3A_473 : i32
        %add3A_475 = arith.constant 4096 : i32
        %add3A_476 = arith.addi %add3A_475, %mul3A_474 : i32
        %get3A_477 = arith.index_cast %add3A_476 : i32 to index
        %get3A_478 = tpu.vector_load %arg6[%get3A_477] {strides = array<i32>} : memref<16384xi32, #tpu.memory_space<vmem>>, vector<16xi32>,
        %gather3A_479 = tpu.vector_load_idx %arg5[%get3A_478] : memref<100000xf32, #tpu.memory_space<vmem>>[vector<16xi32>], vector<16xf32>,
        %mul3A_480 = arith.constant 16 : i32
        %mul3A_481 = arith.muli %scan3A_472, %mul3A_480 : i32
        %swap3A_482 = arith.constant 0 : i32
        %swap3A_483 = arith.index_cast %swap3A_482 : i32 to index
        %swap3A_484 = arith.index_cast %mul3A_481 : i32 to index
        %swap3A_485 = tpu.vector_load %arg7[%swap3A_483, %swap3A_484] {strides = array<i32>} : memref<2x2048xf32, #tpu.memory_space<vmem>>, vector<16xf32>,
        tpu.vector_store %arg7[%swap3A_483, %swap3A_484], %gather3A_479 {strides = array<i32>} : memref<2x2048xf32, #tpu.memory_space<vmem>>, vector<16xf32>,
        %scan3A_486 = arith.constant 9 : i32
        %scan3A_487 = arith.addi %scan3A_355, %scan3A_486 : i32
        %mul3A_488 = arith.constant 16 : i32
        %mul3A_489 = arith.muli %scan3A_487, %mul3A_488 : i32
        %add3A_490 = arith.constant 4096 : i32
        %add3A_491 = arith.addi %add3A_490, %mul3A_489 : i32
        %get3A_492 = arith.index_cast %add3A_491 : i32 to index
        %get3A_493 = tpu.vector_load %arg6[%get3A_492] {strides = array<i32>} : memref<16384xi32, #tpu.memory_space<vmem>>, vector<16xi32>,
        %gather3A_494 = tpu.vector_load_idx %arg5[%get3A_493] : memref<100000xf32, #tpu.memory_space<vmem>>[vector<16xi32>], vector<16xf32>,
        %mul3A_495 = arith.constant 16 : i32
        %mul3A_496 = arith.muli %scan3A_487, %mul3A_495 : i32
        %swap3A_497 = arith.constant 0 : i32
        %swap3A_498 = arith.index_cast %swap3A_497 : i32 to index
        %swap3A_499 = arith.index_cast %mul3A_496 : i32 to index
        %swap3A_500 = tpu.vector_load %arg7[%swap3A_498, %swap3A_499] {strides = array<i32>} : memref<2x2048xf32, #tpu.memory_space<vmem>>, vector<16xf32>,
        tpu.vector_store %arg7[%swap3A_498, %swap3A_499], %gather3A_494 {strides = array<i32>} : memref<2x2048xf32, #tpu.memory_space<vmem>>, vector<16xf32>,
        %scan3A_501 = arith.constant 10 : i32
        %scan3A_502 = arith.addi %scan3A_355, %scan3A_501 : i32
        %mul3A_503 = arith.constant 16 : i32
        %mul3A_504 = arith.muli %scan3A_502, %mul3A_503 : i32
        %add3A_505 = arith.constant 4096 : i32
        %add3A_506 = arith.addi %add3A_505, %mul3A_504 : i32
        %get3A_507 = arith.index_cast %add3A_506 : i32 to index
        %get3A_508 = tpu.vector_load %arg6[%get3A_507] {strides = array<i32>} : memref<16384xi32, #tpu.memory_space<vmem>>, vector<16xi32>,
        %gather3A_509 = tpu.vector_load_idx %arg5[%get3A_508] : memref<100000xf32, #tpu.memory_space<vmem>>[vector<16xi32>], vector<16xf32>,
        %mul3A_510 = arith.constant 16 : i32
        %mul3A_511 = arith.muli %scan3A_502, %mul3A_510 : i32
        %swap3A_512 = arith.constant 0 : i32
        %swap3A_513 = arith.index_cast %swap3A_512 : i32 to index
        %swap3A_514 = arith.index_cast %mul3A_511 : i32 to index
        %swap3A_515 = tpu.vector_load %arg7[%swap3A_513, %swap3A_514] {strides = array<i32>} : memref<2x2048xf32, #tpu.memory_space<vmem>>, vector<16xf32>,
        tpu.vector_store %arg7[%swap3A_513, %swap3A_514], %gather3A_509 {strides = array<i32>} : memref<2x2048xf32, #tpu.memory_space<vmem>>, vector<16xf32>,
        %scan3A_516 = arith.constant 11 : i32
        %scan3A_517 = arith.addi %scan3A_355, %scan3A_516 : i32
        %mul3A_518 = arith.constant 16 : i32
        %mul3A_519 = arith.muli %scan3A_517, %mul3A_518 : i32
        %add3A_520 = arith.constant 4096 : i32
        %add3A_521 = arith.addi %add3A_520, %mul3A_519 : i32
        %get3A_522 = arith.index_cast %add3A_521 : i32 to index
        %get3A_523 = tpu.vector_load %arg6[%get3A_522] {strides = array<i32>} : memref<16384xi32, #tpu.memory_space<vmem>>, vector<16xi32>,
        %gather3A_524 = tpu.vector_load_idx %arg5[%get3A_523] : memref<100000xf32, #tpu.memory_space<vmem>>[vector<16xi32>], vector<16xf32>,
        %mul3A_525 = arith.constant 16 : i32
        %mul3A_526 = arith.muli %scan3A_517, %mul3A_525 : i32
        %swap3A_527 = arith.constant 0 : i32
        %swap3A_528 = arith.index_cast %swap3A_527 : i32 to index
        %swap3A_529 = arith.index_cast %mul3A_526 : i32 to index
        %swap3A_530 = tpu.vector_load %arg7[%swap3A_528, %swap3A_529] {strides = array<i32>} : memref<2x2048xf32, #tpu.memory_space<vmem>>, vector<16xf32>,
        tpu.vector_store %arg7[%swap3A_528, %swap3A_529], %gather3A_524 {strides = array<i32>} : memref<2x2048xf32, #tpu.memory_space<vmem>>, vector<16xf32>,
        %scan3A_531 = arith.constant 12 : i32
        %scan3A_532 = arith.addi %scan3A_355, %scan3A_531 : i32
        %mul3A_533 = arith.constant 16 : i32
        %mul3A_534 = arith.muli %scan3A_532, %mul3A_533 : i32
        %add3A_535 = arith.constant 4096 : i32
        %add3A_536 = arith.addi %add3A_535, %mul3A_534 : i32
        %get3A_537 = arith.index_cast %add3A_536 : i32 to index
        %get3A_538 = tpu.vector_load %arg6[%get3A_537] {strides = array<i32>} : memref<16384xi32, #tpu.memory_space<vmem>>, vector<16xi32>,
        %gather3A_539 = tpu.vector_load_idx %arg5[%get3A_538] : memref<100000xf32, #tpu.memory_space<vmem>>[vector<16xi32>], vector<16xf32>,
        %mul3A_540 = arith.constant 16 : i32
        %mul3A_541 = arith.muli %scan3A_532, %mul3A_540 : i32
        %swap3A_542 = arith.constant 0 : i32
        %swap3A_543 = arith.index_cast %swap3A_542 : i32 to index
        %swap3A_544 = arith.index_cast %mul3A_541 : i32 to index
        %swap3A_545 = tpu.vector_load %arg7[%swap3A_543, %swap3A_544] {strides = array<i32>} : memref<2x2048xf32, #tpu.memory_space<vmem>>, vector<16xf32>,
        tpu.vector_store %arg7[%swap3A_543, %swap3A_544], %gather3A_539 {strides = array<i32>} : memref<2x2048xf32, #tpu.memory_space<vmem>>, vector<16xf32>,
        %scan3A_546 = arith.constant 13 : i32
        %scan3A_547 = arith.addi %scan3A_355, %scan3A_546 : i32
        %mul3A_548 = arith.constant 16 : i32
        %mul3A_549 = arith.muli %scan3A_547, %mul3A_548 : i32
        %add3A_550 = arith.constant 4096 : i32
        %add3A_551 = arith.addi %add3A_550, %mul3A_549 : i32
        %get3A_552 = arith.index_cast %add3A_551 : i32 to index
        %get3A_553 = tpu.vector_load %arg6[%get3A_552] {strides = array<i32>} : memref<16384xi32, #tpu.memory_space<vmem>>, vector<16xi32>,
        %gather3A_554 = tpu.vector_load_idx %arg5[%get3A_553] : memref<100000xf32, #tpu.memory_space<vmem>>[vector<16xi32>], vector<16xf32>,
        %mul3A_555 = arith.constant 16 : i32
        %mul3A_556 = arith.muli %scan3A_547, %mul3A_555 : i32
        %swap3A_557 = arith.constant 0 : i32
        %swap3A_558 = arith.index_cast %swap3A_557 : i32 to index
        %swap3A_559 = arith.index_cast %mul3A_556 : i32 to index
        %swap3A_560 = tpu.vector_load %arg7[%swap3A_558, %swap3A_559] {strides = array<i32>} : memref<2x2048xf32, #tpu.memory_space<vmem>>, vector<16xf32>,
        tpu.vector_store %arg7[%swap3A_558, %swap3A_559], %gather3A_554 {strides = array<i32>} : memref<2x2048xf32, #tpu.memory_space<vmem>>, vector<16xf32>,
        %scan3A_561 = arith.constant 14 : i32
        %scan3A_562 = arith.addi %scan3A_355, %scan3A_561 : i32
        %mul3A_563 = arith.constant 16 : i32
        %mul3A_564 = arith.muli %scan3A_562, %mul3A_563 : i32
        %add3A_565 = arith.constant 4096 : i32
        %add3A_566 = arith.addi %add3A_565, %mul3A_564 : i32
        %get3A_567 = arith.index_cast %add3A_566 : i32 to index
        %get3A_568 = tpu.vector_load %arg6[%get3A_567] {strides = array<i32>} : memref<16384xi32, #tpu.memory_space<vmem>>, vector<16xi32>,
        %gather3A_569 = tpu.vector_load_idx %arg5[%get3A_568] : memref<100000xf32, #tpu.memory_space<vmem>>[vector<16xi32>], vector<16xf32>,
        %mul3A_570 = arith.constant 16 : i32
        %mul3A_571 = arith.muli %scan3A_562, %mul3A_570 : i32
        %swap3A_572 = arith.constant 0 : i32
        %swap3A_573 = arith.index_cast %swap3A_572 : i32 to index
        %swap3A_574 = arith.index_cast %mul3A_571 : i32 to index
        %swap3A_575 = tpu.vector_load %arg7[%swap3A_573, %swap3A_574] {strides = array<i32>} : memref<2x2048xf32, #tpu.memory_space<vmem>>, vector<16xf32>,
        tpu.vector_store %arg7[%swap3A_573, %swap3A_574], %gather3A_569 {strides = array<i32>} : memref<2x2048xf32, #tpu.memory_space<vmem>>, vector<16xf32>,
        %scan3A_576 = arith.constant 15 : i32
        %scan3A_577 = arith.addi %scan3A_355, %scan3A_576 : i32
        %mul3A_578 = arith.constant 16 : i32
        %mul3A_579 = arith.muli %scan3A_577, %mul3A_578 : i32
        %add3A_580 = arith.constant 4096 : i32
        %add3A_581 = arith.addi %add3A_580, %mul3A_579 : i32
        %get3A_582 = arith.index_cast %add3A_581 : i32 to index
        %get3A_583 = tpu.vector_load %arg6[%get3A_582] {strides = array<i32>} : memref<16384xi32, #tpu.memory_space<vmem>>, vector<16xi32>,
        %gather3A_584 = tpu.vector_load_idx %arg5[%get3A_583] : memref<100000xf32, #tpu.memory_space<vmem>>[vector<16xi32>], vector<16xf32>,
        %mul3A_585 = arith.constant 16 : i32
        %mul3A_586 = arith.muli %scan3A_577, %mul3A_585 : i32
        %swap3A_587 = arith.constant 0 : i32
        %swap3A_588 = arith.index_cast %swap3A_587 : i32 to index
        %swap3A_589 = arith.index_cast %mul3A_586 : i32 to index
        %swap3A_590 = tpu.vector_load %arg7[%swap3A_588, %swap3A_589] {strides = array<i32>} : memref<2x2048xf32, #tpu.memory_space<vmem>>, vector<16xf32>,
        tpu.vector_store %arg7[%swap3A_588, %swap3A_589], %gather3A_584 {strides = array<i32>} : memref<2x2048xf32, #tpu.memory_space<vmem>>, vector<16xf32>,
        %scan3A_591 = arith.constant 16 : i32
        %scan3A_592 = arith.addi %scan3A_355, %scan3A_591 : i32
        %mul3A_593 = arith.constant 16 : i32
        %mul3A_594 = arith.muli %scan3A_592, %mul3A_593 : i32
        %add3A_595 = arith.constant 4096 : i32
        %add3A_596 = arith.addi %add3A_595, %mul3A_594 : i32
        %get3A_597 = arith.index_cast %add3A_596 : i32 to index
        %get3A_598 = tpu.vector_load %arg6[%get3A_597] {strides = array<i32>} : memref<16384xi32, #tpu.memory_space<vmem>>, vector<16xi32>,
        %gather3A_599 = tpu.vector_load_idx %arg5[%get3A_598] : memref<100000xf32, #tpu.memory_space<vmem>>[vector<16xi32>], vector<16xf32>,
        %mul3A_600 = arith.constant 16 : i32
        %mul3A_601 = arith.muli %scan3A_592, %mul3A_600 : i32
        %swap3A_602 = arith.constant 0 : i32
        %swap3A_603 = arith.index_cast %swap3A_602 : i32 to index
        %swap3A_604 = arith.index_cast %mul3A_601 : i32 to index
        %swap3A_605 = tpu.vector_load %arg7[%swap3A_603, %swap3A_604] {strides = array<i32>} : memref<2x2048xf32, #tpu.memory_space<vmem>>, vector<16xf32>,
        tpu.vector_store %arg7[%swap3A_603, %swap3A_604], %gather3A_599 {strides = array<i32>} : memref<2x2048xf32, #tpu.memory_space<vmem>>, vector<16xf32>,
        %scan3A_606 = arith.constant 17 : i32
        %scan3A_607 = arith.addi %scan3A_355, %scan3A_606 : i32
        %mul3A_608 = arith.constant 16 : i32
        %mul3A_609 = arith.muli %scan3A_607, %mul3A_608 : i32
        %add3A_610 = arith.constant 4096 : i32
        %add3A_611 = arith.addi %add3A_610, %mul3A_609 : i32
        %get3A_612 = arith.index_cast %add3A_611 : i32 to index
        %get3A_613 = tpu.vector_load %arg6[%get3A_612] {strides = array<i32>} : memref<16384xi32, #tpu.memory_space<vmem>>, vector<16xi32>,
        %gather3A_614 = tpu.vector_load_idx %arg5[%get3A_613] : memref<100000xf32, #tpu.memory_space<vmem>>[vector<16xi32>], vector<16xf32>,
        %mul3A_615 = arith.constant 16 : i32
        %mul3A_616 = arith.muli %scan3A_607, %mul3A_615 : i32
        %swap3A_617 = arith.constant 0 : i32
        %swap3A_618 = arith.index_cast %swap3A_617 : i32 to index
        %swap3A_619 = arith.index_cast %mul3A_616 : i32 to index
        %swap3A_620 = tpu.vector_load %arg7[%swap3A_618, %swap3A_619] {strides = array<i32>} : memref<2x2048xf32, #tpu.memory_space<vmem>>, vector<16xf32>,
        tpu.vector_store %arg7[%swap3A_618, %swap3A_619], %gather3A_614 {strides = array<i32>} : memref<2x2048xf32, #tpu.memory_space<vmem>>, vector<16xf32>,
        %scan3A_621 = arith.constant 18 : i32
        %scan3A_622 = arith.addi %scan3A_355, %scan3A_621 : i32
        %mul3A_623 = arith.constant 16 : i32
        %mul3A_624 = arith.muli %scan3A_622, %mul3A_623 : i32
        %add3A_625 = arith.constant 4096 : i32
        %add3A_626 = arith.addi %add3A_625, %mul3A_624 : i32
        %get3A_627 = arith.index_cast %add3A_626 : i32 to index
        %get3A_628 = tpu.vector_load %arg6[%get3A_627] {strides = array<i32>} : memref<16384xi32, #tpu.memory_space<vmem>>, vector<16xi32>,
        %gather3A_629 = tpu.vector_load_idx %arg5[%get3A_628] : memref<100000xf32, #tpu.memory_space<vmem>>[vector<16xi32>], vector<16xf32>,
        %mul3A_630 = arith.constant 16 : i32
        %mul3A_631 = arith.muli %scan3A_622, %mul3A_630 : i32
        %swap3A_632 = arith.constant 0 : i32
        %swap3A_633 = arith.index_cast %swap3A_632 : i32 to index
        %swap3A_634 = arith.index_cast %mul3A_631 : i32 to index
        %swap3A_635 = tpu.vector_load %arg7[%swap3A_633, %swap3A_634] {strides = array<i32>} : memref<2x2048xf32, #tpu.memory_space<vmem>>, vector<16xf32>,
        tpu.vector_store %arg7[%swap3A_633, %swap3A_634], %gather3A_629 {strides = array<i32>} : memref<2x2048xf32, #tpu.memory_space<vmem>>, vector<16xf32>,
        %scan3A_636 = arith.constant 19 : i32
        %scan3A_637 = arith.addi %scan3A_355, %scan3A_636 : i32
        %mul3A_638 = arith.constant 16 : i32
        %mul3A_639 = arith.muli %scan3A_637, %mul3A_638 : i32
        %add3A_640 = arith.constant 4096 : i32
        %add3A_641 = arith.addi %add3A_640, %mul3A_639 : i32
        %get3A_642 = arith.index_cast %add3A_641 : i32 to index
        %get3A_643 = tpu.vector_load %arg6[%get3A_642] {strides = array<i32>} : memref<16384xi32, #tpu.memory_space<vmem>>, vector<16xi32>,
        %gather3A_644 = tpu.vector_load_idx %arg5[%get3A_643] : memref<100000xf32, #tpu.memory_space<vmem>>[vector<16xi32>], vector<16xf32>,
        %mul3A_645 = arith.constant 16 : i32
        %mul3A_646 = arith.muli %scan3A_637, %mul3A_645 : i32
        %swap3A_647 = arith.constant 0 : i32
        %swap3A_648 = arith.index_cast %swap3A_647 : i32 to index
        %swap3A_649 = arith.index_cast %mul3A_646 : i32 to index
        %swap3A_650 = tpu.vector_load %arg7[%swap3A_648, %swap3A_649] {strides = array<i32>} : memref<2x2048xf32, #tpu.memory_space<vmem>>, vector<16xf32>,
        tpu.vector_store %arg7[%swap3A_648, %swap3A_649], %gather3A_644 {strides = array<i32>} : memref<2x2048xf32, #tpu.memory_space<vmem>>, vector<16xf32>,
        %scan3A_651 = arith.constant 20 : i32
        %scan3A_652 = arith.addi %scan3A_355, %scan3A_651 : i32
        %mul3A_653 = arith.constant 16 : i32
        %mul3A_654 = arith.muli %scan3A_652, %mul3A_653 : i32
        %add3A_655 = arith.constant 4096 : i32
        %add3A_656 = arith.addi %add3A_655, %mul3A_654 : i32
        %get3A_657 = arith.index_cast %add3A_656 : i32 to index
        %get3A_658 = tpu.vector_load %arg6[%get3A_657] {strides = array<i32>} : memref<16384xi32, #tpu.memory_space<vmem>>, vector<16xi32>,
        %gather3A_659 = tpu.vector_load_idx %arg5[%get3A_658] : memref<100000xf32, #tpu.memory_space<vmem>>[vector<16xi32>], vector<16xf32>,
        %mul3A_660 = arith.constant 16 : i32
        %mul3A_661 = arith.muli %scan3A_652, %mul3A_660 : i32
        %swap3A_662 = arith.constant 0 : i32
        %swap3A_663 = arith.index_cast %swap3A_662 : i32 to index
        %swap3A_664 = arith.index_cast %mul3A_661 : i32 to index
        %swap3A_665 = tpu.vector_load %arg7[%swap3A_663, %swap3A_664] {strides = array<i32>} : memref<2x2048xf32, #tpu.memory_space<vmem>>, vector<16xf32>,
        tpu.vector_store %arg7[%swap3A_663, %swap3A_664], %gather3A_659 {strides = array<i32>} : memref<2x2048xf32, #tpu.memory_space<vmem>>, vector<16xf32>,
        %scan3A_666 = arith.constant 21 : i32
        %scan3A_667 = arith.addi %scan3A_355, %scan3A_666 : i32
        %mul3A_668 = arith.constant 16 : i32
        %mul3A_669 = arith.muli %scan3A_667, %mul3A_668 : i32
        %add3A_670 = arith.constant 4096 : i32
        %add3A_671 = arith.addi %add3A_670, %mul3A_669 : i32
        %get3A_672 = arith.index_cast %add3A_671 : i32 to index
        %get3A_673 = tpu.vector_load %arg6[%get3A_672] {strides = array<i32>} : memref<16384xi32, #tpu.memory_space<vmem>>, vector<16xi32>,
        %gather3A_674 = tpu.vector_load_idx %arg5[%get3A_673] : memref<100000xf32, #tpu.memory_space<vmem>>[vector<16xi32>], vector<16xf32>,
        %mul3A_675 = arith.constant 16 : i32
        %mul3A_676 = arith.muli %scan3A_667, %mul3A_675 : i32
        %swap3A_677 = arith.constant 0 : i32
        %swap3A_678 = arith.index_cast %swap3A_677 : i32 to index
        %swap3A_679 = arith.index_cast %mul3A_676 : i32 to index
        %swap3A_680 = tpu.vector_load %arg7[%swap3A_678, %swap3A_679] {strides = array<i32>} : memref<2x2048xf32, #tpu.memory_space<vmem>>, vector<16xf32>,
        tpu.vector_store %arg7[%swap3A_678, %swap3A_679], %gather3A_674 {strides = array<i32>} : memref<2x2048xf32, #tpu.memory_space<vmem>>, vector<16xf32>,
        %scan3A_681 = arith.constant 22 : i32
        %scan3A_682 = arith.addi %scan3A_355, %scan3A_681 : i32
        %mul3A_683 = arith.constant 16 : i32
        %mul3A_684 = arith.muli %scan3A_682, %mul3A_683 : i32
        %add3A_685 = arith.constant 4096 : i32
        %add3A_686 = arith.addi %add3A_685, %mul3A_684 : i32
        %get3A_687 = arith.index_cast %add3A_686 : i32 to index
        %get3A_688 = tpu.vector_load %arg6[%get3A_687] {strides = array<i32>} : memref<16384xi32, #tpu.memory_space<vmem>>, vector<16xi32>,
        %gather3A_689 = tpu.vector_load_idx %arg5[%get3A_688] : memref<100000xf32, #tpu.memory_space<vmem>>[vector<16xi32>], vector<16xf32>,
        %mul3A_690 = arith.constant 16 : i32
        %mul3A_691 = arith.muli %scan3A_682, %mul3A_690 : i32
        %swap3A_692 = arith.constant 0 : i32
        %swap3A_693 = arith.index_cast %swap3A_692 : i32 to index
        %swap3A_694 = arith.index_cast %mul3A_691 : i32 to index
        %swap3A_695 = tpu.vector_load %arg7[%swap3A_693, %swap3A_694] {strides = array<i32>} : memref<2x2048xf32, #tpu.memory_space<vmem>>, vector<16xf32>,
        tpu.vector_store %arg7[%swap3A_693, %swap3A_694], %gather3A_689 {strides = array<i32>} : memref<2x2048xf32, #tpu.memory_space<vmem>>, vector<16xf32>,
        %scan3A_696 = arith.constant 23 : i32
        %scan3A_697 = arith.addi %scan3A_355, %scan3A_696 : i32
        %mul3A_698 = arith.constant 16 : i32
        %mul3A_699 = arith.muli %scan3A_697, %mul3A_698 : i32
        %add3A_700 = arith.constant 4096 : i32
        %add3A_701 = arith.addi %add3A_700, %mul3A_699 : i32
        %get3A_702 = arith.index_cast %add3A_701 : i32 to index
        %get3A_703 = tpu.vector_load %arg6[%get3A_702] {strides = array<i32>} : memref<16384xi32, #tpu.memory_space<vmem>>, vector<16xi32>,
        %gather3A_704 = tpu.vector_load_idx %arg5[%get3A_703] : memref<100000xf32, #tpu.memory_space<vmem>>[vector<16xi32>], vector<16xf32>,
        %mul3A_705 = arith.constant 16 : i32
        %mul3A_706 = arith.muli %scan3A_697, %mul3A_705 : i32
        %swap3A_707 = arith.constant 0 : i32
        %swap3A_708 = arith.index_cast %swap3A_707 : i32 to index
        %swap3A_709 = arith.index_cast %mul3A_706 : i32 to index
        %swap3A_710 = tpu.vector_load %arg7[%swap3A_708, %swap3A_709] {strides = array<i32>} : memref<2x2048xf32, #tpu.memory_space<vmem>>, vector<16xf32>,
        tpu.vector_store %arg7[%swap3A_708, %swap3A_709], %gather3A_704 {strides = array<i32>} : memref<2x2048xf32, #tpu.memory_space<vmem>>, vector<16xf32>,
        %scan3A_711 = arith.constant 24 : i32
        %scan3A_712 = arith.addi %scan3A_355, %scan3A_711 : i32
        %mul3A_713 = arith.constant 16 : i32
        %mul3A_714 = arith.muli %scan3A_712, %mul3A_713 : i32
        %add3A_715 = arith.constant 4096 : i32
        %add3A_716 = arith.addi %add3A_715, %mul3A_714 : i32
        %get3A_717 = arith.index_cast %add3A_716 : i32 to index
        %get3A_718 = tpu.vector_load %arg6[%get3A_717] {strides = array<i32>} : memref<16384xi32, #tpu.memory_space<vmem>>, vector<16xi32>,
        %gather3A_719 = tpu.vector_load_idx %arg5[%get3A_718] : memref<100000xf32, #tpu.memory_space<vmem>>[vector<16xi32>], vector<16xf32>,
        %mul3A_720 = arith.constant 16 : i32
        %mul3A_721 = arith.muli %scan3A_712, %mul3A_720 : i32
        %swap3A_722 = arith.constant 0 : i32
        %swap3A_723 = arith.index_cast %swap3A_722 : i32 to index
        %swap3A_724 = arith.index_cast %mul3A_721 : i32 to index
        %swap3A_725 = tpu.vector_load %arg7[%swap3A_723, %swap3A_724] {strides = array<i32>} : memref<2x2048xf32, #tpu.memory_space<vmem>>, vector<16xf32>,
        tpu.vector_store %arg7[%swap3A_723, %swap3A_724], %gather3A_719 {strides = array<i32>} : memref<2x2048xf32, #tpu.memory_space<vmem>>, vector<16xf32>,
        %scan3A_726 = arith.constant 25 : i32
        %scan3A_727 = arith.addi %scan3A_355, %scan3A_726 : i32
        %mul3A_728 = arith.constant 16 : i32
        %mul3A_729 = arith.muli %scan3A_727, %mul3A_728 : i32
        %add3A_730 = arith.constant 4096 : i32
        %add3A_731 = arith.addi %add3A_730, %mul3A_729 : i32
        %get3A_732 = arith.index_cast %add3A_731 : i32 to index
        %get3A_733 = tpu.vector_load %arg6[%get3A_732] {strides = array<i32>} : memref<16384xi32, #tpu.memory_space<vmem>>, vector<16xi32>,
        %gather3A_734 = tpu.vector_load_idx %arg5[%get3A_733] : memref<100000xf32, #tpu.memory_space<vmem>>[vector<16xi32>], vector<16xf32>,
        %mul3A_735 = arith.constant 16 : i32
        %mul3A_736 = arith.muli %scan3A_727, %mul3A_735 : i32
        %swap3A_737 = arith.constant 0 : i32
        %swap3A_738 = arith.index_cast %swap3A_737 : i32 to index
        %swap3A_739 = arith.index_cast %mul3A_736 : i32 to index
        %swap3A_740 = tpu.vector_load %arg7[%swap3A_738, %swap3A_739] {strides = array<i32>} : memref<2x2048xf32, #tpu.memory_space<vmem>>, vector<16xf32>,
        tpu.vector_store %arg7[%swap3A_738, %swap3A_739], %gather3A_734 {strides = array<i32>} : memref<2x2048xf32, #tpu.memory_space<vmem>>, vector<16xf32>,
        %scan3A_741 = arith.constant 26 : i32
        %scan3A_742 = arith.addi %scan3A_355, %scan3A_741 : i32
        %mul3A_743 = arith.constant 16 : i32
        %mul3A_744 = arith.muli %scan3A_742, %mul3A_743 : i32
        %add3A_745 = arith.constant 4096 : i32
        %add3A_746 = arith.addi %add3A_745, %mul3A_744 : i32
        %get3A_747 = arith.index_cast %add3A_746 : i32 to index
        %get3A_748 = tpu.vector_load %arg6[%get3A_747] {strides = array<i32>} : memref<16384xi32, #tpu.memory_space<vmem>>, vector<16xi32>,
        %gather3A_749 = tpu.vector_load_idx %arg5[%get3A_748] : memref<100000xf32, #tpu.memory_space<vmem>>[vector<16xi32>], vector<16xf32>,
        %mul3A_750 = arith.constant 16 : i32
        %mul3A_751 = arith.muli %scan3A_742, %mul3A_750 : i32
        %swap3A_752 = arith.constant 0 : i32
        %swap3A_753 = arith.index_cast %swap3A_752 : i32 to index
        %swap3A_754 = arith.index_cast %mul3A_751 : i32 to index
        %swap3A_755 = tpu.vector_load %arg7[%swap3A_753, %swap3A_754] {strides = array<i32>} : memref<2x2048xf32, #tpu.memory_space<vmem>>, vector<16xf32>,
        tpu.vector_store %arg7[%swap3A_753, %swap3A_754], %gather3A_749 {strides = array<i32>} : memref<2x2048xf32, #tpu.memory_space<vmem>>, vector<16xf32>,
        %scan3A_756 = arith.constant 27 : i32
        %scan3A_757 = arith.addi %scan3A_355, %scan3A_756 : i32
        %mul3A_758 = arith.constant 16 : i32
        %mul3A_759 = arith.muli %scan3A_757, %mul3A_758 : i32
        %add3A_760 = arith.constant 4096 : i32
        %add3A_761 = arith.addi %add3A_760, %mul3A_759 : i32
        %get3A_762 = arith.index_cast %add3A_761 : i32 to index
        %get3A_763 = tpu.vector_load %arg6[%get3A_762] {strides = array<i32>} : memref<16384xi32, #tpu.memory_space<vmem>>, vector<16xi32>,
        %gather3A_764 = tpu.vector_load_idx %arg5[%get3A_763] : memref<100000xf32, #tpu.memory_space<vmem>>[vector<16xi32>], vector<16xf32>,
        %mul3A_765 = arith.constant 16 : i32
        %mul3A_766 = arith.muli %scan3A_757, %mul3A_765 : i32
        %swap3A_767 = arith.constant 0 : i32
        %swap3A_768 = arith.index_cast %swap3A_767 : i32 to index
        %swap3A_769 = arith.index_cast %mul3A_766 : i32 to index
        %swap3A_770 = tpu.vector_load %arg7[%swap3A_768, %swap3A_769] {strides = array<i32>} : memref<2x2048xf32, #tpu.memory_space<vmem>>, vector<16xf32>,
        tpu.vector_store %arg7[%swap3A_768, %swap3A_769], %gather3A_764 {strides = array<i32>} : memref<2x2048xf32, #tpu.memory_space<vmem>>, vector<16xf32>,
        %scan3A_771 = arith.constant 28 : i32
        %scan3A_772 = arith.addi %scan3A_355, %scan3A_771 : i32
        %mul3A_773 = arith.constant 16 : i32
        %mul3A_774 = arith.muli %scan3A_772, %mul3A_773 : i32
        %add3A_775 = arith.constant 4096 : i32
        %add3A_776 = arith.addi %add3A_775, %mul3A_774 : i32
        %get3A_777 = arith.index_cast %add3A_776 : i32 to index
        %get3A_778 = tpu.vector_load %arg6[%get3A_777] {strides = array<i32>} : memref<16384xi32, #tpu.memory_space<vmem>>, vector<16xi32>,
        %gather3A_779 = tpu.vector_load_idx %arg5[%get3A_778] : memref<100000xf32, #tpu.memory_space<vmem>>[vector<16xi32>], vector<16xf32>,
        %mul3A_780 = arith.constant 16 : i32
        %mul3A_781 = arith.muli %scan3A_772, %mul3A_780 : i32
        %swap3A_782 = arith.constant 0 : i32
        %swap3A_783 = arith.index_cast %swap3A_782 : i32 to index
        %swap3A_784 = arith.index_cast %mul3A_781 : i32 to index
        %swap3A_785 = tpu.vector_load %arg7[%swap3A_783, %swap3A_784] {strides = array<i32>} : memref<2x2048xf32, #tpu.memory_space<vmem>>, vector<16xf32>,
        tpu.vector_store %arg7[%swap3A_783, %swap3A_784], %gather3A_779 {strides = array<i32>} : memref<2x2048xf32, #tpu.memory_space<vmem>>, vector<16xf32>,
        %scan3A_786 = arith.constant 29 : i32
        %scan3A_787 = arith.addi %scan3A_355, %scan3A_786 : i32
        %mul3A_788 = arith.constant 16 : i32
        %mul3A_789 = arith.muli %scan3A_787, %mul3A_788 : i32
        %add3A_790 = arith.constant 4096 : i32
        %add3A_791 = arith.addi %add3A_790, %mul3A_789 : i32
        %get3A_792 = arith.index_cast %add3A_791 : i32 to index
        %get3A_793 = tpu.vector_load %arg6[%get3A_792] {strides = array<i32>} : memref<16384xi32, #tpu.memory_space<vmem>>, vector<16xi32>,
        %gather3A_794 = tpu.vector_load_idx %arg5[%get3A_793] : memref<100000xf32, #tpu.memory_space<vmem>>[vector<16xi32>], vector<16xf32>,
        %mul3A_795 = arith.constant 16 : i32
        %mul3A_796 = arith.muli %scan3A_787, %mul3A_795 : i32
        %swap3A_797 = arith.constant 0 : i32
        %swap3A_798 = arith.index_cast %swap3A_797 : i32 to index
        %swap3A_799 = arith.index_cast %mul3A_796 : i32 to index
        %swap3A_800 = tpu.vector_load %arg7[%swap3A_798, %swap3A_799] {strides = array<i32>} : memref<2x2048xf32, #tpu.memory_space<vmem>>, vector<16xf32>,
        tpu.vector_store %arg7[%swap3A_798, %swap3A_799], %gather3A_794 {strides = array<i32>} : memref<2x2048xf32, #tpu.memory_space<vmem>>, vector<16xf32>,
        %scan3A_801 = arith.constant 30 : i32
        %scan3A_802 = arith.addi %scan3A_355, %scan3A_801 : i32
        %mul3A_803 = arith.constant 16 : i32
        %mul3A_804 = arith.muli %scan3A_802, %mul3A_803 : i32
        %add3A_805 = arith.constant 4096 : i32
        %add3A_806 = arith.addi %add3A_805, %mul3A_804 : i32
        %get3A_807 = arith.index_cast %add3A_806 : i32 to index
        %get3A_808 = tpu.vector_load %arg6[%get3A_807] {strides = array<i32>} : memref<16384xi32, #tpu.memory_space<vmem>>, vector<16xi32>,
        %gather3A_809 = tpu.vector_load_idx %arg5[%get3A_808] : memref<100000xf32, #tpu.memory_space<vmem>>[vector<16xi32>], vector<16xf32>,
        %mul3A_810 = arith.constant 16 : i32
        %mul3A_811 = arith.muli %scan3A_802, %mul3A_810 : i32
        %swap3A_812 = arith.constant 0 : i32
        %swap3A_813 = arith.index_cast %swap3A_812 : i32 to index
        %swap3A_814 = arith.index_cast %mul3A_811 : i32 to index
        %swap3A_815 = tpu.vector_load %arg7[%swap3A_813, %swap3A_814] {strides = array<i32>} : memref<2x2048xf32, #tpu.memory_space<vmem>>, vector<16xf32>,
        tpu.vector_store %arg7[%swap3A_813, %swap3A_814], %gather3A_809 {strides = array<i32>} : memref<2x2048xf32, #tpu.memory_space<vmem>>, vector<16xf32>,
        %scan3A_816 = arith.constant 31 : i32
        %scan3A_817 = arith.addi %scan3A_355, %scan3A_816 : i32
        %mul3A_818 = arith.constant 16 : i32
        %mul3A_819 = arith.muli %scan3A_817, %mul3A_818 : i32
        %add3A_820 = arith.constant 4096 : i32
        %add3A_821 = arith.addi %add3A_820, %mul3A_819 : i32
        %get3A_822 = arith.index_cast %add3A_821 : i32 to index
        %get3A_823 = tpu.vector_load %arg6[%get3A_822] {strides = array<i32>} : memref<16384xi32, #tpu.memory_space<vmem>>, vector<16xi32>,
        %gather3A_824 = tpu.vector_load_idx %arg5[%get3A_823] : memref<100000xf32, #tpu.memory_space<vmem>>[vector<16xi32>], vector<16xf32>,
        %mul3A_825 = arith.constant 16 : i32
        %mul3A_826 = arith.muli %scan3A_817, %mul3A_825 : i32
        %swap3A_827 = arith.constant 0 : i32
        %swap3A_828 = arith.index_cast %swap3A_827 : i32 to index
        %swap3A_829 = arith.index_cast %mul3A_826 : i32 to index
        %swap3A_830 = tpu.vector_load %arg7[%swap3A_828, %swap3A_829] {strides = array<i32>} : memref<2x2048xf32, #tpu.memory_space<vmem>>, vector<16xf32>,
        tpu.vector_store %arg7[%swap3A_828, %swap3A_829], %gather3A_824 {strides = array<i32>} : memref<2x2048xf32, #tpu.memory_space<vmem>>, vector<16xf32>,
      }
      %scan3A_149 = arith.constant 128 : i32
      %dma_start3A_150 = arith.constant 0 : i32
      %dma_start3A_151 = arith.constant 0 : i32
      %dma_start3A_152 = tpu.memref_slice %arg7[%dma_start3A_150, %dma_start3A_151] : memref<2x2048xf32, #tpu.memory_space<vmem>> -> memref<1x2048xf32, #tpu.memory_space<vmem>>
      %dma_start3A_153 = tpu.memref_squeeze %dma_start3A_152 : memref<1x2048xf32, #tpu.memory_space<vmem>> -> memref<2048xf32, #tpu.memory_space<vmem>>
      %dma_start3A_154 = arith.constant 4096 : i32
      %dma_start3A_155 = tpu.memref_slice %arg4[%add3A_32, %dma_start3A_154] : memref<832x16384xf32, #tpu.memory_space<hbm>> -> memref<1x2048xf32, #tpu.memory_space<hbm>>
      %dma_start3A_156 = tpu.memref_squeeze %dma_start3A_155 : memref<1x2048xf32, #tpu.memory_space<hbm>> -> memref<2048xf32, #tpu.memory_space<hbm>>
      %dma_start3A_157 = arith.constant 4096 : i32
      %dma_start3A_158 = tpu.memref_slice %arg4[%add3A_32, %dma_start3A_157] : memref<832x16384xf32, #tpu.memory_space<hbm>> -> memref<1x2048xf32, #tpu.memory_space<hbm>>
      %dma_start3A_159 = tpu.memref_squeeze %dma_start3A_158 : memref<1x2048xf32, #tpu.memory_space<hbm>> -> memref<2048xf32, #tpu.memory_space<hbm>>
      %dma_start3A_160 = arith.constant 0 : i32
      %dma_start3A_161 = tpu.memref_slice %arg7[%dma_start3A_150, %dma_start3A_160] : memref<2x2048xf32, #tpu.memory_space<vmem>> -> memref<1x2048xf32, #tpu.memory_space<vmem>>
      %dma_start3A_162 = tpu.memref_squeeze %dma_start3A_161 : memref<1x2048xf32, #tpu.memory_space<vmem>> -> memref<2048xf32, #tpu.memory_space<vmem>>
      tpu.enqueue_dma source(%dma_start3A_162 : memref<2048xf32, #tpu.memory_space<vmem>>) target(%dma_start3A_159 : memref<2048xf32, #tpu.memory_space<hbm>>) target_semaphore(%arg10 : memref<!tpu.dma_semaphore, #tpu.memory_space<semaphore_mem>>)
      %dma_wait3A_163 = arith.constant 1 : i32
      %dma_wait3A_164 = arith.constant 0 : i32
      %dma_wait3A_165 = tpu.memref_slice %arg7[%dma_wait3A_163, %dma_wait3A_164] : memref<2x2048xf32, #tpu.memory_space<vmem>> -> memref<1x2048xf32, #tpu.memory_space<vmem>>
      %dma_wait3A_166 = tpu.memref_squeeze %dma_wait3A_165 : memref<1x2048xf32, #tpu.memory_space<vmem>> -> memref<2048xf32, #tpu.memory_space<vmem>>
      %dma_wait3A_167 = arith.constant 2048 : i32
      %dma_wait3A_168 = tpu.memref_slice %arg4[%add3A_32, %dma_wait3A_167] : memref<832x16384xf32, #tpu.memory_space<hbm>> -> memref<1x2048xf32, #tpu.memory_space<hbm>>
      %dma_wait3A_169 = tpu.memref_squeeze %dma_wait3A_168 : memref<1x2048xf32, #tpu.memory_space<hbm>> -> memref<2048xf32, #tpu.memory_space<hbm>>
      %dma_wait3A_170 = arith.constant 2048 : i32
      %dma_wait3A_171 = tpu.memref_slice %arg4[%add3A_32, %dma_wait3A_170] : memref<832x16384xf32, #tpu.memory_space<hbm>> -> memref<1x2048xf32, #tpu.memory_space<hbm>>
      %dma_wait3A_172 = tpu.memref_squeeze %dma_wait3A_171 : memref<1x2048xf32, #tpu.memory_space<hbm>> -> memref<2048xf32, #tpu.memory_space<hbm>>
      %dma_wait3A_173 = arith.constant 0 : i32
      %dma_wait3A_174 = tpu.memref_slice %arg7[%dma_wait3A_163, %dma_wait3A_173] : memref<2x2048xf32, #tpu.memory_space<vmem>> -> memref<1x2048xf32, #tpu.memory_space<vmem>>
      %dma_wait3A_175 = tpu.memref_squeeze %dma_wait3A_174 : memref<1x2048xf32, #tpu.memory_space<vmem>> -> memref<2048xf32, #tpu.memory_space<vmem>>
      tpu.wait_dma2 semaphore(%arg10 : memref<!tpu.dma_semaphore, #tpu.memory_space<semaphore_mem>>) src(%dma_wait3A_175 : memref<2048xf32, #tpu.memory_space<vmem>>) dst(%dma_wait3A_172 : memref<2048xf32, #tpu.memory_space<hbm>>)
      %scan3A_176 = arith.constant 0 : i32
      %scan3A_177 = arith.constant 0 : i32
      %scan3A_178 = arith.constant 128 : i32
      %scan3A_179 = arith.addi %scan3A_177, %scan3A_178 : i32
      %scan3A_180 = arith.constant 32 : i32
      scf.for %scan3A_355 = %scan3A_177 to %scan3A_179 step %scan3A_180  : i32 {
        %mul3A_356 = arith.constant 16 : i32
        %mul3A_357 = arith.muli %scan3A_355, %mul3A_356 : i32
        %add3A_358 = arith.constant 6144 : i32
        %add3A_359 = arith.addi %add3A_358, %mul3A_357 : i32
        %get3A = arith.index_cast %add3A_359 : i32 to index
        %get3A_360 = tpu.vector_load %arg6[%get3A] {strides = array<i32>} : memref<16384xi32, #tpu.memory_space<vmem>>, vector<16xi32>,
        %gather3A = tpu.vector_load_idx %arg5[%get3A_360] : memref<100000xf32, #tpu.memory_space<vmem>>[vector<16xi32>], vector<16xf32>,
        %mul3A_361 = arith.constant 16 : i32
        %mul3A_362 = arith.muli %scan3A_355, %mul3A_361 : i32
        %swap3A = arith.constant 1 : i32
        %swap3A_363 = arith.index_cast %swap3A : i32 to index
        %swap3A_364 = arith.index_cast %mul3A_362 : i32 to index
        %swap3A_365 = tpu.vector_load %arg7[%swap3A_363, %swap3A_364] {strides = array<i32>} : memref<2x2048xf32, #tpu.memory_space<vmem>>, vector<16xf32>,
        tpu.vector_store %arg7[%swap3A_363, %swap3A_364], %gather3A {strides = array<i32>} : memref<2x2048xf32, #tpu.memory_space<vmem>>, vector<16xf32>,
        %scan3A_366 = arith.constant 1 : i32
        %scan3A_367 = arith.addi %scan3A_355, %scan3A_366 : i32
        %mul3A_368 = arith.constant 16 : i32
        %mul3A_369 = arith.muli %scan3A_367, %mul3A_368 : i32
        %add3A_370 = arith.constant 6144 : i32
        %add3A_371 = arith.addi %add3A_370, %mul3A_369 : i32
        %get3A_372 = arith.index_cast %add3A_371 : i32 to index
        %get3A_373 = tpu.vector_load %arg6[%get3A_372] {strides = array<i32>} : memref<16384xi32, #tpu.memory_space<vmem>>, vector<16xi32>,
        %gather3A_374 = tpu.vector_load_idx %arg5[%get3A_373] : memref<100000xf32, #tpu.memory_space<vmem>>[vector<16xi32>], vector<16xf32>,
        %mul3A_375 = arith.constant 16 : i32
        %mul3A_376 = arith.muli %scan3A_367, %mul3A_375 : i32
        %swap3A_377 = arith.constant 1 : i32
        %swap3A_378 = arith.index_cast %swap3A_377 : i32 to index
        %swap3A_379 = arith.index_cast %mul3A_376 : i32 to index
        %swap3A_380 = tpu.vector_load %arg7[%swap3A_378, %swap3A_379] {strides = array<i32>} : memref<2x2048xf32, #tpu.memory_space<vmem>>, vector<16xf32>,
        tpu.vector_store %arg7[%swap3A_378, %swap3A_379], %gather3A_374 {strides = array<i32>} : memref<2x2048xf32, #tpu.memory_space<vmem>>, vector<16xf32>,
        %scan3A_381 = arith.constant 2 : i32
        %scan3A_382 = arith.addi %scan3A_355, %scan3A_381 : i32
        %mul3A_383 = arith.constant 16 : i32
        %mul3A_384 = arith.muli %scan3A_382, %mul3A_383 : i32
        %add3A_385 = arith.constant 6144 : i32
        %add3A_386 = arith.addi %add3A_385, %mul3A_384 : i32
        %get3A_387 = arith.index_cast %add3A_386 : i32 to index
        %get3A_388 = tpu.vector_load %arg6[%get3A_387] {strides = array<i32>} : memref<16384xi32, #tpu.memory_space<vmem>>, vector<16xi32>,
        %gather3A_389 = tpu.vector_load_idx %arg5[%get3A_388] : memref<100000xf32, #tpu.memory_space<vmem>>[vector<16xi32>], vector<16xf32>,
        %mul3A_390 = arith.constant 16 : i32
        %mul3A_391 = arith.muli %scan3A_382, %mul3A_390 : i32
        %swap3A_392 = arith.constant 1 : i32
        %swap3A_393 = arith.index_cast %swap3A_392 : i32 to index
        %swap3A_394 = arith.index_cast %mul3A_391 : i32 to index
        %swap3A_395 = tpu.vector_load %arg7[%swap3A_393, %swap3A_394] {strides = array<i32>} : memref<2x2048xf32, #tpu.memory_space<vmem>>, vector<16xf32>,
        tpu.vector_store %arg7[%swap3A_393, %swap3A_394], %gather3A_389 {strides = array<i32>} : memref<2x2048xf32, #tpu.memory_space<vmem>>, vector<16xf32>,
        %scan3A_396 = arith.constant 3 : i32
        %scan3A_397 = arith.addi %scan3A_355, %scan3A_396 : i32
        %mul3A_398 = arith.constant 16 : i32
        %mul3A_399 = arith.muli %scan3A_397, %mul3A_398 : i32
        %add3A_400 = arith.constant 6144 : i32
        %add3A_401 = arith.addi %add3A_400, %mul3A_399 : i32
        %get3A_402 = arith.index_cast %add3A_401 : i32 to index
        %get3A_403 = tpu.vector_load %arg6[%get3A_402] {strides = array<i32>} : memref<16384xi32, #tpu.memory_space<vmem>>, vector<16xi32>,
        %gather3A_404 = tpu.vector_load_idx %arg5[%get3A_403] : memref<100000xf32, #tpu.memory_space<vmem>>[vector<16xi32>], vector<16xf32>,
        %mul3A_405 = arith.constant 16 : i32
        %mul3A_406 = arith.muli %scan3A_397, %mul3A_405 : i32
        %swap3A_407 = arith.constant 1 : i32
        %swap3A_408 = arith.index_cast %swap3A_407 : i32 to index
        %swap3A_409 = arith.index_cast %mul3A_406 : i32 to index
        %swap3A_410 = tpu.vector_load %arg7[%swap3A_408, %swap3A_409] {strides = array<i32>} : memref<2x2048xf32, #tpu.memory_space<vmem>>, vector<16xf32>,
        tpu.vector_store %arg7[%swap3A_408, %swap3A_409], %gather3A_404 {strides = array<i32>} : memref<2x2048xf32, #tpu.memory_space<vmem>>, vector<16xf32>,
        %scan3A_411 = arith.constant 4 : i32
        %scan3A_412 = arith.addi %scan3A_355, %scan3A_411 : i32
        %mul3A_413 = arith.constant 16 : i32
        %mul3A_414 = arith.muli %scan3A_412, %mul3A_413 : i32
        %add3A_415 = arith.constant 6144 : i32
        %add3A_416 = arith.addi %add3A_415, %mul3A_414 : i32
        %get3A_417 = arith.index_cast %add3A_416 : i32 to index
        %get3A_418 = tpu.vector_load %arg6[%get3A_417] {strides = array<i32>} : memref<16384xi32, #tpu.memory_space<vmem>>, vector<16xi32>,
        %gather3A_419 = tpu.vector_load_idx %arg5[%get3A_418] : memref<100000xf32, #tpu.memory_space<vmem>>[vector<16xi32>], vector<16xf32>,
        %mul3A_420 = arith.constant 16 : i32
        %mul3A_421 = arith.muli %scan3A_412, %mul3A_420 : i32
        %swap3A_422 = arith.constant 1 : i32
        %swap3A_423 = arith.index_cast %swap3A_422 : i32 to index
        %swap3A_424 = arith.index_cast %mul3A_421 : i32 to index
        %swap3A_425 = tpu.vector_load %arg7[%swap3A_423, %swap3A_424] {strides = array<i32>} : memref<2x2048xf32, #tpu.memory_space<vmem>>, vector<16xf32>,
        tpu.vector_store %arg7[%swap3A_423, %swap3A_424], %gather3A_419 {strides = array<i32>} : memref<2x2048xf32, #tpu.memory_space<vmem>>, vector<16xf32>,
        %scan3A_426 = arith.constant 5 : i32
        %scan3A_427 = arith.addi %scan3A_355, %scan3A_426 : i32
        %mul3A_428 = arith.constant 16 : i32
        %mul3A_429 = arith.muli %scan3A_427, %mul3A_428 : i32
        %add3A_430 = arith.constant 6144 : i32
        %add3A_431 = arith.addi %add3A_430, %mul3A_429 : i32
        %get3A_432 = arith.index_cast %add3A_431 : i32 to index
        %get3A_433 = tpu.vector_load %arg6[%get3A_432] {strides = array<i32>} : memref<16384xi32, #tpu.memory_space<vmem>>, vector<16xi32>,
        %gather3A_434 = tpu.vector_load_idx %arg5[%get3A_433] : memref<100000xf32, #tpu.memory_space<vmem>>[vector<16xi32>], vector<16xf32>,
        %mul3A_435 = arith.constant 16 : i32
        %mul3A_436 = arith.muli %scan3A_427, %mul3A_435 : i32
        %swap3A_437 = arith.constant 1 : i32
        %swap3A_438 = arith.index_cast %swap3A_437 : i32 to index
        %swap3A_439 = arith.index_cast %mul3A_436 : i32 to index
        %swap3A_440 = tpu.vector_load %arg7[%swap3A_438, %swap3A_439] {strides = array<i32>} : memref<2x2048xf32, #tpu.memory_space<vmem>>, vector<16xf32>,
        tpu.vector_store %arg7[%swap3A_438, %swap3A_439], %gather3A_434 {strides = array<i32>} : memref<2x2048xf32, #tpu.memory_space<vmem>>, vector<16xf32>,
        %scan3A_441 = arith.constant 6 : i32
        %scan3A_442 = arith.addi %scan3A_355, %scan3A_441 : i32
        %mul3A_443 = arith.constant 16 : i32
        %mul3A_444 = arith.muli %scan3A_442, %mul3A_443 : i32
        %add3A_445 = arith.constant 6144 : i32
        %add3A_446 = arith.addi %add3A_445, %mul3A_444 : i32
        %get3A_447 = arith.index_cast %add3A_446 : i32 to index
        %get3A_448 = tpu.vector_load %arg6[%get3A_447] {strides = array<i32>} : memref<16384xi32, #tpu.memory_space<vmem>>, vector<16xi32>,
        %gather3A_449 = tpu.vector_load_idx %arg5[%get3A_448] : memref<100000xf32, #tpu.memory_space<vmem>>[vector<16xi32>], vector<16xf32>,
        %mul3A_450 = arith.constant 16 : i32
        %mul3A_451 = arith.muli %scan3A_442, %mul3A_450 : i32
        %swap3A_452 = arith.constant 1 : i32
        %swap3A_453 = arith.index_cast %swap3A_452 : i32 to index
        %swap3A_454 = arith.index_cast %mul3A_451 : i32 to index
        %swap3A_455 = tpu.vector_load %arg7[%swap3A_453, %swap3A_454] {strides = array<i32>} : memref<2x2048xf32, #tpu.memory_space<vmem>>, vector<16xf32>,
        tpu.vector_store %arg7[%swap3A_453, %swap3A_454], %gather3A_449 {strides = array<i32>} : memref<2x2048xf32, #tpu.memory_space<vmem>>, vector<16xf32>,
        %scan3A_456 = arith.constant 7 : i32
        %scan3A_457 = arith.addi %scan3A_355, %scan3A_456 : i32
        %mul3A_458 = arith.constant 16 : i32
        %mul3A_459 = arith.muli %scan3A_457, %mul3A_458 : i32
        %add3A_460 = arith.constant 6144 : i32
        %add3A_461 = arith.addi %add3A_460, %mul3A_459 : i32
        %get3A_462 = arith.index_cast %add3A_461 : i32 to index
        %get3A_463 = tpu.vector_load %arg6[%get3A_462] {strides = array<i32>} : memref<16384xi32, #tpu.memory_space<vmem>>, vector<16xi32>,
        %gather3A_464 = tpu.vector_load_idx %arg5[%get3A_463] : memref<100000xf32, #tpu.memory_space<vmem>>[vector<16xi32>], vector<16xf32>,
        %mul3A_465 = arith.constant 16 : i32
        %mul3A_466 = arith.muli %scan3A_457, %mul3A_465 : i32
        %swap3A_467 = arith.constant 1 : i32
        %swap3A_468 = arith.index_cast %swap3A_467 : i32 to index
        %swap3A_469 = arith.index_cast %mul3A_466 : i32 to index
        %swap3A_470 = tpu.vector_load %arg7[%swap3A_468, %swap3A_469] {strides = array<i32>} : memref<2x2048xf32, #tpu.memory_space<vmem>>, vector<16xf32>,
        tpu.vector_store %arg7[%swap3A_468, %swap3A_469], %gather3A_464 {strides = array<i32>} : memref<2x2048xf32, #tpu.memory_space<vmem>>, vector<16xf32>,
        %scan3A_471 = arith.constant 8 : i32
        %scan3A_472 = arith.addi %scan3A_355, %scan3A_471 : i32
        %mul3A_473 = arith.constant 16 : i32
        %mul3A_474 = arith.muli %scan3A_472, %mul3A_473 : i32
        %add3A_475 = arith.constant 6144 : i32
        %add3A_476 = arith.addi %add3A_475, %mul3A_474 : i32
        %get3A_477 = arith.index_cast %add3A_476 : i32 to index
        %get3A_478 = tpu.vector_load %arg6[%get3A_477] {strides = array<i32>} : memref<16384xi32, #tpu.memory_space<vmem>>, vector<16xi32>,
        %gather3A_479 = tpu.vector_load_idx %arg5[%get3A_478] : memref<100000xf32, #tpu.memory_space<vmem>>[vector<16xi32>], vector<16xf32>,
        %mul3A_480 = arith.constant 16 : i32
        %mul3A_481 = arith.muli %scan3A_472, %mul3A_480 : i32
        %swap3A_482 = arith.constant 1 : i32
        %swap3A_483 = arith.index_cast %swap3A_482 : i32 to index
        %swap3A_484 = arith.index_cast %mul3A_481 : i32 to index
        %swap3A_485 = tpu.vector_load %arg7[%swap3A_483, %swap3A_484] {strides = array<i32>} : memref<2x2048xf32, #tpu.memory_space<vmem>>, vector<16xf32>,
        tpu.vector_store %arg7[%swap3A_483, %swap3A_484], %gather3A_479 {strides = array<i32>} : memref<2x2048xf32, #tpu.memory_space<vmem>>, vector<16xf32>,
        %scan3A_486 = arith.constant 9 : i32
        %scan3A_487 = arith.addi %scan3A_355, %scan3A_486 : i32
        %mul3A_488 = arith.constant 16 : i32
        %mul3A_489 = arith.muli %scan3A_487, %mul3A_488 : i32
        %add3A_490 = arith.constant 6144 : i32
        %add3A_491 = arith.addi %add3A_490, %mul3A_489 : i32
        %get3A_492 = arith.index_cast %add3A_491 : i32 to index
        %get3A_493 = tpu.vector_load %arg6[%get3A_492] {strides = array<i32>} : memref<16384xi32, #tpu.memory_space<vmem>>, vector<16xi32>,
        %gather3A_494 = tpu.vector_load_idx %arg5[%get3A_493] : memref<100000xf32, #tpu.memory_space<vmem>>[vector<16xi32>], vector<16xf32>,
        %mul3A_495 = arith.constant 16 : i32
        %mul3A_496 = arith.muli %scan3A_487, %mul3A_495 : i32
        %swap3A_497 = arith.constant 1 : i32
        %swap3A_498 = arith.index_cast %swap3A_497 : i32 to index
        %swap3A_499 = arith.index_cast %mul3A_496 : i32 to index
        %swap3A_500 = tpu.vector_load %arg7[%swap3A_498, %swap3A_499] {strides = array<i32>} : memref<2x2048xf32, #tpu.memory_space<vmem>>, vector<16xf32>,
        tpu.vector_store %arg7[%swap3A_498, %swap3A_499], %gather3A_494 {strides = array<i32>} : memref<2x2048xf32, #tpu.memory_space<vmem>>, vector<16xf32>,
        %scan3A_501 = arith.constant 10 : i32
        %scan3A_502 = arith.addi %scan3A_355, %scan3A_501 : i32
        %mul3A_503 = arith.constant 16 : i32
        %mul3A_504 = arith.muli %scan3A_502, %mul3A_503 : i32
        %add3A_505 = arith.constant 6144 : i32
        %add3A_506 = arith.addi %add3A_505, %mul3A_504 : i32
        %get3A_507 = arith.index_cast %add3A_506 : i32 to index
        %get3A_508 = tpu.vector_load %arg6[%get3A_507] {strides = array<i32>} : memref<16384xi32, #tpu.memory_space<vmem>>, vector<16xi32>,
        %gather3A_509 = tpu.vector_load_idx %arg5[%get3A_508] : memref<100000xf32, #tpu.memory_space<vmem>>[vector<16xi32>], vector<16xf32>,
        %mul3A_510 = arith.constant 16 : i32
        %mul3A_511 = arith.muli %scan3A_502, %mul3A_510 : i32
        %swap3A_512 = arith.constant 1 : i32
        %swap3A_513 = arith.index_cast %swap3A_512 : i32 to index
        %swap3A_514 = arith.index_cast %mul3A_511 : i32 to index
        %swap3A_515 = tpu.vector_load %arg7[%swap3A_513, %swap3A_514] {strides = array<i32>} : memref<2x2048xf32, #tpu.memory_space<vmem>>, vector<16xf32>,
        tpu.vector_store %arg7[%swap3A_513, %swap3A_514], %gather3A_509 {strides = array<i32>} : memref<2x2048xf32, #tpu.memory_space<vmem>>, vector<16xf32>,
        %scan3A_516 = arith.constant 11 : i32
        %scan3A_517 = arith.addi %scan3A_355, %scan3A_516 : i32
        %mul3A_518 = arith.constant 16 : i32
        %mul3A_519 = arith.muli %scan3A_517, %mul3A_518 : i32
        %add3A_520 = arith.constant 6144 : i32
        %add3A_521 = arith.addi %add3A_520, %mul3A_519 : i32
        %get3A_522 = arith.index_cast %add3A_521 : i32 to index
        %get3A_523 = tpu.vector_load %arg6[%get3A_522] {strides = array<i32>} : memref<16384xi32, #tpu.memory_space<vmem>>, vector<16xi32>,
        %gather3A_524 = tpu.vector_load_idx %arg5[%get3A_523] : memref<100000xf32, #tpu.memory_space<vmem>>[vector<16xi32>], vector<16xf32>,
        %mul3A_525 = arith.constant 16 : i32
        %mul3A_526 = arith.muli %scan3A_517, %mul3A_525 : i32
        %swap3A_527 = arith.constant 1 : i32
        %swap3A_528 = arith.index_cast %swap3A_527 : i32 to index
        %swap3A_529 = arith.index_cast %mul3A_526 : i32 to index
        %swap3A_530 = tpu.vector_load %arg7[%swap3A_528, %swap3A_529] {strides = array<i32>} : memref<2x2048xf32, #tpu.memory_space<vmem>>, vector<16xf32>,
        tpu.vector_store %arg7[%swap3A_528, %swap3A_529], %gather3A_524 {strides = array<i32>} : memref<2x2048xf32, #tpu.memory_space<vmem>>, vector<16xf32>,
        %scan3A_531 = arith.constant 12 : i32
        %scan3A_532 = arith.addi %scan3A_355, %scan3A_531 : i32
        %mul3A_533 = arith.constant 16 : i32
        %mul3A_534 = arith.muli %scan3A_532, %mul3A_533 : i32
        %add3A_535 = arith.constant 6144 : i32
        %add3A_536 = arith.addi %add3A_535, %mul3A_534 : i32
        %get3A_537 = arith.index_cast %add3A_536 : i32 to index
        %get3A_538 = tpu.vector_load %arg6[%get3A_537] {strides = array<i32>} : memref<16384xi32, #tpu.memory_space<vmem>>, vector<16xi32>,
        %gather3A_539 = tpu.vector_load_idx %arg5[%get3A_538] : memref<100000xf32, #tpu.memory_space<vmem>>[vector<16xi32>], vector<16xf32>,
        %mul3A_540 = arith.constant 16 : i32
        %mul3A_541 = arith.muli %scan3A_532, %mul3A_540 : i32
        %swap3A_542 = arith.constant 1 : i32
        %swap3A_543 = arith.index_cast %swap3A_542 : i32 to index
        %swap3A_544 = arith.index_cast %mul3A_541 : i32 to index
        %swap3A_545 = tpu.vector_load %arg7[%swap3A_543, %swap3A_544] {strides = array<i32>} : memref<2x2048xf32, #tpu.memory_space<vmem>>, vector<16xf32>,
        tpu.vector_store %arg7[%swap3A_543, %swap3A_544], %gather3A_539 {strides = array<i32>} : memref<2x2048xf32, #tpu.memory_space<vmem>>, vector<16xf32>,
        %scan3A_546 = arith.constant 13 : i32
        %scan3A_547 = arith.addi %scan3A_355, %scan3A_546 : i32
        %mul3A_548 = arith.constant 16 : i32
        %mul3A_549 = arith.muli %scan3A_547, %mul3A_548 : i32
        %add3A_550 = arith.constant 6144 : i32
        %add3A_551 = arith.addi %add3A_550, %mul3A_549 : i32
        %get3A_552 = arith.index_cast %add3A_551 : i32 to index
        %get3A_553 = tpu.vector_load %arg6[%get3A_552] {strides = array<i32>} : memref<16384xi32, #tpu.memory_space<vmem>>, vector<16xi32>,
        %gather3A_554 = tpu.vector_load_idx %arg5[%get3A_553] : memref<100000xf32, #tpu.memory_space<vmem>>[vector<16xi32>], vector<16xf32>,
        %mul3A_555 = arith.constant 16 : i32
        %mul3A_556 = arith.muli %scan3A_547, %mul3A_555 : i32
        %swap3A_557 = arith.constant 1 : i32
        %swap3A_558 = arith.index_cast %swap3A_557 : i32 to index
        %swap3A_559 = arith.index_cast %mul3A_556 : i32 to index
        %swap3A_560 = tpu.vector_load %arg7[%swap3A_558, %swap3A_559] {strides = array<i32>} : memref<2x2048xf32, #tpu.memory_space<vmem>>, vector<16xf32>,
        tpu.vector_store %arg7[%swap3A_558, %swap3A_559], %gather3A_554 {strides = array<i32>} : memref<2x2048xf32, #tpu.memory_space<vmem>>, vector<16xf32>,
        %scan3A_561 = arith.constant 14 : i32
        %scan3A_562 = arith.addi %scan3A_355, %scan3A_561 : i32
        %mul3A_563 = arith.constant 16 : i32
        %mul3A_564 = arith.muli %scan3A_562, %mul3A_563 : i32
        %add3A_565 = arith.constant 6144 : i32
        %add3A_566 = arith.addi %add3A_565, %mul3A_564 : i32
        %get3A_567 = arith.index_cast %add3A_566 : i32 to index
        %get3A_568 = tpu.vector_load %arg6[%get3A_567] {strides = array<i32>} : memref<16384xi32, #tpu.memory_space<vmem>>, vector<16xi32>,
        %gather3A_569 = tpu.vector_load_idx %arg5[%get3A_568] : memref<100000xf32, #tpu.memory_space<vmem>>[vector<16xi32>], vector<16xf32>,
        %mul3A_570 = arith.constant 16 : i32
        %mul3A_571 = arith.muli %scan3A_562, %mul3A_570 : i32
        %swap3A_572 = arith.constant 1 : i32
        %swap3A_573 = arith.index_cast %swap3A_572 : i32 to index
        %swap3A_574 = arith.index_cast %mul3A_571 : i32 to index
        %swap3A_575 = tpu.vector_load %arg7[%swap3A_573, %swap3A_574] {strides = array<i32>} : memref<2x2048xf32, #tpu.memory_space<vmem>>, vector<16xf32>,
        tpu.vector_store %arg7[%swap3A_573, %swap3A_574], %gather3A_569 {strides = array<i32>} : memref<2x2048xf32, #tpu.memory_space<vmem>>, vector<16xf32>,
        %scan3A_576 = arith.constant 15 : i32
        %scan3A_577 = arith.addi %scan3A_355, %scan3A_576 : i32
        %mul3A_578 = arith.constant 16 : i32
        %mul3A_579 = arith.muli %scan3A_577, %mul3A_578 : i32
        %add3A_580 = arith.constant 6144 : i32
        %add3A_581 = arith.addi %add3A_580, %mul3A_579 : i32
        %get3A_582 = arith.index_cast %add3A_581 : i32 to index
        %get3A_583 = tpu.vector_load %arg6[%get3A_582] {strides = array<i32>} : memref<16384xi32, #tpu.memory_space<vmem>>, vector<16xi32>,
        %gather3A_584 = tpu.vector_load_idx %arg5[%get3A_583] : memref<100000xf32, #tpu.memory_space<vmem>>[vector<16xi32>], vector<16xf32>,
        %mul3A_585 = arith.constant 16 : i32
        %mul3A_586 = arith.muli %scan3A_577, %mul3A_585 : i32
        %swap3A_587 = arith.constant 1 : i32
        %swap3A_588 = arith.index_cast %swap3A_587 : i32 to index
        %swap3A_589 = arith.index_cast %mul3A_586 : i32 to index
        %swap3A_590 = tpu.vector_load %arg7[%swap3A_588, %swap3A_589] {strides = array<i32>} : memref<2x2048xf32, #tpu.memory_space<vmem>>, vector<16xf32>,
        tpu.vector_store %arg7[%swap3A_588, %swap3A_589], %gather3A_584 {strides = array<i32>} : memref<2x2048xf32, #tpu.memory_space<vmem>>, vector<16xf32>,
        %scan3A_591 = arith.constant 16 : i32
        %scan3A_592 = arith.addi %scan3A_355, %scan3A_591 : i32
        %mul3A_593 = arith.constant 16 : i32
        %mul3A_594 = arith.muli %scan3A_592, %mul3A_593 : i32
        %add3A_595 = arith.constant 6144 : i32
        %add3A_596 = arith.addi %add3A_595, %mul3A_594 : i32
        %get3A_597 = arith.index_cast %add3A_596 : i32 to index
        %get3A_598 = tpu.vector_load %arg6[%get3A_597] {strides = array<i32>} : memref<16384xi32, #tpu.memory_space<vmem>>, vector<16xi32>,
        %gather3A_599 = tpu.vector_load_idx %arg5[%get3A_598] : memref<100000xf32, #tpu.memory_space<vmem>>[vector<16xi32>], vector<16xf32>,
        %mul3A_600 = arith.constant 16 : i32
        %mul3A_601 = arith.muli %scan3A_592, %mul3A_600 : i32
        %swap3A_602 = arith.constant 1 : i32
        %swap3A_603 = arith.index_cast %swap3A_602 : i32 to index
        %swap3A_604 = arith.index_cast %mul3A_601 : i32 to index
        %swap3A_605 = tpu.vector_load %arg7[%swap3A_603, %swap3A_604] {strides = array<i32>} : memref<2x2048xf32, #tpu.memory_space<vmem>>, vector<16xf32>,
        tpu.vector_store %arg7[%swap3A_603, %swap3A_604], %gather3A_599 {strides = array<i32>} : memref<2x2048xf32, #tpu.memory_space<vmem>>, vector<16xf32>,
        %scan3A_606 = arith.constant 17 : i32
        %scan3A_607 = arith.addi %scan3A_355, %scan3A_606 : i32
        %mul3A_608 = arith.constant 16 : i32
        %mul3A_609 = arith.muli %scan3A_607, %mul3A_608 : i32
        %add3A_610 = arith.constant 6144 : i32
        %add3A_611 = arith.addi %add3A_610, %mul3A_609 : i32
        %get3A_612 = arith.index_cast %add3A_611 : i32 to index
        %get3A_613 = tpu.vector_load %arg6[%get3A_612] {strides = array<i32>} : memref<16384xi32, #tpu.memory_space<vmem>>, vector<16xi32>,
        %gather3A_614 = tpu.vector_load_idx %arg5[%get3A_613] : memref<100000xf32, #tpu.memory_space<vmem>>[vector<16xi32>], vector<16xf32>,
        %mul3A_615 = arith.constant 16 : i32
        %mul3A_616 = arith.muli %scan3A_607, %mul3A_615 : i32
        %swap3A_617 = arith.constant 1 : i32
        %swap3A_618 = arith.index_cast %swap3A_617 : i32 to index
        %swap3A_619 = arith.index_cast %mul3A_616 : i32 to index
        %swap3A_620 = tpu.vector_load %arg7[%swap3A_618, %swap3A_619] {strides = array<i32>} : memref<2x2048xf32, #tpu.memory_space<vmem>>, vector<16xf32>,
        tpu.vector_store %arg7[%swap3A_618, %swap3A_619], %gather3A_614 {strides = array<i32>} : memref<2x2048xf32, #tpu.memory_space<vmem>>, vector<16xf32>,
        %scan3A_621 = arith.constant 18 : i32
        %scan3A_622 = arith.addi %scan3A_355, %scan3A_621 : i32
        %mul3A_623 = arith.constant 16 : i32
        %mul3A_624 = arith.muli %scan3A_622, %mul3A_623 : i32
        %add3A_625 = arith.constant 6144 : i32
        %add3A_626 = arith.addi %add3A_625, %mul3A_624 : i32
        %get3A_627 = arith.index_cast %add3A_626 : i32 to index
        %get3A_628 = tpu.vector_load %arg6[%get3A_627] {strides = array<i32>} : memref<16384xi32, #tpu.memory_space<vmem>>, vector<16xi32>,
        %gather3A_629 = tpu.vector_load_idx %arg5[%get3A_628] : memref<100000xf32, #tpu.memory_space<vmem>>[vector<16xi32>], vector<16xf32>,
        %mul3A_630 = arith.constant 16 : i32
        %mul3A_631 = arith.muli %scan3A_622, %mul3A_630 : i32
        %swap3A_632 = arith.constant 1 : i32
        %swap3A_633 = arith.index_cast %swap3A_632 : i32 to index
        %swap3A_634 = arith.index_cast %mul3A_631 : i32 to index
        %swap3A_635 = tpu.vector_load %arg7[%swap3A_633, %swap3A_634] {strides = array<i32>} : memref<2x2048xf32, #tpu.memory_space<vmem>>, vector<16xf32>,
        tpu.vector_store %arg7[%swap3A_633, %swap3A_634], %gather3A_629 {strides = array<i32>} : memref<2x2048xf32, #tpu.memory_space<vmem>>, vector<16xf32>,
        %scan3A_636 = arith.constant 19 : i32
        %scan3A_637 = arith.addi %scan3A_355, %scan3A_636 : i32
        %mul3A_638 = arith.constant 16 : i32
        %mul3A_639 = arith.muli %scan3A_637, %mul3A_638 : i32
        %add3A_640 = arith.constant 6144 : i32
        %add3A_641 = arith.addi %add3A_640, %mul3A_639 : i32
        %get3A_642 = arith.index_cast %add3A_641 : i32 to index
        %get3A_643 = tpu.vector_load %arg6[%get3A_642] {strides = array<i32>} : memref<16384xi32, #tpu.memory_space<vmem>>, vector<16xi32>,
        %gather3A_644 = tpu.vector_load_idx %arg5[%get3A_643] : memref<100000xf32, #tpu.memory_space<vmem>>[vector<16xi32>], vector<16xf32>,
        %mul3A_645 = arith.constant 16 : i32
        %mul3A_646 = arith.muli %scan3A_637, %mul3A_645 : i32
        %swap3A_647 = arith.constant 1 : i32
        %swap3A_648 = arith.index_cast %swap3A_647 : i32 to index
        %swap3A_649 = arith.index_cast %mul3A_646 : i32 to index
        %swap3A_650 = tpu.vector_load %arg7[%swap3A_648, %swap3A_649] {strides = array<i32>} : memref<2x2048xf32, #tpu.memory_space<vmem>>, vector<16xf32>,
        tpu.vector_store %arg7[%swap3A_648, %swap3A_649], %gather3A_644 {strides = array<i32>} : memref<2x2048xf32, #tpu.memory_space<vmem>>, vector<16xf32>,
        %scan3A_651 = arith.constant 20 : i32
        %scan3A_652 = arith.addi %scan3A_355, %scan3A_651 : i32
        %mul3A_653 = arith.constant 16 : i32
        %mul3A_654 = arith.muli %scan3A_652, %mul3A_653 : i32
        %add3A_655 = arith.constant 6144 : i32
        %add3A_656 = arith.addi %add3A_655, %mul3A_654 : i32
        %get3A_657 = arith.index_cast %add3A_656 : i32 to index
        %get3A_658 = tpu.vector_load %arg6[%get3A_657] {strides = array<i32>} : memref<16384xi32, #tpu.memory_space<vmem>>, vector<16xi32>,
        %gather3A_659 = tpu.vector_load_idx %arg5[%get3A_658] : memref<100000xf32, #tpu.memory_space<vmem>>[vector<16xi32>], vector<16xf32>,
        %mul3A_660 = arith.constant 16 : i32
        %mul3A_661 = arith.muli %scan3A_652, %mul3A_660 : i32
        %swap3A_662 = arith.constant 1 : i32
        %swap3A_663 = arith.index_cast %swap3A_662 : i32 to index
        %swap3A_664 = arith.index_cast %mul3A_661 : i32 to index
        %swap3A_665 = tpu.vector_load %arg7[%swap3A_663, %swap3A_664] {strides = array<i32>} : memref<2x2048xf32, #tpu.memory_space<vmem>>, vector<16xf32>,
        tpu.vector_store %arg7[%swap3A_663, %swap3A_664], %gather3A_659 {strides = array<i32>} : memref<2x2048xf32, #tpu.memory_space<vmem>>, vector<16xf32>,
        %scan3A_666 = arith.constant 21 : i32
        %scan3A_667 = arith.addi %scan3A_355, %scan3A_666 : i32
        %mul3A_668 = arith.constant 16 : i32
        %mul3A_669 = arith.muli %scan3A_667, %mul3A_668 : i32
        %add3A_670 = arith.constant 6144 : i32
        %add3A_671 = arith.addi %add3A_670, %mul3A_669 : i32
        %get3A_672 = arith.index_cast %add3A_671 : i32 to index
        %get3A_673 = tpu.vector_load %arg6[%get3A_672] {strides = array<i32>} : memref<16384xi32, #tpu.memory_space<vmem>>, vector<16xi32>,
        %gather3A_674 = tpu.vector_load_idx %arg5[%get3A_673] : memref<100000xf32, #tpu.memory_space<vmem>>[vector<16xi32>], vector<16xf32>,
        %mul3A_675 = arith.constant 16 : i32
        %mul3A_676 = arith.muli %scan3A_667, %mul3A_675 : i32
        %swap3A_677 = arith.constant 1 : i32
        %swap3A_678 = arith.index_cast %swap3A_677 : i32 to index
        %swap3A_679 = arith.index_cast %mul3A_676 : i32 to index
        %swap3A_680 = tpu.vector_load %arg7[%swap3A_678, %swap3A_679] {strides = array<i32>} : memref<2x2048xf32, #tpu.memory_space<vmem>>, vector<16xf32>,
        tpu.vector_store %arg7[%swap3A_678, %swap3A_679], %gather3A_674 {strides = array<i32>} : memref<2x2048xf32, #tpu.memory_space<vmem>>, vector<16xf32>,
        %scan3A_681 = arith.constant 22 : i32
        %scan3A_682 = arith.addi %scan3A_355, %scan3A_681 : i32
        %mul3A_683 = arith.constant 16 : i32
        %mul3A_684 = arith.muli %scan3A_682, %mul3A_683 : i32
        %add3A_685 = arith.constant 6144 : i32
        %add3A_686 = arith.addi %add3A_685, %mul3A_684 : i32
        %get3A_687 = arith.index_cast %add3A_686 : i32 to index
        %get3A_688 = tpu.vector_load %arg6[%get3A_687] {strides = array<i32>} : memref<16384xi32, #tpu.memory_space<vmem>>, vector<16xi32>,
        %gather3A_689 = tpu.vector_load_idx %arg5[%get3A_688] : memref<100000xf32, #tpu.memory_space<vmem>>[vector<16xi32>], vector<16xf32>,
        %mul3A_690 = arith.constant 16 : i32
        %mul3A_691 = arith.muli %scan3A_682, %mul3A_690 : i32
        %swap3A_692 = arith.constant 1 : i32
        %swap3A_693 = arith.index_cast %swap3A_692 : i32 to index
        %swap3A_694 = arith.index_cast %mul3A_691 : i32 to index
        %swap3A_695 = tpu.vector_load %arg7[%swap3A_693, %swap3A_694] {strides = array<i32>} : memref<2x2048xf32, #tpu.memory_space<vmem>>, vector<16xf32>,
        tpu.vector_store %arg7[%swap3A_693, %swap3A_694], %gather3A_689 {strides = array<i32>} : memref<2x2048xf32, #tpu.memory_space<vmem>>, vector<16xf32>,
        %scan3A_696 = arith.constant 23 : i32
        %scan3A_697 = arith.addi %scan3A_355, %scan3A_696 : i32
        %mul3A_698 = arith.constant 16 : i32
        %mul3A_699 = arith.muli %scan3A_697, %mul3A_698 : i32
        %add3A_700 = arith.constant 6144 : i32
        %add3A_701 = arith.addi %add3A_700, %mul3A_699 : i32
        %get3A_702 = arith.index_cast %add3A_701 : i32 to index
        %get3A_703 = tpu.vector_load %arg6[%get3A_702] {strides = array<i32>} : memref<16384xi32, #tpu.memory_space<vmem>>, vector<16xi32>,
        %gather3A_704 = tpu.vector_load_idx %arg5[%get3A_703] : memref<100000xf32, #tpu.memory_space<vmem>>[vector<16xi32>], vector<16xf32>,
        %mul3A_705 = arith.constant 16 : i32
        %mul3A_706 = arith.muli %scan3A_697, %mul3A_705 : i32
        %swap3A_707 = arith.constant 1 : i32
        %swap3A_708 = arith.index_cast %swap3A_707 : i32 to index
        %swap3A_709 = arith.index_cast %mul3A_706 : i32 to index
        %swap3A_710 = tpu.vector_load %arg7[%swap3A_708, %swap3A_709] {strides = array<i32>} : memref<2x2048xf32, #tpu.memory_space<vmem>>, vector<16xf32>,
        tpu.vector_store %arg7[%swap3A_708, %swap3A_709], %gather3A_704 {strides = array<i32>} : memref<2x2048xf32, #tpu.memory_space<vmem>>, vector<16xf32>,
        %scan3A_711 = arith.constant 24 : i32
        %scan3A_712 = arith.addi %scan3A_355, %scan3A_711 : i32
        %mul3A_713 = arith.constant 16 : i32
        %mul3A_714 = arith.muli %scan3A_712, %mul3A_713 : i32
        %add3A_715 = arith.constant 6144 : i32
        %add3A_716 = arith.addi %add3A_715, %mul3A_714 : i32
        %get3A_717 = arith.index_cast %add3A_716 : i32 to index
        %get3A_718 = tpu.vector_load %arg6[%get3A_717] {strides = array<i32>} : memref<16384xi32, #tpu.memory_space<vmem>>, vector<16xi32>,
        %gather3A_719 = tpu.vector_load_idx %arg5[%get3A_718] : memref<100000xf32, #tpu.memory_space<vmem>>[vector<16xi32>], vector<16xf32>,
        %mul3A_720 = arith.constant 16 : i32
        %mul3A_721 = arith.muli %scan3A_712, %mul3A_720 : i32
        %swap3A_722 = arith.constant 1 : i32
        %swap3A_723 = arith.index_cast %swap3A_722 : i32 to index
        %swap3A_724 = arith.index_cast %mul3A_721 : i32 to index
        %swap3A_725 = tpu.vector_load %arg7[%swap3A_723, %swap3A_724] {strides = array<i32>} : memref<2x2048xf32, #tpu.memory_space<vmem>>, vector<16xf32>,
        tpu.vector_store %arg7[%swap3A_723, %swap3A_724], %gather3A_719 {strides = array<i32>} : memref<2x2048xf32, #tpu.memory_space<vmem>>, vector<16xf32>,
        %scan3A_726 = arith.constant 25 : i32
        %scan3A_727 = arith.addi %scan3A_355, %scan3A_726 : i32
        %mul3A_728 = arith.constant 16 : i32
        %mul3A_729 = arith.muli %scan3A_727, %mul3A_728 : i32
        %add3A_730 = arith.constant 6144 : i32
        %add3A_731 = arith.addi %add3A_730, %mul3A_729 : i32
        %get3A_732 = arith.index_cast %add3A_731 : i32 to index
        %get3A_733 = tpu.vector_load %arg6[%get3A_732] {strides = array<i32>} : memref<16384xi32, #tpu.memory_space<vmem>>, vector<16xi32>,
        %gather3A_734 = tpu.vector_load_idx %arg5[%get3A_733] : memref<100000xf32, #tpu.memory_space<vmem>>[vector<16xi32>], vector<16xf32>,
        %mul3A_735 = arith.constant 16 : i32
        %mul3A_736 = arith.muli %scan3A_727, %mul3A_735 : i32
        %swap3A_737 = arith.constant 1 : i32
        %swap3A_738 = arith.index_cast %swap3A_737 : i32 to index
        %swap3A_739 = arith.index_cast %mul3A_736 : i32 to index
        %swap3A_740 = tpu.vector_load %arg7[%swap3A_738, %swap3A_739] {strides = array<i32>} : memref<2x2048xf32, #tpu.memory_space<vmem>>, vector<16xf32>,
        tpu.vector_store %arg7[%swap3A_738, %swap3A_739], %gather3A_734 {strides = array<i32>} : memref<2x2048xf32, #tpu.memory_space<vmem>>, vector<16xf32>,
        %scan3A_741 = arith.constant 26 : i32
        %scan3A_742 = arith.addi %scan3A_355, %scan3A_741 : i32
        %mul3A_743 = arith.constant 16 : i32
        %mul3A_744 = arith.muli %scan3A_742, %mul3A_743 : i32
        %add3A_745 = arith.constant 6144 : i32
        %add3A_746 = arith.addi %add3A_745, %mul3A_744 : i32
        %get3A_747 = arith.index_cast %add3A_746 : i32 to index
        %get3A_748 = tpu.vector_load %arg6[%get3A_747] {strides = array<i32>} : memref<16384xi32, #tpu.memory_space<vmem>>, vector<16xi32>,
        %gather3A_749 = tpu.vector_load_idx %arg5[%get3A_748] : memref<100000xf32, #tpu.memory_space<vmem>>[vector<16xi32>], vector<16xf32>,
        %mul3A_750 = arith.constant 16 : i32
        %mul3A_751 = arith.muli %scan3A_742, %mul3A_750 : i32
        %swap3A_752 = arith.constant 1 : i32
        %swap3A_753 = arith.index_cast %swap3A_752 : i32 to index
        %swap3A_754 = arith.index_cast %mul3A_751 : i32 to index
        %swap3A_755 = tpu.vector_load %arg7[%swap3A_753, %swap3A_754] {strides = array<i32>} : memref<2x2048xf32, #tpu.memory_space<vmem>>, vector<16xf32>,
        tpu.vector_store %arg7[%swap3A_753, %swap3A_754], %gather3A_749 {strides = array<i32>} : memref<2x2048xf32, #tpu.memory_space<vmem>>, vector<16xf32>,
        %scan3A_756 = arith.constant 27 : i32
        %scan3A_757 = arith.addi %scan3A_355, %scan3A_756 : i32
        %mul3A_758 = arith.constant 16 : i32
        %mul3A_759 = arith.muli %scan3A_757, %mul3A_758 : i32
        %add3A_760 = arith.constant 6144 : i32
        %add3A_761 = arith.addi %add3A_760, %mul3A_759 : i32
        %get3A_762 = arith.index_cast %add3A_761 : i32 to index
        %get3A_763 = tpu.vector_load %arg6[%get3A_762] {strides = array<i32>} : memref<16384xi32, #tpu.memory_space<vmem>>, vector<16xi32>,
        %gather3A_764 = tpu.vector_load_idx %arg5[%get3A_763] : memref<100000xf32, #tpu.memory_space<vmem>>[vector<16xi32>], vector<16xf32>,
        %mul3A_765 = arith.constant 16 : i32
        %mul3A_766 = arith.muli %scan3A_757, %mul3A_765 : i32
        %swap3A_767 = arith.constant 1 : i32
        %swap3A_768 = arith.index_cast %swap3A_767 : i32 to index
        %swap3A_769 = arith.index_cast %mul3A_766 : i32 to index
        %swap3A_770 = tpu.vector_load %arg7[%swap3A_768, %swap3A_769] {strides = array<i32>} : memref<2x2048xf32, #tpu.memory_space<vmem>>, vector<16xf32>,
        tpu.vector_store %arg7[%swap3A_768, %swap3A_769], %gather3A_764 {strides = array<i32>} : memref<2x2048xf32, #tpu.memory_space<vmem>>, vector<16xf32>,
        %scan3A_771 = arith.constant 28 : i32
        %scan3A_772 = arith.addi %scan3A_355, %scan3A_771 : i32
        %mul3A_773 = arith.constant 16 : i32
        %mul3A_774 = arith.muli %scan3A_772, %mul3A_773 : i32
        %add3A_775 = arith.constant 6144 : i32
        %add3A_776 = arith.addi %add3A_775, %mul3A_774 : i32
        %get3A_777 = arith.index_cast %add3A_776 : i32 to index
        %get3A_778 = tpu.vector_load %arg6[%get3A_777] {strides = array<i32>} : memref<16384xi32, #tpu.memory_space<vmem>>, vector<16xi32>,
        %gather3A_779 = tpu.vector_load_idx %arg5[%get3A_778] : memref<100000xf32, #tpu.memory_space<vmem>>[vector<16xi32>], vector<16xf32>,
        %mul3A_780 = arith.constant 16 : i32
        %mul3A_781 = arith.muli %scan3A_772, %mul3A_780 : i32
        %swap3A_782 = arith.constant 1 : i32
        %swap3A_783 = arith.index_cast %swap3A_782 : i32 to index
        %swap3A_784 = arith.index_cast %mul3A_781 : i32 to index
        %swap3A_785 = tpu.vector_load %arg7[%swap3A_783, %swap3A_784] {strides = array<i32>} : memref<2x2048xf32, #tpu.memory_space<vmem>>, vector<16xf32>,
        tpu.vector_store %arg7[%swap3A_783, %swap3A_784], %gather3A_779 {strides = array<i32>} : memref<2x2048xf32, #tpu.memory_space<vmem>>, vector<16xf32>,
        %scan3A_786 = arith.constant 29 : i32
        %scan3A_787 = arith.addi %scan3A_355, %scan3A_786 : i32
        %mul3A_788 = arith.constant 16 : i32
        %mul3A_789 = arith.muli %scan3A_787, %mul3A_788 : i32
        %add3A_790 = arith.constant 6144 : i32
        %add3A_791 = arith.addi %add3A_790, %mul3A_789 : i32
        %get3A_792 = arith.index_cast %add3A_791 : i32 to index
        %get3A_793 = tpu.vector_load %arg6[%get3A_792] {strides = array<i32>} : memref<16384xi32, #tpu.memory_space<vmem>>, vector<16xi32>,
        %gather3A_794 = tpu.vector_load_idx %arg5[%get3A_793] : memref<100000xf32, #tpu.memory_space<vmem>>[vector<16xi32>], vector<16xf32>,
        %mul3A_795 = arith.constant 16 : i32
        %mul3A_796 = arith.muli %scan3A_787, %mul3A_795 : i32
        %swap3A_797 = arith.constant 1 : i32
        %swap3A_798 = arith.index_cast %swap3A_797 : i32 to index
        %swap3A_799 = arith.index_cast %mul3A_796 : i32 to index
        %swap3A_800 = tpu.vector_load %arg7[%swap3A_798, %swap3A_799] {strides = array<i32>} : memref<2x2048xf32, #tpu.memory_space<vmem>>, vector<16xf32>,
        tpu.vector_store %arg7[%swap3A_798, %swap3A_799], %gather3A_794 {strides = array<i32>} : memref<2x2048xf32, #tpu.memory_space<vmem>>, vector<16xf32>,
        %scan3A_801 = arith.constant 30 : i32
        %scan3A_802 = arith.addi %scan3A_355, %scan3A_801 : i32
        %mul3A_803 = arith.constant 16 : i32
        %mul3A_804 = arith.muli %scan3A_802, %mul3A_803 : i32
        %add3A_805 = arith.constant 6144 : i32
        %add3A_806 = arith.addi %add3A_805, %mul3A_804 : i32
        %get3A_807 = arith.index_cast %add3A_806 : i32 to index
        %get3A_808 = tpu.vector_load %arg6[%get3A_807] {strides = array<i32>} : memref<16384xi32, #tpu.memory_space<vmem>>, vector<16xi32>,
        %gather3A_809 = tpu.vector_load_idx %arg5[%get3A_808] : memref<100000xf32, #tpu.memory_space<vmem>>[vector<16xi32>], vector<16xf32>,
        %mul3A_810 = arith.constant 16 : i32
        %mul3A_811 = arith.muli %scan3A_802, %mul3A_810 : i32
        %swap3A_812 = arith.constant 1 : i32
        %swap3A_813 = arith.index_cast %swap3A_812 : i32 to index
        %swap3A_814 = arith.index_cast %mul3A_811 : i32 to index
        %swap3A_815 = tpu.vector_load %arg7[%swap3A_813, %swap3A_814] {strides = array<i32>} : memref<2x2048xf32, #tpu.memory_space<vmem>>, vector<16xf32>,
        tpu.vector_store %arg7[%swap3A_813, %swap3A_814], %gather3A_809 {strides = array<i32>} : memref<2x2048xf32, #tpu.memory_space<vmem>>, vector<16xf32>,
        %scan3A_816 = arith.constant 31 : i32
        %scan3A_817 = arith.addi %scan3A_355, %scan3A_816 : i32
        %mul3A_818 = arith.constant 16 : i32
        %mul3A_819 = arith.muli %scan3A_817, %mul3A_818 : i32
        %add3A_820 = arith.constant 6144 : i32
        %add3A_821 = arith.addi %add3A_820, %mul3A_819 : i32
        %get3A_822 = arith.index_cast %add3A_821 : i32 to index
        %get3A_823 = tpu.vector_load %arg6[%get3A_822] {strides = array<i32>} : memref<16384xi32, #tpu.memory_space<vmem>>, vector<16xi32>,
        %gather3A_824 = tpu.vector_load_idx %arg5[%get3A_823] : memref<100000xf32, #tpu.memory_space<vmem>>[vector<16xi32>], vector<16xf32>,
        %mul3A_825 = arith.constant 16 : i32
        %mul3A_826 = arith.muli %scan3A_817, %mul3A_825 : i32
        %swap3A_827 = arith.constant 1 : i32
        %swap3A_828 = arith.index_cast %swap3A_827 : i32 to index
        %swap3A_829 = arith.index_cast %mul3A_826 : i32 to index
        %swap3A_830 = tpu.vector_load %arg7[%swap3A_828, %swap3A_829] {strides = array<i32>} : memref<2x2048xf32, #tpu.memory_space<vmem>>, vector<16xf32>,
        tpu.vector_store %arg7[%swap3A_828, %swap3A_829], %gather3A_824 {strides = array<i32>} : memref<2x2048xf32, #tpu.memory_space<vmem>>, vector<16xf32>,
      }
      %scan3A_181 = arith.constant 128 : i32
      %dma_start3A_182 = arith.constant 1 : i32
      %dma_start3A_183 = arith.constant 0 : i32
      %dma_start3A_184 = tpu.memref_slice %arg7[%dma_start3A_182, %dma_start3A_183] : memref<2x2048xf32, #tpu.memory_space<vmem>> -> memref<1x2048xf32, #tpu.memory_space<vmem>>
      %dma_start3A_185 = tpu.memref_squeeze %dma_start3A_184 : memref<1x2048xf32, #tpu.memory_space<vmem>> -> memref<2048xf32, #tpu.memory_space<vmem>>
      %dma_start3A_186 = arith.constant 6144 : i32
      %dma_start3A_187 = tpu.memref_slice %arg4[%add3A_32, %dma_start3A_186] : memref<832x16384xf32, #tpu.memory_space<hbm>> -> memref<1x2048xf32, #tpu.memory_space<hbm>>
      %dma_start3A_188 = tpu.memref_squeeze %dma_start3A_187 : memref<1x2048xf32, #tpu.memory_space<hbm>> -> memref<2048xf32, #tpu.memory_space<hbm>>
      %dma_start3A_189 = arith.constant 6144 : i32
      %dma_start3A_190 = tpu.memref_slice %arg4[%add3A_32, %dma_start3A_189] : memref<832x16384xf32, #tpu.memory_space<hbm>> -> memref<1x2048xf32, #tpu.memory_space<hbm>>
      %dma_start3A_191 = tpu.memref_squeeze %dma_start3A_190 : memref<1x2048xf32, #tpu.memory_space<hbm>> -> memref<2048xf32, #tpu.memory_space<hbm>>
      %dma_start3A_192 = arith.constant 0 : i32
      %dma_start3A_193 = tpu.memref_slice %arg7[%dma_start3A_182, %dma_start3A_192] : memref<2x2048xf32, #tpu.memory_space<vmem>> -> memref<1x2048xf32, #tpu.memory_space<vmem>>
      %dma_start3A_194 = tpu.memref_squeeze %dma_start3A_193 : memref<1x2048xf32, #tpu.memory_space<vmem>> -> memref<2048xf32, #tpu.memory_space<vmem>>
      tpu.enqueue_dma source(%dma_start3A_194 : memref<2048xf32, #tpu.memory_space<vmem>>) target(%dma_start3A_191 : memref<2048xf32, #tpu.memory_space<hbm>>) target_semaphore(%arg10 : memref<!tpu.dma_semaphore, #tpu.memory_space<semaphore_mem>>)
      %dma_wait3A_195 = arith.constant 0 : i32
      %dma_wait3A_196 = arith.constant 0 : i32
      %dma_wait3A_197 = tpu.memref_slice %arg7[%dma_wait3A_195, %dma_wait3A_196] : memref<2x2048xf32, #tpu.memory_space<vmem>> -> memref<1x2048xf32, #tpu.memory_space<vmem>>
      %dma_wait3A_198 = tpu.memref_squeeze %dma_wait3A_197 : memref<1x2048xf32, #tpu.memory_space<vmem>> -> memref<2048xf32, #tpu.memory_space<vmem>>
      %dma_wait3A_199 = arith.constant 4096 : i32
      %dma_wait3A_200 = tpu.memref_slice %arg4[%add3A_32, %dma_wait3A_199] : memref<832x16384xf32, #tpu.memory_space<hbm>> -> memref<1x2048xf32, #tpu.memory_space<hbm>>
      %dma_wait3A_201 = tpu.memref_squeeze %dma_wait3A_200 : memref<1x2048xf32, #tpu.memory_space<hbm>> -> memref<2048xf32, #tpu.memory_space<hbm>>
      %dma_wait3A_202 = arith.constant 4096 : i32
      %dma_wait3A_203 = tpu.memref_slice %arg4[%add3A_32, %dma_wait3A_202] : memref<832x16384xf32, #tpu.memory_space<hbm>> -> memref<1x2048xf32, #tpu.memory_space<hbm>>
      %dma_wait3A_204 = tpu.memref_squeeze %dma_wait3A_203 : memref<1x2048xf32, #tpu.memory_space<hbm>> -> memref<2048xf32, #tpu.memory_space<hbm>>
      %dma_wait3A_205 = arith.constant 0 : i32
      %dma_wait3A_206 = tpu.memref_slice %arg7[%dma_wait3A_195, %dma_wait3A_205] : memref<2x2048xf32, #tpu.memory_space<vmem>> -> memref<1x2048xf32, #tpu.memory_space<vmem>>
      %dma_wait3A_207 = tpu.memref_squeeze %dma_wait3A_206 : memref<1x2048xf32, #tpu.memory_space<vmem>> -> memref<2048xf32, #tpu.memory_space<vmem>>
      tpu.wait_dma2 semaphore(%arg10 : memref<!tpu.dma_semaphore, #tpu.memory_space<semaphore_mem>>) src(%dma_wait3A_207 : memref<2048xf32, #tpu.memory_space<vmem>>) dst(%dma_wait3A_204 : memref<2048xf32, #tpu.memory_space<hbm>>)
      %scan3A_208 = arith.constant 0 : i32
      %scan3A_209 = arith.constant 0 : i32
      %scan3A_210 = arith.constant 128 : i32
      %scan3A_211 = arith.addi %scan3A_209, %scan3A_210 : i32
      %scan3A_212 = arith.constant 32 : i32
      scf.for %scan3A_355 = %scan3A_209 to %scan3A_211 step %scan3A_212  : i32 {
        %mul3A_356 = arith.constant 16 : i32
        %mul3A_357 = arith.muli %scan3A_355, %mul3A_356 : i32
        %add3A_358 = arith.constant 8192 : i32
        %add3A_359 = arith.addi %add3A_358, %mul3A_357 : i32
        %get3A = arith.index_cast %add3A_359 : i32 to index
        %get3A_360 = tpu.vector_load %arg6[%get3A] {strides = array<i32>} : memref<16384xi32, #tpu.memory_space<vmem>>, vector<16xi32>,
        %gather3A = tpu.vector_load_idx %arg5[%get3A_360] : memref<100000xf32, #tpu.memory_space<vmem>>[vector<16xi32>], vector<16xf32>,
        %mul3A_361 = arith.constant 16 : i32
        %mul3A_362 = arith.muli %scan3A_355, %mul3A_361 : i32
        %swap3A = arith.constant 0 : i32
        %swap3A_363 = arith.index_cast %swap3A : i32 to index
        %swap3A_364 = arith.index_cast %mul3A_362 : i32 to index
        %swap3A_365 = tpu.vector_load %arg7[%swap3A_363, %swap3A_364] {strides = array<i32>} : memref<2x2048xf32, #tpu.memory_space<vmem>>, vector<16xf32>,
        tpu.vector_store %arg7[%swap3A_363, %swap3A_364], %gather3A {strides = array<i32>} : memref<2x2048xf32, #tpu.memory_space<vmem>>, vector<16xf32>,
        %scan3A_366 = arith.constant 1 : i32
        %scan3A_367 = arith.addi %scan3A_355, %scan3A_366 : i32
        %mul3A_368 = arith.constant 16 : i32
        %mul3A_369 = arith.muli %scan3A_367, %mul3A_368 : i32
        %add3A_370 = arith.constant 8192 : i32
        %add3A_371 = arith.addi %add3A_370, %mul3A_369 : i32
        %get3A_372 = arith.index_cast %add3A_371 : i32 to index
        %get3A_373 = tpu.vector_load %arg6[%get3A_372] {strides = array<i32>} : memref<16384xi32, #tpu.memory_space<vmem>>, vector<16xi32>,
        %gather3A_374 = tpu.vector_load_idx %arg5[%get3A_373] : memref<100000xf32, #tpu.memory_space<vmem>>[vector<16xi32>], vector<16xf32>,
        %mul3A_375 = arith.constant 16 : i32
        %mul3A_376 = arith.muli %scan3A_367, %mul3A_375 : i32
        %swap3A_377 = arith.constant 0 : i32
        %swap3A_378 = arith.index_cast %swap3A_377 : i32 to index
        %swap3A_379 = arith.index_cast %mul3A_376 : i32 to index
        %swap3A_380 = tpu.vector_load %arg7[%swap3A_378, %swap3A_379] {strides = array<i32>} : memref<2x2048xf32, #tpu.memory_space<vmem>>, vector<16xf32>,
        tpu.vector_store %arg7[%swap3A_378, %swap3A_379], %gather3A_374 {strides = array<i32>} : memref<2x2048xf32, #tpu.memory_space<vmem>>, vector<16xf32>,
        %scan3A_381 = arith.constant 2 : i32
        %scan3A_382 = arith.addi %scan3A_355, %scan3A_381 : i32
        %mul3A_383 = arith.constant 16 : i32
        %mul3A_384 = arith.muli %scan3A_382, %mul3A_383 : i32
        %add3A_385 = arith.constant 8192 : i32
        %add3A_386 = arith.addi %add3A_385, %mul3A_384 : i32
        %get3A_387 = arith.index_cast %add3A_386 : i32 to index
        %get3A_388 = tpu.vector_load %arg6[%get3A_387] {strides = array<i32>} : memref<16384xi32, #tpu.memory_space<vmem>>, vector<16xi32>,
        %gather3A_389 = tpu.vector_load_idx %arg5[%get3A_388] : memref<100000xf32, #tpu.memory_space<vmem>>[vector<16xi32>], vector<16xf32>,
        %mul3A_390 = arith.constant 16 : i32
        %mul3A_391 = arith.muli %scan3A_382, %mul3A_390 : i32
        %swap3A_392 = arith.constant 0 : i32
        %swap3A_393 = arith.index_cast %swap3A_392 : i32 to index
        %swap3A_394 = arith.index_cast %mul3A_391 : i32 to index
        %swap3A_395 = tpu.vector_load %arg7[%swap3A_393, %swap3A_394] {strides = array<i32>} : memref<2x2048xf32, #tpu.memory_space<vmem>>, vector<16xf32>,
        tpu.vector_store %arg7[%swap3A_393, %swap3A_394], %gather3A_389 {strides = array<i32>} : memref<2x2048xf32, #tpu.memory_space<vmem>>, vector<16xf32>,
        %scan3A_396 = arith.constant 3 : i32
        %scan3A_397 = arith.addi %scan3A_355, %scan3A_396 : i32
        %mul3A_398 = arith.constant 16 : i32
        %mul3A_399 = arith.muli %scan3A_397, %mul3A_398 : i32
        %add3A_400 = arith.constant 8192 : i32
        %add3A_401 = arith.addi %add3A_400, %mul3A_399 : i32
        %get3A_402 = arith.index_cast %add3A_401 : i32 to index
        %get3A_403 = tpu.vector_load %arg6[%get3A_402] {strides = array<i32>} : memref<16384xi32, #tpu.memory_space<vmem>>, vector<16xi32>,
        %gather3A_404 = tpu.vector_load_idx %arg5[%get3A_403] : memref<100000xf32, #tpu.memory_space<vmem>>[vector<16xi32>], vector<16xf32>,
        %mul3A_405 = arith.constant 16 : i32
        %mul3A_406 = arith.muli %scan3A_397, %mul3A_405 : i32
        %swap3A_407 = arith.constant 0 : i32
        %swap3A_408 = arith.index_cast %swap3A_407 : i32 to index
        %swap3A_409 = arith.index_cast %mul3A_406 : i32 to index
        %swap3A_410 = tpu.vector_load %arg7[%swap3A_408, %swap3A_409] {strides = array<i32>} : memref<2x2048xf32, #tpu.memory_space<vmem>>, vector<16xf32>,
        tpu.vector_store %arg7[%swap3A_408, %swap3A_409], %gather3A_404 {strides = array<i32>} : memref<2x2048xf32, #tpu.memory_space<vmem>>, vector<16xf32>,
        %scan3A_411 = arith.constant 4 : i32
        %scan3A_412 = arith.addi %scan3A_355, %scan3A_411 : i32
        %mul3A_413 = arith.constant 16 : i32
        %mul3A_414 = arith.muli %scan3A_412, %mul3A_413 : i32
        %add3A_415 = arith.constant 8192 : i32
        %add3A_416 = arith.addi %add3A_415, %mul3A_414 : i32
        %get3A_417 = arith.index_cast %add3A_416 : i32 to index
        %get3A_418 = tpu.vector_load %arg6[%get3A_417] {strides = array<i32>} : memref<16384xi32, #tpu.memory_space<vmem>>, vector<16xi32>,
        %gather3A_419 = tpu.vector_load_idx %arg5[%get3A_418] : memref<100000xf32, #tpu.memory_space<vmem>>[vector<16xi32>], vector<16xf32>,
        %mul3A_420 = arith.constant 16 : i32
        %mul3A_421 = arith.muli %scan3A_412, %mul3A_420 : i32
        %swap3A_422 = arith.constant 0 : i32
        %swap3A_423 = arith.index_cast %swap3A_422 : i32 to index
        %swap3A_424 = arith.index_cast %mul3A_421 : i32 to index
        %swap3A_425 = tpu.vector_load %arg7[%swap3A_423, %swap3A_424] {strides = array<i32>} : memref<2x2048xf32, #tpu.memory_space<vmem>>, vector<16xf32>,
        tpu.vector_store %arg7[%swap3A_423, %swap3A_424], %gather3A_419 {strides = array<i32>} : memref<2x2048xf32, #tpu.memory_space<vmem>>, vector<16xf32>,
        %scan3A_426 = arith.constant 5 : i32
        %scan3A_427 = arith.addi %scan3A_355, %scan3A_426 : i32
        %mul3A_428 = arith.constant 16 : i32
        %mul3A_429 = arith.muli %scan3A_427, %mul3A_428 : i32
        %add3A_430 = arith.constant 8192 : i32
        %add3A_431 = arith.addi %add3A_430, %mul3A_429 : i32
        %get3A_432 = arith.index_cast %add3A_431 : i32 to index
        %get3A_433 = tpu.vector_load %arg6[%get3A_432] {strides = array<i32>} : memref<16384xi32, #tpu.memory_space<vmem>>, vector<16xi32>,
        %gather3A_434 = tpu.vector_load_idx %arg5[%get3A_433] : memref<100000xf32, #tpu.memory_space<vmem>>[vector<16xi32>], vector<16xf32>,
        %mul3A_435 = arith.constant 16 : i32
        %mul3A_436 = arith.muli %scan3A_427, %mul3A_435 : i32
        %swap3A_437 = arith.constant 0 : i32
        %swap3A_438 = arith.index_cast %swap3A_437 : i32 to index
        %swap3A_439 = arith.index_cast %mul3A_436 : i32 to index
        %swap3A_440 = tpu.vector_load %arg7[%swap3A_438, %swap3A_439] {strides = array<i32>} : memref<2x2048xf32, #tpu.memory_space<vmem>>, vector<16xf32>,
        tpu.vector_store %arg7[%swap3A_438, %swap3A_439], %gather3A_434 {strides = array<i32>} : memref<2x2048xf32, #tpu.memory_space<vmem>>, vector<16xf32>,
        %scan3A_441 = arith.constant 6 : i32
        %scan3A_442 = arith.addi %scan3A_355, %scan3A_441 : i32
        %mul3A_443 = arith.constant 16 : i32
        %mul3A_444 = arith.muli %scan3A_442, %mul3A_443 : i32
        %add3A_445 = arith.constant 8192 : i32
        %add3A_446 = arith.addi %add3A_445, %mul3A_444 : i32
        %get3A_447 = arith.index_cast %add3A_446 : i32 to index
        %get3A_448 = tpu.vector_load %arg6[%get3A_447] {strides = array<i32>} : memref<16384xi32, #tpu.memory_space<vmem>>, vector<16xi32>,
        %gather3A_449 = tpu.vector_load_idx %arg5[%get3A_448] : memref<100000xf32, #tpu.memory_space<vmem>>[vector<16xi32>], vector<16xf32>,
        %mul3A_450 = arith.constant 16 : i32
        %mul3A_451 = arith.muli %scan3A_442, %mul3A_450 : i32
        %swap3A_452 = arith.constant 0 : i32
        %swap3A_453 = arith.index_cast %swap3A_452 : i32 to index
        %swap3A_454 = arith.index_cast %mul3A_451 : i32 to index
        %swap3A_455 = tpu.vector_load %arg7[%swap3A_453, %swap3A_454] {strides = array<i32>} : memref<2x2048xf32, #tpu.memory_space<vmem>>, vector<16xf32>,
        tpu.vector_store %arg7[%swap3A_453, %swap3A_454], %gather3A_449 {strides = array<i32>} : memref<2x2048xf32, #tpu.memory_space<vmem>>, vector<16xf32>,
        %scan3A_456 = arith.constant 7 : i32
        %scan3A_457 = arith.addi %scan3A_355, %scan3A_456 : i32
        %mul3A_458 = arith.constant 16 : i32
        %mul3A_459 = arith.muli %scan3A_457, %mul3A_458 : i32
        %add3A_460 = arith.constant 8192 : i32
        %add3A_461 = arith.addi %add3A_460, %mul3A_459 : i32
        %get3A_462 = arith.index_cast %add3A_461 : i32 to index
        %get3A_463 = tpu.vector_load %arg6[%get3A_462] {strides = array<i32>} : memref<16384xi32, #tpu.memory_space<vmem>>, vector<16xi32>,
        %gather3A_464 = tpu.vector_load_idx %arg5[%get3A_463] : memref<100000xf32, #tpu.memory_space<vmem>>[vector<16xi32>], vector<16xf32>,
        %mul3A_465 = arith.constant 16 : i32
        %mul3A_466 = arith.muli %scan3A_457, %mul3A_465 : i32
        %swap3A_467 = arith.constant 0 : i32
        %swap3A_468 = arith.index_cast %swap3A_467 : i32 to index
        %swap3A_469 = arith.index_cast %mul3A_466 : i32 to index
        %swap3A_470 = tpu.vector_load %arg7[%swap3A_468, %swap3A_469] {strides = array<i32>} : memref<2x2048xf32, #tpu.memory_space<vmem>>, vector<16xf32>,
        tpu.vector_store %arg7[%swap3A_468, %swap3A_469], %gather3A_464 {strides = array<i32>} : memref<2x2048xf32, #tpu.memory_space<vmem>>, vector<16xf32>,
        %scan3A_471 = arith.constant 8 : i32
        %scan3A_472 = arith.addi %scan3A_355, %scan3A_471 : i32
        %mul3A_473 = arith.constant 16 : i32
        %mul3A_474 = arith.muli %scan3A_472, %mul3A_473 : i32
        %add3A_475 = arith.constant 8192 : i32
        %add3A_476 = arith.addi %add3A_475, %mul3A_474 : i32
        %get3A_477 = arith.index_cast %add3A_476 : i32 to index
        %get3A_478 = tpu.vector_load %arg6[%get3A_477] {strides = array<i32>} : memref<16384xi32, #tpu.memory_space<vmem>>, vector<16xi32>,
        %gather3A_479 = tpu.vector_load_idx %arg5[%get3A_478] : memref<100000xf32, #tpu.memory_space<vmem>>[vector<16xi32>], vector<16xf32>,
        %mul3A_480 = arith.constant 16 : i32
        %mul3A_481 = arith.muli %scan3A_472, %mul3A_480 : i32
        %swap3A_482 = arith.constant 0 : i32
        %swap3A_483 = arith.index_cast %swap3A_482 : i32 to index
        %swap3A_484 = arith.index_cast %mul3A_481 : i32 to index
        %swap3A_485 = tpu.vector_load %arg7[%swap3A_483, %swap3A_484] {strides = array<i32>} : memref<2x2048xf32, #tpu.memory_space<vmem>>, vector<16xf32>,
        tpu.vector_store %arg7[%swap3A_483, %swap3A_484], %gather3A_479 {strides = array<i32>} : memref<2x2048xf32, #tpu.memory_space<vmem>>, vector<16xf32>,
        %scan3A_486 = arith.constant 9 : i32
        %scan3A_487 = arith.addi %scan3A_355, %scan3A_486 : i32
        %mul3A_488 = arith.constant 16 : i32
        %mul3A_489 = arith.muli %scan3A_487, %mul3A_488 : i32
        %add3A_490 = arith.constant 8192 : i32
        %add3A_491 = arith.addi %add3A_490, %mul3A_489 : i32
        %get3A_492 = arith.index_cast %add3A_491 : i32 to index
        %get3A_493 = tpu.vector_load %arg6[%get3A_492] {strides = array<i32>} : memref<16384xi32, #tpu.memory_space<vmem>>, vector<16xi32>,
        %gather3A_494 = tpu.vector_load_idx %arg5[%get3A_493] : memref<100000xf32, #tpu.memory_space<vmem>>[vector<16xi32>], vector<16xf32>,
        %mul3A_495 = arith.constant 16 : i32
        %mul3A_496 = arith.muli %scan3A_487, %mul3A_495 : i32
        %swap3A_497 = arith.constant 0 : i32
        %swap3A_498 = arith.index_cast %swap3A_497 : i32 to index
        %swap3A_499 = arith.index_cast %mul3A_496 : i32 to index
        %swap3A_500 = tpu.vector_load %arg7[%swap3A_498, %swap3A_499] {strides = array<i32>} : memref<2x2048xf32, #tpu.memory_space<vmem>>, vector<16xf32>,
        tpu.vector_store %arg7[%swap3A_498, %swap3A_499], %gather3A_494 {strides = array<i32>} : memref<2x2048xf32, #tpu.memory_space<vmem>>, vector<16xf32>,
        %scan3A_501 = arith.constant 10 : i32
        %scan3A_502 = arith.addi %scan3A_355, %scan3A_501 : i32
        %mul3A_503 = arith.constant 16 : i32
        %mul3A_504 = arith.muli %scan3A_502, %mul3A_503 : i32
        %add3A_505 = arith.constant 8192 : i32
        %add3A_506 = arith.addi %add3A_505, %mul3A_504 : i32
        %get3A_507 = arith.index_cast %add3A_506 : i32 to index
        %get3A_508 = tpu.vector_load %arg6[%get3A_507] {strides = array<i32>} : memref<16384xi32, #tpu.memory_space<vmem>>, vector<16xi32>,
        %gather3A_509 = tpu.vector_load_idx %arg5[%get3A_508] : memref<100000xf32, #tpu.memory_space<vmem>>[vector<16xi32>], vector<16xf32>,
        %mul3A_510 = arith.constant 16 : i32
        %mul3A_511 = arith.muli %scan3A_502, %mul3A_510 : i32
        %swap3A_512 = arith.constant 0 : i32
        %swap3A_513 = arith.index_cast %swap3A_512 : i32 to index
        %swap3A_514 = arith.index_cast %mul3A_511 : i32 to index
        %swap3A_515 = tpu.vector_load %arg7[%swap3A_513, %swap3A_514] {strides = array<i32>} : memref<2x2048xf32, #tpu.memory_space<vmem>>, vector<16xf32>,
        tpu.vector_store %arg7[%swap3A_513, %swap3A_514], %gather3A_509 {strides = array<i32>} : memref<2x2048xf32, #tpu.memory_space<vmem>>, vector<16xf32>,
        %scan3A_516 = arith.constant 11 : i32
        %scan3A_517 = arith.addi %scan3A_355, %scan3A_516 : i32
        %mul3A_518 = arith.constant 16 : i32
        %mul3A_519 = arith.muli %scan3A_517, %mul3A_518 : i32
        %add3A_520 = arith.constant 8192 : i32
        %add3A_521 = arith.addi %add3A_520, %mul3A_519 : i32
        %get3A_522 = arith.index_cast %add3A_521 : i32 to index
        %get3A_523 = tpu.vector_load %arg6[%get3A_522] {strides = array<i32>} : memref<16384xi32, #tpu.memory_space<vmem>>, vector<16xi32>,
        %gather3A_524 = tpu.vector_load_idx %arg5[%get3A_523] : memref<100000xf32, #tpu.memory_space<vmem>>[vector<16xi32>], vector<16xf32>,
        %mul3A_525 = arith.constant 16 : i32
        %mul3A_526 = arith.muli %scan3A_517, %mul3A_525 : i32
        %swap3A_527 = arith.constant 0 : i32
        %swap3A_528 = arith.index_cast %swap3A_527 : i32 to index
        %swap3A_529 = arith.index_cast %mul3A_526 : i32 to index
        %swap3A_530 = tpu.vector_load %arg7[%swap3A_528, %swap3A_529] {strides = array<i32>} : memref<2x2048xf32, #tpu.memory_space<vmem>>, vector<16xf32>,
        tpu.vector_store %arg7[%swap3A_528, %swap3A_529], %gather3A_524 {strides = array<i32>} : memref<2x2048xf32, #tpu.memory_space<vmem>>, vector<16xf32>,
        %scan3A_531 = arith.constant 12 : i32
        %scan3A_532 = arith.addi %scan3A_355, %scan3A_531 : i32
        %mul3A_533 = arith.constant 16 : i32
        %mul3A_534 = arith.muli %scan3A_532, %mul3A_533 : i32
        %add3A_535 = arith.constant 8192 : i32
        %add3A_536 = arith.addi %add3A_535, %mul3A_534 : i32
        %get3A_537 = arith.index_cast %add3A_536 : i32 to index
        %get3A_538 = tpu.vector_load %arg6[%get3A_537] {strides = array<i32>} : memref<16384xi32, #tpu.memory_space<vmem>>, vector<16xi32>,
        %gather3A_539 = tpu.vector_load_idx %arg5[%get3A_538] : memref<100000xf32, #tpu.memory_space<vmem>>[vector<16xi32>], vector<16xf32>,
        %mul3A_540 = arith.constant 16 : i32
        %mul3A_541 = arith.muli %scan3A_532, %mul3A_540 : i32
        %swap3A_542 = arith.constant 0 : i32
        %swap3A_543 = arith.index_cast %swap3A_542 : i32 to index
        %swap3A_544 = arith.index_cast %mul3A_541 : i32 to index
        %swap3A_545 = tpu.vector_load %arg7[%swap3A_543, %swap3A_544] {strides = array<i32>} : memref<2x2048xf32, #tpu.memory_space<vmem>>, vector<16xf32>,
        tpu.vector_store %arg7[%swap3A_543, %swap3A_544], %gather3A_539 {strides = array<i32>} : memref<2x2048xf32, #tpu.memory_space<vmem>>, vector<16xf32>,
        %scan3A_546 = arith.constant 13 : i32
        %scan3A_547 = arith.addi %scan3A_355, %scan3A_546 : i32
        %mul3A_548 = arith.constant 16 : i32
        %mul3A_549 = arith.muli %scan3A_547, %mul3A_548 : i32
        %add3A_550 = arith.constant 8192 : i32
        %add3A_551 = arith.addi %add3A_550, %mul3A_549 : i32
        %get3A_552 = arith.index_cast %add3A_551 : i32 to index
        %get3A_553 = tpu.vector_load %arg6[%get3A_552] {strides = array<i32>} : memref<16384xi32, #tpu.memory_space<vmem>>, vector<16xi32>,
        %gather3A_554 = tpu.vector_load_idx %arg5[%get3A_553] : memref<100000xf32, #tpu.memory_space<vmem>>[vector<16xi32>], vector<16xf32>,
        %mul3A_555 = arith.constant 16 : i32
        %mul3A_556 = arith.muli %scan3A_547, %mul3A_555 : i32
        %swap3A_557 = arith.constant 0 : i32
        %swap3A_558 = arith.index_cast %swap3A_557 : i32 to index
        %swap3A_559 = arith.index_cast %mul3A_556 : i32 to index
        %swap3A_560 = tpu.vector_load %arg7[%swap3A_558, %swap3A_559] {strides = array<i32>} : memref<2x2048xf32, #tpu.memory_space<vmem>>, vector<16xf32>,
        tpu.vector_store %arg7[%swap3A_558, %swap3A_559], %gather3A_554 {strides = array<i32>} : memref<2x2048xf32, #tpu.memory_space<vmem>>, vector<16xf32>,
        %scan3A_561 = arith.constant 14 : i32
        %scan3A_562 = arith.addi %scan3A_355, %scan3A_561 : i32
        %mul3A_563 = arith.constant 16 : i32
        %mul3A_564 = arith.muli %scan3A_562, %mul3A_563 : i32
        %add3A_565 = arith.constant 8192 : i32
        %add3A_566 = arith.addi %add3A_565, %mul3A_564 : i32
        %get3A_567 = arith.index_cast %add3A_566 : i32 to index
        %get3A_568 = tpu.vector_load %arg6[%get3A_567] {strides = array<i32>} : memref<16384xi32, #tpu.memory_space<vmem>>, vector<16xi32>,
        %gather3A_569 = tpu.vector_load_idx %arg5[%get3A_568] : memref<100000xf32, #tpu.memory_space<vmem>>[vector<16xi32>], vector<16xf32>,
        %mul3A_570 = arith.constant 16 : i32
        %mul3A_571 = arith.muli %scan3A_562, %mul3A_570 : i32
        %swap3A_572 = arith.constant 0 : i32
        %swap3A_573 = arith.index_cast %swap3A_572 : i32 to index
        %swap3A_574 = arith.index_cast %mul3A_571 : i32 to index
        %swap3A_575 = tpu.vector_load %arg7[%swap3A_573, %swap3A_574] {strides = array<i32>} : memref<2x2048xf32, #tpu.memory_space<vmem>>, vector<16xf32>,
        tpu.vector_store %arg7[%swap3A_573, %swap3A_574], %gather3A_569 {strides = array<i32>} : memref<2x2048xf32, #tpu.memory_space<vmem>>, vector<16xf32>,
        %scan3A_576 = arith.constant 15 : i32
        %scan3A_577 = arith.addi %scan3A_355, %scan3A_576 : i32
        %mul3A_578 = arith.constant 16 : i32
        %mul3A_579 = arith.muli %scan3A_577, %mul3A_578 : i32
        %add3A_580 = arith.constant 8192 : i32
        %add3A_581 = arith.addi %add3A_580, %mul3A_579 : i32
        %get3A_582 = arith.index_cast %add3A_581 : i32 to index
        %get3A_583 = tpu.vector_load %arg6[%get3A_582] {strides = array<i32>} : memref<16384xi32, #tpu.memory_space<vmem>>, vector<16xi32>,
        %gather3A_584 = tpu.vector_load_idx %arg5[%get3A_583] : memref<100000xf32, #tpu.memory_space<vmem>>[vector<16xi32>], vector<16xf32>,
        %mul3A_585 = arith.constant 16 : i32
        %mul3A_586 = arith.muli %scan3A_577, %mul3A_585 : i32
        %swap3A_587 = arith.constant 0 : i32
        %swap3A_588 = arith.index_cast %swap3A_587 : i32 to index
        %swap3A_589 = arith.index_cast %mul3A_586 : i32 to index
        %swap3A_590 = tpu.vector_load %arg7[%swap3A_588, %swap3A_589] {strides = array<i32>} : memref<2x2048xf32, #tpu.memory_space<vmem>>, vector<16xf32>,
        tpu.vector_store %arg7[%swap3A_588, %swap3A_589], %gather3A_584 {strides = array<i32>} : memref<2x2048xf32, #tpu.memory_space<vmem>>, vector<16xf32>,
        %scan3A_591 = arith.constant 16 : i32
        %scan3A_592 = arith.addi %scan3A_355, %scan3A_591 : i32
        %mul3A_593 = arith.constant 16 : i32
        %mul3A_594 = arith.muli %scan3A_592, %mul3A_593 : i32
        %add3A_595 = arith.constant 8192 : i32
        %add3A_596 = arith.addi %add3A_595, %mul3A_594 : i32
        %get3A_597 = arith.index_cast %add3A_596 : i32 to index
        %get3A_598 = tpu.vector_load %arg6[%get3A_597] {strides = array<i32>} : memref<16384xi32, #tpu.memory_space<vmem>>, vector<16xi32>,
        %gather3A_599 = tpu.vector_load_idx %arg5[%get3A_598] : memref<100000xf32, #tpu.memory_space<vmem>>[vector<16xi32>], vector<16xf32>,
        %mul3A_600 = arith.constant 16 : i32
        %mul3A_601 = arith.muli %scan3A_592, %mul3A_600 : i32
        %swap3A_602 = arith.constant 0 : i32
        %swap3A_603 = arith.index_cast %swap3A_602 : i32 to index
        %swap3A_604 = arith.index_cast %mul3A_601 : i32 to index
        %swap3A_605 = tpu.vector_load %arg7[%swap3A_603, %swap3A_604] {strides = array<i32>} : memref<2x2048xf32, #tpu.memory_space<vmem>>, vector<16xf32>,
        tpu.vector_store %arg7[%swap3A_603, %swap3A_604], %gather3A_599 {strides = array<i32>} : memref<2x2048xf32, #tpu.memory_space<vmem>>, vector<16xf32>,
        %scan3A_606 = arith.constant 17 : i32
        %scan3A_607 = arith.addi %scan3A_355, %scan3A_606 : i32
        %mul3A_608 = arith.constant 16 : i32
        %mul3A_609 = arith.muli %scan3A_607, %mul3A_608 : i32
        %add3A_610 = arith.constant 8192 : i32
        %add3A_611 = arith.addi %add3A_610, %mul3A_609 : i32
        %get3A_612 = arith.index_cast %add3A_611 : i32 to index
        %get3A_613 = tpu.vector_load %arg6[%get3A_612] {strides = array<i32>} : memref<16384xi32, #tpu.memory_space<vmem>>, vector<16xi32>,
        %gather3A_614 = tpu.vector_load_idx %arg5[%get3A_613] : memref<100000xf32, #tpu.memory_space<vmem>>[vector<16xi32>], vector<16xf32>,
        %mul3A_615 = arith.constant 16 : i32
        %mul3A_616 = arith.muli %scan3A_607, %mul3A_615 : i32
        %swap3A_617 = arith.constant 0 : i32
        %swap3A_618 = arith.index_cast %swap3A_617 : i32 to index
        %swap3A_619 = arith.index_cast %mul3A_616 : i32 to index
        %swap3A_620 = tpu.vector_load %arg7[%swap3A_618, %swap3A_619] {strides = array<i32>} : memref<2x2048xf32, #tpu.memory_space<vmem>>, vector<16xf32>,
        tpu.vector_store %arg7[%swap3A_618, %swap3A_619], %gather3A_614 {strides = array<i32>} : memref<2x2048xf32, #tpu.memory_space<vmem>>, vector<16xf32>,
        %scan3A_621 = arith.constant 18 : i32
        %scan3A_622 = arith.addi %scan3A_355, %scan3A_621 : i32
        %mul3A_623 = arith.constant 16 : i32
        %mul3A_624 = arith.muli %scan3A_622, %mul3A_623 : i32
        %add3A_625 = arith.constant 8192 : i32
        %add3A_626 = arith.addi %add3A_625, %mul3A_624 : i32
        %get3A_627 = arith.index_cast %add3A_626 : i32 to index
        %get3A_628 = tpu.vector_load %arg6[%get3A_627] {strides = array<i32>} : memref<16384xi32, #tpu.memory_space<vmem>>, vector<16xi32>,
        %gather3A_629 = tpu.vector_load_idx %arg5[%get3A_628] : memref<100000xf32, #tpu.memory_space<vmem>>[vector<16xi32>], vector<16xf32>,
        %mul3A_630 = arith.constant 16 : i32
        %mul3A_631 = arith.muli %scan3A_622, %mul3A_630 : i32
        %swap3A_632 = arith.constant 0 : i32
        %swap3A_633 = arith.index_cast %swap3A_632 : i32 to index
        %swap3A_634 = arith.index_cast %mul3A_631 : i32 to index
        %swap3A_635 = tpu.vector_load %arg7[%swap3A_633, %swap3A_634] {strides = array<i32>} : memref<2x2048xf32, #tpu.memory_space<vmem>>, vector<16xf32>,
        tpu.vector_store %arg7[%swap3A_633, %swap3A_634], %gather3A_629 {strides = array<i32>} : memref<2x2048xf32, #tpu.memory_space<vmem>>, vector<16xf32>,
        %scan3A_636 = arith.constant 19 : i32
        %scan3A_637 = arith.addi %scan3A_355, %scan3A_636 : i32
        %mul3A_638 = arith.constant 16 : i32
        %mul3A_639 = arith.muli %scan3A_637, %mul3A_638 : i32
        %add3A_640 = arith.constant 8192 : i32
        %add3A_641 = arith.addi %add3A_640, %mul3A_639 : i32
        %get3A_642 = arith.index_cast %add3A_641 : i32 to index
        %get3A_643 = tpu.vector_load %arg6[%get3A_642] {strides = array<i32>} : memref<16384xi32, #tpu.memory_space<vmem>>, vector<16xi32>,
        %gather3A_644 = tpu.vector_load_idx %arg5[%get3A_643] : memref<100000xf32, #tpu.memory_space<vmem>>[vector<16xi32>], vector<16xf32>,
        %mul3A_645 = arith.constant 16 : i32
        %mul3A_646 = arith.muli %scan3A_637, %mul3A_645 : i32
        %swap3A_647 = arith.constant 0 : i32
        %swap3A_648 = arith.index_cast %swap3A_647 : i32 to index
        %swap3A_649 = arith.index_cast %mul3A_646 : i32 to index
        %swap3A_650 = tpu.vector_load %arg7[%swap3A_648, %swap3A_649] {strides = array<i32>} : memref<2x2048xf32, #tpu.memory_space<vmem>>, vector<16xf32>,
        tpu.vector_store %arg7[%swap3A_648, %swap3A_649], %gather3A_644 {strides = array<i32>} : memref<2x2048xf32, #tpu.memory_space<vmem>>, vector<16xf32>,
        %scan3A_651 = arith.constant 20 : i32
        %scan3A_652 = arith.addi %scan3A_355, %scan3A_651 : i32
        %mul3A_653 = arith.constant 16 : i32
        %mul3A_654 = arith.muli %scan3A_652, %mul3A_653 : i32
        %add3A_655 = arith.constant 8192 : i32
        %add3A_656 = arith.addi %add3A_655, %mul3A_654 : i32
        %get3A_657 = arith.index_cast %add3A_656 : i32 to index
        %get3A_658 = tpu.vector_load %arg6[%get3A_657] {strides = array<i32>} : memref<16384xi32, #tpu.memory_space<vmem>>, vector<16xi32>,
        %gather3A_659 = tpu.vector_load_idx %arg5[%get3A_658] : memref<100000xf32, #tpu.memory_space<vmem>>[vector<16xi32>], vector<16xf32>,
        %mul3A_660 = arith.constant 16 : i32
        %mul3A_661 = arith.muli %scan3A_652, %mul3A_660 : i32
        %swap3A_662 = arith.constant 0 : i32
        %swap3A_663 = arith.index_cast %swap3A_662 : i32 to index
        %swap3A_664 = arith.index_cast %mul3A_661 : i32 to index
        %swap3A_665 = tpu.vector_load %arg7[%swap3A_663, %swap3A_664] {strides = array<i32>} : memref<2x2048xf32, #tpu.memory_space<vmem>>, vector<16xf32>,
        tpu.vector_store %arg7[%swap3A_663, %swap3A_664], %gather3A_659 {strides = array<i32>} : memref<2x2048xf32, #tpu.memory_space<vmem>>, vector<16xf32>,
        %scan3A_666 = arith.constant 21 : i32
        %scan3A_667 = arith.addi %scan3A_355, %scan3A_666 : i32
        %mul3A_668 = arith.constant 16 : i32
        %mul3A_669 = arith.muli %scan3A_667, %mul3A_668 : i32
        %add3A_670 = arith.constant 8192 : i32
        %add3A_671 = arith.addi %add3A_670, %mul3A_669 : i32
        %get3A_672 = arith.index_cast %add3A_671 : i32 to index
        %get3A_673 = tpu.vector_load %arg6[%get3A_672] {strides = array<i32>} : memref<16384xi32, #tpu.memory_space<vmem>>, vector<16xi32>,
        %gather3A_674 = tpu.vector_load_idx %arg5[%get3A_673] : memref<100000xf32, #tpu.memory_space<vmem>>[vector<16xi32>], vector<16xf32>,
        %mul3A_675 = arith.constant 16 : i32
        %mul3A_676 = arith.muli %scan3A_667, %mul3A_675 : i32
        %swap3A_677 = arith.constant 0 : i32
        %swap3A_678 = arith.index_cast %swap3A_677 : i32 to index
        %swap3A_679 = arith.index_cast %mul3A_676 : i32 to index
        %swap3A_680 = tpu.vector_load %arg7[%swap3A_678, %swap3A_679] {strides = array<i32>} : memref<2x2048xf32, #tpu.memory_space<vmem>>, vector<16xf32>,
        tpu.vector_store %arg7[%swap3A_678, %swap3A_679], %gather3A_674 {strides = array<i32>} : memref<2x2048xf32, #tpu.memory_space<vmem>>, vector<16xf32>,
        %scan3A_681 = arith.constant 22 : i32
        %scan3A_682 = arith.addi %scan3A_355, %scan3A_681 : i32
        %mul3A_683 = arith.constant 16 : i32
        %mul3A_684 = arith.muli %scan3A_682, %mul3A_683 : i32
        %add3A_685 = arith.constant 8192 : i32
        %add3A_686 = arith.addi %add3A_685, %mul3A_684 : i32
        %get3A_687 = arith.index_cast %add3A_686 : i32 to index
        %get3A_688 = tpu.vector_load %arg6[%get3A_687] {strides = array<i32>} : memref<16384xi32, #tpu.memory_space<vmem>>, vector<16xi32>,
        %gather3A_689 = tpu.vector_load_idx %arg5[%get3A_688] : memref<100000xf32, #tpu.memory_space<vmem>>[vector<16xi32>], vector<16xf32>,
        %mul3A_690 = arith.constant 16 : i32
        %mul3A_691 = arith.muli %scan3A_682, %mul3A_690 : i32
        %swap3A_692 = arith.constant 0 : i32
        %swap3A_693 = arith.index_cast %swap3A_692 : i32 to index
        %swap3A_694 = arith.index_cast %mul3A_691 : i32 to index
        %swap3A_695 = tpu.vector_load %arg7[%swap3A_693, %swap3A_694] {strides = array<i32>} : memref<2x2048xf32, #tpu.memory_space<vmem>>, vector<16xf32>,
        tpu.vector_store %arg7[%swap3A_693, %swap3A_694], %gather3A_689 {strides = array<i32>} : memref<2x2048xf32, #tpu.memory_space<vmem>>, vector<16xf32>,
        %scan3A_696 = arith.constant 23 : i32
        %scan3A_697 = arith.addi %scan3A_355, %scan3A_696 : i32
        %mul3A_698 = arith.constant 16 : i32
        %mul3A_699 = arith.muli %scan3A_697, %mul3A_698 : i32
        %add3A_700 = arith.constant 8192 : i32
        %add3A_701 = arith.addi %add3A_700, %mul3A_699 : i32
        %get3A_702 = arith.index_cast %add3A_701 : i32 to index
        %get3A_703 = tpu.vector_load %arg6[%get3A_702] {strides = array<i32>} : memref<16384xi32, #tpu.memory_space<vmem>>, vector<16xi32>,
        %gather3A_704 = tpu.vector_load_idx %arg5[%get3A_703] : memref<100000xf32, #tpu.memory_space<vmem>>[vector<16xi32>], vector<16xf32>,
        %mul3A_705 = arith.constant 16 : i32
        %mul3A_706 = arith.muli %scan3A_697, %mul3A_705 : i32
        %swap3A_707 = arith.constant 0 : i32
        %swap3A_708 = arith.index_cast %swap3A_707 : i32 to index
        %swap3A_709 = arith.index_cast %mul3A_706 : i32 to index
        %swap3A_710 = tpu.vector_load %arg7[%swap3A_708, %swap3A_709] {strides = array<i32>} : memref<2x2048xf32, #tpu.memory_space<vmem>>, vector<16xf32>,
        tpu.vector_store %arg7[%swap3A_708, %swap3A_709], %gather3A_704 {strides = array<i32>} : memref<2x2048xf32, #tpu.memory_space<vmem>>, vector<16xf32>,
        %scan3A_711 = arith.constant 24 : i32
        %scan3A_712 = arith.addi %scan3A_355, %scan3A_711 : i32
        %mul3A_713 = arith.constant 16 : i32
        %mul3A_714 = arith.muli %scan3A_712, %mul3A_713 : i32
        %add3A_715 = arith.constant 8192 : i32
        %add3A_716 = arith.addi %add3A_715, %mul3A_714 : i32
        %get3A_717 = arith.index_cast %add3A_716 : i32 to index
        %get3A_718 = tpu.vector_load %arg6[%get3A_717] {strides = array<i32>} : memref<16384xi32, #tpu.memory_space<vmem>>, vector<16xi32>,
        %gather3A_719 = tpu.vector_load_idx %arg5[%get3A_718] : memref<100000xf32, #tpu.memory_space<vmem>>[vector<16xi32>], vector<16xf32>,
        %mul3A_720 = arith.constant 16 : i32
        %mul3A_721 = arith.muli %scan3A_712, %mul3A_720 : i32
        %swap3A_722 = arith.constant 0 : i32
        %swap3A_723 = arith.index_cast %swap3A_722 : i32 to index
        %swap3A_724 = arith.index_cast %mul3A_721 : i32 to index
        %swap3A_725 = tpu.vector_load %arg7[%swap3A_723, %swap3A_724] {strides = array<i32>} : memref<2x2048xf32, #tpu.memory_space<vmem>>, vector<16xf32>,
        tpu.vector_store %arg7[%swap3A_723, %swap3A_724], %gather3A_719 {strides = array<i32>} : memref<2x2048xf32, #tpu.memory_space<vmem>>, vector<16xf32>,
        %scan3A_726 = arith.constant 25 : i32
        %scan3A_727 = arith.addi %scan3A_355, %scan3A_726 : i32
        %mul3A_728 = arith.constant 16 : i32
        %mul3A_729 = arith.muli %scan3A_727, %mul3A_728 : i32
        %add3A_730 = arith.constant 8192 : i32
        %add3A_731 = arith.addi %add3A_730, %mul3A_729 : i32
        %get3A_732 = arith.index_cast %add3A_731 : i32 to index
        %get3A_733 = tpu.vector_load %arg6[%get3A_732] {strides = array<i32>} : memref<16384xi32, #tpu.memory_space<vmem>>, vector<16xi32>,
        %gather3A_734 = tpu.vector_load_idx %arg5[%get3A_733] : memref<100000xf32, #tpu.memory_space<vmem>>[vector<16xi32>], vector<16xf32>,
        %mul3A_735 = arith.constant 16 : i32
        %mul3A_736 = arith.muli %scan3A_727, %mul3A_735 : i32
        %swap3A_737 = arith.constant 0 : i32
        %swap3A_738 = arith.index_cast %swap3A_737 : i32 to index
        %swap3A_739 = arith.index_cast %mul3A_736 : i32 to index
        %swap3A_740 = tpu.vector_load %arg7[%swap3A_738, %swap3A_739] {strides = array<i32>} : memref<2x2048xf32, #tpu.memory_space<vmem>>, vector<16xf32>,
        tpu.vector_store %arg7[%swap3A_738, %swap3A_739], %gather3A_734 {strides = array<i32>} : memref<2x2048xf32, #tpu.memory_space<vmem>>, vector<16xf32>,
        %scan3A_741 = arith.constant 26 : i32
        %scan3A_742 = arith.addi %scan3A_355, %scan3A_741 : i32
        %mul3A_743 = arith.constant 16 : i32
        %mul3A_744 = arith.muli %scan3A_742, %mul3A_743 : i32
        %add3A_745 = arith.constant 8192 : i32
        %add3A_746 = arith.addi %add3A_745, %mul3A_744 : i32
        %get3A_747 = arith.index_cast %add3A_746 : i32 to index
        %get3A_748 = tpu.vector_load %arg6[%get3A_747] {strides = array<i32>} : memref<16384xi32, #tpu.memory_space<vmem>>, vector<16xi32>,
        %gather3A_749 = tpu.vector_load_idx %arg5[%get3A_748] : memref<100000xf32, #tpu.memory_space<vmem>>[vector<16xi32>], vector<16xf32>,
        %mul3A_750 = arith.constant 16 : i32
        %mul3A_751 = arith.muli %scan3A_742, %mul3A_750 : i32
        %swap3A_752 = arith.constant 0 : i32
        %swap3A_753 = arith.index_cast %swap3A_752 : i32 to index
        %swap3A_754 = arith.index_cast %mul3A_751 : i32 to index
        %swap3A_755 = tpu.vector_load %arg7[%swap3A_753, %swap3A_754] {strides = array<i32>} : memref<2x2048xf32, #tpu.memory_space<vmem>>, vector<16xf32>,
        tpu.vector_store %arg7[%swap3A_753, %swap3A_754], %gather3A_749 {strides = array<i32>} : memref<2x2048xf32, #tpu.memory_space<vmem>>, vector<16xf32>,
        %scan3A_756 = arith.constant 27 : i32
        %scan3A_757 = arith.addi %scan3A_355, %scan3A_756 : i32
        %mul3A_758 = arith.constant 16 : i32
        %mul3A_759 = arith.muli %scan3A_757, %mul3A_758 : i32
        %add3A_760 = arith.constant 8192 : i32
        %add3A_761 = arith.addi %add3A_760, %mul3A_759 : i32
        %get3A_762 = arith.index_cast %add3A_761 : i32 to index
        %get3A_763 = tpu.vector_load %arg6[%get3A_762] {strides = array<i32>} : memref<16384xi32, #tpu.memory_space<vmem>>, vector<16xi32>,
        %gather3A_764 = tpu.vector_load_idx %arg5[%get3A_763] : memref<100000xf32, #tpu.memory_space<vmem>>[vector<16xi32>], vector<16xf32>,
        %mul3A_765 = arith.constant 16 : i32
        %mul3A_766 = arith.muli %scan3A_757, %mul3A_765 : i32
        %swap3A_767 = arith.constant 0 : i32
        %swap3A_768 = arith.index_cast %swap3A_767 : i32 to index
        %swap3A_769 = arith.index_cast %mul3A_766 : i32 to index
        %swap3A_770 = tpu.vector_load %arg7[%swap3A_768, %swap3A_769] {strides = array<i32>} : memref<2x2048xf32, #tpu.memory_space<vmem>>, vector<16xf32>,
        tpu.vector_store %arg7[%swap3A_768, %swap3A_769], %gather3A_764 {strides = array<i32>} : memref<2x2048xf32, #tpu.memory_space<vmem>>, vector<16xf32>,
        %scan3A_771 = arith.constant 28 : i32
        %scan3A_772 = arith.addi %scan3A_355, %scan3A_771 : i32
        %mul3A_773 = arith.constant 16 : i32
        %mul3A_774 = arith.muli %scan3A_772, %mul3A_773 : i32
        %add3A_775 = arith.constant 8192 : i32
        %add3A_776 = arith.addi %add3A_775, %mul3A_774 : i32
        %get3A_777 = arith.index_cast %add3A_776 : i32 to index
        %get3A_778 = tpu.vector_load %arg6[%get3A_777] {strides = array<i32>} : memref<16384xi32, #tpu.memory_space<vmem>>, vector<16xi32>,
        %gather3A_779 = tpu.vector_load_idx %arg5[%get3A_778] : memref<100000xf32, #tpu.memory_space<vmem>>[vector<16xi32>], vector<16xf32>,
        %mul3A_780 = arith.constant 16 : i32
        %mul3A_781 = arith.muli %scan3A_772, %mul3A_780 : i32
        %swap3A_782 = arith.constant 0 : i32
        %swap3A_783 = arith.index_cast %swap3A_782 : i32 to index
        %swap3A_784 = arith.index_cast %mul3A_781 : i32 to index
        %swap3A_785 = tpu.vector_load %arg7[%swap3A_783, %swap3A_784] {strides = array<i32>} : memref<2x2048xf32, #tpu.memory_space<vmem>>, vector<16xf32>,
        tpu.vector_store %arg7[%swap3A_783, %swap3A_784], %gather3A_779 {strides = array<i32>} : memref<2x2048xf32, #tpu.memory_space<vmem>>, vector<16xf32>,
        %scan3A_786 = arith.constant 29 : i32
        %scan3A_787 = arith.addi %scan3A_355, %scan3A_786 : i32
        %mul3A_788 = arith.constant 16 : i32
        %mul3A_789 = arith.muli %scan3A_787, %mul3A_788 : i32
        %add3A_790 = arith.constant 8192 : i32
        %add3A_791 = arith.addi %add3A_790, %mul3A_789 : i32
        %get3A_792 = arith.index_cast %add3A_791 : i32 to index
        %get3A_793 = tpu.vector_load %arg6[%get3A_792] {strides = array<i32>} : memref<16384xi32, #tpu.memory_space<vmem>>, vector<16xi32>,
        %gather3A_794 = tpu.vector_load_idx %arg5[%get3A_793] : memref<100000xf32, #tpu.memory_space<vmem>>[vector<16xi32>], vector<16xf32>,
        %mul3A_795 = arith.constant 16 : i32
        %mul3A_796 = arith.muli %scan3A_787, %mul3A_795 : i32
        %swap3A_797 = arith.constant 0 : i32
        %swap3A_798 = arith.index_cast %swap3A_797 : i32 to index
        %swap3A_799 = arith.index_cast %mul3A_796 : i32 to index
        %swap3A_800 = tpu.vector_load %arg7[%swap3A_798, %swap3A_799] {strides = array<i32>} : memref<2x2048xf32, #tpu.memory_space<vmem>>, vector<16xf32>,
        tpu.vector_store %arg7[%swap3A_798, %swap3A_799], %gather3A_794 {strides = array<i32>} : memref<2x2048xf32, #tpu.memory_space<vmem>>, vector<16xf32>,
        %scan3A_801 = arith.constant 30 : i32
        %scan3A_802 = arith.addi %scan3A_355, %scan3A_801 : i32
        %mul3A_803 = arith.constant 16 : i32
        %mul3A_804 = arith.muli %scan3A_802, %mul3A_803 : i32
        %add3A_805 = arith.constant 8192 : i32
        %add3A_806 = arith.addi %add3A_805, %mul3A_804 : i32
        %get3A_807 = arith.index_cast %add3A_806 : i32 to index
        %get3A_808 = tpu.vector_load %arg6[%get3A_807] {strides = array<i32>} : memref<16384xi32, #tpu.memory_space<vmem>>, vector<16xi32>,
        %gather3A_809 = tpu.vector_load_idx %arg5[%get3A_808] : memref<100000xf32, #tpu.memory_space<vmem>>[vector<16xi32>], vector<16xf32>,
        %mul3A_810 = arith.constant 16 : i32
        %mul3A_811 = arith.muli %scan3A_802, %mul3A_810 : i32
        %swap3A_812 = arith.constant 0 : i32
        %swap3A_813 = arith.index_cast %swap3A_812 : i32 to index
        %swap3A_814 = arith.index_cast %mul3A_811 : i32 to index
        %swap3A_815 = tpu.vector_load %arg7[%swap3A_813, %swap3A_814] {strides = array<i32>} : memref<2x2048xf32, #tpu.memory_space<vmem>>, vector<16xf32>,
        tpu.vector_store %arg7[%swap3A_813, %swap3A_814], %gather3A_809 {strides = array<i32>} : memref<2x2048xf32, #tpu.memory_space<vmem>>, vector<16xf32>,
        %scan3A_816 = arith.constant 31 : i32
        %scan3A_817 = arith.addi %scan3A_355, %scan3A_816 : i32
        %mul3A_818 = arith.constant 16 : i32
        %mul3A_819 = arith.muli %scan3A_817, %mul3A_818 : i32
        %add3A_820 = arith.constant 8192 : i32
        %add3A_821 = arith.addi %add3A_820, %mul3A_819 : i32
        %get3A_822 = arith.index_cast %add3A_821 : i32 to index
        %get3A_823 = tpu.vector_load %arg6[%get3A_822] {strides = array<i32>} : memref<16384xi32, #tpu.memory_space<vmem>>, vector<16xi32>,
        %gather3A_824 = tpu.vector_load_idx %arg5[%get3A_823] : memref<100000xf32, #tpu.memory_space<vmem>>[vector<16xi32>], vector<16xf32>,
        %mul3A_825 = arith.constant 16 : i32
        %mul3A_826 = arith.muli %scan3A_817, %mul3A_825 : i32
        %swap3A_827 = arith.constant 0 : i32
        %swap3A_828 = arith.index_cast %swap3A_827 : i32 to index
        %swap3A_829 = arith.index_cast %mul3A_826 : i32 to index
        %swap3A_830 = tpu.vector_load %arg7[%swap3A_828, %swap3A_829] {strides = array<i32>} : memref<2x2048xf32, #tpu.memory_space<vmem>>, vector<16xf32>,
        tpu.vector_store %arg7[%swap3A_828, %swap3A_829], %gather3A_824 {strides = array<i32>} : memref<2x2048xf32, #tpu.memory_space<vmem>>, vector<16xf32>,
      }
      %scan3A_213 = arith.constant 128 : i32
      %dma_start3A_214 = arith.constant 0 : i32
      %dma_start3A_215 = arith.constant 0 : i32
      %dma_start3A_216 = tpu.memref_slice %arg7[%dma_start3A_214, %dma_start3A_215] : memref<2x2048xf32, #tpu.memory_space<vmem>> -> memref<1x2048xf32, #tpu.memory_space<vmem>>
      %dma_start3A_217 = tpu.memref_squeeze %dma_start3A_216 : memref<1x2048xf32, #tpu.memory_space<vmem>> -> memref<2048xf32, #tpu.memory_space<vmem>>
      %dma_start3A_218 = arith.constant 8192 : i32
      %dma_start3A_219 = tpu.memref_slice %arg4[%add3A_32, %dma_start3A_218] : memref<832x16384xf32, #tpu.memory_space<hbm>> -> memref<1x2048xf32, #tpu.memory_space<hbm>>
      %dma_start3A_220 = tpu.memref_squeeze %dma_start3A_219 : memref<1x2048xf32, #tpu.memory_space<hbm>> -> memref<2048xf32, #tpu.memory_space<hbm>>
      %dma_start3A_221 = arith.constant 8192 : i32
      %dma_start3A_222 = tpu.memref_slice %arg4[%add3A_32, %dma_start3A_221] : memref<832x16384xf32, #tpu.memory_space<hbm>> -> memref<1x2048xf32, #tpu.memory_space<hbm>>
      %dma_start3A_223 = tpu.memref_squeeze %dma_start3A_222 : memref<1x2048xf32, #tpu.memory_space<hbm>> -> memref<2048xf32, #tpu.memory_space<hbm>>
      %dma_start3A_224 = arith.constant 0 : i32
      %dma_start3A_225 = tpu.memref_slice %arg7[%dma_start3A_214, %dma_start3A_224] : memref<2x2048xf32, #tpu.memory_space<vmem>> -> memref<1x2048xf32, #tpu.memory_space<vmem>>
      %dma_start3A_226 = tpu.memref_squeeze %dma_start3A_225 : memref<1x2048xf32, #tpu.memory_space<vmem>> -> memref<2048xf32, #tpu.memory_space<vmem>>
      tpu.enqueue_dma source(%dma_start3A_226 : memref<2048xf32, #tpu.memory_space<vmem>>) target(%dma_start3A_223 : memref<2048xf32, #tpu.memory_space<hbm>>) target_semaphore(%arg10 : memref<!tpu.dma_semaphore, #tpu.memory_space<semaphore_mem>>)
      %dma_wait3A_227 = arith.constant 1 : i32
      %dma_wait3A_228 = arith.constant 0 : i32
      %dma_wait3A_229 = tpu.memref_slice %arg7[%dma_wait3A_227, %dma_wait3A_228] : memref<2x2048xf32, #tpu.memory_space<vmem>> -> memref<1x2048xf32, #tpu.memory_space<vmem>>
      %dma_wait3A_230 = tpu.memref_squeeze %dma_wait3A_229 : memref<1x2048xf32, #tpu.memory_space<vmem>> -> memref<2048xf32, #tpu.memory_space<vmem>>
      %dma_wait3A_231 = arith.constant 6144 : i32
      %dma_wait3A_232 = tpu.memref_slice %arg4[%add3A_32, %dma_wait3A_231] : memref<832x16384xf32, #tpu.memory_space<hbm>> -> memref<1x2048xf32, #tpu.memory_space<hbm>>
      %dma_wait3A_233 = tpu.memref_squeeze %dma_wait3A_232 : memref<1x2048xf32, #tpu.memory_space<hbm>> -> memref<2048xf32, #tpu.memory_space<hbm>>
      %dma_wait3A_234 = arith.constant 6144 : i32
      %dma_wait3A_235 = tpu.memref_slice %arg4[%add3A_32, %dma_wait3A_234] : memref<832x16384xf32, #tpu.memory_space<hbm>> -> memref<1x2048xf32, #tpu.memory_space<hbm>>
      %dma_wait3A_236 = tpu.memref_squeeze %dma_wait3A_235 : memref<1x2048xf32, #tpu.memory_space<hbm>> -> memref<2048xf32, #tpu.memory_space<hbm>>
      %dma_wait3A_237 = arith.constant 0 : i32
      %dma_wait3A_238 = tpu.memref_slice %arg7[%dma_wait3A_227, %dma_wait3A_237] : memref<2x2048xf32, #tpu.memory_space<vmem>> -> memref<1x2048xf32, #tpu.memory_space<vmem>>
      %dma_wait3A_239 = tpu.memref_squeeze %dma_wait3A_238 : memref<1x2048xf32, #tpu.memory_space<vmem>> -> memref<2048xf32, #tpu.memory_space<vmem>>
      tpu.wait_dma2 semaphore(%arg10 : memref<!tpu.dma_semaphore, #tpu.memory_space<semaphore_mem>>) src(%dma_wait3A_239 : memref<2048xf32, #tpu.memory_space<vmem>>) dst(%dma_wait3A_236 : memref<2048xf32, #tpu.memory_space<hbm>>)
      %scan3A_240 = arith.constant 0 : i32
      %scan3A_241 = arith.constant 0 : i32
      %scan3A_242 = arith.constant 128 : i32
      %scan3A_243 = arith.addi %scan3A_241, %scan3A_242 : i32
      %scan3A_244 = arith.constant 32 : i32
      scf.for %scan3A_355 = %scan3A_241 to %scan3A_243 step %scan3A_244  : i32 {
        %mul3A_356 = arith.constant 16 : i32
        %mul3A_357 = arith.muli %scan3A_355, %mul3A_356 : i32
        %add3A_358 = arith.constant 10240 : i32
        %add3A_359 = arith.addi %add3A_358, %mul3A_357 : i32
        %get3A = arith.index_cast %add3A_359 : i32 to index
        %get3A_360 = tpu.vector_load %arg6[%get3A] {strides = array<i32>} : memref<16384xi32, #tpu.memory_space<vmem>>, vector<16xi32>,
        %gather3A = tpu.vector_load_idx %arg5[%get3A_360] : memref<100000xf32, #tpu.memory_space<vmem>>[vector<16xi32>], vector<16xf32>,
        %mul3A_361 = arith.constant 16 : i32
        %mul3A_362 = arith.muli %scan3A_355, %mul3A_361 : i32
        %swap3A = arith.constant 1 : i32
        %swap3A_363 = arith.index_cast %swap3A : i32 to index
        %swap3A_364 = arith.index_cast %mul3A_362 : i32 to index
        %swap3A_365 = tpu.vector_load %arg7[%swap3A_363, %swap3A_364] {strides = array<i32>} : memref<2x2048xf32, #tpu.memory_space<vmem>>, vector<16xf32>,
        tpu.vector_store %arg7[%swap3A_363, %swap3A_364], %gather3A {strides = array<i32>} : memref<2x2048xf32, #tpu.memory_space<vmem>>, vector<16xf32>,
        %scan3A_366 = arith.constant 1 : i32
        %scan3A_367 = arith.addi %scan3A_355, %scan3A_366 : i32
        %mul3A_368 = arith.constant 16 : i32
        %mul3A_369 = arith.muli %scan3A_367, %mul3A_368 : i32
        %add3A_370 = arith.constant 10240 : i32
        %add3A_371 = arith.addi %add3A_370, %mul3A_369 : i32
        %get3A_372 = arith.index_cast %add3A_371 : i32 to index
        %get3A_373 = tpu.vector_load %arg6[%get3A_372] {strides = array<i32>} : memref<16384xi32, #tpu.memory_space<vmem>>, vector<16xi32>,
        %gather3A_374 = tpu.vector_load_idx %arg5[%get3A_373] : memref<100000xf32, #tpu.memory_space<vmem>>[vector<16xi32>], vector<16xf32>,
        %mul3A_375 = arith.constant 16 : i32
        %mul3A_376 = arith.muli %scan3A_367, %mul3A_375 : i32
        %swap3A_377 = arith.constant 1 : i32
        %swap3A_378 = arith.index_cast %swap3A_377 : i32 to index
        %swap3A_379 = arith.index_cast %mul3A_376 : i32 to index
        %swap3A_380 = tpu.vector_load %arg7[%swap3A_378, %swap3A_379] {strides = array<i32>} : memref<2x2048xf32, #tpu.memory_space<vmem>>, vector<16xf32>,
        tpu.vector_store %arg7[%swap3A_378, %swap3A_379], %gather3A_374 {strides = array<i32>} : memref<2x2048xf32, #tpu.memory_space<vmem>>, vector<16xf32>,
        %scan3A_381 = arith.constant 2 : i32
        %scan3A_382 = arith.addi %scan3A_355, %scan3A_381 : i32
        %mul3A_383 = arith.constant 16 : i32
        %mul3A_384 = arith.muli %scan3A_382, %mul3A_383 : i32
        %add3A_385 = arith.constant 10240 : i32
        %add3A_386 = arith.addi %add3A_385, %mul3A_384 : i32
        %get3A_387 = arith.index_cast %add3A_386 : i32 to index
        %get3A_388 = tpu.vector_load %arg6[%get3A_387] {strides = array<i32>} : memref<16384xi32, #tpu.memory_space<vmem>>, vector<16xi32>,
        %gather3A_389 = tpu.vector_load_idx %arg5[%get3A_388] : memref<100000xf32, #tpu.memory_space<vmem>>[vector<16xi32>], vector<16xf32>,
        %mul3A_390 = arith.constant 16 : i32
        %mul3A_391 = arith.muli %scan3A_382, %mul3A_390 : i32
        %swap3A_392 = arith.constant 1 : i32
        %swap3A_393 = arith.index_cast %swap3A_392 : i32 to index
        %swap3A_394 = arith.index_cast %mul3A_391 : i32 to index
        %swap3A_395 = tpu.vector_load %arg7[%swap3A_393, %swap3A_394] {strides = array<i32>} : memref<2x2048xf32, #tpu.memory_space<vmem>>, vector<16xf32>,
        tpu.vector_store %arg7[%swap3A_393, %swap3A_394], %gather3A_389 {strides = array<i32>} : memref<2x2048xf32, #tpu.memory_space<vmem>>, vector<16xf32>,
        %scan3A_396 = arith.constant 3 : i32
        %scan3A_397 = arith.addi %scan3A_355, %scan3A_396 : i32
        %mul3A_398 = arith.constant 16 : i32
        %mul3A_399 = arith.muli %scan3A_397, %mul3A_398 : i32
        %add3A_400 = arith.constant 10240 : i32
        %add3A_401 = arith.addi %add3A_400, %mul3A_399 : i32
        %get3A_402 = arith.index_cast %add3A_401 : i32 to index
        %get3A_403 = tpu.vector_load %arg6[%get3A_402] {strides = array<i32>} : memref<16384xi32, #tpu.memory_space<vmem>>, vector<16xi32>,
        %gather3A_404 = tpu.vector_load_idx %arg5[%get3A_403] : memref<100000xf32, #tpu.memory_space<vmem>>[vector<16xi32>], vector<16xf32>,
        %mul3A_405 = arith.constant 16 : i32
        %mul3A_406 = arith.muli %scan3A_397, %mul3A_405 : i32
        %swap3A_407 = arith.constant 1 : i32
        %swap3A_408 = arith.index_cast %swap3A_407 : i32 to index
        %swap3A_409 = arith.index_cast %mul3A_406 : i32 to index
        %swap3A_410 = tpu.vector_load %arg7[%swap3A_408, %swap3A_409] {strides = array<i32>} : memref<2x2048xf32, #tpu.memory_space<vmem>>, vector<16xf32>,
        tpu.vector_store %arg7[%swap3A_408, %swap3A_409], %gather3A_404 {strides = array<i32>} : memref<2x2048xf32, #tpu.memory_space<vmem>>, vector<16xf32>,
        %scan3A_411 = arith.constant 4 : i32
        %scan3A_412 = arith.addi %scan3A_355, %scan3A_411 : i32
        %mul3A_413 = arith.constant 16 : i32
        %mul3A_414 = arith.muli %scan3A_412, %mul3A_413 : i32
        %add3A_415 = arith.constant 10240 : i32
        %add3A_416 = arith.addi %add3A_415, %mul3A_414 : i32
        %get3A_417 = arith.index_cast %add3A_416 : i32 to index
        %get3A_418 = tpu.vector_load %arg6[%get3A_417] {strides = array<i32>} : memref<16384xi32, #tpu.memory_space<vmem>>, vector<16xi32>,
        %gather3A_419 = tpu.vector_load_idx %arg5[%get3A_418] : memref<100000xf32, #tpu.memory_space<vmem>>[vector<16xi32>], vector<16xf32>,
        %mul3A_420 = arith.constant 16 : i32
        %mul3A_421 = arith.muli %scan3A_412, %mul3A_420 : i32
        %swap3A_422 = arith.constant 1 : i32
        %swap3A_423 = arith.index_cast %swap3A_422 : i32 to index
        %swap3A_424 = arith.index_cast %mul3A_421 : i32 to index
        %swap3A_425 = tpu.vector_load %arg7[%swap3A_423, %swap3A_424] {strides = array<i32>} : memref<2x2048xf32, #tpu.memory_space<vmem>>, vector<16xf32>,
        tpu.vector_store %arg7[%swap3A_423, %swap3A_424], %gather3A_419 {strides = array<i32>} : memref<2x2048xf32, #tpu.memory_space<vmem>>, vector<16xf32>,
        %scan3A_426 = arith.constant 5 : i32
        %scan3A_427 = arith.addi %scan3A_355, %scan3A_426 : i32
        %mul3A_428 = arith.constant 16 : i32
        %mul3A_429 = arith.muli %scan3A_427, %mul3A_428 : i32
        %add3A_430 = arith.constant 10240 : i32
        %add3A_431 = arith.addi %add3A_430, %mul3A_429 : i32
        %get3A_432 = arith.index_cast %add3A_431 : i32 to index
        %get3A_433 = tpu.vector_load %arg6[%get3A_432] {strides = array<i32>} : memref<16384xi32, #tpu.memory_space<vmem>>, vector<16xi32>,
        %gather3A_434 = tpu.vector_load_idx %arg5[%get3A_433] : memref<100000xf32, #tpu.memory_space<vmem>>[vector<16xi32>], vector<16xf32>,
        %mul3A_435 = arith.constant 16 : i32
        %mul3A_436 = arith.muli %scan3A_427, %mul3A_435 : i32
        %swap3A_437 = arith.constant 1 : i32
        %swap3A_438 = arith.index_cast %swap3A_437 : i32 to index
        %swap3A_439 = arith.index_cast %mul3A_436 : i32 to index
        %swap3A_440 = tpu.vector_load %arg7[%swap3A_438, %swap3A_439] {strides = array<i32>} : memref<2x2048xf32, #tpu.memory_space<vmem>>, vector<16xf32>,
        tpu.vector_store %arg7[%swap3A_438, %swap3A_439], %gather3A_434 {strides = array<i32>} : memref<2x2048xf32, #tpu.memory_space<vmem>>, vector<16xf32>,
        %scan3A_441 = arith.constant 6 : i32
        %scan3A_442 = arith.addi %scan3A_355, %scan3A_441 : i32
        %mul3A_443 = arith.constant 16 : i32
        %mul3A_444 = arith.muli %scan3A_442, %mul3A_443 : i32
        %add3A_445 = arith.constant 10240 : i32
        %add3A_446 = arith.addi %add3A_445, %mul3A_444 : i32
        %get3A_447 = arith.index_cast %add3A_446 : i32 to index
        %get3A_448 = tpu.vector_load %arg6[%get3A_447] {strides = array<i32>} : memref<16384xi32, #tpu.memory_space<vmem>>, vector<16xi32>,
        %gather3A_449 = tpu.vector_load_idx %arg5[%get3A_448] : memref<100000xf32, #tpu.memory_space<vmem>>[vector<16xi32>], vector<16xf32>,
        %mul3A_450 = arith.constant 16 : i32
        %mul3A_451 = arith.muli %scan3A_442, %mul3A_450 : i32
        %swap3A_452 = arith.constant 1 : i32
        %swap3A_453 = arith.index_cast %swap3A_452 : i32 to index
        %swap3A_454 = arith.index_cast %mul3A_451 : i32 to index
        %swap3A_455 = tpu.vector_load %arg7[%swap3A_453, %swap3A_454] {strides = array<i32>} : memref<2x2048xf32, #tpu.memory_space<vmem>>, vector<16xf32>,
        tpu.vector_store %arg7[%swap3A_453, %swap3A_454], %gather3A_449 {strides = array<i32>} : memref<2x2048xf32, #tpu.memory_space<vmem>>, vector<16xf32>,
        %scan3A_456 = arith.constant 7 : i32
        %scan3A_457 = arith.addi %scan3A_355, %scan3A_456 : i32
        %mul3A_458 = arith.constant 16 : i32
        %mul3A_459 = arith.muli %scan3A_457, %mul3A_458 : i32
        %add3A_460 = arith.constant 10240 : i32
        %add3A_461 = arith.addi %add3A_460, %mul3A_459 : i32
        %get3A_462 = arith.index_cast %add3A_461 : i32 to index
        %get3A_463 = tpu.vector_load %arg6[%get3A_462] {strides = array<i32>} : memref<16384xi32, #tpu.memory_space<vmem>>, vector<16xi32>,
        %gather3A_464 = tpu.vector_load_idx %arg5[%get3A_463] : memref<100000xf32, #tpu.memory_space<vmem>>[vector<16xi32>], vector<16xf32>,
        %mul3A_465 = arith.constant 16 : i32
        %mul3A_466 = arith.muli %scan3A_457, %mul3A_465 : i32
        %swap3A_467 = arith.constant 1 : i32
        %swap3A_468 = arith.index_cast %swap3A_467 : i32 to index
        %swap3A_469 = arith.index_cast %mul3A_466 : i32 to index
        %swap3A_470 = tpu.vector_load %arg7[%swap3A_468, %swap3A_469] {strides = array<i32>} : memref<2x2048xf32, #tpu.memory_space<vmem>>, vector<16xf32>,
        tpu.vector_store %arg7[%swap3A_468, %swap3A_469], %gather3A_464 {strides = array<i32>} : memref<2x2048xf32, #tpu.memory_space<vmem>>, vector<16xf32>,
        %scan3A_471 = arith.constant 8 : i32
        %scan3A_472 = arith.addi %scan3A_355, %scan3A_471 : i32
        %mul3A_473 = arith.constant 16 : i32
        %mul3A_474 = arith.muli %scan3A_472, %mul3A_473 : i32
        %add3A_475 = arith.constant 10240 : i32
        %add3A_476 = arith.addi %add3A_475, %mul3A_474 : i32
        %get3A_477 = arith.index_cast %add3A_476 : i32 to index
        %get3A_478 = tpu.vector_load %arg6[%get3A_477] {strides = array<i32>} : memref<16384xi32, #tpu.memory_space<vmem>>, vector<16xi32>,
        %gather3A_479 = tpu.vector_load_idx %arg5[%get3A_478] : memref<100000xf32, #tpu.memory_space<vmem>>[vector<16xi32>], vector<16xf32>,
        %mul3A_480 = arith.constant 16 : i32
        %mul3A_481 = arith.muli %scan3A_472, %mul3A_480 : i32
        %swap3A_482 = arith.constant 1 : i32
        %swap3A_483 = arith.index_cast %swap3A_482 : i32 to index
        %swap3A_484 = arith.index_cast %mul3A_481 : i32 to index
        %swap3A_485 = tpu.vector_load %arg7[%swap3A_483, %swap3A_484] {strides = array<i32>} : memref<2x2048xf32, #tpu.memory_space<vmem>>, vector<16xf32>,
        tpu.vector_store %arg7[%swap3A_483, %swap3A_484], %gather3A_479 {strides = array<i32>} : memref<2x2048xf32, #tpu.memory_space<vmem>>, vector<16xf32>,
        %scan3A_486 = arith.constant 9 : i32
        %scan3A_487 = arith.addi %scan3A_355, %scan3A_486 : i32
        %mul3A_488 = arith.constant 16 : i32
        %mul3A_489 = arith.muli %scan3A_487, %mul3A_488 : i32
        %add3A_490 = arith.constant 10240 : i32
        %add3A_491 = arith.addi %add3A_490, %mul3A_489 : i32
        %get3A_492 = arith.index_cast %add3A_491 : i32 to index
        %get3A_493 = tpu.vector_load %arg6[%get3A_492] {strides = array<i32>} : memref<16384xi32, #tpu.memory_space<vmem>>, vector<16xi32>,
        %gather3A_494 = tpu.vector_load_idx %arg5[%get3A_493] : memref<100000xf32, #tpu.memory_space<vmem>>[vector<16xi32>], vector<16xf32>,
        %mul3A_495 = arith.constant 16 : i32
        %mul3A_496 = arith.muli %scan3A_487, %mul3A_495 : i32
        %swap3A_497 = arith.constant 1 : i32
        %swap3A_498 = arith.index_cast %swap3A_497 : i32 to index
        %swap3A_499 = arith.index_cast %mul3A_496 : i32 to index
        %swap3A_500 = tpu.vector_load %arg7[%swap3A_498, %swap3A_499] {strides = array<i32>} : memref<2x2048xf32, #tpu.memory_space<vmem>>, vector<16xf32>,
        tpu.vector_store %arg7[%swap3A_498, %swap3A_499], %gather3A_494 {strides = array<i32>} : memref<2x2048xf32, #tpu.memory_space<vmem>>, vector<16xf32>,
        %scan3A_501 = arith.constant 10 : i32
        %scan3A_502 = arith.addi %scan3A_355, %scan3A_501 : i32
        %mul3A_503 = arith.constant 16 : i32
        %mul3A_504 = arith.muli %scan3A_502, %mul3A_503 : i32
        %add3A_505 = arith.constant 10240 : i32
        %add3A_506 = arith.addi %add3A_505, %mul3A_504 : i32
        %get3A_507 = arith.index_cast %add3A_506 : i32 to index
        %get3A_508 = tpu.vector_load %arg6[%get3A_507] {strides = array<i32>} : memref<16384xi32, #tpu.memory_space<vmem>>, vector<16xi32>,
        %gather3A_509 = tpu.vector_load_idx %arg5[%get3A_508] : memref<100000xf32, #tpu.memory_space<vmem>>[vector<16xi32>], vector<16xf32>,
        %mul3A_510 = arith.constant 16 : i32
        %mul3A_511 = arith.muli %scan3A_502, %mul3A_510 : i32
        %swap3A_512 = arith.constant 1 : i32
        %swap3A_513 = arith.index_cast %swap3A_512 : i32 to index
        %swap3A_514 = arith.index_cast %mul3A_511 : i32 to index
        %swap3A_515 = tpu.vector_load %arg7[%swap3A_513, %swap3A_514] {strides = array<i32>} : memref<2x2048xf32, #tpu.memory_space<vmem>>, vector<16xf32>,
        tpu.vector_store %arg7[%swap3A_513, %swap3A_514], %gather3A_509 {strides = array<i32>} : memref<2x2048xf32, #tpu.memory_space<vmem>>, vector<16xf32>,
        %scan3A_516 = arith.constant 11 : i32
        %scan3A_517 = arith.addi %scan3A_355, %scan3A_516 : i32
        %mul3A_518 = arith.constant 16 : i32
        %mul3A_519 = arith.muli %scan3A_517, %mul3A_518 : i32
        %add3A_520 = arith.constant 10240 : i32
        %add3A_521 = arith.addi %add3A_520, %mul3A_519 : i32
        %get3A_522 = arith.index_cast %add3A_521 : i32 to index
        %get3A_523 = tpu.vector_load %arg6[%get3A_522] {strides = array<i32>} : memref<16384xi32, #tpu.memory_space<vmem>>, vector<16xi32>,
        %gather3A_524 = tpu.vector_load_idx %arg5[%get3A_523] : memref<100000xf32, #tpu.memory_space<vmem>>[vector<16xi32>], vector<16xf32>,
        %mul3A_525 = arith.constant 16 : i32
        %mul3A_526 = arith.muli %scan3A_517, %mul3A_525 : i32
        %swap3A_527 = arith.constant 1 : i32
        %swap3A_528 = arith.index_cast %swap3A_527 : i32 to index
        %swap3A_529 = arith.index_cast %mul3A_526 : i32 to index
        %swap3A_530 = tpu.vector_load %arg7[%swap3A_528, %swap3A_529] {strides = array<i32>} : memref<2x2048xf32, #tpu.memory_space<vmem>>, vector<16xf32>,
        tpu.vector_store %arg7[%swap3A_528, %swap3A_529], %gather3A_524 {strides = array<i32>} : memref<2x2048xf32, #tpu.memory_space<vmem>>, vector<16xf32>,
        %scan3A_531 = arith.constant 12 : i32
        %scan3A_532 = arith.addi %scan3A_355, %scan3A_531 : i32
        %mul3A_533 = arith.constant 16 : i32
        %mul3A_534 = arith.muli %scan3A_532, %mul3A_533 : i32
        %add3A_535 = arith.constant 10240 : i32
        %add3A_536 = arith.addi %add3A_535, %mul3A_534 : i32
        %get3A_537 = arith.index_cast %add3A_536 : i32 to index
        %get3A_538 = tpu.vector_load %arg6[%get3A_537] {strides = array<i32>} : memref<16384xi32, #tpu.memory_space<vmem>>, vector<16xi32>,
        %gather3A_539 = tpu.vector_load_idx %arg5[%get3A_538] : memref<100000xf32, #tpu.memory_space<vmem>>[vector<16xi32>], vector<16xf32>,
        %mul3A_540 = arith.constant 16 : i32
        %mul3A_541 = arith.muli %scan3A_532, %mul3A_540 : i32
        %swap3A_542 = arith.constant 1 : i32
        %swap3A_543 = arith.index_cast %swap3A_542 : i32 to index
        %swap3A_544 = arith.index_cast %mul3A_541 : i32 to index
        %swap3A_545 = tpu.vector_load %arg7[%swap3A_543, %swap3A_544] {strides = array<i32>} : memref<2x2048xf32, #tpu.memory_space<vmem>>, vector<16xf32>,
        tpu.vector_store %arg7[%swap3A_543, %swap3A_544], %gather3A_539 {strides = array<i32>} : memref<2x2048xf32, #tpu.memory_space<vmem>>, vector<16xf32>,
        %scan3A_546 = arith.constant 13 : i32
        %scan3A_547 = arith.addi %scan3A_355, %scan3A_546 : i32
        %mul3A_548 = arith.constant 16 : i32
        %mul3A_549 = arith.muli %scan3A_547, %mul3A_548 : i32
        %add3A_550 = arith.constant 10240 : i32
        %add3A_551 = arith.addi %add3A_550, %mul3A_549 : i32
        %get3A_552 = arith.index_cast %add3A_551 : i32 to index
        %get3A_553 = tpu.vector_load %arg6[%get3A_552] {strides = array<i32>} : memref<16384xi32, #tpu.memory_space<vmem>>, vector<16xi32>,
        %gather3A_554 = tpu.vector_load_idx %arg5[%get3A_553] : memref<100000xf32, #tpu.memory_space<vmem>>[vector<16xi32>], vector<16xf32>,
        %mul3A_555 = arith.constant 16 : i32
        %mul3A_556 = arith.muli %scan3A_547, %mul3A_555 : i32
        %swap3A_557 = arith.constant 1 : i32
        %swap3A_558 = arith.index_cast %swap3A_557 : i32 to index
        %swap3A_559 = arith.index_cast %mul3A_556 : i32 to index
        %swap3A_560 = tpu.vector_load %arg7[%swap3A_558, %swap3A_559] {strides = array<i32>} : memref<2x2048xf32, #tpu.memory_space<vmem>>, vector<16xf32>,
        tpu.vector_store %arg7[%swap3A_558, %swap3A_559], %gather3A_554 {strides = array<i32>} : memref<2x2048xf32, #tpu.memory_space<vmem>>, vector<16xf32>,
        %scan3A_561 = arith.constant 14 : i32
        %scan3A_562 = arith.addi %scan3A_355, %scan3A_561 : i32
        %mul3A_563 = arith.constant 16 : i32
        %mul3A_564 = arith.muli %scan3A_562, %mul3A_563 : i32
        %add3A_565 = arith.constant 10240 : i32
        %add3A_566 = arith.addi %add3A_565, %mul3A_564 : i32
        %get3A_567 = arith.index_cast %add3A_566 : i32 to index
        %get3A_568 = tpu.vector_load %arg6[%get3A_567] {strides = array<i32>} : memref<16384xi32, #tpu.memory_space<vmem>>, vector<16xi32>,
        %gather3A_569 = tpu.vector_load_idx %arg5[%get3A_568] : memref<100000xf32, #tpu.memory_space<vmem>>[vector<16xi32>], vector<16xf32>,
        %mul3A_570 = arith.constant 16 : i32
        %mul3A_571 = arith.muli %scan3A_562, %mul3A_570 : i32
        %swap3A_572 = arith.constant 1 : i32
        %swap3A_573 = arith.index_cast %swap3A_572 : i32 to index
        %swap3A_574 = arith.index_cast %mul3A_571 : i32 to index
        %swap3A_575 = tpu.vector_load %arg7[%swap3A_573, %swap3A_574] {strides = array<i32>} : memref<2x2048xf32, #tpu.memory_space<vmem>>, vector<16xf32>,
        tpu.vector_store %arg7[%swap3A_573, %swap3A_574], %gather3A_569 {strides = array<i32>} : memref<2x2048xf32, #tpu.memory_space<vmem>>, vector<16xf32>,
        %scan3A_576 = arith.constant 15 : i32
        %scan3A_577 = arith.addi %scan3A_355, %scan3A_576 : i32
        %mul3A_578 = arith.constant 16 : i32
        %mul3A_579 = arith.muli %scan3A_577, %mul3A_578 : i32
        %add3A_580 = arith.constant 10240 : i32
        %add3A_581 = arith.addi %add3A_580, %mul3A_579 : i32
        %get3A_582 = arith.index_cast %add3A_581 : i32 to index
        %get3A_583 = tpu.vector_load %arg6[%get3A_582] {strides = array<i32>} : memref<16384xi32, #tpu.memory_space<vmem>>, vector<16xi32>,
        %gather3A_584 = tpu.vector_load_idx %arg5[%get3A_583] : memref<100000xf32, #tpu.memory_space<vmem>>[vector<16xi32>], vector<16xf32>,
        %mul3A_585 = arith.constant 16 : i32
        %mul3A_586 = arith.muli %scan3A_577, %mul3A_585 : i32
        %swap3A_587 = arith.constant 1 : i32
        %swap3A_588 = arith.index_cast %swap3A_587 : i32 to index
        %swap3A_589 = arith.index_cast %mul3A_586 : i32 to index
        %swap3A_590 = tpu.vector_load %arg7[%swap3A_588, %swap3A_589] {strides = array<i32>} : memref<2x2048xf32, #tpu.memory_space<vmem>>, vector<16xf32>,
        tpu.vector_store %arg7[%swap3A_588, %swap3A_589], %gather3A_584 {strides = array<i32>} : memref<2x2048xf32, #tpu.memory_space<vmem>>, vector<16xf32>,
        %scan3A_591 = arith.constant 16 : i32
        %scan3A_592 = arith.addi %scan3A_355, %scan3A_591 : i32
        %mul3A_593 = arith.constant 16 : i32
        %mul3A_594 = arith.muli %scan3A_592, %mul3A_593 : i32
        %add3A_595 = arith.constant 10240 : i32
        %add3A_596 = arith.addi %add3A_595, %mul3A_594 : i32
        %get3A_597 = arith.index_cast %add3A_596 : i32 to index
        %get3A_598 = tpu.vector_load %arg6[%get3A_597] {strides = array<i32>} : memref<16384xi32, #tpu.memory_space<vmem>>, vector<16xi32>,
        %gather3A_599 = tpu.vector_load_idx %arg5[%get3A_598] : memref<100000xf32, #tpu.memory_space<vmem>>[vector<16xi32>], vector<16xf32>,
        %mul3A_600 = arith.constant 16 : i32
        %mul3A_601 = arith.muli %scan3A_592, %mul3A_600 : i32
        %swap3A_602 = arith.constant 1 : i32
        %swap3A_603 = arith.index_cast %swap3A_602 : i32 to index
        %swap3A_604 = arith.index_cast %mul3A_601 : i32 to index
        %swap3A_605 = tpu.vector_load %arg7[%swap3A_603, %swap3A_604] {strides = array<i32>} : memref<2x2048xf32, #tpu.memory_space<vmem>>, vector<16xf32>,
        tpu.vector_store %arg7[%swap3A_603, %swap3A_604], %gather3A_599 {strides = array<i32>} : memref<2x2048xf32, #tpu.memory_space<vmem>>, vector<16xf32>,
        %scan3A_606 = arith.constant 17 : i32
        %scan3A_607 = arith.addi %scan3A_355, %scan3A_606 : i32
        %mul3A_608 = arith.constant 16 : i32
        %mul3A_609 = arith.muli %scan3A_607, %mul3A_608 : i32
        %add3A_610 = arith.constant 10240 : i32
        %add3A_611 = arith.addi %add3A_610, %mul3A_609 : i32
        %get3A_612 = arith.index_cast %add3A_611 : i32 to index
        %get3A_613 = tpu.vector_load %arg6[%get3A_612] {strides = array<i32>} : memref<16384xi32, #tpu.memory_space<vmem>>, vector<16xi32>,
        %gather3A_614 = tpu.vector_load_idx %arg5[%get3A_613] : memref<100000xf32, #tpu.memory_space<vmem>>[vector<16xi32>], vector<16xf32>,
        %mul3A_615 = arith.constant 16 : i32
        %mul3A_616 = arith.muli %scan3A_607, %mul3A_615 : i32
        %swap3A_617 = arith.constant 1 : i32
        %swap3A_618 = arith.index_cast %swap3A_617 : i32 to index
        %swap3A_619 = arith.index_cast %mul3A_616 : i32 to index
        %swap3A_620 = tpu.vector_load %arg7[%swap3A_618, %swap3A_619] {strides = array<i32>} : memref<2x2048xf32, #tpu.memory_space<vmem>>, vector<16xf32>,
        tpu.vector_store %arg7[%swap3A_618, %swap3A_619], %gather3A_614 {strides = array<i32>} : memref<2x2048xf32, #tpu.memory_space<vmem>>, vector<16xf32>,
        %scan3A_621 = arith.constant 18 : i32
        %scan3A_622 = arith.addi %scan3A_355, %scan3A_621 : i32
        %mul3A_623 = arith.constant 16 : i32
        %mul3A_624 = arith.muli %scan3A_622, %mul3A_623 : i32
        %add3A_625 = arith.constant 10240 : i32
        %add3A_626 = arith.addi %add3A_625, %mul3A_624 : i32
        %get3A_627 = arith.index_cast %add3A_626 : i32 to index
        %get3A_628 = tpu.vector_load %arg6[%get3A_627] {strides = array<i32>} : memref<16384xi32, #tpu.memory_space<vmem>>, vector<16xi32>,
        %gather3A_629 = tpu.vector_load_idx %arg5[%get3A_628] : memref<100000xf32, #tpu.memory_space<vmem>>[vector<16xi32>], vector<16xf32>,
        %mul3A_630 = arith.constant 16 : i32
        %mul3A_631 = arith.muli %scan3A_622, %mul3A_630 : i32
        %swap3A_632 = arith.constant 1 : i32
        %swap3A_633 = arith.index_cast %swap3A_632 : i32 to index
        %swap3A_634 = arith.index_cast %mul3A_631 : i32 to index
        %swap3A_635 = tpu.vector_load %arg7[%swap3A_633, %swap3A_634] {strides = array<i32>} : memref<2x2048xf32, #tpu.memory_space<vmem>>, vector<16xf32>,
        tpu.vector_store %arg7[%swap3A_633, %swap3A_634], %gather3A_629 {strides = array<i32>} : memref<2x2048xf32, #tpu.memory_space<vmem>>, vector<16xf32>,
        %scan3A_636 = arith.constant 19 : i32
        %scan3A_637 = arith.addi %scan3A_355, %scan3A_636 : i32
        %mul3A_638 = arith.constant 16 : i32
        %mul3A_639 = arith.muli %scan3A_637, %mul3A_638 : i32
        %add3A_640 = arith.constant 10240 : i32
        %add3A_641 = arith.addi %add3A_640, %mul3A_639 : i32
        %get3A_642 = arith.index_cast %add3A_641 : i32 to index
        %get3A_643 = tpu.vector_load %arg6[%get3A_642] {strides = array<i32>} : memref<16384xi32, #tpu.memory_space<vmem>>, vector<16xi32>,
        %gather3A_644 = tpu.vector_load_idx %arg5[%get3A_643] : memref<100000xf32, #tpu.memory_space<vmem>>[vector<16xi32>], vector<16xf32>,
        %mul3A_645 = arith.constant 16 : i32
        %mul3A_646 = arith.muli %scan3A_637, %mul3A_645 : i32
        %swap3A_647 = arith.constant 1 : i32
        %swap3A_648 = arith.index_cast %swap3A_647 : i32 to index
        %swap3A_649 = arith.index_cast %mul3A_646 : i32 to index
        %swap3A_650 = tpu.vector_load %arg7[%swap3A_648, %swap3A_649] {strides = array<i32>} : memref<2x2048xf32, #tpu.memory_space<vmem>>, vector<16xf32>,
        tpu.vector_store %arg7[%swap3A_648, %swap3A_649], %gather3A_644 {strides = array<i32>} : memref<2x2048xf32, #tpu.memory_space<vmem>>, vector<16xf32>,
        %scan3A_651 = arith.constant 20 : i32
        %scan3A_652 = arith.addi %scan3A_355, %scan3A_651 : i32
        %mul3A_653 = arith.constant 16 : i32
        %mul3A_654 = arith.muli %scan3A_652, %mul3A_653 : i32
        %add3A_655 = arith.constant 10240 : i32
        %add3A_656 = arith.addi %add3A_655, %mul3A_654 : i32
        %get3A_657 = arith.index_cast %add3A_656 : i32 to index
        %get3A_658 = tpu.vector_load %arg6[%get3A_657] {strides = array<i32>} : memref<16384xi32, #tpu.memory_space<vmem>>, vector<16xi32>,
        %gather3A_659 = tpu.vector_load_idx %arg5[%get3A_658] : memref<100000xf32, #tpu.memory_space<vmem>>[vector<16xi32>], vector<16xf32>,
        %mul3A_660 = arith.constant 16 : i32
        %mul3A_661 = arith.muli %scan3A_652, %mul3A_660 : i32
        %swap3A_662 = arith.constant 1 : i32
        %swap3A_663 = arith.index_cast %swap3A_662 : i32 to index
        %swap3A_664 = arith.index_cast %mul3A_661 : i32 to index
        %swap3A_665 = tpu.vector_load %arg7[%swap3A_663, %swap3A_664] {strides = array<i32>} : memref<2x2048xf32, #tpu.memory_space<vmem>>, vector<16xf32>,
        tpu.vector_store %arg7[%swap3A_663, %swap3A_664], %gather3A_659 {strides = array<i32>} : memref<2x2048xf32, #tpu.memory_space<vmem>>, vector<16xf32>,
        %scan3A_666 = arith.constant 21 : i32
        %scan3A_667 = arith.addi %scan3A_355, %scan3A_666 : i32
        %mul3A_668 = arith.constant 16 : i32
        %mul3A_669 = arith.muli %scan3A_667, %mul3A_668 : i32
        %add3A_670 = arith.constant 10240 : i32
        %add3A_671 = arith.addi %add3A_670, %mul3A_669 : i32
        %get3A_672 = arith.index_cast %add3A_671 : i32 to index
        %get3A_673 = tpu.vector_load %arg6[%get3A_672] {strides = array<i32>} : memref<16384xi32, #tpu.memory_space<vmem>>, vector<16xi32>,
        %gather3A_674 = tpu.vector_load_idx %arg5[%get3A_673] : memref<100000xf32, #tpu.memory_space<vmem>>[vector<16xi32>], vector<16xf32>,
        %mul3A_675 = arith.constant 16 : i32
        %mul3A_676 = arith.muli %scan3A_667, %mul3A_675 : i32
        %swap3A_677 = arith.constant 1 : i32
        %swap3A_678 = arith.index_cast %swap3A_677 : i32 to index
        %swap3A_679 = arith.index_cast %mul3A_676 : i32 to index
        %swap3A_680 = tpu.vector_load %arg7[%swap3A_678, %swap3A_679] {strides = array<i32>} : memref<2x2048xf32, #tpu.memory_space<vmem>>, vector<16xf32>,
        tpu.vector_store %arg7[%swap3A_678, %swap3A_679], %gather3A_674 {strides = array<i32>} : memref<2x2048xf32, #tpu.memory_space<vmem>>, vector<16xf32>,
        %scan3A_681 = arith.constant 22 : i32
        %scan3A_682 = arith.addi %scan3A_355, %scan3A_681 : i32
        %mul3A_683 = arith.constant 16 : i32
        %mul3A_684 = arith.muli %scan3A_682, %mul3A_683 : i32
        %add3A_685 = arith.constant 10240 : i32
        %add3A_686 = arith.addi %add3A_685, %mul3A_684 : i32
        %get3A_687 = arith.index_cast %add3A_686 : i32 to index
        %get3A_688 = tpu.vector_load %arg6[%get3A_687] {strides = array<i32>} : memref<16384xi32, #tpu.memory_space<vmem>>, vector<16xi32>,
        %gather3A_689 = tpu.vector_load_idx %arg5[%get3A_688] : memref<100000xf32, #tpu.memory_space<vmem>>[vector<16xi32>], vector<16xf32>,
        %mul3A_690 = arith.constant 16 : i32
        %mul3A_691 = arith.muli %scan3A_682, %mul3A_690 : i32
        %swap3A_692 = arith.constant 1 : i32
        %swap3A_693 = arith.index_cast %swap3A_692 : i32 to index
        %swap3A_694 = arith.index_cast %mul3A_691 : i32 to index
        %swap3A_695 = tpu.vector_load %arg7[%swap3A_693, %swap3A_694] {strides = array<i32>} : memref<2x2048xf32, #tpu.memory_space<vmem>>, vector<16xf32>,
        tpu.vector_store %arg7[%swap3A_693, %swap3A_694], %gather3A_689 {strides = array<i32>} : memref<2x2048xf32, #tpu.memory_space<vmem>>, vector<16xf32>,
        %scan3A_696 = arith.constant 23 : i32
        %scan3A_697 = arith.addi %scan3A_355, %scan3A_696 : i32
        %mul3A_698 = arith.constant 16 : i32
        %mul3A_699 = arith.muli %scan3A_697, %mul3A_698 : i32
        %add3A_700 = arith.constant 10240 : i32
        %add3A_701 = arith.addi %add3A_700, %mul3A_699 : i32
        %get3A_702 = arith.index_cast %add3A_701 : i32 to index
        %get3A_703 = tpu.vector_load %arg6[%get3A_702] {strides = array<i32>} : memref<16384xi32, #tpu.memory_space<vmem>>, vector<16xi32>,
        %gather3A_704 = tpu.vector_load_idx %arg5[%get3A_703] : memref<100000xf32, #tpu.memory_space<vmem>>[vector<16xi32>], vector<16xf32>,
        %mul3A_705 = arith.constant 16 : i32
        %mul3A_706 = arith.muli %scan3A_697, %mul3A_705 : i32
        %swap3A_707 = arith.constant 1 : i32
        %swap3A_708 = arith.index_cast %swap3A_707 : i32 to index
        %swap3A_709 = arith.index_cast %mul3A_706 : i32 to index
        %swap3A_710 = tpu.vector_load %arg7[%swap3A_708, %swap3A_709] {strides = array<i32>} : memref<2x2048xf32, #tpu.memory_space<vmem>>, vector<16xf32>,
        tpu.vector_store %arg7[%swap3A_708, %swap3A_709], %gather3A_704 {strides = array<i32>} : memref<2x2048xf32, #tpu.memory_space<vmem>>, vector<16xf32>,
        %scan3A_711 = arith.constant 24 : i32
        %scan3A_712 = arith.addi %scan3A_355, %scan3A_711 : i32
        %mul3A_713 = arith.constant 16 : i32
        %mul3A_714 = arith.muli %scan3A_712, %mul3A_713 : i32
        %add3A_715 = arith.constant 10240 : i32
        %add3A_716 = arith.addi %add3A_715, %mul3A_714 : i32
        %get3A_717 = arith.index_cast %add3A_716 : i32 to index
        %get3A_718 = tpu.vector_load %arg6[%get3A_717] {strides = array<i32>} : memref<16384xi32, #tpu.memory_space<vmem>>, vector<16xi32>,
        %gather3A_719 = tpu.vector_load_idx %arg5[%get3A_718] : memref<100000xf32, #tpu.memory_space<vmem>>[vector<16xi32>], vector<16xf32>,
        %mul3A_720 = arith.constant 16 : i32
        %mul3A_721 = arith.muli %scan3A_712, %mul3A_720 : i32
        %swap3A_722 = arith.constant 1 : i32
        %swap3A_723 = arith.index_cast %swap3A_722 : i32 to index
        %swap3A_724 = arith.index_cast %mul3A_721 : i32 to index
        %swap3A_725 = tpu.vector_load %arg7[%swap3A_723, %swap3A_724] {strides = array<i32>} : memref<2x2048xf32, #tpu.memory_space<vmem>>, vector<16xf32>,
        tpu.vector_store %arg7[%swap3A_723, %swap3A_724], %gather3A_719 {strides = array<i32>} : memref<2x2048xf32, #tpu.memory_space<vmem>>, vector<16xf32>,
        %scan3A_726 = arith.constant 25 : i32
        %scan3A_727 = arith.addi %scan3A_355, %scan3A_726 : i32
        %mul3A_728 = arith.constant 16 : i32
        %mul3A_729 = arith.muli %scan3A_727, %mul3A_728 : i32
        %add3A_730 = arith.constant 10240 : i32
        %add3A_731 = arith.addi %add3A_730, %mul3A_729 : i32
        %get3A_732 = arith.index_cast %add3A_731 : i32 to index
        %get3A_733 = tpu.vector_load %arg6[%get3A_732] {strides = array<i32>} : memref<16384xi32, #tpu.memory_space<vmem>>, vector<16xi32>,
        %gather3A_734 = tpu.vector_load_idx %arg5[%get3A_733] : memref<100000xf32, #tpu.memory_space<vmem>>[vector<16xi32>], vector<16xf32>,
        %mul3A_735 = arith.constant 16 : i32
        %mul3A_736 = arith.muli %scan3A_727, %mul3A_735 : i32
        %swap3A_737 = arith.constant 1 : i32
        %swap3A_738 = arith.index_cast %swap3A_737 : i32 to index
        %swap3A_739 = arith.index_cast %mul3A_736 : i32 to index
        %swap3A_740 = tpu.vector_load %arg7[%swap3A_738, %swap3A_739] {strides = array<i32>} : memref<2x2048xf32, #tpu.memory_space<vmem>>, vector<16xf32>,
        tpu.vector_store %arg7[%swap3A_738, %swap3A_739], %gather3A_734 {strides = array<i32>} : memref<2x2048xf32, #tpu.memory_space<vmem>>, vector<16xf32>,
        %scan3A_741 = arith.constant 26 : i32
        %scan3A_742 = arith.addi %scan3A_355, %scan3A_741 : i32
        %mul3A_743 = arith.constant 16 : i32
        %mul3A_744 = arith.muli %scan3A_742, %mul3A_743 : i32
        %add3A_745 = arith.constant 10240 : i32
        %add3A_746 = arith.addi %add3A_745, %mul3A_744 : i32
        %get3A_747 = arith.index_cast %add3A_746 : i32 to index
        %get3A_748 = tpu.vector_load %arg6[%get3A_747] {strides = array<i32>} : memref<16384xi32, #tpu.memory_space<vmem>>, vector<16xi32>,
        %gather3A_749 = tpu.vector_load_idx %arg5[%get3A_748] : memref<100000xf32, #tpu.memory_space<vmem>>[vector<16xi32>], vector<16xf32>,
        %mul3A_750 = arith.constant 16 : i32
        %mul3A_751 = arith.muli %scan3A_742, %mul3A_750 : i32
        %swap3A_752 = arith.constant 1 : i32
        %swap3A_753 = arith.index_cast %swap3A_752 : i32 to index
        %swap3A_754 = arith.index_cast %mul3A_751 : i32 to index
        %swap3A_755 = tpu.vector_load %arg7[%swap3A_753, %swap3A_754] {strides = array<i32>} : memref<2x2048xf32, #tpu.memory_space<vmem>>, vector<16xf32>,
        tpu.vector_store %arg7[%swap3A_753, %swap3A_754], %gather3A_749 {strides = array<i32>} : memref<2x2048xf32, #tpu.memory_space<vmem>>, vector<16xf32>,
        %scan3A_756 = arith.constant 27 : i32
        %scan3A_757 = arith.addi %scan3A_355, %scan3A_756 : i32
        %mul3A_758 = arith.constant 16 : i32
        %mul3A_759 = arith.muli %scan3A_757, %mul3A_758 : i32
        %add3A_760 = arith.constant 10240 : i32
        %add3A_761 = arith.addi %add3A_760, %mul3A_759 : i32
        %get3A_762 = arith.index_cast %add3A_761 : i32 to index
        %get3A_763 = tpu.vector_load %arg6[%get3A_762] {strides = array<i32>} : memref<16384xi32, #tpu.memory_space<vmem>>, vector<16xi32>,
        %gather3A_764 = tpu.vector_load_idx %arg5[%get3A_763] : memref<100000xf32, #tpu.memory_space<vmem>>[vector<16xi32>], vector<16xf32>,
        %mul3A_765 = arith.constant 16 : i32
        %mul3A_766 = arith.muli %scan3A_757, %mul3A_765 : i32
        %swap3A_767 = arith.constant 1 : i32
        %swap3A_768 = arith.index_cast %swap3A_767 : i32 to index
        %swap3A_769 = arith.index_cast %mul3A_766 : i32 to index
        %swap3A_770 = tpu.vector_load %arg7[%swap3A_768, %swap3A_769] {strides = array<i32>} : memref<2x2048xf32, #tpu.memory_space<vmem>>, vector<16xf32>,
        tpu.vector_store %arg7[%swap3A_768, %swap3A_769], %gather3A_764 {strides = array<i32>} : memref<2x2048xf32, #tpu.memory_space<vmem>>, vector<16xf32>,
        %scan3A_771 = arith.constant 28 : i32
        %scan3A_772 = arith.addi %scan3A_355, %scan3A_771 : i32
        %mul3A_773 = arith.constant 16 : i32
        %mul3A_774 = arith.muli %scan3A_772, %mul3A_773 : i32
        %add3A_775 = arith.constant 10240 : i32
        %add3A_776 = arith.addi %add3A_775, %mul3A_774 : i32
        %get3A_777 = arith.index_cast %add3A_776 : i32 to index
        %get3A_778 = tpu.vector_load %arg6[%get3A_777] {strides = array<i32>} : memref<16384xi32, #tpu.memory_space<vmem>>, vector<16xi32>,
        %gather3A_779 = tpu.vector_load_idx %arg5[%get3A_778] : memref<100000xf32, #tpu.memory_space<vmem>>[vector<16xi32>], vector<16xf32>,
        %mul3A_780 = arith.constant 16 : i32
        %mul3A_781 = arith.muli %scan3A_772, %mul3A_780 : i32
        %swap3A_782 = arith.constant 1 : i32
        %swap3A_783 = arith.index_cast %swap3A_782 : i32 to index
        %swap3A_784 = arith.index_cast %mul3A_781 : i32 to index
        %swap3A_785 = tpu.vector_load %arg7[%swap3A_783, %swap3A_784] {strides = array<i32>} : memref<2x2048xf32, #tpu.memory_space<vmem>>, vector<16xf32>,
        tpu.vector_store %arg7[%swap3A_783, %swap3A_784], %gather3A_779 {strides = array<i32>} : memref<2x2048xf32, #tpu.memory_space<vmem>>, vector<16xf32>,
        %scan3A_786 = arith.constant 29 : i32
        %scan3A_787 = arith.addi %scan3A_355, %scan3A_786 : i32
        %mul3A_788 = arith.constant 16 : i32
        %mul3A_789 = arith.muli %scan3A_787, %mul3A_788 : i32
        %add3A_790 = arith.constant 10240 : i32
        %add3A_791 = arith.addi %add3A_790, %mul3A_789 : i32
        %get3A_792 = arith.index_cast %add3A_791 : i32 to index
        %get3A_793 = tpu.vector_load %arg6[%get3A_792] {strides = array<i32>} : memref<16384xi32, #tpu.memory_space<vmem>>, vector<16xi32>,
        %gather3A_794 = tpu.vector_load_idx %arg5[%get3A_793] : memref<100000xf32, #tpu.memory_space<vmem>>[vector<16xi32>], vector<16xf32>,
        %mul3A_795 = arith.constant 16 : i32
        %mul3A_796 = arith.muli %scan3A_787, %mul3A_795 : i32
        %swap3A_797 = arith.constant 1 : i32
        %swap3A_798 = arith.index_cast %swap3A_797 : i32 to index
        %swap3A_799 = arith.index_cast %mul3A_796 : i32 to index
        %swap3A_800 = tpu.vector_load %arg7[%swap3A_798, %swap3A_799] {strides = array<i32>} : memref<2x2048xf32, #tpu.memory_space<vmem>>, vector<16xf32>,
        tpu.vector_store %arg7[%swap3A_798, %swap3A_799], %gather3A_794 {strides = array<i32>} : memref<2x2048xf32, #tpu.memory_space<vmem>>, vector<16xf32>,
        %scan3A_801 = arith.constant 30 : i32
        %scan3A_802 = arith.addi %scan3A_355, %scan3A_801 : i32
        %mul3A_803 = arith.constant 16 : i32
        %mul3A_804 = arith.muli %scan3A_802, %mul3A_803 : i32
        %add3A_805 = arith.constant 10240 : i32
        %add3A_806 = arith.addi %add3A_805, %mul3A_804 : i32
        %get3A_807 = arith.index_cast %add3A_806 : i32 to index
        %get3A_808 = tpu.vector_load %arg6[%get3A_807] {strides = array<i32>} : memref<16384xi32, #tpu.memory_space<vmem>>, vector<16xi32>,
        %gather3A_809 = tpu.vector_load_idx %arg5[%get3A_808] : memref<100000xf32, #tpu.memory_space<vmem>>[vector<16xi32>], vector<16xf32>,
        %mul3A_810 = arith.constant 16 : i32
        %mul3A_811 = arith.muli %scan3A_802, %mul3A_810 : i32
        %swap3A_812 = arith.constant 1 : i32
        %swap3A_813 = arith.index_cast %swap3A_812 : i32 to index
        %swap3A_814 = arith.index_cast %mul3A_811 : i32 to index
        %swap3A_815 = tpu.vector_load %arg7[%swap3A_813, %swap3A_814] {strides = array<i32>} : memref<2x2048xf32, #tpu.memory_space<vmem>>, vector<16xf32>,
        tpu.vector_store %arg7[%swap3A_813, %swap3A_814], %gather3A_809 {strides = array<i32>} : memref<2x2048xf32, #tpu.memory_space<vmem>>, vector<16xf32>,
        %scan3A_816 = arith.constant 31 : i32
        %scan3A_817 = arith.addi %scan3A_355, %scan3A_816 : i32
        %mul3A_818 = arith.constant 16 : i32
        %mul3A_819 = arith.muli %scan3A_817, %mul3A_818 : i32
        %add3A_820 = arith.constant 10240 : i32
        %add3A_821 = arith.addi %add3A_820, %mul3A_819 : i32
        %get3A_822 = arith.index_cast %add3A_821 : i32 to index
        %get3A_823 = tpu.vector_load %arg6[%get3A_822] {strides = array<i32>} : memref<16384xi32, #tpu.memory_space<vmem>>, vector<16xi32>,
        %gather3A_824 = tpu.vector_load_idx %arg5[%get3A_823] : memref<100000xf32, #tpu.memory_space<vmem>>[vector<16xi32>], vector<16xf32>,
        %mul3A_825 = arith.constant 16 : i32
        %mul3A_826 = arith.muli %scan3A_817, %mul3A_825 : i32
        %swap3A_827 = arith.constant 1 : i32
        %swap3A_828 = arith.index_cast %swap3A_827 : i32 to index
        %swap3A_829 = arith.index_cast %mul3A_826 : i32 to index
        %swap3A_830 = tpu.vector_load %arg7[%swap3A_828, %swap3A_829] {strides = array<i32>} : memref<2x2048xf32, #tpu.memory_space<vmem>>, vector<16xf32>,
        tpu.vector_store %arg7[%swap3A_828, %swap3A_829], %gather3A_824 {strides = array<i32>} : memref<2x2048xf32, #tpu.memory_space<vmem>>, vector<16xf32>,
      }
      %scan3A_245 = arith.constant 128 : i32
      %dma_start3A_246 = arith.constant 1 : i32
      %dma_start3A_247 = arith.constant 0 : i32
      %dma_start3A_248 = tpu.memref_slice %arg7[%dma_start3A_246, %dma_start3A_247] : memref<2x2048xf32, #tpu.memory_space<vmem>> -> memref<1x2048xf32, #tpu.memory_space<vmem>>
      %dma_start3A_249 = tpu.memref_squeeze %dma_start3A_248 : memref<1x2048xf32, #tpu.memory_space<vmem>> -> memref<2048xf32, #tpu.memory_space<vmem>>
      %dma_start3A_250 = arith.constant 10240 : i32
      %dma_start3A_251 = tpu.memref_slice %arg4[%add3A_32, %dma_start3A_250] : memref<832x16384xf32, #tpu.memory_space<hbm>> -> memref<1x2048xf32, #tpu.memory_space<hbm>>
      %dma_start3A_252 = tpu.memref_squeeze %dma_start3A_251 : memref<1x2048xf32, #tpu.memory_space<hbm>> -> memref<2048xf32, #tpu.memory_space<hbm>>
      %dma_start3A_253 = arith.constant 10240 : i32
      %dma_start3A_254 = tpu.memref_slice %arg4[%add3A_32, %dma_start3A_253] : memref<832x16384xf32, #tpu.memory_space<hbm>> -> memref<1x2048xf32, #tpu.memory_space<hbm>>
      %dma_start3A_255 = tpu.memref_squeeze %dma_start3A_254 : memref<1x2048xf32, #tpu.memory_space<hbm>> -> memref<2048xf32, #tpu.memory_space<hbm>>
      %dma_start3A_256 = arith.constant 0 : i32
      %dma_start3A_257 = tpu.memref_slice %arg7[%dma_start3A_246, %dma_start3A_256] : memref<2x2048xf32, #tpu.memory_space<vmem>> -> memref<1x2048xf32, #tpu.memory_space<vmem>>
      %dma_start3A_258 = tpu.memref_squeeze %dma_start3A_257 : memref<1x2048xf32, #tpu.memory_space<vmem>> -> memref<2048xf32, #tpu.memory_space<vmem>>
      tpu.enqueue_dma source(%dma_start3A_258 : memref<2048xf32, #tpu.memory_space<vmem>>) target(%dma_start3A_255 : memref<2048xf32, #tpu.memory_space<hbm>>) target_semaphore(%arg10 : memref<!tpu.dma_semaphore, #tpu.memory_space<semaphore_mem>>)
      %dma_wait3A_259 = arith.constant 0 : i32
      %dma_wait3A_260 = arith.constant 0 : i32
      %dma_wait3A_261 = tpu.memref_slice %arg7[%dma_wait3A_259, %dma_wait3A_260] : memref<2x2048xf32, #tpu.memory_space<vmem>> -> memref<1x2048xf32, #tpu.memory_space<vmem>>
      %dma_wait3A_262 = tpu.memref_squeeze %dma_wait3A_261 : memref<1x2048xf32, #tpu.memory_space<vmem>> -> memref<2048xf32, #tpu.memory_space<vmem>>
      %dma_wait3A_263 = arith.constant 8192 : i32
      %dma_wait3A_264 = tpu.memref_slice %arg4[%add3A_32, %dma_wait3A_263] : memref<832x16384xf32, #tpu.memory_space<hbm>> -> memref<1x2048xf32, #tpu.memory_space<hbm>>
      %dma_wait3A_265 = tpu.memref_squeeze %dma_wait3A_264 : memref<1x2048xf32, #tpu.memory_space<hbm>> -> memref<2048xf32, #tpu.memory_space<hbm>>
      %dma_wait3A_266 = arith.constant 8192 : i32
      %dma_wait3A_267 = tpu.memref_slice %arg4[%add3A_32, %dma_wait3A_266] : memref<832x16384xf32, #tpu.memory_space<hbm>> -> memref<1x2048xf32, #tpu.memory_space<hbm>>
      %dma_wait3A_268 = tpu.memref_squeeze %dma_wait3A_267 : memref<1x2048xf32, #tpu.memory_space<hbm>> -> memref<2048xf32, #tpu.memory_space<hbm>>
      %dma_wait3A_269 = arith.constant 0 : i32
      %dma_wait3A_270 = tpu.memref_slice %arg7[%dma_wait3A_259, %dma_wait3A_269] : memref<2x2048xf32, #tpu.memory_space<vmem>> -> memref<1x2048xf32, #tpu.memory_space<vmem>>
      %dma_wait3A_271 = tpu.memref_squeeze %dma_wait3A_270 : memref<1x2048xf32, #tpu.memory_space<vmem>> -> memref<2048xf32, #tpu.memory_space<vmem>>
      tpu.wait_dma2 semaphore(%arg10 : memref<!tpu.dma_semaphore, #tpu.memory_space<semaphore_mem>>) src(%dma_wait3A_271 : memref<2048xf32, #tpu.memory_space<vmem>>) dst(%dma_wait3A_268 : memref<2048xf32, #tpu.memory_space<hbm>>)
      %scan3A_272 = arith.constant 0 : i32
      %scan3A_273 = arith.constant 0 : i32
      %scan3A_274 = arith.constant 128 : i32
      %scan3A_275 = arith.addi %scan3A_273, %scan3A_274 : i32
      %scan3A_276 = arith.constant 32 : i32
      scf.for %scan3A_355 = %scan3A_273 to %scan3A_275 step %scan3A_276  : i32 {
        %mul3A_356 = arith.constant 16 : i32
        %mul3A_357 = arith.muli %scan3A_355, %mul3A_356 : i32
        %add3A_358 = arith.constant 12288 : i32
        %add3A_359 = arith.addi %add3A_358, %mul3A_357 : i32
        %get3A = arith.index_cast %add3A_359 : i32 to index
        %get3A_360 = tpu.vector_load %arg6[%get3A] {strides = array<i32>} : memref<16384xi32, #tpu.memory_space<vmem>>, vector<16xi32>,
        %gather3A = tpu.vector_load_idx %arg5[%get3A_360] : memref<100000xf32, #tpu.memory_space<vmem>>[vector<16xi32>], vector<16xf32>,
        %mul3A_361 = arith.constant 16 : i32
        %mul3A_362 = arith.muli %scan3A_355, %mul3A_361 : i32
        %swap3A = arith.constant 0 : i32
        %swap3A_363 = arith.index_cast %swap3A : i32 to index
        %swap3A_364 = arith.index_cast %mul3A_362 : i32 to index
        %swap3A_365 = tpu.vector_load %arg7[%swap3A_363, %swap3A_364] {strides = array<i32>} : memref<2x2048xf32, #tpu.memory_space<vmem>>, vector<16xf32>,
        tpu.vector_store %arg7[%swap3A_363, %swap3A_364], %gather3A {strides = array<i32>} : memref<2x2048xf32, #tpu.memory_space<vmem>>, vector<16xf32>,
        %scan3A_366 = arith.constant 1 : i32
        %scan3A_367 = arith.addi %scan3A_355, %scan3A_366 : i32
        %mul3A_368 = arith.constant 16 : i32
        %mul3A_369 = arith.muli %scan3A_367, %mul3A_368 : i32
        %add3A_370 = arith.constant 12288 : i32
        %add3A_371 = arith.addi %add3A_370, %mul3A_369 : i32
        %get3A_372 = arith.index_cast %add3A_371 : i32 to index
        %get3A_373 = tpu.vector_load %arg6[%get3A_372] {strides = array<i32>} : memref<16384xi32, #tpu.memory_space<vmem>>, vector<16xi32>,
        %gather3A_374 = tpu.vector_load_idx %arg5[%get3A_373] : memref<100000xf32, #tpu.memory_space<vmem>>[vector<16xi32>], vector<16xf32>,
        %mul3A_375 = arith.constant 16 : i32
        %mul3A_376 = arith.muli %scan3A_367, %mul3A_375 : i32
        %swap3A_377 = arith.constant 0 : i32
        %swap3A_378 = arith.index_cast %swap3A_377 : i32 to index
        %swap3A_379 = arith.index_cast %mul3A_376 : i32 to index
        %swap3A_380 = tpu.vector_load %arg7[%swap3A_378, %swap3A_379] {strides = array<i32>} : memref<2x2048xf32, #tpu.memory_space<vmem>>, vector<16xf32>,
        tpu.vector_store %arg7[%swap3A_378, %swap3A_379], %gather3A_374 {strides = array<i32>} : memref<2x2048xf32, #tpu.memory_space<vmem>>, vector<16xf32>,
        %scan3A_381 = arith.constant 2 : i32
        %scan3A_382 = arith.addi %scan3A_355, %scan3A_381 : i32
        %mul3A_383 = arith.constant 16 : i32
        %mul3A_384 = arith.muli %scan3A_382, %mul3A_383 : i32
        %add3A_385 = arith.constant 12288 : i32
        %add3A_386 = arith.addi %add3A_385, %mul3A_384 : i32
        %get3A_387 = arith.index_cast %add3A_386 : i32 to index
        %get3A_388 = tpu.vector_load %arg6[%get3A_387] {strides = array<i32>} : memref<16384xi32, #tpu.memory_space<vmem>>, vector<16xi32>,
        %gather3A_389 = tpu.vector_load_idx %arg5[%get3A_388] : memref<100000xf32, #tpu.memory_space<vmem>>[vector<16xi32>], vector<16xf32>,
        %mul3A_390 = arith.constant 16 : i32
        %mul3A_391 = arith.muli %scan3A_382, %mul3A_390 : i32
        %swap3A_392 = arith.constant 0 : i32
        %swap3A_393 = arith.index_cast %swap3A_392 : i32 to index
        %swap3A_394 = arith.index_cast %mul3A_391 : i32 to index
        %swap3A_395 = tpu.vector_load %arg7[%swap3A_393, %swap3A_394] {strides = array<i32>} : memref<2x2048xf32, #tpu.memory_space<vmem>>, vector<16xf32>,
        tpu.vector_store %arg7[%swap3A_393, %swap3A_394], %gather3A_389 {strides = array<i32>} : memref<2x2048xf32, #tpu.memory_space<vmem>>, vector<16xf32>,
        %scan3A_396 = arith.constant 3 : i32
        %scan3A_397 = arith.addi %scan3A_355, %scan3A_396 : i32
        %mul3A_398 = arith.constant 16 : i32
        %mul3A_399 = arith.muli %scan3A_397, %mul3A_398 : i32
        %add3A_400 = arith.constant 12288 : i32
        %add3A_401 = arith.addi %add3A_400, %mul3A_399 : i32
        %get3A_402 = arith.index_cast %add3A_401 : i32 to index
        %get3A_403 = tpu.vector_load %arg6[%get3A_402] {strides = array<i32>} : memref<16384xi32, #tpu.memory_space<vmem>>, vector<16xi32>,
        %gather3A_404 = tpu.vector_load_idx %arg5[%get3A_403] : memref<100000xf32, #tpu.memory_space<vmem>>[vector<16xi32>], vector<16xf32>,
        %mul3A_405 = arith.constant 16 : i32
        %mul3A_406 = arith.muli %scan3A_397, %mul3A_405 : i32
        %swap3A_407 = arith.constant 0 : i32
        %swap3A_408 = arith.index_cast %swap3A_407 : i32 to index
        %swap3A_409 = arith.index_cast %mul3A_406 : i32 to index
        %swap3A_410 = tpu.vector_load %arg7[%swap3A_408, %swap3A_409] {strides = array<i32>} : memref<2x2048xf32, #tpu.memory_space<vmem>>, vector<16xf32>,
        tpu.vector_store %arg7[%swap3A_408, %swap3A_409], %gather3A_404 {strides = array<i32>} : memref<2x2048xf32, #tpu.memory_space<vmem>>, vector<16xf32>,
        %scan3A_411 = arith.constant 4 : i32
        %scan3A_412 = arith.addi %scan3A_355, %scan3A_411 : i32
        %mul3A_413 = arith.constant 16 : i32
        %mul3A_414 = arith.muli %scan3A_412, %mul3A_413 : i32
        %add3A_415 = arith.constant 12288 : i32
        %add3A_416 = arith.addi %add3A_415, %mul3A_414 : i32
        %get3A_417 = arith.index_cast %add3A_416 : i32 to index
        %get3A_418 = tpu.vector_load %arg6[%get3A_417] {strides = array<i32>} : memref<16384xi32, #tpu.memory_space<vmem>>, vector<16xi32>,
        %gather3A_419 = tpu.vector_load_idx %arg5[%get3A_418] : memref<100000xf32, #tpu.memory_space<vmem>>[vector<16xi32>], vector<16xf32>,
        %mul3A_420 = arith.constant 16 : i32
        %mul3A_421 = arith.muli %scan3A_412, %mul3A_420 : i32
        %swap3A_422 = arith.constant 0 : i32
        %swap3A_423 = arith.index_cast %swap3A_422 : i32 to index
        %swap3A_424 = arith.index_cast %mul3A_421 : i32 to index
        %swap3A_425 = tpu.vector_load %arg7[%swap3A_423, %swap3A_424] {strides = array<i32>} : memref<2x2048xf32, #tpu.memory_space<vmem>>, vector<16xf32>,
        tpu.vector_store %arg7[%swap3A_423, %swap3A_424], %gather3A_419 {strides = array<i32>} : memref<2x2048xf32, #tpu.memory_space<vmem>>, vector<16xf32>,
        %scan3A_426 = arith.constant 5 : i32
        %scan3A_427 = arith.addi %scan3A_355, %scan3A_426 : i32
        %mul3A_428 = arith.constant 16 : i32
        %mul3A_429 = arith.muli %scan3A_427, %mul3A_428 : i32
        %add3A_430 = arith.constant 12288 : i32
        %add3A_431 = arith.addi %add3A_430, %mul3A_429 : i32
        %get3A_432 = arith.index_cast %add3A_431 : i32 to index
        %get3A_433 = tpu.vector_load %arg6[%get3A_432] {strides = array<i32>} : memref<16384xi32, #tpu.memory_space<vmem>>, vector<16xi32>,
        %gather3A_434 = tpu.vector_load_idx %arg5[%get3A_433] : memref<100000xf32, #tpu.memory_space<vmem>>[vector<16xi32>], vector<16xf32>,
        %mul3A_435 = arith.constant 16 : i32
        %mul3A_436 = arith.muli %scan3A_427, %mul3A_435 : i32
        %swap3A_437 = arith.constant 0 : i32
        %swap3A_438 = arith.index_cast %swap3A_437 : i32 to index
        %swap3A_439 = arith.index_cast %mul3A_436 : i32 to index
        %swap3A_440 = tpu.vector_load %arg7[%swap3A_438, %swap3A_439] {strides = array<i32>} : memref<2x2048xf32, #tpu.memory_space<vmem>>, vector<16xf32>,
        tpu.vector_store %arg7[%swap3A_438, %swap3A_439], %gather3A_434 {strides = array<i32>} : memref<2x2048xf32, #tpu.memory_space<vmem>>, vector<16xf32>,
        %scan3A_441 = arith.constant 6 : i32
        %scan3A_442 = arith.addi %scan3A_355, %scan3A_441 : i32
        %mul3A_443 = arith.constant 16 : i32
        %mul3A_444 = arith.muli %scan3A_442, %mul3A_443 : i32
        %add3A_445 = arith.constant 12288 : i32
        %add3A_446 = arith.addi %add3A_445, %mul3A_444 : i32
        %get3A_447 = arith.index_cast %add3A_446 : i32 to index
        %get3A_448 = tpu.vector_load %arg6[%get3A_447] {strides = array<i32>} : memref<16384xi32, #tpu.memory_space<vmem>>, vector<16xi32>,
        %gather3A_449 = tpu.vector_load_idx %arg5[%get3A_448] : memref<100000xf32, #tpu.memory_space<vmem>>[vector<16xi32>], vector<16xf32>,
        %mul3A_450 = arith.constant 16 : i32
        %mul3A_451 = arith.muli %scan3A_442, %mul3A_450 : i32
        %swap3A_452 = arith.constant 0 : i32
        %swap3A_453 = arith.index_cast %swap3A_452 : i32 to index
        %swap3A_454 = arith.index_cast %mul3A_451 : i32 to index
        %swap3A_455 = tpu.vector_load %arg7[%swap3A_453, %swap3A_454] {strides = array<i32>} : memref<2x2048xf32, #tpu.memory_space<vmem>>, vector<16xf32>,
        tpu.vector_store %arg7[%swap3A_453, %swap3A_454], %gather3A_449 {strides = array<i32>} : memref<2x2048xf32, #tpu.memory_space<vmem>>, vector<16xf32>,
        %scan3A_456 = arith.constant 7 : i32
        %scan3A_457 = arith.addi %scan3A_355, %scan3A_456 : i32
        %mul3A_458 = arith.constant 16 : i32
        %mul3A_459 = arith.muli %scan3A_457, %mul3A_458 : i32
        %add3A_460 = arith.constant 12288 : i32
        %add3A_461 = arith.addi %add3A_460, %mul3A_459 : i32
        %get3A_462 = arith.index_cast %add3A_461 : i32 to index
        %get3A_463 = tpu.vector_load %arg6[%get3A_462] {strides = array<i32>} : memref<16384xi32, #tpu.memory_space<vmem>>, vector<16xi32>,
        %gather3A_464 = tpu.vector_load_idx %arg5[%get3A_463] : memref<100000xf32, #tpu.memory_space<vmem>>[vector<16xi32>], vector<16xf32>,
        %mul3A_465 = arith.constant 16 : i32
        %mul3A_466 = arith.muli %scan3A_457, %mul3A_465 : i32
        %swap3A_467 = arith.constant 0 : i32
        %swap3A_468 = arith.index_cast %swap3A_467 : i32 to index
        %swap3A_469 = arith.index_cast %mul3A_466 : i32 to index
        %swap3A_470 = tpu.vector_load %arg7[%swap3A_468, %swap3A_469] {strides = array<i32>} : memref<2x2048xf32, #tpu.memory_space<vmem>>, vector<16xf32>,
        tpu.vector_store %arg7[%swap3A_468, %swap3A_469], %gather3A_464 {strides = array<i32>} : memref<2x2048xf32, #tpu.memory_space<vmem>>, vector<16xf32>,
        %scan3A_471 = arith.constant 8 : i32
        %scan3A_472 = arith.addi %scan3A_355, %scan3A_471 : i32
        %mul3A_473 = arith.constant 16 : i32
        %mul3A_474 = arith.muli %scan3A_472, %mul3A_473 : i32
        %add3A_475 = arith.constant 12288 : i32
        %add3A_476 = arith.addi %add3A_475, %mul3A_474 : i32
        %get3A_477 = arith.index_cast %add3A_476 : i32 to index
        %get3A_478 = tpu.vector_load %arg6[%get3A_477] {strides = array<i32>} : memref<16384xi32, #tpu.memory_space<vmem>>, vector<16xi32>,
        %gather3A_479 = tpu.vector_load_idx %arg5[%get3A_478] : memref<100000xf32, #tpu.memory_space<vmem>>[vector<16xi32>], vector<16xf32>,
        %mul3A_480 = arith.constant 16 : i32
        %mul3A_481 = arith.muli %scan3A_472, %mul3A_480 : i32
        %swap3A_482 = arith.constant 0 : i32
        %swap3A_483 = arith.index_cast %swap3A_482 : i32 to index
        %swap3A_484 = arith.index_cast %mul3A_481 : i32 to index
        %swap3A_485 = tpu.vector_load %arg7[%swap3A_483, %swap3A_484] {strides = array<i32>} : memref<2x2048xf32, #tpu.memory_space<vmem>>, vector<16xf32>,
        tpu.vector_store %arg7[%swap3A_483, %swap3A_484], %gather3A_479 {strides = array<i32>} : memref<2x2048xf32, #tpu.memory_space<vmem>>, vector<16xf32>,
        %scan3A_486 = arith.constant 9 : i32
        %scan3A_487 = arith.addi %scan3A_355, %scan3A_486 : i32
        %mul3A_488 = arith.constant 16 : i32
        %mul3A_489 = arith.muli %scan3A_487, %mul3A_488 : i32
        %add3A_490 = arith.constant 12288 : i32
        %add3A_491 = arith.addi %add3A_490, %mul3A_489 : i32
        %get3A_492 = arith.index_cast %add3A_491 : i32 to index
        %get3A_493 = tpu.vector_load %arg6[%get3A_492] {strides = array<i32>} : memref<16384xi32, #tpu.memory_space<vmem>>, vector<16xi32>,
        %gather3A_494 = tpu.vector_load_idx %arg5[%get3A_493] : memref<100000xf32, #tpu.memory_space<vmem>>[vector<16xi32>], vector<16xf32>,
        %mul3A_495 = arith.constant 16 : i32
        %mul3A_496 = arith.muli %scan3A_487, %mul3A_495 : i32
        %swap3A_497 = arith.constant 0 : i32
        %swap3A_498 = arith.index_cast %swap3A_497 : i32 to index
        %swap3A_499 = arith.index_cast %mul3A_496 : i32 to index
        %swap3A_500 = tpu.vector_load %arg7[%swap3A_498, %swap3A_499] {strides = array<i32>} : memref<2x2048xf32, #tpu.memory_space<vmem>>, vector<16xf32>,
        tpu.vector_store %arg7[%swap3A_498, %swap3A_499], %gather3A_494 {strides = array<i32>} : memref<2x2048xf32, #tpu.memory_space<vmem>>, vector<16xf32>,
        %scan3A_501 = arith.constant 10 : i32
        %scan3A_502 = arith.addi %scan3A_355, %scan3A_501 : i32
        %mul3A_503 = arith.constant 16 : i32
        %mul3A_504 = arith.muli %scan3A_502, %mul3A_503 : i32
        %add3A_505 = arith.constant 12288 : i32
        %add3A_506 = arith.addi %add3A_505, %mul3A_504 : i32
        %get3A_507 = arith.index_cast %add3A_506 : i32 to index
        %get3A_508 = tpu.vector_load %arg6[%get3A_507] {strides = array<i32>} : memref<16384xi32, #tpu.memory_space<vmem>>, vector<16xi32>,
        %gather3A_509 = tpu.vector_load_idx %arg5[%get3A_508] : memref<100000xf32, #tpu.memory_space<vmem>>[vector<16xi32>], vector<16xf32>,
        %mul3A_510 = arith.constant 16 : i32
        %mul3A_511 = arith.muli %scan3A_502, %mul3A_510 : i32
        %swap3A_512 = arith.constant 0 : i32
        %swap3A_513 = arith.index_cast %swap3A_512 : i32 to index
        %swap3A_514 = arith.index_cast %mul3A_511 : i32 to index
        %swap3A_515 = tpu.vector_load %arg7[%swap3A_513, %swap3A_514] {strides = array<i32>} : memref<2x2048xf32, #tpu.memory_space<vmem>>, vector<16xf32>,
        tpu.vector_store %arg7[%swap3A_513, %swap3A_514], %gather3A_509 {strides = array<i32>} : memref<2x2048xf32, #tpu.memory_space<vmem>>, vector<16xf32>,
        %scan3A_516 = arith.constant 11 : i32
        %scan3A_517 = arith.addi %scan3A_355, %scan3A_516 : i32
        %mul3A_518 = arith.constant 16 : i32
        %mul3A_519 = arith.muli %scan3A_517, %mul3A_518 : i32
        %add3A_520 = arith.constant 12288 : i32
        %add3A_521 = arith.addi %add3A_520, %mul3A_519 : i32
        %get3A_522 = arith.index_cast %add3A_521 : i32 to index
        %get3A_523 = tpu.vector_load %arg6[%get3A_522] {strides = array<i32>} : memref<16384xi32, #tpu.memory_space<vmem>>, vector<16xi32>,
        %gather3A_524 = tpu.vector_load_idx %arg5[%get3A_523] : memref<100000xf32, #tpu.memory_space<vmem>>[vector<16xi32>], vector<16xf32>,
        %mul3A_525 = arith.constant 16 : i32
        %mul3A_526 = arith.muli %scan3A_517, %mul3A_525 : i32
        %swap3A_527 = arith.constant 0 : i32
        %swap3A_528 = arith.index_cast %swap3A_527 : i32 to index
        %swap3A_529 = arith.index_cast %mul3A_526 : i32 to index
        %swap3A_530 = tpu.vector_load %arg7[%swap3A_528, %swap3A_529] {strides = array<i32>} : memref<2x2048xf32, #tpu.memory_space<vmem>>, vector<16xf32>,
        tpu.vector_store %arg7[%swap3A_528, %swap3A_529], %gather3A_524 {strides = array<i32>} : memref<2x2048xf32, #tpu.memory_space<vmem>>, vector<16xf32>,
        %scan3A_531 = arith.constant 12 : i32
        %scan3A_532 = arith.addi %scan3A_355, %scan3A_531 : i32
        %mul3A_533 = arith.constant 16 : i32
        %mul3A_534 = arith.muli %scan3A_532, %mul3A_533 : i32
        %add3A_535 = arith.constant 12288 : i32
        %add3A_536 = arith.addi %add3A_535, %mul3A_534 : i32
        %get3A_537 = arith.index_cast %add3A_536 : i32 to index
        %get3A_538 = tpu.vector_load %arg6[%get3A_537] {strides = array<i32>} : memref<16384xi32, #tpu.memory_space<vmem>>, vector<16xi32>,
        %gather3A_539 = tpu.vector_load_idx %arg5[%get3A_538] : memref<100000xf32, #tpu.memory_space<vmem>>[vector<16xi32>], vector<16xf32>,
        %mul3A_540 = arith.constant 16 : i32
        %mul3A_541 = arith.muli %scan3A_532, %mul3A_540 : i32
        %swap3A_542 = arith.constant 0 : i32
        %swap3A_543 = arith.index_cast %swap3A_542 : i32 to index
        %swap3A_544 = arith.index_cast %mul3A_541 : i32 to index
        %swap3A_545 = tpu.vector_load %arg7[%swap3A_543, %swap3A_544] {strides = array<i32>} : memref<2x2048xf32, #tpu.memory_space<vmem>>, vector<16xf32>,
        tpu.vector_store %arg7[%swap3A_543, %swap3A_544], %gather3A_539 {strides = array<i32>} : memref<2x2048xf32, #tpu.memory_space<vmem>>, vector<16xf32>,
        %scan3A_546 = arith.constant 13 : i32
        %scan3A_547 = arith.addi %scan3A_355, %scan3A_546 : i32
        %mul3A_548 = arith.constant 16 : i32
        %mul3A_549 = arith.muli %scan3A_547, %mul3A_548 : i32
        %add3A_550 = arith.constant 12288 : i32
        %add3A_551 = arith.addi %add3A_550, %mul3A_549 : i32
        %get3A_552 = arith.index_cast %add3A_551 : i32 to index
        %get3A_553 = tpu.vector_load %arg6[%get3A_552] {strides = array<i32>} : memref<16384xi32, #tpu.memory_space<vmem>>, vector<16xi32>,
        %gather3A_554 = tpu.vector_load_idx %arg5[%get3A_553] : memref<100000xf32, #tpu.memory_space<vmem>>[vector<16xi32>], vector<16xf32>,
        %mul3A_555 = arith.constant 16 : i32
        %mul3A_556 = arith.muli %scan3A_547, %mul3A_555 : i32
        %swap3A_557 = arith.constant 0 : i32
        %swap3A_558 = arith.index_cast %swap3A_557 : i32 to index
        %swap3A_559 = arith.index_cast %mul3A_556 : i32 to index
        %swap3A_560 = tpu.vector_load %arg7[%swap3A_558, %swap3A_559] {strides = array<i32>} : memref<2x2048xf32, #tpu.memory_space<vmem>>, vector<16xf32>,
        tpu.vector_store %arg7[%swap3A_558, %swap3A_559], %gather3A_554 {strides = array<i32>} : memref<2x2048xf32, #tpu.memory_space<vmem>>, vector<16xf32>,
        %scan3A_561 = arith.constant 14 : i32
        %scan3A_562 = arith.addi %scan3A_355, %scan3A_561 : i32
        %mul3A_563 = arith.constant 16 : i32
        %mul3A_564 = arith.muli %scan3A_562, %mul3A_563 : i32
        %add3A_565 = arith.constant 12288 : i32
        %add3A_566 = arith.addi %add3A_565, %mul3A_564 : i32
        %get3A_567 = arith.index_cast %add3A_566 : i32 to index
        %get3A_568 = tpu.vector_load %arg6[%get3A_567] {strides = array<i32>} : memref<16384xi32, #tpu.memory_space<vmem>>, vector<16xi32>,
        %gather3A_569 = tpu.vector_load_idx %arg5[%get3A_568] : memref<100000xf32, #tpu.memory_space<vmem>>[vector<16xi32>], vector<16xf32>,
        %mul3A_570 = arith.constant 16 : i32
        %mul3A_571 = arith.muli %scan3A_562, %mul3A_570 : i32
        %swap3A_572 = arith.constant 0 : i32
        %swap3A_573 = arith.index_cast %swap3A_572 : i32 to index
        %swap3A_574 = arith.index_cast %mul3A_571 : i32 to index
        %swap3A_575 = tpu.vector_load %arg7[%swap3A_573, %swap3A_574] {strides = array<i32>} : memref<2x2048xf32, #tpu.memory_space<vmem>>, vector<16xf32>,
        tpu.vector_store %arg7[%swap3A_573, %swap3A_574], %gather3A_569 {strides = array<i32>} : memref<2x2048xf32, #tpu.memory_space<vmem>>, vector<16xf32>,
        %scan3A_576 = arith.constant 15 : i32
        %scan3A_577 = arith.addi %scan3A_355, %scan3A_576 : i32
        %mul3A_578 = arith.constant 16 : i32
        %mul3A_579 = arith.muli %scan3A_577, %mul3A_578 : i32
        %add3A_580 = arith.constant 12288 : i32
        %add3A_581 = arith.addi %add3A_580, %mul3A_579 : i32
        %get3A_582 = arith.index_cast %add3A_581 : i32 to index
        %get3A_583 = tpu.vector_load %arg6[%get3A_582] {strides = array<i32>} : memref<16384xi32, #tpu.memory_space<vmem>>, vector<16xi32>,
        %gather3A_584 = tpu.vector_load_idx %arg5[%get3A_583] : memref<100000xf32, #tpu.memory_space<vmem>>[vector<16xi32>], vector<16xf32>,
        %mul3A_585 = arith.constant 16 : i32
        %mul3A_586 = arith.muli %scan3A_577, %mul3A_585 : i32
        %swap3A_587 = arith.constant 0 : i32
        %swap3A_588 = arith.index_cast %swap3A_587 : i32 to index
        %swap3A_589 = arith.index_cast %mul3A_586 : i32 to index
        %swap3A_590 = tpu.vector_load %arg7[%swap3A_588, %swap3A_589] {strides = array<i32>} : memref<2x2048xf32, #tpu.memory_space<vmem>>, vector<16xf32>,
        tpu.vector_store %arg7[%swap3A_588, %swap3A_589], %gather3A_584 {strides = array<i32>} : memref<2x2048xf32, #tpu.memory_space<vmem>>, vector<16xf32>,
        %scan3A_591 = arith.constant 16 : i32
        %scan3A_592 = arith.addi %scan3A_355, %scan3A_591 : i32
        %mul3A_593 = arith.constant 16 : i32
        %mul3A_594 = arith.muli %scan3A_592, %mul3A_593 : i32
        %add3A_595 = arith.constant 12288 : i32
        %add3A_596 = arith.addi %add3A_595, %mul3A_594 : i32
        %get3A_597 = arith.index_cast %add3A_596 : i32 to index
        %get3A_598 = tpu.vector_load %arg6[%get3A_597] {strides = array<i32>} : memref<16384xi32, #tpu.memory_space<vmem>>, vector<16xi32>,
        %gather3A_599 = tpu.vector_load_idx %arg5[%get3A_598] : memref<100000xf32, #tpu.memory_space<vmem>>[vector<16xi32>], vector<16xf32>,
        %mul3A_600 = arith.constant 16 : i32
        %mul3A_601 = arith.muli %scan3A_592, %mul3A_600 : i32
        %swap3A_602 = arith.constant 0 : i32
        %swap3A_603 = arith.index_cast %swap3A_602 : i32 to index
        %swap3A_604 = arith.index_cast %mul3A_601 : i32 to index
        %swap3A_605 = tpu.vector_load %arg7[%swap3A_603, %swap3A_604] {strides = array<i32>} : memref<2x2048xf32, #tpu.memory_space<vmem>>, vector<16xf32>,
        tpu.vector_store %arg7[%swap3A_603, %swap3A_604], %gather3A_599 {strides = array<i32>} : memref<2x2048xf32, #tpu.memory_space<vmem>>, vector<16xf32>,
        %scan3A_606 = arith.constant 17 : i32
        %scan3A_607 = arith.addi %scan3A_355, %scan3A_606 : i32
        %mul3A_608 = arith.constant 16 : i32
        %mul3A_609 = arith.muli %scan3A_607, %mul3A_608 : i32
        %add3A_610 = arith.constant 12288 : i32
        %add3A_611 = arith.addi %add3A_610, %mul3A_609 : i32
        %get3A_612 = arith.index_cast %add3A_611 : i32 to index
        %get3A_613 = tpu.vector_load %arg6[%get3A_612] {strides = array<i32>} : memref<16384xi32, #tpu.memory_space<vmem>>, vector<16xi32>,
        %gather3A_614 = tpu.vector_load_idx %arg5[%get3A_613] : memref<100000xf32, #tpu.memory_space<vmem>>[vector<16xi32>], vector<16xf32>,
        %mul3A_615 = arith.constant 16 : i32
        %mul3A_616 = arith.muli %scan3A_607, %mul3A_615 : i32
        %swap3A_617 = arith.constant 0 : i32
        %swap3A_618 = arith.index_cast %swap3A_617 : i32 to index
        %swap3A_619 = arith.index_cast %mul3A_616 : i32 to index
        %swap3A_620 = tpu.vector_load %arg7[%swap3A_618, %swap3A_619] {strides = array<i32>} : memref<2x2048xf32, #tpu.memory_space<vmem>>, vector<16xf32>,
        tpu.vector_store %arg7[%swap3A_618, %swap3A_619], %gather3A_614 {strides = array<i32>} : memref<2x2048xf32, #tpu.memory_space<vmem>>, vector<16xf32>,
        %scan3A_621 = arith.constant 18 : i32
        %scan3A_622 = arith.addi %scan3A_355, %scan3A_621 : i32
        %mul3A_623 = arith.constant 16 : i32
        %mul3A_624 = arith.muli %scan3A_622, %mul3A_623 : i32
        %add3A_625 = arith.constant 12288 : i32
        %add3A_626 = arith.addi %add3A_625, %mul3A_624 : i32
        %get3A_627 = arith.index_cast %add3A_626 : i32 to index
        %get3A_628 = tpu.vector_load %arg6[%get3A_627] {strides = array<i32>} : memref<16384xi32, #tpu.memory_space<vmem>>, vector<16xi32>,
        %gather3A_629 = tpu.vector_load_idx %arg5[%get3A_628] : memref<100000xf32, #tpu.memory_space<vmem>>[vector<16xi32>], vector<16xf32>,
        %mul3A_630 = arith.constant 16 : i32
        %mul3A_631 = arith.muli %scan3A_622, %mul3A_630 : i32
        %swap3A_632 = arith.constant 0 : i32
        %swap3A_633 = arith.index_cast %swap3A_632 : i32 to index
        %swap3A_634 = arith.index_cast %mul3A_631 : i32 to index
        %swap3A_635 = tpu.vector_load %arg7[%swap3A_633, %swap3A_634] {strides = array<i32>} : memref<2x2048xf32, #tpu.memory_space<vmem>>, vector<16xf32>,
        tpu.vector_store %arg7[%swap3A_633, %swap3A_634], %gather3A_629 {strides = array<i32>} : memref<2x2048xf32, #tpu.memory_space<vmem>>, vector<16xf32>,
        %scan3A_636 = arith.constant 19 : i32
        %scan3A_637 = arith.addi %scan3A_355, %scan3A_636 : i32
        %mul3A_638 = arith.constant 16 : i32
        %mul3A_639 = arith.muli %scan3A_637, %mul3A_638 : i32
        %add3A_640 = arith.constant 12288 : i32
        %add3A_641 = arith.addi %add3A_640, %mul3A_639 : i32
        %get3A_642 = arith.index_cast %add3A_641 : i32 to index
        %get3A_643 = tpu.vector_load %arg6[%get3A_642] {strides = array<i32>} : memref<16384xi32, #tpu.memory_space<vmem>>, vector<16xi32>,
        %gather3A_644 = tpu.vector_load_idx %arg5[%get3A_643] : memref<100000xf32, #tpu.memory_space<vmem>>[vector<16xi32>], vector<16xf32>,
        %mul3A_645 = arith.constant 16 : i32
        %mul3A_646 = arith.muli %scan3A_637, %mul3A_645 : i32
        %swap3A_647 = arith.constant 0 : i32
        %swap3A_648 = arith.index_cast %swap3A_647 : i32 to index
        %swap3A_649 = arith.index_cast %mul3A_646 : i32 to index
        %swap3A_650 = tpu.vector_load %arg7[%swap3A_648, %swap3A_649] {strides = array<i32>} : memref<2x2048xf32, #tpu.memory_space<vmem>>, vector<16xf32>,
        tpu.vector_store %arg7[%swap3A_648, %swap3A_649], %gather3A_644 {strides = array<i32>} : memref<2x2048xf32, #tpu.memory_space<vmem>>, vector<16xf32>,
        %scan3A_651 = arith.constant 20 : i32
        %scan3A_652 = arith.addi %scan3A_355, %scan3A_651 : i32
        %mul3A_653 = arith.constant 16 : i32
        %mul3A_654 = arith.muli %scan3A_652, %mul3A_653 : i32
        %add3A_655 = arith.constant 12288 : i32
        %add3A_656 = arith.addi %add3A_655, %mul3A_654 : i32
        %get3A_657 = arith.index_cast %add3A_656 : i32 to index
        %get3A_658 = tpu.vector_load %arg6[%get3A_657] {strides = array<i32>} : memref<16384xi32, #tpu.memory_space<vmem>>, vector<16xi32>,
        %gather3A_659 = tpu.vector_load_idx %arg5[%get3A_658] : memref<100000xf32, #tpu.memory_space<vmem>>[vector<16xi32>], vector<16xf32>,
        %mul3A_660 = arith.constant 16 : i32
        %mul3A_661 = arith.muli %scan3A_652, %mul3A_660 : i32
        %swap3A_662 = arith.constant 0 : i32
        %swap3A_663 = arith.index_cast %swap3A_662 : i32 to index
        %swap3A_664 = arith.index_cast %mul3A_661 : i32 to index
        %swap3A_665 = tpu.vector_load %arg7[%swap3A_663, %swap3A_664] {strides = array<i32>} : memref<2x2048xf32, #tpu.memory_space<vmem>>, vector<16xf32>,
        tpu.vector_store %arg7[%swap3A_663, %swap3A_664], %gather3A_659 {strides = array<i32>} : memref<2x2048xf32, #tpu.memory_space<vmem>>, vector<16xf32>,
        %scan3A_666 = arith.constant 21 : i32
        %scan3A_667 = arith.addi %scan3A_355, %scan3A_666 : i32
        %mul3A_668 = arith.constant 16 : i32
        %mul3A_669 = arith.muli %scan3A_667, %mul3A_668 : i32
        %add3A_670 = arith.constant 12288 : i32
        %add3A_671 = arith.addi %add3A_670, %mul3A_669 : i32
        %get3A_672 = arith.index_cast %add3A_671 : i32 to index
        %get3A_673 = tpu.vector_load %arg6[%get3A_672] {strides = array<i32>} : memref<16384xi32, #tpu.memory_space<vmem>>, vector<16xi32>,
        %gather3A_674 = tpu.vector_load_idx %arg5[%get3A_673] : memref<100000xf32, #tpu.memory_space<vmem>>[vector<16xi32>], vector<16xf32>,
        %mul3A_675 = arith.constant 16 : i32
        %mul3A_676 = arith.muli %scan3A_667, %mul3A_675 : i32
        %swap3A_677 = arith.constant 0 : i32
        %swap3A_678 = arith.index_cast %swap3A_677 : i32 to index
        %swap3A_679 = arith.index_cast %mul3A_676 : i32 to index
        %swap3A_680 = tpu.vector_load %arg7[%swap3A_678, %swap3A_679] {strides = array<i32>} : memref<2x2048xf32, #tpu.memory_space<vmem>>, vector<16xf32>,
        tpu.vector_store %arg7[%swap3A_678, %swap3A_679], %gather3A_674 {strides = array<i32>} : memref<2x2048xf32, #tpu.memory_space<vmem>>, vector<16xf32>,
        %scan3A_681 = arith.constant 22 : i32
        %scan3A_682 = arith.addi %scan3A_355, %scan3A_681 : i32
        %mul3A_683 = arith.constant 16 : i32
        %mul3A_684 = arith.muli %scan3A_682, %mul3A_683 : i32
        %add3A_685 = arith.constant 12288 : i32
        %add3A_686 = arith.addi %add3A_685, %mul3A_684 : i32
        %get3A_687 = arith.index_cast %add3A_686 : i32 to index
        %get3A_688 = tpu.vector_load %arg6[%get3A_687] {strides = array<i32>} : memref<16384xi32, #tpu.memory_space<vmem>>, vector<16xi32>,
        %gather3A_689 = tpu.vector_load_idx %arg5[%get3A_688] : memref<100000xf32, #tpu.memory_space<vmem>>[vector<16xi32>], vector<16xf32>,
        %mul3A_690 = arith.constant 16 : i32
        %mul3A_691 = arith.muli %scan3A_682, %mul3A_690 : i32
        %swap3A_692 = arith.constant 0 : i32
        %swap3A_693 = arith.index_cast %swap3A_692 : i32 to index
        %swap3A_694 = arith.index_cast %mul3A_691 : i32 to index
        %swap3A_695 = tpu.vector_load %arg7[%swap3A_693, %swap3A_694] {strides = array<i32>} : memref<2x2048xf32, #tpu.memory_space<vmem>>, vector<16xf32>,
        tpu.vector_store %arg7[%swap3A_693, %swap3A_694], %gather3A_689 {strides = array<i32>} : memref<2x2048xf32, #tpu.memory_space<vmem>>, vector<16xf32>,
        %scan3A_696 = arith.constant 23 : i32
        %scan3A_697 = arith.addi %scan3A_355, %scan3A_696 : i32
        %mul3A_698 = arith.constant 16 : i32
        %mul3A_699 = arith.muli %scan3A_697, %mul3A_698 : i32
        %add3A_700 = arith.constant 12288 : i32
        %add3A_701 = arith.addi %add3A_700, %mul3A_699 : i32
        %get3A_702 = arith.index_cast %add3A_701 : i32 to index
        %get3A_703 = tpu.vector_load %arg6[%get3A_702] {strides = array<i32>} : memref<16384xi32, #tpu.memory_space<vmem>>, vector<16xi32>,
        %gather3A_704 = tpu.vector_load_idx %arg5[%get3A_703] : memref<100000xf32, #tpu.memory_space<vmem>>[vector<16xi32>], vector<16xf32>,
        %mul3A_705 = arith.constant 16 : i32
        %mul3A_706 = arith.muli %scan3A_697, %mul3A_705 : i32
        %swap3A_707 = arith.constant 0 : i32
        %swap3A_708 = arith.index_cast %swap3A_707 : i32 to index
        %swap3A_709 = arith.index_cast %mul3A_706 : i32 to index
        %swap3A_710 = tpu.vector_load %arg7[%swap3A_708, %swap3A_709] {strides = array<i32>} : memref<2x2048xf32, #tpu.memory_space<vmem>>, vector<16xf32>,
        tpu.vector_store %arg7[%swap3A_708, %swap3A_709], %gather3A_704 {strides = array<i32>} : memref<2x2048xf32, #tpu.memory_space<vmem>>, vector<16xf32>,
        %scan3A_711 = arith.constant 24 : i32
        %scan3A_712 = arith.addi %scan3A_355, %scan3A_711 : i32
        %mul3A_713 = arith.constant 16 : i32
        %mul3A_714 = arith.muli %scan3A_712, %mul3A_713 : i32
        %add3A_715 = arith.constant 12288 : i32
        %add3A_716 = arith.addi %add3A_715, %mul3A_714 : i32
        %get3A_717 = arith.index_cast %add3A_716 : i32 to index
        %get3A_718 = tpu.vector_load %arg6[%get3A_717] {strides = array<i32>} : memref<16384xi32, #tpu.memory_space<vmem>>, vector<16xi32>,
        %gather3A_719 = tpu.vector_load_idx %arg5[%get3A_718] : memref<100000xf32, #tpu.memory_space<vmem>>[vector<16xi32>], vector<16xf32>,
        %mul3A_720 = arith.constant 16 : i32
        %mul3A_721 = arith.muli %scan3A_712, %mul3A_720 : i32
        %swap3A_722 = arith.constant 0 : i32
        %swap3A_723 = arith.index_cast %swap3A_722 : i32 to index
        %swap3A_724 = arith.index_cast %mul3A_721 : i32 to index
        %swap3A_725 = tpu.vector_load %arg7[%swap3A_723, %swap3A_724] {strides = array<i32>} : memref<2x2048xf32, #tpu.memory_space<vmem>>, vector<16xf32>,
        tpu.vector_store %arg7[%swap3A_723, %swap3A_724], %gather3A_719 {strides = array<i32>} : memref<2x2048xf32, #tpu.memory_space<vmem>>, vector<16xf32>,
        %scan3A_726 = arith.constant 25 : i32
        %scan3A_727 = arith.addi %scan3A_355, %scan3A_726 : i32
        %mul3A_728 = arith.constant 16 : i32
        %mul3A_729 = arith.muli %scan3A_727, %mul3A_728 : i32
        %add3A_730 = arith.constant 12288 : i32
        %add3A_731 = arith.addi %add3A_730, %mul3A_729 : i32
        %get3A_732 = arith.index_cast %add3A_731 : i32 to index
        %get3A_733 = tpu.vector_load %arg6[%get3A_732] {strides = array<i32>} : memref<16384xi32, #tpu.memory_space<vmem>>, vector<16xi32>,
        %gather3A_734 = tpu.vector_load_idx %arg5[%get3A_733] : memref<100000xf32, #tpu.memory_space<vmem>>[vector<16xi32>], vector<16xf32>,
        %mul3A_735 = arith.constant 16 : i32
        %mul3A_736 = arith.muli %scan3A_727, %mul3A_735 : i32
        %swap3A_737 = arith.constant 0 : i32
        %swap3A_738 = arith.index_cast %swap3A_737 : i32 to index
        %swap3A_739 = arith.index_cast %mul3A_736 : i32 to index
        %swap3A_740 = tpu.vector_load %arg7[%swap3A_738, %swap3A_739] {strides = array<i32>} : memref<2x2048xf32, #tpu.memory_space<vmem>>, vector<16xf32>,
        tpu.vector_store %arg7[%swap3A_738, %swap3A_739], %gather3A_734 {strides = array<i32>} : memref<2x2048xf32, #tpu.memory_space<vmem>>, vector<16xf32>,
        %scan3A_741 = arith.constant 26 : i32
        %scan3A_742 = arith.addi %scan3A_355, %scan3A_741 : i32
        %mul3A_743 = arith.constant 16 : i32
        %mul3A_744 = arith.muli %scan3A_742, %mul3A_743 : i32
        %add3A_745 = arith.constant 12288 : i32
        %add3A_746 = arith.addi %add3A_745, %mul3A_744 : i32
        %get3A_747 = arith.index_cast %add3A_746 : i32 to index
        %get3A_748 = tpu.vector_load %arg6[%get3A_747] {strides = array<i32>} : memref<16384xi32, #tpu.memory_space<vmem>>, vector<16xi32>,
        %gather3A_749 = tpu.vector_load_idx %arg5[%get3A_748] : memref<100000xf32, #tpu.memory_space<vmem>>[vector<16xi32>], vector<16xf32>,
        %mul3A_750 = arith.constant 16 : i32
        %mul3A_751 = arith.muli %scan3A_742, %mul3A_750 : i32
        %swap3A_752 = arith.constant 0 : i32
        %swap3A_753 = arith.index_cast %swap3A_752 : i32 to index
        %swap3A_754 = arith.index_cast %mul3A_751 : i32 to index
        %swap3A_755 = tpu.vector_load %arg7[%swap3A_753, %swap3A_754] {strides = array<i32>} : memref<2x2048xf32, #tpu.memory_space<vmem>>, vector<16xf32>,
        tpu.vector_store %arg7[%swap3A_753, %swap3A_754], %gather3A_749 {strides = array<i32>} : memref<2x2048xf32, #tpu.memory_space<vmem>>, vector<16xf32>,
        %scan3A_756 = arith.constant 27 : i32
        %scan3A_757 = arith.addi %scan3A_355, %scan3A_756 : i32
        %mul3A_758 = arith.constant 16 : i32
        %mul3A_759 = arith.muli %scan3A_757, %mul3A_758 : i32
        %add3A_760 = arith.constant 12288 : i32
        %add3A_761 = arith.addi %add3A_760, %mul3A_759 : i32
        %get3A_762 = arith.index_cast %add3A_761 : i32 to index
        %get3A_763 = tpu.vector_load %arg6[%get3A_762] {strides = array<i32>} : memref<16384xi32, #tpu.memory_space<vmem>>, vector<16xi32>,
        %gather3A_764 = tpu.vector_load_idx %arg5[%get3A_763] : memref<100000xf32, #tpu.memory_space<vmem>>[vector<16xi32>], vector<16xf32>,
        %mul3A_765 = arith.constant 16 : i32
        %mul3A_766 = arith.muli %scan3A_757, %mul3A_765 : i32
        %swap3A_767 = arith.constant 0 : i32
        %swap3A_768 = arith.index_cast %swap3A_767 : i32 to index
        %swap3A_769 = arith.index_cast %mul3A_766 : i32 to index
        %swap3A_770 = tpu.vector_load %arg7[%swap3A_768, %swap3A_769] {strides = array<i32>} : memref<2x2048xf32, #tpu.memory_space<vmem>>, vector<16xf32>,
        tpu.vector_store %arg7[%swap3A_768, %swap3A_769], %gather3A_764 {strides = array<i32>} : memref<2x2048xf32, #tpu.memory_space<vmem>>, vector<16xf32>,
        %scan3A_771 = arith.constant 28 : i32
        %scan3A_772 = arith.addi %scan3A_355, %scan3A_771 : i32
        %mul3A_773 = arith.constant 16 : i32
        %mul3A_774 = arith.muli %scan3A_772, %mul3A_773 : i32
        %add3A_775 = arith.constant 12288 : i32
        %add3A_776 = arith.addi %add3A_775, %mul3A_774 : i32
        %get3A_777 = arith.index_cast %add3A_776 : i32 to index
        %get3A_778 = tpu.vector_load %arg6[%get3A_777] {strides = array<i32>} : memref<16384xi32, #tpu.memory_space<vmem>>, vector<16xi32>,
        %gather3A_779 = tpu.vector_load_idx %arg5[%get3A_778] : memref<100000xf32, #tpu.memory_space<vmem>>[vector<16xi32>], vector<16xf32>,
        %mul3A_780 = arith.constant 16 : i32
        %mul3A_781 = arith.muli %scan3A_772, %mul3A_780 : i32
        %swap3A_782 = arith.constant 0 : i32
        %swap3A_783 = arith.index_cast %swap3A_782 : i32 to index
        %swap3A_784 = arith.index_cast %mul3A_781 : i32 to index
        %swap3A_785 = tpu.vector_load %arg7[%swap3A_783, %swap3A_784] {strides = array<i32>} : memref<2x2048xf32, #tpu.memory_space<vmem>>, vector<16xf32>,
        tpu.vector_store %arg7[%swap3A_783, %swap3A_784], %gather3A_779 {strides = array<i32>} : memref<2x2048xf32, #tpu.memory_space<vmem>>, vector<16xf32>,
        %scan3A_786 = arith.constant 29 : i32
        %scan3A_787 = arith.addi %scan3A_355, %scan3A_786 : i32
        %mul3A_788 = arith.constant 16 : i32
        %mul3A_789 = arith.muli %scan3A_787, %mul3A_788 : i32
        %add3A_790 = arith.constant 12288 : i32
        %add3A_791 = arith.addi %add3A_790, %mul3A_789 : i32
        %get3A_792 = arith.index_cast %add3A_791 : i32 to index
        %get3A_793 = tpu.vector_load %arg6[%get3A_792] {strides = array<i32>} : memref<16384xi32, #tpu.memory_space<vmem>>, vector<16xi32>,
        %gather3A_794 = tpu.vector_load_idx %arg5[%get3A_793] : memref<100000xf32, #tpu.memory_space<vmem>>[vector<16xi32>], vector<16xf32>,
        %mul3A_795 = arith.constant 16 : i32
        %mul3A_796 = arith.muli %scan3A_787, %mul3A_795 : i32
        %swap3A_797 = arith.constant 0 : i32
        %swap3A_798 = arith.index_cast %swap3A_797 : i32 to index
        %swap3A_799 = arith.index_cast %mul3A_796 : i32 to index
        %swap3A_800 = tpu.vector_load %arg7[%swap3A_798, %swap3A_799] {strides = array<i32>} : memref<2x2048xf32, #tpu.memory_space<vmem>>, vector<16xf32>,
        tpu.vector_store %arg7[%swap3A_798, %swap3A_799], %gather3A_794 {strides = array<i32>} : memref<2x2048xf32, #tpu.memory_space<vmem>>, vector<16xf32>,
        %scan3A_801 = arith.constant 30 : i32
        %scan3A_802 = arith.addi %scan3A_355, %scan3A_801 : i32
        %mul3A_803 = arith.constant 16 : i32
        %mul3A_804 = arith.muli %scan3A_802, %mul3A_803 : i32
        %add3A_805 = arith.constant 12288 : i32
        %add3A_806 = arith.addi %add3A_805, %mul3A_804 : i32
        %get3A_807 = arith.index_cast %add3A_806 : i32 to index
        %get3A_808 = tpu.vector_load %arg6[%get3A_807] {strides = array<i32>} : memref<16384xi32, #tpu.memory_space<vmem>>, vector<16xi32>,
        %gather3A_809 = tpu.vector_load_idx %arg5[%get3A_808] : memref<100000xf32, #tpu.memory_space<vmem>>[vector<16xi32>], vector<16xf32>,
        %mul3A_810 = arith.constant 16 : i32
        %mul3A_811 = arith.muli %scan3A_802, %mul3A_810 : i32
        %swap3A_812 = arith.constant 0 : i32
        %swap3A_813 = arith.index_cast %swap3A_812 : i32 to index
        %swap3A_814 = arith.index_cast %mul3A_811 : i32 to index
        %swap3A_815 = tpu.vector_load %arg7[%swap3A_813, %swap3A_814] {strides = array<i32>} : memref<2x2048xf32, #tpu.memory_space<vmem>>, vector<16xf32>,
        tpu.vector_store %arg7[%swap3A_813, %swap3A_814], %gather3A_809 {strides = array<i32>} : memref<2x2048xf32, #tpu.memory_space<vmem>>, vector<16xf32>,
        %scan3A_816 = arith.constant 31 : i32
        %scan3A_817 = arith.addi %scan3A_355, %scan3A_816 : i32
        %mul3A_818 = arith.constant 16 : i32
        %mul3A_819 = arith.muli %scan3A_817, %mul3A_818 : i32
        %add3A_820 = arith.constant 12288 : i32
        %add3A_821 = arith.addi %add3A_820, %mul3A_819 : i32
        %get3A_822 = arith.index_cast %add3A_821 : i32 to index
        %get3A_823 = tpu.vector_load %arg6[%get3A_822] {strides = array<i32>} : memref<16384xi32, #tpu.memory_space<vmem>>, vector<16xi32>,
        %gather3A_824 = tpu.vector_load_idx %arg5[%get3A_823] : memref<100000xf32, #tpu.memory_space<vmem>>[vector<16xi32>], vector<16xf32>,
        %mul3A_825 = arith.constant 16 : i32
        %mul3A_826 = arith.muli %scan3A_817, %mul3A_825 : i32
        %swap3A_827 = arith.constant 0 : i32
        %swap3A_828 = arith.index_cast %swap3A_827 : i32 to index
        %swap3A_829 = arith.index_cast %mul3A_826 : i32 to index
        %swap3A_830 = tpu.vector_load %arg7[%swap3A_828, %swap3A_829] {strides = array<i32>} : memref<2x2048xf32, #tpu.memory_space<vmem>>, vector<16xf32>,
        tpu.vector_store %arg7[%swap3A_828, %swap3A_829], %gather3A_824 {strides = array<i32>} : memref<2x2048xf32, #tpu.memory_space<vmem>>, vector<16xf32>,
      }
      %scan3A_277 = arith.constant 128 : i32
      %dma_start3A_278 = arith.constant 0 : i32
      %dma_start3A_279 = arith.constant 0 : i32
      %dma_start3A_280 = tpu.memref_slice %arg7[%dma_start3A_278, %dma_start3A_279] : memref<2x2048xf32, #tpu.memory_space<vmem>> -> memref<1x2048xf32, #tpu.memory_space<vmem>>
      %dma_start3A_281 = tpu.memref_squeeze %dma_start3A_280 : memref<1x2048xf32, #tpu.memory_space<vmem>> -> memref<2048xf32, #tpu.memory_space<vmem>>
      %dma_start3A_282 = arith.constant 12288 : i32
      %dma_start3A_283 = tpu.memref_slice %arg4[%add3A_32, %dma_start3A_282] : memref<832x16384xf32, #tpu.memory_space<hbm>> -> memref<1x2048xf32, #tpu.memory_space<hbm>>
      %dma_start3A_284 = tpu.memref_squeeze %dma_start3A_283 : memref<1x2048xf32, #tpu.memory_space<hbm>> -> memref<2048xf32, #tpu.memory_space<hbm>>
      %dma_start3A_285 = arith.constant 12288 : i32
      %dma_start3A_286 = tpu.memref_slice %arg4[%add3A_32, %dma_start3A_285] : memref<832x16384xf32, #tpu.memory_space<hbm>> -> memref<1x2048xf32, #tpu.memory_space<hbm>>
      %dma_start3A_287 = tpu.memref_squeeze %dma_start3A_286 : memref<1x2048xf32, #tpu.memory_space<hbm>> -> memref<2048xf32, #tpu.memory_space<hbm>>
      %dma_start3A_288 = arith.constant 0 : i32
      %dma_start3A_289 = tpu.memref_slice %arg7[%dma_start3A_278, %dma_start3A_288] : memref<2x2048xf32, #tpu.memory_space<vmem>> -> memref<1x2048xf32, #tpu.memory_space<vmem>>
      %dma_start3A_290 = tpu.memref_squeeze %dma_start3A_289 : memref<1x2048xf32, #tpu.memory_space<vmem>> -> memref<2048xf32, #tpu.memory_space<vmem>>
      tpu.enqueue_dma source(%dma_start3A_290 : memref<2048xf32, #tpu.memory_space<vmem>>) target(%dma_start3A_287 : memref<2048xf32, #tpu.memory_space<hbm>>) target_semaphore(%arg10 : memref<!tpu.dma_semaphore, #tpu.memory_space<semaphore_mem>>)
      %dma_wait3A_291 = arith.constant 1 : i32
      %dma_wait3A_292 = arith.constant 0 : i32
      %dma_wait3A_293 = tpu.memref_slice %arg7[%dma_wait3A_291, %dma_wait3A_292] : memref<2x2048xf32, #tpu.memory_space<vmem>> -> memref<1x2048xf32, #tpu.memory_space<vmem>>
      %dma_wait3A_294 = tpu.memref_squeeze %dma_wait3A_293 : memref<1x2048xf32, #tpu.memory_space<vmem>> -> memref<2048xf32, #tpu.memory_space<vmem>>
      %dma_wait3A_295 = arith.constant 10240 : i32
      %dma_wait3A_296 = tpu.memref_slice %arg4[%add3A_32, %dma_wait3A_295] : memref<832x16384xf32, #tpu.memory_space<hbm>> -> memref<1x2048xf32, #tpu.memory_space<hbm>>
      %dma_wait3A_297 = tpu.memref_squeeze %dma_wait3A_296 : memref<1x2048xf32, #tpu.memory_space<hbm>> -> memref<2048xf32, #tpu.memory_space<hbm>>
      %dma_wait3A_298 = arith.constant 10240 : i32
      %dma_wait3A_299 = tpu.memref_slice %arg4[%add3A_32, %dma_wait3A_298] : memref<832x16384xf32, #tpu.memory_space<hbm>> -> memref<1x2048xf32, #tpu.memory_space<hbm>>
      %dma_wait3A_300 = tpu.memref_squeeze %dma_wait3A_299 : memref<1x2048xf32, #tpu.memory_space<hbm>> -> memref<2048xf32, #tpu.memory_space<hbm>>
      %dma_wait3A_301 = arith.constant 0 : i32
      %dma_wait3A_302 = tpu.memref_slice %arg7[%dma_wait3A_291, %dma_wait3A_301] : memref<2x2048xf32, #tpu.memory_space<vmem>> -> memref<1x2048xf32, #tpu.memory_space<vmem>>
      %dma_wait3A_303 = tpu.memref_squeeze %dma_wait3A_302 : memref<1x2048xf32, #tpu.memory_space<vmem>> -> memref<2048xf32, #tpu.memory_space<vmem>>
      tpu.wait_dma2 semaphore(%arg10 : memref<!tpu.dma_semaphore, #tpu.memory_space<semaphore_mem>>) src(%dma_wait3A_303 : memref<2048xf32, #tpu.memory_space<vmem>>) dst(%dma_wait3A_300 : memref<2048xf32, #tpu.memory_space<hbm>>)
      %scan3A_304 = arith.constant 0 : i32
      %scan3A_305 = arith.constant 0 : i32
      %scan3A_306 = arith.constant 128 : i32
      %scan3A_307 = arith.addi %scan3A_305, %scan3A_306 : i32
      %scan3A_308 = arith.constant 32 : i32
      scf.for %scan3A_355 = %scan3A_305 to %scan3A_307 step %scan3A_308  : i32 {
        %mul3A_356 = arith.constant 16 : i32
        %mul3A_357 = arith.muli %scan3A_355, %mul3A_356 : i32
        %add3A_358 = arith.constant 14336 : i32
        %add3A_359 = arith.addi %add3A_358, %mul3A_357 : i32
        %get3A = arith.index_cast %add3A_359 : i32 to index
        %get3A_360 = tpu.vector_load %arg6[%get3A] {strides = array<i32>} : memref<16384xi32, #tpu.memory_space<vmem>>, vector<16xi32>,
        %gather3A = tpu.vector_load_idx %arg5[%get3A_360] : memref<100000xf32, #tpu.memory_space<vmem>>[vector<16xi32>], vector<16xf32>,
        %mul3A_361 = arith.constant 16 : i32
        %mul3A_362 = arith.muli %scan3A_355, %mul3A_361 : i32
        %swap3A = arith.constant 1 : i32
        %swap3A_363 = arith.index_cast %swap3A : i32 to index
        %swap3A_364 = arith.index_cast %mul3A_362 : i32 to index
        %swap3A_365 = tpu.vector_load %arg7[%swap3A_363, %swap3A_364] {strides = array<i32>} : memref<2x2048xf32, #tpu.memory_space<vmem>>, vector<16xf32>,
        tpu.vector_store %arg7[%swap3A_363, %swap3A_364], %gather3A {strides = array<i32>} : memref<2x2048xf32, #tpu.memory_space<vmem>>, vector<16xf32>,
        %scan3A_366 = arith.constant 1 : i32
        %scan3A_367 = arith.addi %scan3A_355, %scan3A_366 : i32
        %mul3A_368 = arith.constant 16 : i32
        %mul3A_369 = arith.muli %scan3A_367, %mul3A_368 : i32
        %add3A_370 = arith.constant 14336 : i32
        %add3A_371 = arith.addi %add3A_370, %mul3A_369 : i32
        %get3A_372 = arith.index_cast %add3A_371 : i32 to index
        %get3A_373 = tpu.vector_load %arg6[%get3A_372] {strides = array<i32>} : memref<16384xi32, #tpu.memory_space<vmem>>, vector<16xi32>,
        %gather3A_374 = tpu.vector_load_idx %arg5[%get3A_373] : memref<100000xf32, #tpu.memory_space<vmem>>[vector<16xi32>], vector<16xf32>,
        %mul3A_375 = arith.constant 16 : i32
        %mul3A_376 = arith.muli %scan3A_367, %mul3A_375 : i32
        %swap3A_377 = arith.constant 1 : i32
        %swap3A_378 = arith.index_cast %swap3A_377 : i32 to index
        %swap3A_379 = arith.index_cast %mul3A_376 : i32 to index
        %swap3A_380 = tpu.vector_load %arg7[%swap3A_378, %swap3A_379] {strides = array<i32>} : memref<2x2048xf32, #tpu.memory_space<vmem>>, vector<16xf32>,
        tpu.vector_store %arg7[%swap3A_378, %swap3A_379], %gather3A_374 {strides = array<i32>} : memref<2x2048xf32, #tpu.memory_space<vmem>>, vector<16xf32>,
        %scan3A_381 = arith.constant 2 : i32
        %scan3A_382 = arith.addi %scan3A_355, %scan3A_381 : i32
        %mul3A_383 = arith.constant 16 : i32
        %mul3A_384 = arith.muli %scan3A_382, %mul3A_383 : i32
        %add3A_385 = arith.constant 14336 : i32
        %add3A_386 = arith.addi %add3A_385, %mul3A_384 : i32
        %get3A_387 = arith.index_cast %add3A_386 : i32 to index
        %get3A_388 = tpu.vector_load %arg6[%get3A_387] {strides = array<i32>} : memref<16384xi32, #tpu.memory_space<vmem>>, vector<16xi32>,
        %gather3A_389 = tpu.vector_load_idx %arg5[%get3A_388] : memref<100000xf32, #tpu.memory_space<vmem>>[vector<16xi32>], vector<16xf32>,
        %mul3A_390 = arith.constant 16 : i32
        %mul3A_391 = arith.muli %scan3A_382, %mul3A_390 : i32
        %swap3A_392 = arith.constant 1 : i32
        %swap3A_393 = arith.index_cast %swap3A_392 : i32 to index
        %swap3A_394 = arith.index_cast %mul3A_391 : i32 to index
        %swap3A_395 = tpu.vector_load %arg7[%swap3A_393, %swap3A_394] {strides = array<i32>} : memref<2x2048xf32, #tpu.memory_space<vmem>>, vector<16xf32>,
        tpu.vector_store %arg7[%swap3A_393, %swap3A_394], %gather3A_389 {strides = array<i32>} : memref<2x2048xf32, #tpu.memory_space<vmem>>, vector<16xf32>,
        %scan3A_396 = arith.constant 3 : i32
        %scan3A_397 = arith.addi %scan3A_355, %scan3A_396 : i32
        %mul3A_398 = arith.constant 16 : i32
        %mul3A_399 = arith.muli %scan3A_397, %mul3A_398 : i32
        %add3A_400 = arith.constant 14336 : i32
        %add3A_401 = arith.addi %add3A_400, %mul3A_399 : i32
        %get3A_402 = arith.index_cast %add3A_401 : i32 to index
        %get3A_403 = tpu.vector_load %arg6[%get3A_402] {strides = array<i32>} : memref<16384xi32, #tpu.memory_space<vmem>>, vector<16xi32>,
        %gather3A_404 = tpu.vector_load_idx %arg5[%get3A_403] : memref<100000xf32, #tpu.memory_space<vmem>>[vector<16xi32>], vector<16xf32>,
        %mul3A_405 = arith.constant 16 : i32
        %mul3A_406 = arith.muli %scan3A_397, %mul3A_405 : i32
        %swap3A_407 = arith.constant 1 : i32
        %swap3A_408 = arith.index_cast %swap3A_407 : i32 to index
        %swap3A_409 = arith.index_cast %mul3A_406 : i32 to index
        %swap3A_410 = tpu.vector_load %arg7[%swap3A_408, %swap3A_409] {strides = array<i32>} : memref<2x2048xf32, #tpu.memory_space<vmem>>, vector<16xf32>,
        tpu.vector_store %arg7[%swap3A_408, %swap3A_409], %gather3A_404 {strides = array<i32>} : memref<2x2048xf32, #tpu.memory_space<vmem>>, vector<16xf32>,
        %scan3A_411 = arith.constant 4 : i32
        %scan3A_412 = arith.addi %scan3A_355, %scan3A_411 : i32
        %mul3A_413 = arith.constant 16 : i32
        %mul3A_414 = arith.muli %scan3A_412, %mul3A_413 : i32
        %add3A_415 = arith.constant 14336 : i32
        %add3A_416 = arith.addi %add3A_415, %mul3A_414 : i32
        %get3A_417 = arith.index_cast %add3A_416 : i32 to index
        %get3A_418 = tpu.vector_load %arg6[%get3A_417] {strides = array<i32>} : memref<16384xi32, #tpu.memory_space<vmem>>, vector<16xi32>,
        %gather3A_419 = tpu.vector_load_idx %arg5[%get3A_418] : memref<100000xf32, #tpu.memory_space<vmem>>[vector<16xi32>], vector<16xf32>,
        %mul3A_420 = arith.constant 16 : i32
        %mul3A_421 = arith.muli %scan3A_412, %mul3A_420 : i32
        %swap3A_422 = arith.constant 1 : i32
        %swap3A_423 = arith.index_cast %swap3A_422 : i32 to index
        %swap3A_424 = arith.index_cast %mul3A_421 : i32 to index
        %swap3A_425 = tpu.vector_load %arg7[%swap3A_423, %swap3A_424] {strides = array<i32>} : memref<2x2048xf32, #tpu.memory_space<vmem>>, vector<16xf32>,
        tpu.vector_store %arg7[%swap3A_423, %swap3A_424], %gather3A_419 {strides = array<i32>} : memref<2x2048xf32, #tpu.memory_space<vmem>>, vector<16xf32>,
        %scan3A_426 = arith.constant 5 : i32
        %scan3A_427 = arith.addi %scan3A_355, %scan3A_426 : i32
        %mul3A_428 = arith.constant 16 : i32
        %mul3A_429 = arith.muli %scan3A_427, %mul3A_428 : i32
        %add3A_430 = arith.constant 14336 : i32
        %add3A_431 = arith.addi %add3A_430, %mul3A_429 : i32
        %get3A_432 = arith.index_cast %add3A_431 : i32 to index
        %get3A_433 = tpu.vector_load %arg6[%get3A_432] {strides = array<i32>} : memref<16384xi32, #tpu.memory_space<vmem>>, vector<16xi32>,
        %gather3A_434 = tpu.vector_load_idx %arg5[%get3A_433] : memref<100000xf32, #tpu.memory_space<vmem>>[vector<16xi32>], vector<16xf32>,
        %mul3A_435 = arith.constant 16 : i32
        %mul3A_436 = arith.muli %scan3A_427, %mul3A_435 : i32
        %swap3A_437 = arith.constant 1 : i32
        %swap3A_438 = arith.index_cast %swap3A_437 : i32 to index
        %swap3A_439 = arith.index_cast %mul3A_436 : i32 to index
        %swap3A_440 = tpu.vector_load %arg7[%swap3A_438, %swap3A_439] {strides = array<i32>} : memref<2x2048xf32, #tpu.memory_space<vmem>>, vector<16xf32>,
        tpu.vector_store %arg7[%swap3A_438, %swap3A_439], %gather3A_434 {strides = array<i32>} : memref<2x2048xf32, #tpu.memory_space<vmem>>, vector<16xf32>,
        %scan3A_441 = arith.constant 6 : i32
        %scan3A_442 = arith.addi %scan3A_355, %scan3A_441 : i32
        %mul3A_443 = arith.constant 16 : i32
        %mul3A_444 = arith.muli %scan3A_442, %mul3A_443 : i32
        %add3A_445 = arith.constant 14336 : i32
        %add3A_446 = arith.addi %add3A_445, %mul3A_444 : i32
        %get3A_447 = arith.index_cast %add3A_446 : i32 to index
        %get3A_448 = tpu.vector_load %arg6[%get3A_447] {strides = array<i32>} : memref<16384xi32, #tpu.memory_space<vmem>>, vector<16xi32>,
        %gather3A_449 = tpu.vector_load_idx %arg5[%get3A_448] : memref<100000xf32, #tpu.memory_space<vmem>>[vector<16xi32>], vector<16xf32>,
        %mul3A_450 = arith.constant 16 : i32
        %mul3A_451 = arith.muli %scan3A_442, %mul3A_450 : i32
        %swap3A_452 = arith.constant 1 : i32
        %swap3A_453 = arith.index_cast %swap3A_452 : i32 to index
        %swap3A_454 = arith.index_cast %mul3A_451 : i32 to index
        %swap3A_455 = tpu.vector_load %arg7[%swap3A_453, %swap3A_454] {strides = array<i32>} : memref<2x2048xf32, #tpu.memory_space<vmem>>, vector<16xf32>,
        tpu.vector_store %arg7[%swap3A_453, %swap3A_454], %gather3A_449 {strides = array<i32>} : memref<2x2048xf32, #tpu.memory_space<vmem>>, vector<16xf32>,
        %scan3A_456 = arith.constant 7 : i32
        %scan3A_457 = arith.addi %scan3A_355, %scan3A_456 : i32
        %mul3A_458 = arith.constant 16 : i32
        %mul3A_459 = arith.muli %scan3A_457, %mul3A_458 : i32
        %add3A_460 = arith.constant 14336 : i32
        %add3A_461 = arith.addi %add3A_460, %mul3A_459 : i32
        %get3A_462 = arith.index_cast %add3A_461 : i32 to index
        %get3A_463 = tpu.vector_load %arg6[%get3A_462] {strides = array<i32>} : memref<16384xi32, #tpu.memory_space<vmem>>, vector<16xi32>,
        %gather3A_464 = tpu.vector_load_idx %arg5[%get3A_463] : memref<100000xf32, #tpu.memory_space<vmem>>[vector<16xi32>], vector<16xf32>,
        %mul3A_465 = arith.constant 16 : i32
        %mul3A_466 = arith.muli %scan3A_457, %mul3A_465 : i32
        %swap3A_467 = arith.constant 1 : i32
        %swap3A_468 = arith.index_cast %swap3A_467 : i32 to index
        %swap3A_469 = arith.index_cast %mul3A_466 : i32 to index
        %swap3A_470 = tpu.vector_load %arg7[%swap3A_468, %swap3A_469] {strides = array<i32>} : memref<2x2048xf32, #tpu.memory_space<vmem>>, vector<16xf32>,
        tpu.vector_store %arg7[%swap3A_468, %swap3A_469], %gather3A_464 {strides = array<i32>} : memref<2x2048xf32, #tpu.memory_space<vmem>>, vector<16xf32>,
        %scan3A_471 = arith.constant 8 : i32
        %scan3A_472 = arith.addi %scan3A_355, %scan3A_471 : i32
        %mul3A_473 = arith.constant 16 : i32
        %mul3A_474 = arith.muli %scan3A_472, %mul3A_473 : i32
        %add3A_475 = arith.constant 14336 : i32
        %add3A_476 = arith.addi %add3A_475, %mul3A_474 : i32
        %get3A_477 = arith.index_cast %add3A_476 : i32 to index
        %get3A_478 = tpu.vector_load %arg6[%get3A_477] {strides = array<i32>} : memref<16384xi32, #tpu.memory_space<vmem>>, vector<16xi32>,
        %gather3A_479 = tpu.vector_load_idx %arg5[%get3A_478] : memref<100000xf32, #tpu.memory_space<vmem>>[vector<16xi32>], vector<16xf32>,
        %mul3A_480 = arith.constant 16 : i32
        %mul3A_481 = arith.muli %scan3A_472, %mul3A_480 : i32
        %swap3A_482 = arith.constant 1 : i32
        %swap3A_483 = arith.index_cast %swap3A_482 : i32 to index
        %swap3A_484 = arith.index_cast %mul3A_481 : i32 to index
        %swap3A_485 = tpu.vector_load %arg7[%swap3A_483, %swap3A_484] {strides = array<i32>} : memref<2x2048xf32, #tpu.memory_space<vmem>>, vector<16xf32>,
        tpu.vector_store %arg7[%swap3A_483, %swap3A_484], %gather3A_479 {strides = array<i32>} : memref<2x2048xf32, #tpu.memory_space<vmem>>, vector<16xf32>,
        %scan3A_486 = arith.constant 9 : i32
        %scan3A_487 = arith.addi %scan3A_355, %scan3A_486 : i32
        %mul3A_488 = arith.constant 16 : i32
        %mul3A_489 = arith.muli %scan3A_487, %mul3A_488 : i32
        %add3A_490 = arith.constant 14336 : i32
        %add3A_491 = arith.addi %add3A_490, %mul3A_489 : i32
        %get3A_492 = arith.index_cast %add3A_491 : i32 to index
        %get3A_493 = tpu.vector_load %arg6[%get3A_492] {strides = array<i32>} : memref<16384xi32, #tpu.memory_space<vmem>>, vector<16xi32>,
        %gather3A_494 = tpu.vector_load_idx %arg5[%get3A_493] : memref<100000xf32, #tpu.memory_space<vmem>>[vector<16xi32>], vector<16xf32>,
        %mul3A_495 = arith.constant 16 : i32
        %mul3A_496 = arith.muli %scan3A_487, %mul3A_495 : i32
        %swap3A_497 = arith.constant 1 : i32
        %swap3A_498 = arith.index_cast %swap3A_497 : i32 to index
        %swap3A_499 = arith.index_cast %mul3A_496 : i32 to index
        %swap3A_500 = tpu.vector_load %arg7[%swap3A_498, %swap3A_499] {strides = array<i32>} : memref<2x2048xf32, #tpu.memory_space<vmem>>, vector<16xf32>,
        tpu.vector_store %arg7[%swap3A_498, %swap3A_499], %gather3A_494 {strides = array<i32>} : memref<2x2048xf32, #tpu.memory_space<vmem>>, vector<16xf32>,
        %scan3A_501 = arith.constant 10 : i32
        %scan3A_502 = arith.addi %scan3A_355, %scan3A_501 : i32
        %mul3A_503 = arith.constant 16 : i32
        %mul3A_504 = arith.muli %scan3A_502, %mul3A_503 : i32
        %add3A_505 = arith.constant 14336 : i32
        %add3A_506 = arith.addi %add3A_505, %mul3A_504 : i32
        %get3A_507 = arith.index_cast %add3A_506 : i32 to index
        %get3A_508 = tpu.vector_load %arg6[%get3A_507] {strides = array<i32>} : memref<16384xi32, #tpu.memory_space<vmem>>, vector<16xi32>,
        %gather3A_509 = tpu.vector_load_idx %arg5[%get3A_508] : memref<100000xf32, #tpu.memory_space<vmem>>[vector<16xi32>], vector<16xf32>,
        %mul3A_510 = arith.constant 16 : i32
        %mul3A_511 = arith.muli %scan3A_502, %mul3A_510 : i32
        %swap3A_512 = arith.constant 1 : i32
        %swap3A_513 = arith.index_cast %swap3A_512 : i32 to index
        %swap3A_514 = arith.index_cast %mul3A_511 : i32 to index
        %swap3A_515 = tpu.vector_load %arg7[%swap3A_513, %swap3A_514] {strides = array<i32>} : memref<2x2048xf32, #tpu.memory_space<vmem>>, vector<16xf32>,
        tpu.vector_store %arg7[%swap3A_513, %swap3A_514], %gather3A_509 {strides = array<i32>} : memref<2x2048xf32, #tpu.memory_space<vmem>>, vector<16xf32>,
        %scan3A_516 = arith.constant 11 : i32
        %scan3A_517 = arith.addi %scan3A_355, %scan3A_516 : i32
        %mul3A_518 = arith.constant 16 : i32
        %mul3A_519 = arith.muli %scan3A_517, %mul3A_518 : i32
        %add3A_520 = arith.constant 14336 : i32
        %add3A_521 = arith.addi %add3A_520, %mul3A_519 : i32
        %get3A_522 = arith.index_cast %add3A_521 : i32 to index
        %get3A_523 = tpu.vector_load %arg6[%get3A_522] {strides = array<i32>} : memref<16384xi32, #tpu.memory_space<vmem>>, vector<16xi32>,
        %gather3A_524 = tpu.vector_load_idx %arg5[%get3A_523] : memref<100000xf32, #tpu.memory_space<vmem>>[vector<16xi32>], vector<16xf32>,
        %mul3A_525 = arith.constant 16 : i32
        %mul3A_526 = arith.muli %scan3A_517, %mul3A_525 : i32
        %swap3A_527 = arith.constant 1 : i32
        %swap3A_528 = arith.index_cast %swap3A_527 : i32 to index
        %swap3A_529 = arith.index_cast %mul3A_526 : i32 to index
        %swap3A_530 = tpu.vector_load %arg7[%swap3A_528, %swap3A_529] {strides = array<i32>} : memref<2x2048xf32, #tpu.memory_space<vmem>>, vector<16xf32>,
        tpu.vector_store %arg7[%swap3A_528, %swap3A_529], %gather3A_524 {strides = array<i32>} : memref<2x2048xf32, #tpu.memory_space<vmem>>, vector<16xf32>,
        %scan3A_531 = arith.constant 12 : i32
        %scan3A_532 = arith.addi %scan3A_355, %scan3A_531 : i32
        %mul3A_533 = arith.constant 16 : i32
        %mul3A_534 = arith.muli %scan3A_532, %mul3A_533 : i32
        %add3A_535 = arith.constant 14336 : i32
        %add3A_536 = arith.addi %add3A_535, %mul3A_534 : i32
        %get3A_537 = arith.index_cast %add3A_536 : i32 to index
        %get3A_538 = tpu.vector_load %arg6[%get3A_537] {strides = array<i32>} : memref<16384xi32, #tpu.memory_space<vmem>>, vector<16xi32>,
        %gather3A_539 = tpu.vector_load_idx %arg5[%get3A_538] : memref<100000xf32, #tpu.memory_space<vmem>>[vector<16xi32>], vector<16xf32>,
        %mul3A_540 = arith.constant 16 : i32
        %mul3A_541 = arith.muli %scan3A_532, %mul3A_540 : i32
        %swap3A_542 = arith.constant 1 : i32
        %swap3A_543 = arith.index_cast %swap3A_542 : i32 to index
        %swap3A_544 = arith.index_cast %mul3A_541 : i32 to index
        %swap3A_545 = tpu.vector_load %arg7[%swap3A_543, %swap3A_544] {strides = array<i32>} : memref<2x2048xf32, #tpu.memory_space<vmem>>, vector<16xf32>,
        tpu.vector_store %arg7[%swap3A_543, %swap3A_544], %gather3A_539 {strides = array<i32>} : memref<2x2048xf32, #tpu.memory_space<vmem>>, vector<16xf32>,
        %scan3A_546 = arith.constant 13 : i32
        %scan3A_547 = arith.addi %scan3A_355, %scan3A_546 : i32
        %mul3A_548 = arith.constant 16 : i32
        %mul3A_549 = arith.muli %scan3A_547, %mul3A_548 : i32
        %add3A_550 = arith.constant 14336 : i32
        %add3A_551 = arith.addi %add3A_550, %mul3A_549 : i32
        %get3A_552 = arith.index_cast %add3A_551 : i32 to index
        %get3A_553 = tpu.vector_load %arg6[%get3A_552] {strides = array<i32>} : memref<16384xi32, #tpu.memory_space<vmem>>, vector<16xi32>,
        %gather3A_554 = tpu.vector_load_idx %arg5[%get3A_553] : memref<100000xf32, #tpu.memory_space<vmem>>[vector<16xi32>], vector<16xf32>,
        %mul3A_555 = arith.constant 16 : i32
        %mul3A_556 = arith.muli %scan3A_547, %mul3A_555 : i32
        %swap3A_557 = arith.constant 1 : i32
        %swap3A_558 = arith.index_cast %swap3A_557 : i32 to index
        %swap3A_559 = arith.index_cast %mul3A_556 : i32 to index
        %swap3A_560 = tpu.vector_load %arg7[%swap3A_558, %swap3A_559] {strides = array<i32>} : memref<2x2048xf32, #tpu.memory_space<vmem>>, vector<16xf32>,
        tpu.vector_store %arg7[%swap3A_558, %swap3A_559], %gather3A_554 {strides = array<i32>} : memref<2x2048xf32, #tpu.memory_space<vmem>>, vector<16xf32>,
        %scan3A_561 = arith.constant 14 : i32
        %scan3A_562 = arith.addi %scan3A_355, %scan3A_561 : i32
        %mul3A_563 = arith.constant 16 : i32
        %mul3A_564 = arith.muli %scan3A_562, %mul3A_563 : i32
        %add3A_565 = arith.constant 14336 : i32
        %add3A_566 = arith.addi %add3A_565, %mul3A_564 : i32
        %get3A_567 = arith.index_cast %add3A_566 : i32 to index
        %get3A_568 = tpu.vector_load %arg6[%get3A_567] {strides = array<i32>} : memref<16384xi32, #tpu.memory_space<vmem>>, vector<16xi32>,
        %gather3A_569 = tpu.vector_load_idx %arg5[%get3A_568] : memref<100000xf32, #tpu.memory_space<vmem>>[vector<16xi32>], vector<16xf32>,
        %mul3A_570 = arith.constant 16 : i32
        %mul3A_571 = arith.muli %scan3A_562, %mul3A_570 : i32
        %swap3A_572 = arith.constant 1 : i32
        %swap3A_573 = arith.index_cast %swap3A_572 : i32 to index
        %swap3A_574 = arith.index_cast %mul3A_571 : i32 to index
        %swap3A_575 = tpu.vector_load %arg7[%swap3A_573, %swap3A_574] {strides = array<i32>} : memref<2x2048xf32, #tpu.memory_space<vmem>>, vector<16xf32>,
        tpu.vector_store %arg7[%swap3A_573, %swap3A_574], %gather3A_569 {strides = array<i32>} : memref<2x2048xf32, #tpu.memory_space<vmem>>, vector<16xf32>,
        %scan3A_576 = arith.constant 15 : i32
        %scan3A_577 = arith.addi %scan3A_355, %scan3A_576 : i32
        %mul3A_578 = arith.constant 16 : i32
        %mul3A_579 = arith.muli %scan3A_577, %mul3A_578 : i32
        %add3A_580 = arith.constant 14336 : i32
        %add3A_581 = arith.addi %add3A_580, %mul3A_579 : i32
        %get3A_582 = arith.index_cast %add3A_581 : i32 to index
        %get3A_583 = tpu.vector_load %arg6[%get3A_582] {strides = array<i32>} : memref<16384xi32, #tpu.memory_space<vmem>>, vector<16xi32>,
        %gather3A_584 = tpu.vector_load_idx %arg5[%get3A_583] : memref<100000xf32, #tpu.memory_space<vmem>>[vector<16xi32>], vector<16xf32>,
        %mul3A_585 = arith.constant 16 : i32
        %mul3A_586 = arith.muli %scan3A_577, %mul3A_585 : i32
        %swap3A_587 = arith.constant 1 : i32
        %swap3A_588 = arith.index_cast %swap3A_587 : i32 to index
        %swap3A_589 = arith.index_cast %mul3A_586 : i32 to index
        %swap3A_590 = tpu.vector_load %arg7[%swap3A_588, %swap3A_589] {strides = array<i32>} : memref<2x2048xf32, #tpu.memory_space<vmem>>, vector<16xf32>,
        tpu.vector_store %arg7[%swap3A_588, %swap3A_589], %gather3A_584 {strides = array<i32>} : memref<2x2048xf32, #tpu.memory_space<vmem>>, vector<16xf32>,
        %scan3A_591 = arith.constant 16 : i32
        %scan3A_592 = arith.addi %scan3A_355, %scan3A_591 : i32
        %mul3A_593 = arith.constant 16 : i32
        %mul3A_594 = arith.muli %scan3A_592, %mul3A_593 : i32
        %add3A_595 = arith.constant 14336 : i32
        %add3A_596 = arith.addi %add3A_595, %mul3A_594 : i32
        %get3A_597 = arith.index_cast %add3A_596 : i32 to index
        %get3A_598 = tpu.vector_load %arg6[%get3A_597] {strides = array<i32>} : memref<16384xi32, #tpu.memory_space<vmem>>, vector<16xi32>,
        %gather3A_599 = tpu.vector_load_idx %arg5[%get3A_598] : memref<100000xf32, #tpu.memory_space<vmem>>[vector<16xi32>], vector<16xf32>,
        %mul3A_600 = arith.constant 16 : i32
        %mul3A_601 = arith.muli %scan3A_592, %mul3A_600 : i32
        %swap3A_602 = arith.constant 1 : i32
        %swap3A_603 = arith.index_cast %swap3A_602 : i32 to index
        %swap3A_604 = arith.index_cast %mul3A_601 : i32 to index
        %swap3A_605 = tpu.vector_load %arg7[%swap3A_603, %swap3A_604] {strides = array<i32>} : memref<2x2048xf32, #tpu.memory_space<vmem>>, vector<16xf32>,
        tpu.vector_store %arg7[%swap3A_603, %swap3A_604], %gather3A_599 {strides = array<i32>} : memref<2x2048xf32, #tpu.memory_space<vmem>>, vector<16xf32>,
        %scan3A_606 = arith.constant 17 : i32
        %scan3A_607 = arith.addi %scan3A_355, %scan3A_606 : i32
        %mul3A_608 = arith.constant 16 : i32
        %mul3A_609 = arith.muli %scan3A_607, %mul3A_608 : i32
        %add3A_610 = arith.constant 14336 : i32
        %add3A_611 = arith.addi %add3A_610, %mul3A_609 : i32
        %get3A_612 = arith.index_cast %add3A_611 : i32 to index
        %get3A_613 = tpu.vector_load %arg6[%get3A_612] {strides = array<i32>} : memref<16384xi32, #tpu.memory_space<vmem>>, vector<16xi32>,
        %gather3A_614 = tpu.vector_load_idx %arg5[%get3A_613] : memref<100000xf32, #tpu.memory_space<vmem>>[vector<16xi32>], vector<16xf32>,
        %mul3A_615 = arith.constant 16 : i32
        %mul3A_616 = arith.muli %scan3A_607, %mul3A_615 : i32
        %swap3A_617 = arith.constant 1 : i32
        %swap3A_618 = arith.index_cast %swap3A_617 : i32 to index
        %swap3A_619 = arith.index_cast %mul3A_616 : i32 to index
        %swap3A_620 = tpu.vector_load %arg7[%swap3A_618, %swap3A_619] {strides = array<i32>} : memref<2x2048xf32, #tpu.memory_space<vmem>>, vector<16xf32>,
        tpu.vector_store %arg7[%swap3A_618, %swap3A_619], %gather3A_614 {strides = array<i32>} : memref<2x2048xf32, #tpu.memory_space<vmem>>, vector<16xf32>,
        %scan3A_621 = arith.constant 18 : i32
        %scan3A_622 = arith.addi %scan3A_355, %scan3A_621 : i32
        %mul3A_623 = arith.constant 16 : i32
        %mul3A_624 = arith.muli %scan3A_622, %mul3A_623 : i32
        %add3A_625 = arith.constant 14336 : i32
        %add3A_626 = arith.addi %add3A_625, %mul3A_624 : i32
        %get3A_627 = arith.index_cast %add3A_626 : i32 to index
        %get3A_628 = tpu.vector_load %arg6[%get3A_627] {strides = array<i32>} : memref<16384xi32, #tpu.memory_space<vmem>>, vector<16xi32>,
        %gather3A_629 = tpu.vector_load_idx %arg5[%get3A_628] : memref<100000xf32, #tpu.memory_space<vmem>>[vector<16xi32>], vector<16xf32>,
        %mul3A_630 = arith.constant 16 : i32
        %mul3A_631 = arith.muli %scan3A_622, %mul3A_630 : i32
        %swap3A_632 = arith.constant 1 : i32
        %swap3A_633 = arith.index_cast %swap3A_632 : i32 to index
        %swap3A_634 = arith.index_cast %mul3A_631 : i32 to index
        %swap3A_635 = tpu.vector_load %arg7[%swap3A_633, %swap3A_634] {strides = array<i32>} : memref<2x2048xf32, #tpu.memory_space<vmem>>, vector<16xf32>,
        tpu.vector_store %arg7[%swap3A_633, %swap3A_634], %gather3A_629 {strides = array<i32>} : memref<2x2048xf32, #tpu.memory_space<vmem>>, vector<16xf32>,
        %scan3A_636 = arith.constant 19 : i32
        %scan3A_637 = arith.addi %scan3A_355, %scan3A_636 : i32
        %mul3A_638 = arith.constant 16 : i32
        %mul3A_639 = arith.muli %scan3A_637, %mul3A_638 : i32
        %add3A_640 = arith.constant 14336 : i32
        %add3A_641 = arith.addi %add3A_640, %mul3A_639 : i32
        %get3A_642 = arith.index_cast %add3A_641 : i32 to index
        %get3A_643 = tpu.vector_load %arg6[%get3A_642] {strides = array<i32>} : memref<16384xi32, #tpu.memory_space<vmem>>, vector<16xi32>,
        %gather3A_644 = tpu.vector_load_idx %arg5[%get3A_643] : memref<100000xf32, #tpu.memory_space<vmem>>[vector<16xi32>], vector<16xf32>,
        %mul3A_645 = arith.constant 16 : i32
        %mul3A_646 = arith.muli %scan3A_637, %mul3A_645 : i32
        %swap3A_647 = arith.constant 1 : i32
        %swap3A_648 = arith.index_cast %swap3A_647 : i32 to index
        %swap3A_649 = arith.index_cast %mul3A_646 : i32 to index
        %swap3A_650 = tpu.vector_load %arg7[%swap3A_648, %swap3A_649] {strides = array<i32>} : memref<2x2048xf32, #tpu.memory_space<vmem>>, vector<16xf32>,
        tpu.vector_store %arg7[%swap3A_648, %swap3A_649], %gather3A_644 {strides = array<i32>} : memref<2x2048xf32, #tpu.memory_space<vmem>>, vector<16xf32>,
        %scan3A_651 = arith.constant 20 : i32
        %scan3A_652 = arith.addi %scan3A_355, %scan3A_651 : i32
        %mul3A_653 = arith.constant 16 : i32
        %mul3A_654 = arith.muli %scan3A_652, %mul3A_653 : i32
        %add3A_655 = arith.constant 14336 : i32
        %add3A_656 = arith.addi %add3A_655, %mul3A_654 : i32
        %get3A_657 = arith.index_cast %add3A_656 : i32 to index
        %get3A_658 = tpu.vector_load %arg6[%get3A_657] {strides = array<i32>} : memref<16384xi32, #tpu.memory_space<vmem>>, vector<16xi32>,
        %gather3A_659 = tpu.vector_load_idx %arg5[%get3A_658] : memref<100000xf32, #tpu.memory_space<vmem>>[vector<16xi32>], vector<16xf32>,
        %mul3A_660 = arith.constant 16 : i32
        %mul3A_661 = arith.muli %scan3A_652, %mul3A_660 : i32
        %swap3A_662 = arith.constant 1 : i32
        %swap3A_663 = arith.index_cast %swap3A_662 : i32 to index
        %swap3A_664 = arith.index_cast %mul3A_661 : i32 to index
        %swap3A_665 = tpu.vector_load %arg7[%swap3A_663, %swap3A_664] {strides = array<i32>} : memref<2x2048xf32, #tpu.memory_space<vmem>>, vector<16xf32>,
        tpu.vector_store %arg7[%swap3A_663, %swap3A_664], %gather3A_659 {strides = array<i32>} : memref<2x2048xf32, #tpu.memory_space<vmem>>, vector<16xf32>,
        %scan3A_666 = arith.constant 21 : i32
        %scan3A_667 = arith.addi %scan3A_355, %scan3A_666 : i32
        %mul3A_668 = arith.constant 16 : i32
        %mul3A_669 = arith.muli %scan3A_667, %mul3A_668 : i32
        %add3A_670 = arith.constant 14336 : i32
        %add3A_671 = arith.addi %add3A_670, %mul3A_669 : i32
        %get3A_672 = arith.index_cast %add3A_671 : i32 to index
        %get3A_673 = tpu.vector_load %arg6[%get3A_672] {strides = array<i32>} : memref<16384xi32, #tpu.memory_space<vmem>>, vector<16xi32>,
        %gather3A_674 = tpu.vector_load_idx %arg5[%get3A_673] : memref<100000xf32, #tpu.memory_space<vmem>>[vector<16xi32>], vector<16xf32>,
        %mul3A_675 = arith.constant 16 : i32
        %mul3A_676 = arith.muli %scan3A_667, %mul3A_675 : i32
        %swap3A_677 = arith.constant 1 : i32
        %swap3A_678 = arith.index_cast %swap3A_677 : i32 to index
        %swap3A_679 = arith.index_cast %mul3A_676 : i32 to index
        %swap3A_680 = tpu.vector_load %arg7[%swap3A_678, %swap3A_679] {strides = array<i32>} : memref<2x2048xf32, #tpu.memory_space<vmem>>, vector<16xf32>,
        tpu.vector_store %arg7[%swap3A_678, %swap3A_679], %gather3A_674 {strides = array<i32>} : memref<2x2048xf32, #tpu.memory_space<vmem>>, vector<16xf32>,
        %scan3A_681 = arith.constant 22 : i32
        %scan3A_682 = arith.addi %scan3A_355, %scan3A_681 : i32
        %mul3A_683 = arith.constant 16 : i32
        %mul3A_684 = arith.muli %scan3A_682, %mul3A_683 : i32
        %add3A_685 = arith.constant 14336 : i32
        %add3A_686 = arith.addi %add3A_685, %mul3A_684 : i32
        %get3A_687 = arith.index_cast %add3A_686 : i32 to index
        %get3A_688 = tpu.vector_load %arg6[%get3A_687] {strides = array<i32>} : memref<16384xi32, #tpu.memory_space<vmem>>, vector<16xi32>,
        %gather3A_689 = tpu.vector_load_idx %arg5[%get3A_688] : memref<100000xf32, #tpu.memory_space<vmem>>[vector<16xi32>], vector<16xf32>,
        %mul3A_690 = arith.constant 16 : i32
        %mul3A_691 = arith.muli %scan3A_682, %mul3A_690 : i32
        %swap3A_692 = arith.constant 1 : i32
        %swap3A_693 = arith.index_cast %swap3A_692 : i32 to index
        %swap3A_694 = arith.index_cast %mul3A_691 : i32 to index
        %swap3A_695 = tpu.vector_load %arg7[%swap3A_693, %swap3A_694] {strides = array<i32>} : memref<2x2048xf32, #tpu.memory_space<vmem>>, vector<16xf32>,
        tpu.vector_store %arg7[%swap3A_693, %swap3A_694], %gather3A_689 {strides = array<i32>} : memref<2x2048xf32, #tpu.memory_space<vmem>>, vector<16xf32>,
        %scan3A_696 = arith.constant 23 : i32
        %scan3A_697 = arith.addi %scan3A_355, %scan3A_696 : i32
        %mul3A_698 = arith.constant 16 : i32
        %mul3A_699 = arith.muli %scan3A_697, %mul3A_698 : i32
        %add3A_700 = arith.constant 14336 : i32
        %add3A_701 = arith.addi %add3A_700, %mul3A_699 : i32
        %get3A_702 = arith.index_cast %add3A_701 : i32 to index
        %get3A_703 = tpu.vector_load %arg6[%get3A_702] {strides = array<i32>} : memref<16384xi32, #tpu.memory_space<vmem>>, vector<16xi32>,
        %gather3A_704 = tpu.vector_load_idx %arg5[%get3A_703] : memref<100000xf32, #tpu.memory_space<vmem>>[vector<16xi32>], vector<16xf32>,
        %mul3A_705 = arith.constant 16 : i32
        %mul3A_706 = arith.muli %scan3A_697, %mul3A_705 : i32
        %swap3A_707 = arith.constant 1 : i32
        %swap3A_708 = arith.index_cast %swap3A_707 : i32 to index
        %swap3A_709 = arith.index_cast %mul3A_706 : i32 to index
        %swap3A_710 = tpu.vector_load %arg7[%swap3A_708, %swap3A_709] {strides = array<i32>} : memref<2x2048xf32, #tpu.memory_space<vmem>>, vector<16xf32>,
        tpu.vector_store %arg7[%swap3A_708, %swap3A_709], %gather3A_704 {strides = array<i32>} : memref<2x2048xf32, #tpu.memory_space<vmem>>, vector<16xf32>,
        %scan3A_711 = arith.constant 24 : i32
        %scan3A_712 = arith.addi %scan3A_355, %scan3A_711 : i32
        %mul3A_713 = arith.constant 16 : i32
        %mul3A_714 = arith.muli %scan3A_712, %mul3A_713 : i32
        %add3A_715 = arith.constant 14336 : i32
        %add3A_716 = arith.addi %add3A_715, %mul3A_714 : i32
        %get3A_717 = arith.index_cast %add3A_716 : i32 to index
        %get3A_718 = tpu.vector_load %arg6[%get3A_717] {strides = array<i32>} : memref<16384xi32, #tpu.memory_space<vmem>>, vector<16xi32>,
        %gather3A_719 = tpu.vector_load_idx %arg5[%get3A_718] : memref<100000xf32, #tpu.memory_space<vmem>>[vector<16xi32>], vector<16xf32>,
        %mul3A_720 = arith.constant 16 : i32
        %mul3A_721 = arith.muli %scan3A_712, %mul3A_720 : i32
        %swap3A_722 = arith.constant 1 : i32
        %swap3A_723 = arith.index_cast %swap3A_722 : i32 to index
        %swap3A_724 = arith.index_cast %mul3A_721 : i32 to index
        %swap3A_725 = tpu.vector_load %arg7[%swap3A_723, %swap3A_724] {strides = array<i32>} : memref<2x2048xf32, #tpu.memory_space<vmem>>, vector<16xf32>,
        tpu.vector_store %arg7[%swap3A_723, %swap3A_724], %gather3A_719 {strides = array<i32>} : memref<2x2048xf32, #tpu.memory_space<vmem>>, vector<16xf32>,
        %scan3A_726 = arith.constant 25 : i32
        %scan3A_727 = arith.addi %scan3A_355, %scan3A_726 : i32
        %mul3A_728 = arith.constant 16 : i32
        %mul3A_729 = arith.muli %scan3A_727, %mul3A_728 : i32
        %add3A_730 = arith.constant 14336 : i32
        %add3A_731 = arith.addi %add3A_730, %mul3A_729 : i32
        %get3A_732 = arith.index_cast %add3A_731 : i32 to index
        %get3A_733 = tpu.vector_load %arg6[%get3A_732] {strides = array<i32>} : memref<16384xi32, #tpu.memory_space<vmem>>, vector<16xi32>,
        %gather3A_734 = tpu.vector_load_idx %arg5[%get3A_733] : memref<100000xf32, #tpu.memory_space<vmem>>[vector<16xi32>], vector<16xf32>,
        %mul3A_735 = arith.constant 16 : i32
        %mul3A_736 = arith.muli %scan3A_727, %mul3A_735 : i32
        %swap3A_737 = arith.constant 1 : i32
        %swap3A_738 = arith.index_cast %swap3A_737 : i32 to index
        %swap3A_739 = arith.index_cast %mul3A_736 : i32 to index
        %swap3A_740 = tpu.vector_load %arg7[%swap3A_738, %swap3A_739] {strides = array<i32>} : memref<2x2048xf32, #tpu.memory_space<vmem>>, vector<16xf32>,
        tpu.vector_store %arg7[%swap3A_738, %swap3A_739], %gather3A_734 {strides = array<i32>} : memref<2x2048xf32, #tpu.memory_space<vmem>>, vector<16xf32>,
        %scan3A_741 = arith.constant 26 : i32
        %scan3A_742 = arith.addi %scan3A_355, %scan3A_741 : i32
        %mul3A_743 = arith.constant 16 : i32
        %mul3A_744 = arith.muli %scan3A_742, %mul3A_743 : i32
        %add3A_745 = arith.constant 14336 : i32
        %add3A_746 = arith.addi %add3A_745, %mul3A_744 : i32
        %get3A_747 = arith.index_cast %add3A_746 : i32 to index
        %get3A_748 = tpu.vector_load %arg6[%get3A_747] {strides = array<i32>} : memref<16384xi32, #tpu.memory_space<vmem>>, vector<16xi32>,
        %gather3A_749 = tpu.vector_load_idx %arg5[%get3A_748] : memref<100000xf32, #tpu.memory_space<vmem>>[vector<16xi32>], vector<16xf32>,
        %mul3A_750 = arith.constant 16 : i32
        %mul3A_751 = arith.muli %scan3A_742, %mul3A_750 : i32
        %swap3A_752 = arith.constant 1 : i32
        %swap3A_753 = arith.index_cast %swap3A_752 : i32 to index
        %swap3A_754 = arith.index_cast %mul3A_751 : i32 to index
        %swap3A_755 = tpu.vector_load %arg7[%swap3A_753, %swap3A_754] {strides = array<i32>} : memref<2x2048xf32, #tpu.memory_space<vmem>>, vector<16xf32>,
        tpu.vector_store %arg7[%swap3A_753, %swap3A_754], %gather3A_749 {strides = array<i32>} : memref<2x2048xf32, #tpu.memory_space<vmem>>, vector<16xf32>,
        %scan3A_756 = arith.constant 27 : i32
        %scan3A_757 = arith.addi %scan3A_355, %scan3A_756 : i32
        %mul3A_758 = arith.constant 16 : i32
        %mul3A_759 = arith.muli %scan3A_757, %mul3A_758 : i32
        %add3A_760 = arith.constant 14336 : i32
        %add3A_761 = arith.addi %add3A_760, %mul3A_759 : i32
        %get3A_762 = arith.index_cast %add3A_761 : i32 to index
        %get3A_763 = tpu.vector_load %arg6[%get3A_762] {strides = array<i32>} : memref<16384xi32, #tpu.memory_space<vmem>>, vector<16xi32>,
        %gather3A_764 = tpu.vector_load_idx %arg5[%get3A_763] : memref<100000xf32, #tpu.memory_space<vmem>>[vector<16xi32>], vector<16xf32>,
        %mul3A_765 = arith.constant 16 : i32
        %mul3A_766 = arith.muli %scan3A_757, %mul3A_765 : i32
        %swap3A_767 = arith.constant 1 : i32
        %swap3A_768 = arith.index_cast %swap3A_767 : i32 to index
        %swap3A_769 = arith.index_cast %mul3A_766 : i32 to index
        %swap3A_770 = tpu.vector_load %arg7[%swap3A_768, %swap3A_769] {strides = array<i32>} : memref<2x2048xf32, #tpu.memory_space<vmem>>, vector<16xf32>,
        tpu.vector_store %arg7[%swap3A_768, %swap3A_769], %gather3A_764 {strides = array<i32>} : memref<2x2048xf32, #tpu.memory_space<vmem>>, vector<16xf32>,
        %scan3A_771 = arith.constant 28 : i32
        %scan3A_772 = arith.addi %scan3A_355, %scan3A_771 : i32
        %mul3A_773 = arith.constant 16 : i32
        %mul3A_774 = arith.muli %scan3A_772, %mul3A_773 : i32
        %add3A_775 = arith.constant 14336 : i32
        %add3A_776 = arith.addi %add3A_775, %mul3A_774 : i32
        %get3A_777 = arith.index_cast %add3A_776 : i32 to index
        %get3A_778 = tpu.vector_load %arg6[%get3A_777] {strides = array<i32>} : memref<16384xi32, #tpu.memory_space<vmem>>, vector<16xi32>,
        %gather3A_779 = tpu.vector_load_idx %arg5[%get3A_778] : memref<100000xf32, #tpu.memory_space<vmem>>[vector<16xi32>], vector<16xf32>,
        %mul3A_780 = arith.constant 16 : i32
        %mul3A_781 = arith.muli %scan3A_772, %mul3A_780 : i32
        %swap3A_782 = arith.constant 1 : i32
        %swap3A_783 = arith.index_cast %swap3A_782 : i32 to index
        %swap3A_784 = arith.index_cast %mul3A_781 : i32 to index
        %swap3A_785 = tpu.vector_load %arg7[%swap3A_783, %swap3A_784] {strides = array<i32>} : memref<2x2048xf32, #tpu.memory_space<vmem>>, vector<16xf32>,
        tpu.vector_store %arg7[%swap3A_783, %swap3A_784], %gather3A_779 {strides = array<i32>} : memref<2x2048xf32, #tpu.memory_space<vmem>>, vector<16xf32>,
        %scan3A_786 = arith.constant 29 : i32
        %scan3A_787 = arith.addi %scan3A_355, %scan3A_786 : i32
        %mul3A_788 = arith.constant 16 : i32
        %mul3A_789 = arith.muli %scan3A_787, %mul3A_788 : i32
        %add3A_790 = arith.constant 14336 : i32
        %add3A_791 = arith.addi %add3A_790, %mul3A_789 : i32
        %get3A_792 = arith.index_cast %add3A_791 : i32 to index
        %get3A_793 = tpu.vector_load %arg6[%get3A_792] {strides = array<i32>} : memref<16384xi32, #tpu.memory_space<vmem>>, vector<16xi32>,
        %gather3A_794 = tpu.vector_load_idx %arg5[%get3A_793] : memref<100000xf32, #tpu.memory_space<vmem>>[vector<16xi32>], vector<16xf32>,
        %mul3A_795 = arith.constant 16 : i32
        %mul3A_796 = arith.muli %scan3A_787, %mul3A_795 : i32
        %swap3A_797 = arith.constant 1 : i32
        %swap3A_798 = arith.index_cast %swap3A_797 : i32 to index
        %swap3A_799 = arith.index_cast %mul3A_796 : i32 to index
        %swap3A_800 = tpu.vector_load %arg7[%swap3A_798, %swap3A_799] {strides = array<i32>} : memref<2x2048xf32, #tpu.memory_space<vmem>>, vector<16xf32>,
        tpu.vector_store %arg7[%swap3A_798, %swap3A_799], %gather3A_794 {strides = array<i32>} : memref<2x2048xf32, #tpu.memory_space<vmem>>, vector<16xf32>,
        %scan3A_801 = arith.constant 30 : i32
        %scan3A_802 = arith.addi %scan3A_355, %scan3A_801 : i32
        %mul3A_803 = arith.constant 16 : i32
        %mul3A_804 = arith.muli %scan3A_802, %mul3A_803 : i32
        %add3A_805 = arith.constant 14336 : i32
        %add3A_806 = arith.addi %add3A_805, %mul3A_804 : i32
        %get3A_807 = arith.index_cast %add3A_806 : i32 to index
        %get3A_808 = tpu.vector_load %arg6[%get3A_807] {strides = array<i32>} : memref<16384xi32, #tpu.memory_space<vmem>>, vector<16xi32>,
        %gather3A_809 = tpu.vector_load_idx %arg5[%get3A_808] : memref<100000xf32, #tpu.memory_space<vmem>>[vector<16xi32>], vector<16xf32>,
        %mul3A_810 = arith.constant 16 : i32
        %mul3A_811 = arith.muli %scan3A_802, %mul3A_810 : i32
        %swap3A_812 = arith.constant 1 : i32
        %swap3A_813 = arith.index_cast %swap3A_812 : i32 to index
        %swap3A_814 = arith.index_cast %mul3A_811 : i32 to index
        %swap3A_815 = tpu.vector_load %arg7[%swap3A_813, %swap3A_814] {strides = array<i32>} : memref<2x2048xf32, #tpu.memory_space<vmem>>, vector<16xf32>,
        tpu.vector_store %arg7[%swap3A_813, %swap3A_814], %gather3A_809 {strides = array<i32>} : memref<2x2048xf32, #tpu.memory_space<vmem>>, vector<16xf32>,
        %scan3A_816 = arith.constant 31 : i32
        %scan3A_817 = arith.addi %scan3A_355, %scan3A_816 : i32
        %mul3A_818 = arith.constant 16 : i32
        %mul3A_819 = arith.muli %scan3A_817, %mul3A_818 : i32
        %add3A_820 = arith.constant 14336 : i32
        %add3A_821 = arith.addi %add3A_820, %mul3A_819 : i32
        %get3A_822 = arith.index_cast %add3A_821 : i32 to index
        %get3A_823 = tpu.vector_load %arg6[%get3A_822] {strides = array<i32>} : memref<16384xi32, #tpu.memory_space<vmem>>, vector<16xi32>,
        %gather3A_824 = tpu.vector_load_idx %arg5[%get3A_823] : memref<100000xf32, #tpu.memory_space<vmem>>[vector<16xi32>], vector<16xf32>,
        %mul3A_825 = arith.constant 16 : i32
        %mul3A_826 = arith.muli %scan3A_817, %mul3A_825 : i32
        %swap3A_827 = arith.constant 1 : i32
        %swap3A_828 = arith.index_cast %swap3A_827 : i32 to index
        %swap3A_829 = arith.index_cast %mul3A_826 : i32 to index
        %swap3A_830 = tpu.vector_load %arg7[%swap3A_828, %swap3A_829] {strides = array<i32>} : memref<2x2048xf32, #tpu.memory_space<vmem>>, vector<16xf32>,
        tpu.vector_store %arg7[%swap3A_828, %swap3A_829], %gather3A_824 {strides = array<i32>} : memref<2x2048xf32, #tpu.memory_space<vmem>>, vector<16xf32>,
      }
      %scan3A_309 = arith.constant 128 : i32
      %dma_start3A_310 = arith.constant 1 : i32
      %dma_start3A_311 = arith.constant 0 : i32
      %dma_start3A_312 = tpu.memref_slice %arg7[%dma_start3A_310, %dma_start3A_311] : memref<2x2048xf32, #tpu.memory_space<vmem>> -> memref<1x2048xf32, #tpu.memory_space<vmem>>
      %dma_start3A_313 = tpu.memref_squeeze %dma_start3A_312 : memref<1x2048xf32, #tpu.memory_space<vmem>> -> memref<2048xf32, #tpu.memory_space<vmem>>
      %dma_start3A_314 = arith.constant 14336 : i32
      %dma_start3A_315 = tpu.memref_slice %arg4[%add3A_32, %dma_start3A_314] : memref<832x16384xf32, #tpu.memory_space<hbm>> -> memref<1x2048xf32, #tpu.memory_space<hbm>>
      %dma_start3A_316 = tpu.memref_squeeze %dma_start3A_315 : memref<1x2048xf32, #tpu.memory_space<hbm>> -> memref<2048xf32, #tpu.memory_space<hbm>>
      %dma_start3A_317 = arith.constant 14336 : i32
      %dma_start3A_318 = tpu.memref_slice %arg4[%add3A_32, %dma_start3A_317] : memref<832x16384xf32, #tpu.memory_space<hbm>> -> memref<1x2048xf32, #tpu.memory_space<hbm>>
      %dma_start3A_319 = tpu.memref_squeeze %dma_start3A_318 : memref<1x2048xf32, #tpu.memory_space<hbm>> -> memref<2048xf32, #tpu.memory_space<hbm>>
      %dma_start3A_320 = arith.constant 0 : i32
      %dma_start3A_321 = tpu.memref_slice %arg7[%dma_start3A_310, %dma_start3A_320] : memref<2x2048xf32, #tpu.memory_space<vmem>> -> memref<1x2048xf32, #tpu.memory_space<vmem>>
      %dma_start3A_322 = tpu.memref_squeeze %dma_start3A_321 : memref<1x2048xf32, #tpu.memory_space<vmem>> -> memref<2048xf32, #tpu.memory_space<vmem>>
      tpu.enqueue_dma source(%dma_start3A_322 : memref<2048xf32, #tpu.memory_space<vmem>>) target(%dma_start3A_319 : memref<2048xf32, #tpu.memory_space<hbm>>) target_semaphore(%arg10 : memref<!tpu.dma_semaphore, #tpu.memory_space<semaphore_mem>>)
      %add3A_323 = arith.constant 1 : i32
      %add3A_324 = arith.addi %scan3A_31, %add3A_323 : i32
      %lt3A = arith.constant 26 : i32
      %lt3A_325 = arith.cmpi slt, %add3A_324, %lt3A : i32
      %convert_element_type3A_326 = arith.extui %lt3A_325 : i1 to i32
      %cond3A_327 = arith.constant 0 : i32
      %cond3A_328 = arith.cmpi ne, %convert_element_type3A_326, %cond3A_327 : i32
      scf.if %cond3A_328 {
        %add3A_355 = arith.constant 1 : i32
        %add3A_356 = arith.addi %add3A_32, %add3A_355 : i32
        %jit3A_357 = arith.constant 32 : i32
        %div3A_358 = arith.divsi %add3A_356, %jit3A_357 : i32
        %sign3A_359 = arith.constant 0 : i32
        %sign3A_360 = arith.cmpi sgt, %add3A_356, %sign3A_359 : i32
        %sign3A_361 = arith.extui %sign3A_360 : i1 to i32
        %sign3A_362 = arith.constant 0 : i32
        %sign3A_363 = arith.cmpi slt, %add3A_356, %sign3A_362 : i32
        %sign3A_364 = arith.extui %sign3A_363 : i1 to i32
        %sign3A_365 = arith.subi %sign3A_361, %sign3A_364 : i32
        %sign3A_366 = arith.constant 0 : i32
        %sign3A_367 = arith.cmpi sgt, %jit3A_357, %sign3A_366 : i32
        %sign3A_368 = arith.extui %sign3A_367 : i1 to i32
        %sign3A_369 = arith.constant 0 : i32
        %sign3A_370 = arith.cmpi slt, %jit3A_357, %sign3A_369 : i32
        %sign3A_371 = arith.extui %sign3A_370 : i1 to i32
        %sign3A_372 = arith.subi %sign3A_368, %sign3A_371 : i32
        %ne3A_373 = arith.cmpi ne, %sign3A_365, %sign3A_372 : i32
        %rem3A_374 = arith.remsi %add3A_356, %jit3A_357 : i32
        %ne3A_375 = arith.constant 0 : i32
        %ne3A_376 = arith.cmpi ne, %rem3A_374, %ne3A_375 : i32
        %and3A_377 = arith.andi %ne3A_373, %ne3A_376 : i1
        %sub3A_378 = arith.constant 1 : i32
        %sub3A_379 = arith.subi %div3A_358, %sub3A_378 : i32
        %select_n3A_380 = arith.select %and3A_377, %sub3A_379, %div3A_358 : i32
        %rem3A_381 = arith.constant 32 : i32
        %rem3A_382 = arith.remsi %add3A_356, %rem3A_381 : i32
        %dma_start3A_383 = arith.constant 0 : i32
        %dma_start3A_384 = tpu.memref_slice %arg3[%select_n3A_380, %rem3A_382, %dma_start3A_383] : memref<26x32x100000xf32, #tpu.memory_space<hbm>> -> memref<1x1x100000xf32, #tpu.memory_space<hbm>>
        %dma_start3A_385 = tpu.memref_squeeze %dma_start3A_384 : memref<1x1x100000xf32, #tpu.memory_space<hbm>> -> memref<100000xf32, #tpu.memory_space<hbm>>
        %dma_start3A_386 = arith.constant 0 : i32
        %dma_start3A_387 = tpu.memref_slice %arg3[%select_n3A_380, %rem3A_382, %dma_start3A_386] : memref<26x32x100000xf32, #tpu.memory_space<hbm>> -> memref<1x1x100000xf32, #tpu.memory_space<hbm>>
        %dma_start3A_388 = tpu.memref_squeeze %dma_start3A_387 : memref<1x1x100000xf32, #tpu.memory_space<hbm>> -> memref<100000xf32, #tpu.memory_space<hbm>>
        tpu.enqueue_dma source(%dma_start3A_388 : memref<100000xf32, #tpu.memory_space<hbm>>) target(%arg5 : memref<100000xf32, #tpu.memory_space<vmem>>) target_semaphore(%arg8 : memref<!tpu.dma_semaphore, #tpu.memory_space<semaphore_mem>>)
      } else {
      }
      %dma_wait3A_329 = arith.constant 0 : i32
      %dma_wait3A_330 = arith.constant 0 : i32
      %dma_wait3A_331 = tpu.memref_slice %arg7[%dma_wait3A_329, %dma_wait3A_330] : memref<2x2048xf32, #tpu.memory_space<vmem>> -> memref<1x2048xf32, #tpu.memory_space<vmem>>
      %dma_wait3A_332 = tpu.memref_squeeze %dma_wait3A_331 : memref<1x2048xf32, #tpu.memory_space<vmem>> -> memref<2048xf32, #tpu.memory_space<vmem>>
      %dma_wait3A_333 = arith.constant 12288 : i32
      %dma_wait3A_334 = tpu.memref_slice %arg4[%add3A_32, %dma_wait3A_333] : memref<832x16384xf32, #tpu.memory_space<hbm>> -> memref<1x2048xf32, #tpu.memory_space<hbm>>
      %dma_wait3A_335 = tpu.memref_squeeze %dma_wait3A_334 : memref<1x2048xf32, #tpu.memory_space<hbm>> -> memref<2048xf32, #tpu.memory_space<hbm>>
      %dma_wait3A_336 = arith.constant 12288 : i32
      %dma_wait3A_337 = tpu.memref_slice %arg4[%add3A_32, %dma_wait3A_336] : memref<832x16384xf32, #tpu.memory_space<hbm>> -> memref<1x2048xf32, #tpu.memory_space<hbm>>
      %dma_wait3A_338 = tpu.memref_squeeze %dma_wait3A_337 : memref<1x2048xf32, #tpu.memory_space<hbm>> -> memref<2048xf32, #tpu.memory_space<hbm>>
      %dma_wait3A_339 = arith.constant 0 : i32
      %dma_wait3A_340 = tpu.memref_slice %arg7[%dma_wait3A_329, %dma_wait3A_339] : memref<2x2048xf32, #tpu.memory_space<vmem>> -> memref<1x2048xf32, #tpu.memory_space<vmem>>
      %dma_wait3A_341 = tpu.memref_squeeze %dma_wait3A_340 : memref<1x2048xf32, #tpu.memory_space<vmem>> -> memref<2048xf32, #tpu.memory_space<vmem>>
      tpu.wait_dma2 semaphore(%arg10 : memref<!tpu.dma_semaphore, #tpu.memory_space<semaphore_mem>>) src(%dma_wait3A_341 : memref<2048xf32, #tpu.memory_space<vmem>>) dst(%dma_wait3A_338 : memref<2048xf32, #tpu.memory_space<hbm>>)
      %dma_wait3A_342 = arith.constant 1 : i32
      %dma_wait3A_343 = arith.constant 0 : i32
      %dma_wait3A_344 = tpu.memref_slice %arg7[%dma_wait3A_342, %dma_wait3A_343] : memref<2x2048xf32, #tpu.memory_space<vmem>> -> memref<1x2048xf32, #tpu.memory_space<vmem>>
      %dma_wait3A_345 = tpu.memref_squeeze %dma_wait3A_344 : memref<1x2048xf32, #tpu.memory_space<vmem>> -> memref<2048xf32, #tpu.memory_space<vmem>>
      %dma_wait3A_346 = arith.constant 14336 : i32
      %dma_wait3A_347 = tpu.memref_slice %arg4[%add3A_32, %dma_wait3A_346] : memref<832x16384xf32, #tpu.memory_space<hbm>> -> memref<1x2048xf32, #tpu.memory_space<hbm>>
      %dma_wait3A_348 = tpu.memref_squeeze %dma_wait3A_347 : memref<1x2048xf32, #tpu.memory_space<hbm>> -> memref<2048xf32, #tpu.memory_space<hbm>>
      %dma_wait3A_349 = arith.constant 14336 : i32
      %dma_wait3A_350 = tpu.memref_slice %arg4[%add3A_32, %dma_wait3A_349] : memref<832x16384xf32, #tpu.memory_space<hbm>> -> memref<1x2048xf32, #tpu.memory_space<hbm>>
      %dma_wait3A_351 = tpu.memref_squeeze %dma_wait3A_350 : memref<1x2048xf32, #tpu.memory_space<hbm>> -> memref<2048xf32, #tpu.memory_space<hbm>>
      %dma_wait3A_352 = arith.constant 0 : i32
      %dma_wait3A_353 = tpu.memref_slice %arg7[%dma_wait3A_342, %dma_wait3A_352] : memref<2x2048xf32, #tpu.memory_space<vmem>> -> memref<1x2048xf32, #tpu.memory_space<vmem>>
      %dma_wait3A_354 = tpu.memref_squeeze %dma_wait3A_353 : memref<1x2048xf32, #tpu.memory_space<vmem>> -> memref<2048xf32, #tpu.memory_space<vmem>>
      tpu.wait_dma2 semaphore(%arg10 : memref<!tpu.dma_semaphore, #tpu.memory_space<semaphore_mem>>) src(%dma_wait3A_354 : memref<2048xf32, #tpu.memory_space<vmem>>) dst(%dma_wait3A_351 : memref<2048xf32, #tpu.memory_space<hbm>>)
    }
    %scan3A_30 = arith.constant 26 : i32
    return
  }
}

</mosaic_0001>

<sc_bundles>
// kernel: kernel.3.cloned.1.call-start
scs
__scs_entry_jumppad:
0x0: {  	(pc) =	sbr.rel $0x88, $3  }
0x1: {  	(tag) =	ssettag $0x0;
	lr =	simm.s32 $0x1  }
0x2: {  	[smem:$0x3F9F] =	sst lr;
	_ =	strace $0xD0000000  }
0x3: {  	_ = 	snop  }
0x4: {  	_ = 	snop  }
0x5: {  	_ = 	snop  }
0x6: {  	_ = 	snop  }
0x7: {  	_ = 	snop  }
__scs_overlays_trampoline_lowered:
0x8: {  	[smem:$0x3FAE] =	sst s0  }
0x9: {  	[smem:$0x3FAF] =	sst s1  }
0xa: {  	[smem:$0x3FB0] =	sst s2  }
0xb: {  	[smem:$0x3FB1] =	sst s3  }
0xc: {  	[smem:$0x3FB2] =	sst s4  }
0xd: {  	[smem:$0x3FB3] =	sst s5  }
0xe: {  	[smem:$0x3FB4] =	sst s6  }
0xf: {  	[smem:$0x3FB5] =	sst s7  }
0x10: {  	[smem:$0x3FB6] =	sst s8  }
0x11: {  	[smem:$0x3FB7] =	sst s9;
	s0 =	simm.s32 @!p0 $0x0  }
0x12: {  	s1 =	sld [smem:$0x3F9D];
	s0 =	simm.s32 @p0 $0x1  }
0x13: {  	[smem:$0x3FB8] =	sst s0;
	s0 =	simm.s32 @!p1 $0x0  }
0x14: {  	s2 =	sld [smem:$0x3F9C];
	s0 =	simm.s32 @p1 $0x1  }
0x15: {  	[smem:$0x3FB9] =	sst s0;
	s0 =	simm.s32 @!p2 $0x0  }
0x16: {  	s3 =	sld [smem:$0x3FDB];
	s0 =	simm.s32 @p2 $0x1  }
0x17: {  	s4 =	simm.s32 $0x1BF5;
	[smem:$0x3FBB] =	sst s0  }
0x18: {  	s0 =	sld [smem:$0x3F9E];
	_ =	swait.ge [sflag:s4], $0x0  }
0x19: {  	s7 =	sld [smem:$0x3F9F]  }
0x1a: {  	s8 =	sadd.s32 $0xFFFFE003, lr  }
0x1b: {  	s9 =	sadd.s32 $0xFFFFFEF7, lr;
	s5 =	simm.s32 $0xFFFFFFFF;
	p2 =	slt.u32 s8, $0xFFFFF086  }
0x1c: {  	p1 =	slt.u32 s9, $0xF7A;
	s5 =	simm.s32 @!p2 $0x0  }
0x1d: {  	s5 =	simm.s32 @p1 $0x1;
	p0 =	seq.s32 s7, s2  }
0x1e: {  	s7 =	smul.u32 @!p0 $0xF7A, s2;
	p2 =	seq.s32 @!p0 s5, $0x0  }
0x1f: {  	s9 =	smul.u32 $0xF7A, s1;
	s8 =	simm.s32 @!p0 $0x1BF5;
	p2 =	por !p2, p0  }
0x20: {  	[sflag:s8] =	ssyncset.s32 @!p0 $0xFFFFF086;
	s6 =	sadd.s32 @!p0 s3, s7;
	s7 =	simm.s32 @!p0 $0x108  }
0x21: {  	s3 =	sadd.s32 s3, s9;
	s6 =	sadd.s32 @!p0 $0x88, s6;
	s7 =	simm.s32 @p2 $0x1082  }
0x22: {  	[simem:s7], [sflag:s8] =	dma.local @!p0 [hbm:s6], $0xF7A  }
0x23: {  	s9 =	sor.u32 $0xD0000000, s2;
	s6 =	simm.s32 $0x108;
	_ =	swait.ge @!p0 [sflag:s8], $0x0  }
0x24: {  	s3 =	sadd.s32 $0x88, s3;
	s6 =	simm.s32 @!p1 $0x1082;
	[sflag:s4] =	ssyncset.s32 $0xFFFFF086  }
0x25: {  	[simem:s6], [sflag:s4] =	dma.local [hbm:s3], $0xF7A  }
0x26: {  	[smem:$0x3F9F] =	sst s1;
	(tag) =	ssettag s2;
	_ =	strace s9  }
0x27: {  	s1 =	sld [smem:$0x3FAF]  }
0x28: {  	s2 =	sld [smem:$0x3FB0]  }
0x29: {  	s4 =	sld [smem:$0x3FB2]  }
0x2a: {  	p0 =	seq.s32 s5, $0x0;
	s5 =	sld [smem:$0x3FB3]  }
0x2b: {  	s6 =	sld [smem:$0x3FB4]  }
0x2c: {  	s7 =	sld [smem:$0x3FB5]  }
0x2d: {  	s3 =	simm.s32 $0x108;
	s8 =	sld [smem:$0x3FB6]  }
0x2e: {  	s3 =	simm.s32 @!p0 $0x1082;
	s9 =	sld [smem:$0x3FB7]  }
0x2f: {  	lr =	sadd.s32 s0, s3;
	s0 =	sld [smem:$0x3FAE]  }
0x30: {  	s3 =	sld [smem:$0x3FB1]  }
0x31: {  	[smem:$0x3FBA] =	sst s10  }
0x32: {  	s10 =	sld [smem:$0x3FB8];
	_ =	sdelay $0x3  }
0x33: {  	p0 =	seq.s32 s10, $0x1;
	s10 =	sld [smem:$0x3FBA];
	_ =	sdelay $0x3  }
0x34: {  	[smem:$0x3FBA] =	sst s10  }
0x35: {  	s10 =	sld [smem:$0x3FB9];
	_ =	sdelay $0x3  }
0x36: {  	p1 =	seq.s32 s10, $0x1;
	s10 =	sld [smem:$0x3FBA];
	_ =	sdelay $0x3  }
0x37: {  	[smem:$0x3FBA] =	sst s10  }
0x38: {  	s10 =	sld [smem:$0x3FBB]  }
0x39: {  	_ = 	snop;
	(pc) =	sbr.ind lr, $3  }
0x3a: {  	_ = 	snop  }
0x3b: {  	_ = 	snop  }
0x3c: {  	p2 =	seq.s32 s10, $0x1;
	s10 =	sld [smem:$0x3FBA]  }
0x3d: {  	_ =	shalt  }
0x3e: {  	_ =	shalt  }
0x3f: {  	_ =	shalt  }
0x40: {  	_ =	shalt  }
0x41: {  	_ =	shalt  }
0x42: {  	_ =	shalt  }
0x43: {  	_ =	shalt  }
0x44: {  	_ =	shalt  }
0x45: {  	_ =	shalt  }
0x46: {  	_ =	shalt  }
0x47: {  	_ =	shalt  }
0x48: {  	_ =	shalt  }
0x49: {  	_ =	shalt  }
0x4a: {  	_ =	shalt  }
0x4b: {  	_ =	shalt  }
0x4c: {  	_ =	shalt  }
0x4d: {  	_ =	shalt  }
0x4e: {  	_ =	shalt  }
0x4f: {  	_ =	shalt  }
0x50: {  	_ =	shalt  }
0x51: {  	_ =	shalt  }
0x52: {  	_ =	shalt  }
0x53: {  	_ =	shalt  }
0x54: {  	_ =	shalt  }
0x55: {  	_ =	shalt  }
0x56: {  	_ =	shalt  }
0x57: {  	_ =	shalt  }
0x58: {  	_ =	shalt  }
0x59: {  	_ =	shalt  }
0x5a: {  	_ =	shalt  }
0x5b: {  	_ =	shalt  }
0x5c: {  	_ =	shalt  }
0x5d: {  	_ =	shalt  }
0x5e: {  	_ =	shalt  }
0x5f: {  	_ =	shalt  }
0x60: {  	_ =	shalt  }
0x61: {  	_ =	shalt  }
0x62: {  	_ =	shalt  }
0x63: {  	_ =	shalt  }
0x64: {  	_ =	shalt  }
0x65: {  	_ =	shalt  }
0x66: {  	_ =	shalt  }
0x67: {  	_ =	shalt  }
0x68: {  	_ =	shalt  }
0x69: {  	_ =	shalt  }
0x6a: {  	_ =	shalt  }
0x6b: {  	_ =	shalt  }
0x6c: {  	_ =	shalt  }
0x6d: {  	_ =	shalt  }
0x6e: {  	_ =	shalt  }
0x6f: {  	_ =	shalt  }
0x70: {  	_ =	shalt  }
0x71: {  	_ =	shalt  }
0x72: {  	_ =	shalt  }
0x73: {  	_ =	shalt  }
0x74: {  	_ =	shalt  }
0x75: {  	_ =	shalt  }
0x76: {  	_ =	shalt  }
0x77: {  	_ =	shalt  }
0x78: {  	_ =	shalt  }
0x79: {  	_ =	shalt  }
0x7a: {  	_ =	shalt  }
0x7b: {  	_ =	shalt  }
0x7c: {  	_ =	shalt  }
0x7d: {  	_ =	shalt  }
0x7e: {  	_ =	shalt  }
0x7f: {  	_ =	shalt  }
0x80: {  	_ =	shalt  }
0x81: {  	_ =	shalt  }
0x82: {  	_ =	shalt  }
0x83: {  	_ =	shalt  }
0x84: {  	_ =	shalt  }
0x85: {  	_ =	shalt  }
0x86: {  	_ =	shalt  }
0x87: {  	_ =	shalt  }
.Lfunc_end0:
.L_simem_size_0:
called_computation_lowered:
.L_overlay_start_0:
0x88: {  	s2 =	sld [smem:$0x3FD9]  }
0x89: {  	s3 =	sld [smem:$0x3FFE];
	_ =	sdelay $0x1  }
0x8a: {  	s1 =	srdreg.scid  }
0x8b: {  	s0 =	sand.u32 $0x1, s1  }
0x8c: {  	s18 =	sshll.u32 s0, $0xA;
	s2 =	sadd.s32 s3, s2  }
0x8d: {  	s2 =	sadd.s32 s2, s18  }
0x8e: {  	[smem:$0x3FC6] =	sst s2  }
0x8f: {  	_ = 	snop  }
0x90: {  	s2 =	sld [smem:$0x3FC9]  }
0x91: {  	s19 =	sld [smem:$0x3FC8]  }
0x92: {  	s4 =	sld [smem:$0x3FD0];
	(tm) =	ssettm $0x1  }
0x93: {  	s5 =	sld [smem:$0x3FFB];
	_ =	sdelay $0x3  }
0x94: {  	_ =	strace s5  }
0x95: {  	s5 =	sld [smem:$0x3FFC];
	_ =	sdelay $0x3  }
0x96: {  	_ =	strace s5  }
0x97: {  	s5 =	sld [smem:$0x3FFD];
	_ =	sdelay $0x3  }
0x98: {  	_ =	strace s5  }
0x99: {  	_ =	strace $0x8FFFFFFF  }
0x9a: {  	s20 =	sld [smem:$0x3FDB];
	_ =	sdelay $0x1  }
0x9b: {  	s6 =	simm.s32 $_scs_section_size  }
0x9c: {  	s7 =	simm.s32 $_size__tile_overlayer_lowered;
	s8 =	simm.s32 $_tile_overlayer_lowered  }
0x9d: {  	s23 =	simm.s32 $0x1BFF;
	s22 =	sshll.u32 s8, $0x1;
	s5 =	sadd.s32 s6, s20  }
0x9e: {  	s9 =	simm.s32 $0x0;
	s21 =	sshll.u32 s7, $0x1;
	s7 =	sadd.s32 s22, s5  }
0x9f: {  	[timem:s9], [sflag:s23] =	dma.local [hbm:s7], s21  }
0xa0: {  	_ =	swait.ge [sflag:s23], s21  }
0xa1: {  	s6 =	ssub.s32 $0x0, s21;
	[sflag:s23] =	ssyncset.done $0x0  }
0xa2: {  	[sflag:s23] =	ssyncadd.s32 s6;
	_ =	sdelay $0x1  }
0xa3: {  	s24 =	simm.s32 $0x1B8B  }
0xa4: {  	_ =	swait.ge [sflag:s24], $0x1  }
0xa5: {  	[sflag:s24] =	ssyncset.done $0x0  }
0xa6: {  	s25 =	simm.s32 $0x1B8E;
	[sflag:s24] =	ssyncadd.s32 $0xFFFFFFFF  }
0xa7: {  	s26 =	simm.s32 $execute0_lowered;
	[smem:$0x3FD2] =	sst s25  }
0xa8: {  	s6 =	sshll.u32 s26, $0x1;
	_ =	strace $0x80000046;
	[dreg:$0x1] =	wrdreg $0xFFFFFFFF  }
0xa9: {  	s28 =	simm.s32 $_size_execute0_lowered;
	s5 =	sadd.s32 s5, s6;
	[dreg:$0x0] =	wrdreg $0x0  }
0xaa: {  	s6 =	sshll.u32 s28, $0x1;
	[dreg:$0x2] =	wrdreg s5  }
0xab: {  	[dreg:$0x3] =	wrdreg s6  }
0xac: {  	[dreg:$0x4] =	wrdreg $0xC0  }
0xad: {  	_ =	task [dreg:s9], $0x5FFFF  }
0xae: {  	[dreg:$0x1] =	wrdreg $0xFFFFFFFF  }
0xaf: {  	[dreg:$0x0] =	wrdreg $0x60  }
0xb0: {  	[dreg:$0x2] =	wrdreg s2  }
0xb1: {  	[dreg:$0x3] =	wrdreg s19  }
0xb2: {  	[dreg:$0x4] =	wrdreg s4  }
0xb3: {  	[dreg:$0x5] =	wrdreg $0x9  }
0xb4: {  	_ =	task.clear_ibuf [dreg:s9], $0x6FFFF;
	_ =	strace $0x90000046  }
0xb5: {  	s29 =	simm.s32 $0x9;
	_ =	strace $0x80000048  }
0xb6: {  	_ =	swait.ge [sflag:s29], $0x1  }
0xb7: {  	[sflag:s29] =	ssyncadd.s32 $0xFFFFFFFF  }
0xb8: {  	_ =	strace $0x90000048  }
0xb9: {  	_ =	sfence  }
0xba: {  	s30 =	sld [smem:$0x0];
	_ =	sdelay $0x2  }
0xbb: {  	s31 =	sshll.u32 s1, $0xD;
	s1 =	sshrl.u32 s1, $0x2  }
0xbc: {  	s3 =	sand.u32 $0x4000, s31;
	s1 =	sadd.s32 s1, s30  }
0xbd: {  	s0 =	sor.u32 s3, s0;
	s1 =	sshll.u32 s1, $0x11  }
0xbe: {  	s0 =	sor.u32 s1, s0  }
0xbf: {  	s0 =	sadd.s32 $0x8F2B, s0  }
0xc0: {  	[sflag:s0] =	ssyncadd.remote.s32 $0x1  }
0xc1: {  	_ =	sfence.sel $0xFFFF  }
0xc2: {  	[dreg:$0x0] =	wrdreg $0xFFFFFFFF;
	(pc) =	sbr.abs _section_cstart, $3  }
0xc3: {  	[dreg:$0x1] =	wrdreg $0xFFFFFFFF  }
0xc4: {  	_ =	task.clear_ibuf [dreg:s9], $0x2FFFF;
	_ =	strace $0x9FFFFFFF  }
0xc5: {  	(tm) =	ssettm $0x7FFFFFFF  }
tec
execute0_lowered:
.L_overlay_start_1:
0x0: {  	(tag) =	ssettag $0x1  }
0x1: {  	s0 =	srdreg.scid  }
0x2: {  	s1 =	stileid.u32;
	s4 =	rddreg [dreg:$0x1]  }
0x3: {  	s29 =	rddreg [dreg:$0x2];
	s6 =	simm.s32 $0x0;
	s7 =	simm.s32 $0x1D400  }
0x4: {  	s14 =	simm.s32 $0x1D500;
	s18 =	simm.s32 $0x1C780;
	s15 =	simm.s32 $0x1C880  }
0x5: {  	s16 =	simm.s32 $0x1C980;
	s19 =	simm.s32 $0x1CB80;
	s5 =	simm.s32 $0x1CD80  }
0x6: {  	s8 =	simm.s32 $0x1CE80;
	s9 =	simm.s32 $0x1CF80;
	s10 =	simm.s32 $0x1D080  }
0x7: {  	s11 =	simm.s32 $0x1D180;
	s12 =	simm.s32 $0x1D280;
	s13 =	simm.s32 $0x1D380  }
0x8: {  	s17 =	simm.s32 $0x1D480;
	s20 =	simm.s32 $0x1D580;
	s21 =	simm.s32 $0x1D680  }
0x9: {  	s0 =	sand.u32 $0x1, s0;
	s1 =	sshll.u32 s1, $0x1;
	[smem:$0x7FF] =	sst s6  }
0xa: {  	s24 =	sadd.s32 $0x800, s29;
	s25 =	sadd.s32 $0x1000, s29;
	s1 =	sor.u32 s0, s1  }
0xb: {  	s26 =	sadd.s32 $0x1800, s29;
	s28 =	sadd.s32 $0x2000, s29;
	s3 =	smul.u32 $0x1A, s1  }
0xc: {  	s30 =	sadd.s32 $0x2800, s29;
	s31 =	sadd.s32 $0x3000, s29;
	s0 =	ssub.s32 $0x2, s0  }
0xd: {  	s23 =	sshrl.u32 s0, $0x1;
	s1 =	sshrl.u32 s3, $0x5;
	[dreg:$0x4] =	wrdreg s3  }
0xe: {  	s2 =	sand.u32 $0x18, s3;
	_ =	strace $0x80000047;
	[dreg:$0x6] =	wrdreg s24  }
0xf: {  	s1 =	smul.u32 $0x30E000, s1;
	s2 =	sshrl.u32 s2, $0x3;
	[dreg:$0x7] =	wrdreg s25  }
0x10: {  	s0 =	ssub.s32 s0, s23;
	[dreg:$0x8] =	wrdreg s26;
	s2 =	smul.u32 $0xC3800, s2  }
0x11: {  	s23 =	simm.s32 $0x0;
	s3 =	sshll.u32 s3, $0x7;
	[dreg:$0x9] =	wrdreg s28  }
0x12: {  	s22 =	sand.u32 $0x300, s3;
	[dreg:$0xa] =	wrdreg s30;
	s1 =	sadd.s32 s1, s2  }
0x13: {  	s0 =	smax.u32 s0, $0x1;
	[dreg:$0xb] =	wrdreg s31;
	s1 =	sor.u32 s22, s1  }
0x14: {  	[dreg:$0xc] =	wrdreg s0;
	s0 =	simm.s32 $0x1D300;
	s1 =	sshrl.u32 s1, $0x3  }
0x15: {  	s2 =	simm.s32 $0x1D600;
	s22 =	simm.s32 $0x3;
	s1 =	sadd.s32 s4, s1  }
0x16: {  	s4 =	simm.s32 $0x1CA80;
	[dreg:$0x5] =	wrdreg s1;
	s1 =	simm.s32 $0x1CC80  }
.LBB2_1:
0x17: {  	[dreg:$0xd] =	wrdreg s23  }
0x18: {  	s3 =	rddreg [dreg:$0x5]  }
0x19: {  	s31 =	simm.s32 $0x80;
	s24 =	simm.s32 $0x400;
	s23 =	simm.s32 $0x0  }
0x1a: {  	[tilespmem:s6], [sflag:$0x1] =	stream.strided.gather [hbm4b:s3+s31], $0x18700, s24, s31, $0x38;
	[tilespmem:$0x1D700] =	vst v63  }
.LBB2_2:
0x1b: {  	s24 =	rddreg [dreg:$0x4]  }
0x1c: {  	s24 =	sadd.s32 s24, s23  }
0x1d: {  	s25 =	sadd.s32 $0xFFFFFFFF, s24  }
0x1e: {  	s26 =	sand.u32 $0x1F, s25  }
0x1f: {  	p0 =	slt.u32 s24, $0x2;
	s28 =	sshra.s32 s25, $0x1F;
	p1 =	sne.s32 s26, $0x0  }
0x20: {  	s30 =	sshrl.u32 s28, $0x1B;
	p0 =	por !p0, !p1  }
0x21: {  	s26 =	simm.s32 $0x1;
	s25 =	sadd.s32 s30, s25;
	p0 =	por !p0, !p0  }
0x22: {  	s28 =	sshra.s32 s25, $0x5;
	s26 =	simm.s32 @!p0 $0x0  }
0x23: {  	s25 =	sshrl.u32 s24, $0x5;
	p0 =	seq.s32 s23, $0x0;
	s26 =	ssub.s32 s28, s26  }
0x24: {  	p1 =	seq.s32 @!p0 s25, s26  }
0x25: {  	p0 =	por p0, !p1  }
0x26: {  	s26 =	sshll.u32 @p0 s25, $0x4  }
0x27: {  	s25 =	sshll.u32 @p0 s25, $0xB;
	s28 =	rddreg @p0 [dreg:$0x0];
	s26 =	sand.u32 @p0 $0x70, s26  }
0x28: {  	s3 =	simm.s32 @p0 $0x80;
	s25 =	sand.u32 @p0 $0xFFFC000, s25;
	s26 =	sadd.s32 @p0 s28, s26  }
0x29: {  	s28 =	simm.s32 @p0 $0x18700;
	s25 =	sadd.s32 @p0 s25, s26;
	s26 =	simm.s32 @p0 $0x400  }
0x2a: {  	[tilespmem:s28], [sflag:$0x2] =	stream.strided.gather @p0 [hbm4b:s25+s3], $0x4000, s26, s3, $0x38;
	[tilespmem:$0x1D700] =	vst v63  }
0x2b: {  	s3 =	simm.s32 @p0 $0x2  }
0x2c: {  	_ =	swait.ge @p0 [sflag:s3], $0x4000  }
0x2d: {  	[sflag:s3] =	ssyncset.done @p0 $0x0  }
0x2e: {  	s31 =	simm.s32 $0x1;
	[sflag:s3] =	ssyncadd.s32 @p0 $0xFFFFC000  }
0x2f: {  	_ =	swait.ge [sflag:s31], $0x18700  }
0x30: {  	s25 =	simm.s32 $0xFFFFFFE0;
	[sflag:s31] =	ssyncset.done $0x0  }
0x31: {  	s26 =	simm.s32 $0x1C900;
	s28 =	simm.s32 $0x18800;
	[sflag:s31] =	ssyncadd.s32 $0xFFFE7900  }
.LBB2_3:
0x32: {  	v0 =	vld [tilespmem:s28+$0xFFFFFF00];
	_ =	sdelay $0x7  }
0x33: {  	v0 =	vld.idx.msk [tilespmem:v0+s6+$0x0], $0xffff;
	_ =	sdelay $0x4  }
0x34: {  	[tilespmem:s26+$0xFFFFFE00] =	vst v0  }
0x35: {  	v0 =	vld [tilespmem:s28+$0xFFFFFF10];
	_ =	sdelay $0x7  }
0x36: {  	v0 =	vld.idx.msk [tilespmem:v0+s6+$0x0], $0xffff;
	_ =	sdelay $0x4  }
0x37: {  	[tilespmem:s26+$0xFFFFFE10] =	vst v0  }
0x38: {  	v0 =	vld [tilespmem:s28+$0xFFFFFF20];
	_ =	sdelay $0x7  }
0x39: {  	v0 =	vld.idx.msk [tilespmem:v0+s6+$0x0], $0xffff;
	_ =	sdelay $0x4  }
0x3a: {  	[tilespmem:s26+$0xFFFFFE20] =	vst v0  }
0x3b: {  	v0 =	vld [tilespmem:s28+$0xFFFFFF30];
	_ =	sdelay $0x7  }
0x3c: {  	v0 =	vld.idx.msk [tilespmem:v0+s6+$0x0], $0xffff;
	_ =	sdelay $0x4  }
0x3d: {  	[tilespmem:s26+$0xFFFFFE30] =	vst v0  }
0x3e: {  	v0 =	vld [tilespmem:s28+$0xFFFFFF40];
	_ =	sdelay $0x7  }
0x3f: {  	v0 =	vld.idx.msk [tilespmem:v0+s6+$0x0], $0xffff;
	_ =	sdelay $0x4  }
0x40: {  	[tilespmem:s26+$0xFFFFFE40] =	vst v0  }
0x41: {  	v0 =	vld [tilespmem:s28+$0xFFFFFF50];
	_ =	sdelay $0x7  }
0x42: {  	v0 =	vld.idx.msk [tilespmem:v0+s6+$0x0], $0xffff;
	_ =	sdelay $0x4  }
0x43: {  	[tilespmem:s26+$0xFFFFFE50] =	vst v0  }
0x44: {  	v0 =	vld [tilespmem:s28+$0xFFFFFF60];
	_ =	sdelay $0x7  }
0x45: {  	v0 =	vld.idx.msk [tilespmem:v0+s6+$0x0], $0xffff;
	_ =	sdelay $0x4  }
0x46: {  	[tilespmem:s26+$0xFFFFFE60] =	vst v0  }
0x47: {  	v0 =	vld [tilespmem:s28+$0xFFFFFF70];
	_ =	sdelay $0x7  }
0x48: {  	v0 =	vld.idx.msk [tilespmem:v0+s6+$0x0], $0xffff;
	_ =	sdelay $0x4  }
0x49: {  	[tilespmem:s26+$0xFFFFFE70] =	vst v0  }
0x4a: {  	v0 =	vld [tilespmem:s28+$0xFFFFFF80];
	_ =	sdelay $0x7  }
0x4b: {  	v0 =	vld.idx.msk [tilespmem:v0+s6+$0x0], $0xffff;
	_ =	sdelay $0x4  }
0x4c: {  	[tilespmem:s26+$0xFFFFFF00] =	vst v0  }
0x4d: {  	v0 =	vld [tilespmem:s28+$0xFFFFFF90];
	_ =	sdelay $0x7  }
0x4e: {  	v0 =	vld.idx.msk [tilespmem:v0+s6+$0x0], $0xffff;
	_ =	sdelay $0x4  }
0x4f: {  	[tilespmem:s26+$0xFFFFFF10] =	vst v0  }
0x50: {  	v0 =	vld [tilespmem:s28+$0xFFFFFFA0];
	_ =	sdelay $0x7  }
0x51: {  	v0 =	vld.idx.msk [tilespmem:v0+s6+$0x0], $0xffff;
	_ =	sdelay $0x4  }
0x52: {  	[tilespmem:s26+$0xFFFFFF20] =	vst v0  }
0x53: {  	v0 =	vld [tilespmem:s28+$0xFFFFFFB0];
	_ =	sdelay $0x7  }
0x54: {  	v0 =	vld.idx.msk [tilespmem:v0+s6+$0x0], $0xffff;
	_ =	sdelay $0x4  }
0x55: {  	[tilespmem:s26+$0xFFFFFF30] =	vst v0  }
0x56: {  	v0 =	vld [tilespmem:s28+$0xFFFFFFC0];
	_ =	sdelay $0x7  }
0x57: {  	v0 =	vld.idx.msk [tilespmem:v0+s6+$0x0], $0xffff;
	_ =	sdelay $0x4  }
0x58: {  	[tilespmem:s26+$0xFFFFFF40] =	vst v0  }
0x59: {  	v0 =	vld [tilespmem:s28+$0xFFFFFFD0];
	_ =	sdelay $0x7  }
0x5a: {  	v0 =	vld.idx.msk [tilespmem:v0+s6+$0x0], $0xffff;
	_ =	sdelay $0x4  }
0x5b: {  	[tilespmem:s26+$0xFFFFFF50] =	vst v0  }
0x5c: {  	v0 =	vld [tilespmem:s28+$0xFFFFFFE0];
	_ =	sdelay $0x7  }
0x5d: {  	v0 =	vld.idx.msk [tilespmem:v0+s6+$0x0], $0xffff;
	_ =	sdelay $0x4  }
0x5e: {  	[tilespmem:s26+$0xFFFFFF60] =	vst v0  }
0x5f: {  	v0 =	vld [tilespmem:s28+$0xFFFFFFF0];
	_ =	sdelay $0x7  }
0x60: {  	v0 =	vld.idx.msk [tilespmem:v0+s6+$0x0], $0xffff;
	_ =	sdelay $0x4  }
0x61: {  	[tilespmem:s26+$0xFFFFFF70] =	vst v0  }
0x62: {  	v0 =	vld [tilespmem:s28+$0x0];
	_ =	sdelay $0x7  }
0x63: {  	v0 =	vld.idx.msk [tilespmem:v0+s6+$0x0], $0xffff;
	_ =	sdelay $0x4  }
0x64: {  	[tilespmem:s26+$0x0] =	vst v0  }
0x65: {  	v0 =	vld [tilespmem:s28+$0x10];
	_ =	sdelay $0x7  }
0x66: {  	v0 =	vld.idx.msk [tilespmem:v0+s6+$0x0], $0xffff;
	_ =	sdelay $0x4  }
0x67: {  	[tilespmem:s26+$0x10] =	vst v0  }
0x68: {  	v0 =	vld [tilespmem:s28+$0x20];
	_ =	sdelay $0x7  }
0x69: {  	v0 =	vld.idx.msk [tilespmem:v0+s6+$0x0], $0xffff;
	_ =	sdelay $0x4  }
0x6a: {  	[tilespmem:s26+$0x20] =	vst v0  }
0x6b: {  	v0 =	vld [tilespmem:s28+$0x30];
	_ =	sdelay $0x7  }
0x6c: {  	v0 =	vld.idx.msk [tilespmem:v0+s6+$0x0], $0xffff;
	_ =	sdelay $0x4  }
0x6d: {  	[tilespmem:s26+$0x30] =	vst v0  }
0x6e: {  	v0 =	vld [tilespmem:s28+$0x40];
	_ =	sdelay $0x7  }
0x6f: {  	v0 =	vld.idx.msk [tilespmem:v0+s6+$0x0], $0xffff;
	_ =	sdelay $0x4  }
0x70: {  	[tilespmem:s26+$0x40] =	vst v0  }
0x71: {  	v0 =	vld [tilespmem:s28+$0x50];
	_ =	sdelay $0x7  }
0x72: {  	v0 =	vld.idx.msk [tilespmem:v0+s6+$0x0], $0xffff;
	_ =	sdelay $0x4  }
0x73: {  	[tilespmem:s26+$0x50] =	vst v0  }
0x74: {  	v0 =	vld [tilespmem:s28+$0x60];
	_ =	sdelay $0x7  }
0x75: {  	v0 =	vld.idx.msk [tilespmem:v0+s6+$0x0], $0xffff;
	_ =	sdelay $0x4  }
0x76: {  	[tilespmem:s26+$0x60] =	vst v0  }
0x77: {  	v0 =	vld [tilespmem:s28+$0x70];
	_ =	sdelay $0x7  }
0x78: {  	v0 =	vld.idx.msk [tilespmem:v0+s6+$0x0], $0xffff;
	_ =	sdelay $0x4  }
0x79: {  	[tilespmem:s26+$0x70] =	vst v0  }
0x7a: {  	v0 =	vld [tilespmem:s28+$0x80];
	_ =	sdelay $0x7  }
0x7b: {  	v0 =	vld.idx.msk [tilespmem:v0+s6+$0x0], $0xffff;
	_ =	sdelay $0x4  }
0x7c: {  	[tilespmem:s26+$0x100] =	vst v0  }
0x7d: {  	v0 =	vld [tilespmem:s28+$0x90];
	_ =	sdelay $0x7  }
0x7e: {  	v0 =	vld.idx.msk [tilespmem:v0+s6+$0x0], $0xffff;
	_ =	sdelay $0x4  }
0x7f: {  	[tilespmem:s26+$0x110] =	vst v0  }
0x80: {  	v0 =	vld [tilespmem:s28+$0xA0];
	_ =	sdelay $0x7  }
0x81: {  	v0 =	vld.idx.msk [tilespmem:v0+s6+$0x0], $0xffff;
	_ =	sdelay $0x4  }
0x82: {  	[tilespmem:s26+$0x120] =	vst v0  }
0x83: {  	v0 =	vld [tilespmem:s28+$0xB0];
	_ =	sdelay $0x7  }
0x84: {  	v0 =	vld.idx.msk [tilespmem:v0+s6+$0x0], $0xffff;
	_ =	sdelay $0x4  }
0x85: {  	[tilespmem:s26+$0x130] =	vst v0  }
0x86: {  	v0 =	vld [tilespmem:s28+$0xC0];
	_ =	sdelay $0x7  }
0x87: {  	v0 =	vld.idx.msk [tilespmem:v0+s6+$0x0], $0xffff;
	_ =	sdelay $0x4  }
0x88: {  	[tilespmem:s26+$0x140] =	vst v0  }
0x89: {  	v0 =	vld [tilespmem:s28+$0xD0];
	_ =	sdelay $0x7  }
0x8a: {  	v0 =	vld.idx.msk [tilespmem:v0+s6+$0x0], $0xffff;
	_ =	sdelay $0x4  }
0x8b: {  	[tilespmem:s26+$0x150] =	vst v0  }
0x8c: {  	v0 =	vld [tilespmem:s28+$0xE0];
	_ =	sdelay $0x7  }
0x8d: {  	v0 =	vld.idx.msk [tilespmem:v0+s6+$0x0], $0xffff;
	_ =	sdelay $0x4  }
0x8e: {  	[tilespmem:s26+$0x160] =	vst v0  }
0x8f: {  	v0 =	vld [tilespmem:s28+$0xF0];
	_ =	sdelay $0x6  }
0x90: {  	s25 =	sadd.s32 $0x20, s25  }
0x91: {  	p0 =	slt.u32 s25, $0x60;
	v0 =	vld.idx.msk [tilespmem:v0+s6+$0x0], $0xffff  }
.Ltmp0:
0x92: {  	_ = 	snop;
	(pc) =	sbr.rel @p0 .LBB2_3-.Ltmp0, $2  }
0x93: {  	_ =	sdelay $0x2  }
0x94: {  	s28 =	sadd.s32 $0x200, s28;
	[tilespmem:s26+$0x170] =	vst v0;
	s26 =	sadd.s32 $0x400, s26  }
0x95: {  	s25 =	sshll.u32 s24, $0xE;
	s26 =	sshll.u32 s24, $0x7  }
0x96: {  	s28 =	sand.u32 $0x7FFE0000, s25;
	s26 =	sand.u32 $0x380, s26  }
0x97: {  	s28 =	sor.u32 s26, s28  }
0x98: {  	s28 =	sshrl.u32 s28, $0x3  }
0x99: {  	s3 =	smov.u32 s29;
	s30 =	simm.s32 $0x1C700;
	s29 =	sadd.s32 s29, s28  }
0x9a: {  	[hbm4b:s29+s6] =	stream.linear.scatter [tilespmem:s30], [sflag:$0x3], $0x80, $0x38;
	[tilespmem:$0x1D700] =	vst v63  }
0x9b: {  	s31 =	simm.s32 $0x1C800;
	s30 =	sadd.s32 $0x80, s29  }
0x9c: {  	[hbm4b:s30+s6] =	stream.linear.scatter [tilespmem:s31], [sflag:$0x3], $0x80, $0x38;
	[tilespmem:$0x1D700] =	vst v63  }
0x9d: {  	s30 =	sadd.s32 $0x100, s29;
	s31 =	simm.s32 $0x1C900  }
0x9e: {  	[hbm4b:s30+s6] =	stream.linear.scatter [tilespmem:s31], [sflag:$0x3], $0x80, $0x38;
	[tilespmem:$0x1D700] =	vst v63  }
0x9f: {  	s30 =	sadd.s32 $0x180, s29;
	s31 =	simm.s32 $0x1CA00  }
0xa0: {  	[hbm4b:s30+s6] =	stream.linear.scatter [tilespmem:s31], [sflag:$0x3], $0x80, $0x38;
	[tilespmem:$0x1D700] =	vst v63  }
0xa1: {  	s30 =	sadd.s32 $0x200, s29;
	s31 =	simm.s32 $0x1CB00  }
0xa2: {  	[hbm4b:s30+s6] =	stream.linear.scatter [tilespmem:s31], [sflag:$0x3], $0x80, $0x38;
	[tilespmem:$0x1D700] =	vst v63  }
0xa3: {  	s30 =	sadd.s32 $0x280, s29;
	s31 =	simm.s32 $0x1CC00  }
0xa4: {  	[hbm4b:s30+s6] =	stream.linear.scatter [tilespmem:s31], [sflag:$0x3], $0x80, $0x38;
	[tilespmem:$0x1D700] =	vst v63  }
0xa5: {  	s30 =	sadd.s32 $0x300, s29;
	s31 =	simm.s32 $0x1CD00  }
0xa6: {  	[hbm4b:s30+s6] =	stream.linear.scatter [tilespmem:s31], [sflag:$0x3], $0x80, $0x38;
	[tilespmem:$0x1D700] =	vst v63  }
0xa7: {  	s30 =	sadd.s32 $0x380, s29;
	s31 =	simm.s32 $0x1CE00  }
0xa8: {  	[hbm4b:s30+s6] =	stream.linear.scatter [tilespmem:s31], [sflag:$0x3], $0x80, $0x38;
	[tilespmem:$0x1D700] =	vst v63  }
0xa9: {  	s30 =	sadd.s32 $0x400, s29;
	s31 =	simm.s32 $0x1CF00  }
0xaa: {  	[hbm4b:s30+s6] =	stream.linear.scatter [tilespmem:s31], [sflag:$0x3], $0x80, $0x38;
	[tilespmem:$0x1D700] =	vst v63  }
0xab: {  	s30 =	sadd.s32 $0x480, s29;
	s31 =	simm.s32 $0x1D000  }
0xac: {  	[hbm4b:s30+s6] =	stream.linear.scatter [tilespmem:s31], [sflag:$0x3], $0x80, $0x38;
	[tilespmem:$0x1D700] =	vst v63  }
0xad: {  	s30 =	sadd.s32 $0x500, s29;
	s31 =	simm.s32 $0x1D100  }
0xae: {  	[hbm4b:s30+s6] =	stream.linear.scatter [tilespmem:s31], [sflag:$0x3], $0x80, $0x38;
	[tilespmem:$0x1D700] =	vst v63  }
0xaf: {  	s30 =	sadd.s32 $0x580, s29;
	s31 =	simm.s32 $0x1D200  }
0xb0: {  	[hbm4b:s30+s6] =	stream.linear.scatter [tilespmem:s31], [sflag:$0x3], $0x80, $0x38;
	[tilespmem:$0x1D700] =	vst v63  }
0xb1: {  	s30 =	sadd.s32 $0x600, s29  }
0xb2: {  	[hbm4b:s30+s6] =	stream.linear.scatter [tilespmem:s0], [sflag:$0x3], $0x80, $0x38;
	[tilespmem:$0x1D700] =	vst v63  }
0xb3: {  	s30 =	sadd.s32 $0x680, s29  }
0xb4: {  	[hbm4b:s30+s6] =	stream.linear.scatter [tilespmem:s7], [sflag:$0x3], $0x80, $0x38;
	[tilespmem:$0x1D700] =	vst v63  }
0xb5: {  	s30 =	sadd.s32 $0x700, s29  }
0xb6: {  	[hbm4b:s30+s6] =	stream.linear.scatter [tilespmem:s14], [sflag:$0x3], $0x80, $0x38;
	[tilespmem:$0x1D700] =	vst v63  }
0xb7: {  	s29 =	sadd.s32 $0x780, s29  }
0xb8: {  	[hbm4b:s29+s6] =	stream.linear.scatter [tilespmem:s2], [sflag:$0x3], $0x80, $0x38;
	[tilespmem:$0x1D700] =	vst v63  }
0xb9: {  	s31 =	simm.s32 $0x1C980;
	s30 =	simm.s32 $0x190F0;
	s29 =	simm.s32 $0xFFFFFFE0  }
.LBB2_5:
0xba: {  	v0 =	vld [tilespmem:s30+$0xFFFFFE10];
	_ =	sdelay $0x7  }
0xbb: {  	v0 =	vld.idx.msk [tilespmem:v0+s6+$0x0], $0xffff;
	_ =	sdelay $0x4  }
0xbc: {  	[tilespmem:s31+$0xFFFFFE00] =	vst v0  }
0xbd: {  	v0 =	vld [tilespmem:s30+$0xFFFFFE20];
	_ =	sdelay $0x7  }
0xbe: {  	v0 =	vld.idx.msk [tilespmem:v0+s6+$0x0], $0xffff;
	_ =	sdelay $0x4  }
0xbf: {  	[tilespmem:s31+$0xFFFFFE10] =	vst v0  }
0xc0: {  	v0 =	vld [tilespmem:s30+$0xFFFFFE30];
	_ =	sdelay $0x7  }
0xc1: {  	v0 =	vld.idx.msk [tilespmem:v0+s6+$0x0], $0xffff;
	_ =	sdelay $0x4  }
0xc2: {  	[tilespmem:s31+$0xFFFFFE20] =	vst v0  }
0xc3: {  	v0 =	vld [tilespmem:s30+$0xFFFFFE40];
	_ =	sdelay $0x7  }
0xc4: {  	v0 =	vld.idx.msk [tilespmem:v0+s6+$0x0], $0xffff;
	_ =	sdelay $0x4  }
0xc5: {  	[tilespmem:s31+$0xFFFFFE30] =	vst v0  }
0xc6: {  	v0 =	vld [tilespmem:s30+$0xFFFFFE50];
	_ =	sdelay $0x7  }
0xc7: {  	v0 =	vld.idx.msk [tilespmem:v0+s6+$0x0], $0xffff;
	_ =	sdelay $0x4  }
0xc8: {  	[tilespmem:s31+$0xFFFFFE40] =	vst v0  }
0xc9: {  	v0 =	vld [tilespmem:s30+$0xFFFFFE60];
	_ =	sdelay $0x7  }
0xca: {  	v0 =	vld.idx.msk [tilespmem:v0+s6+$0x0], $0xffff;
	_ =	sdelay $0x4  }
0xcb: {  	[tilespmem:s31+$0xFFFFFE50] =	vst v0  }
0xcc: {  	v0 =	vld [tilespmem:s30+$0xFFFFFE70];
	_ =	sdelay $0x7  }
0xcd: {  	v0 =	vld.idx.msk [tilespmem:v0+s6+$0x0], $0xffff;
	_ =	sdelay $0x4  }
0xce: {  	[tilespmem:s31+$0xFFFFFE60] =	vst v0  }
0xcf: {  	v0 =	vld [tilespmem:s30+$0xFFFFFE80];
	_ =	sdelay $0x7  }
0xd0: {  	v0 =	vld.idx.msk [tilespmem:v0+s6+$0x0], $0xffff;
	_ =	sdelay $0x4  }
0xd1: {  	[tilespmem:s31+$0xFFFFFE70] =	vst v0  }
0xd2: {  	v0 =	vld [tilespmem:s30+$0xFFFFFE90];
	_ =	sdelay $0x7  }
0xd3: {  	v0 =	vld.idx.msk [tilespmem:v0+s6+$0x0], $0xffff;
	_ =	sdelay $0x4  }
0xd4: {  	[tilespmem:s31+$0xFFFFFF00] =	vst v0  }
0xd5: {  	v0 =	vld [tilespmem:s30+$0xFFFFFEA0];
	_ =	sdelay $0x7  }
0xd6: {  	v0 =	vld.idx.msk [tilespmem:v0+s6+$0x0], $0xffff;
	_ =	sdelay $0x4  }
0xd7: {  	[tilespmem:s31+$0xFFFFFF10] =	vst v0  }
0xd8: {  	v0 =	vld [tilespmem:s30+$0xFFFFFEB0];
	_ =	sdelay $0x7  }
0xd9: {  	v0 =	vld.idx.msk [tilespmem:v0+s6+$0x0], $0xffff;
	_ =	sdelay $0x4  }
0xda: {  	[tilespmem:s31+$0xFFFFFF20] =	vst v0  }
0xdb: {  	v0 =	vld [tilespmem:s30+$0xFFFFFEC0];
	_ =	sdelay $0x7  }
0xdc: {  	v0 =	vld.idx.msk [tilespmem:v0+s6+$0x0], $0xffff;
	_ =	sdelay $0x4  }
0xdd: {  	[tilespmem:s31+$0xFFFFFF30] =	vst v0  }
0xde: {  	v0 =	vld [tilespmem:s30+$0xFFFFFED0];
	_ =	sdelay $0x7  }
0xdf: {  	v0 =	vld.idx.msk [tilespmem:v0+s6+$0x0], $0xffff;
	_ =	sdelay $0x4  }
0xe0: {  	[tilespmem:s31+$0xFFFFFF40] =	vst v0  }
0xe1: {  	v0 =	vld [tilespmem:s30+$0xFFFFFEE0];
	_ =	sdelay $0x7  }
0xe2: {  	v0 =	vld.idx.msk [tilespmem:v0+s6+$0x0], $0xffff;
	_ =	sdelay $0x4  }
0xe3: {  	[tilespmem:s31+$0xFFFFFF50] =	vst v0  }
0xe4: {  	v0 =	vld [tilespmem:s30+$0xFFFFFEF0];
	_ =	sdelay $0x7  }
0xe5: {  	v0 =	vld.idx.msk [tilespmem:v0+s6+$0x0], $0xffff;
	_ =	sdelay $0x4  }
0xe6: {  	[tilespmem:s31+$0xFFFFFF60] =	vst v0  }
0xe7: {  	v0 =	vld [tilespmem:s30+$0xFFFFFF00];
	_ =	sdelay $0x7  }
0xe8: {  	v0 =	vld.idx.msk [tilespmem:v0+s6+$0x0], $0xffff;
	_ =	sdelay $0x4  }
0xe9: {  	[tilespmem:s31+$0xFFFFFF70] =	vst v0  }
0xea: {  	v0 =	vld [tilespmem:s30+$0xFFFFFF10];
	_ =	sdelay $0x7  }
0xeb: {  	v0 =	vld.idx.msk [tilespmem:v0+s6+$0x0], $0xffff;
	_ =	sdelay $0x4  }
0xec: {  	[tilespmem:s31+$0x0] =	vst v0  }
0xed: {  	v0 =	vld [tilespmem:s30+$0xFFFFFF20];
	_ =	sdelay $0x7  }
0xee: {  	v0 =	vld.idx.msk [tilespmem:v0+s6+$0x0], $0xffff;
	_ =	sdelay $0x4  }
0xef: {  	[tilespmem:s31+$0x10] =	vst v0  }
0xf0: {  	v0 =	vld [tilespmem:s30+$0xFFFFFF30];
	_ =	sdelay $0x7  }
0xf1: {  	v0 =	vld.idx.msk [tilespmem:v0+s6+$0x0], $0xffff;
	_ =	sdelay $0x4  }
0xf2: {  	[tilespmem:s31+$0x20] =	vst v0  }
0xf3: {  	v0 =	vld [tilespmem:s30+$0xFFFFFF40];
	_ =	sdelay $0x7  }
0xf4: {  	v0 =	vld.idx.msk [tilespmem:v0+s6+$0x0], $0xffff;
	_ =	sdelay $0x4  }
0xf5: {  	[tilespmem:s31+$0x30] =	vst v0  }
0xf6: {  	v0 =	vld [tilespmem:s30+$0xFFFFFF50];
	_ =	sdelay $0x7  }
0xf7: {  	v0 =	vld.idx.msk [tilespmem:v0+s6+$0x0], $0xffff;
	_ =	sdelay $0x4  }
0xf8: {  	[tilespmem:s31+$0x40] =	vst v0  }
0xf9: {  	v0 =	vld [tilespmem:s30+$0xFFFFFF60];
	_ =	sdelay $0x7  }
0xfa: {  	v0 =	vld.idx.msk [tilespmem:v0+s6+$0x0], $0xffff;
	_ =	sdelay $0x4  }
0xfb: {  	[tilespmem:s31+$0x50] =	vst v0  }
0xfc: {  	v0 =	vld [tilespmem:s30+$0xFFFFFF70];
	_ =	sdelay $0x7  }
0xfd: {  	v0 =	vld.idx.msk [tilespmem:v0+s6+$0x0], $0xffff;
	_ =	sdelay $0x4  }
0xfe: {  	[tilespmem:s31+$0x60] =	vst v0  }
0xff: {  	v0 =	vld [tilespmem:s30+$0xFFFFFF80];
	_ =	sdelay $0x7  }
0x100: {  	v0 =	vld.idx.msk [tilespmem:v0+s6+$0x0], $0xffff;
	_ =	sdelay $0x4  }
0x101: {  	[tilespmem:s31+$0x70] =	vst v0  }
0x102: {  	v0 =	vld [tilespmem:s30+$0xFFFFFF90];
	_ =	sdelay $0x7  }
0x103: {  	v0 =	vld.idx.msk [tilespmem:v0+s6+$0x0], $0xffff;
	_ =	sdelay $0x4  }
0x104: {  	[tilespmem:s31+$0x100] =	vst v0  }
0x105: {  	v0 =	vld [tilespmem:s30+$0xFFFFFFA0];
	_ =	sdelay $0x7  }
0x106: {  	v0 =	vld.idx.msk [tilespmem:v0+s6+$0x0], $0xffff;
	_ =	sdelay $0x4  }
0x107: {  	[tilespmem:s31+$0x110] =	vst v0  }
0x108: {  	v0 =	vld [tilespmem:s30+$0xFFFFFFB0];
	_ =	sdelay $0x7  }
0x109: {  	v0 =	vld.idx.msk [tilespmem:v0+s6+$0x0], $0xffff;
	_ =	sdelay $0x4  }
0x10a: {  	[tilespmem:s31+$0x120] =	vst v0  }
0x10b: {  	v0 =	vld [tilespmem:s30+$0xFFFFFFC0];
	_ =	sdelay $0x7  }
0x10c: {  	v0 =	vld.idx.msk [tilespmem:v0+s6+$0x0], $0xffff;
	_ =	sdelay $0x4  }
0x10d: {  	[tilespmem:s31+$0x130] =	vst v0  }
0x10e: {  	v0 =	vld [tilespmem:s30+$0xFFFFFFD0];
	_ =	sdelay $0x7  }
0x10f: {  	v0 =	vld.idx.msk [tilespmem:v0+s6+$0x0], $0xffff;
	_ =	sdelay $0x4  }
0x110: {  	[tilespmem:s31+$0x140] =	vst v0  }
0x111: {  	v0 =	vld [tilespmem:s30+$0xFFFFFFE0];
	_ =	sdelay $0x7  }
0x112: {  	v0 =	vld.idx.msk [tilespmem:v0+s6+$0x0], $0xffff;
	_ =	sdelay $0x4  }
0x113: {  	[tilespmem:s31+$0x150] =	vst v0  }
0x114: {  	v0 =	vld [tilespmem:s30+$0xFFFFFFF0];
	_ =	sdelay $0x7  }
0x115: {  	v0 =	vld.idx.msk [tilespmem:v0+s6+$0x0], $0xffff;
	_ =	sdelay $0x4  }
0x116: {  	[tilespmem:s31+$0x160] =	vst v0  }
0x117: {  	v0 =	vld [tilespmem:s30+$0x0];
	_ =	sdelay $0x6  }
0x118: {  	s29 =	sadd.s32 $0x20, s29  }
0x119: {  	p0 =	slt.u32 s29, $0x60;
	v0 =	vld.idx.msk [tilespmem:v0+s6+$0x0], $0xffff  }
.Ltmp1:
0x11a: {  	_ = 	snop;
	(pc) =	sbr.rel @p0 .LBB2_5-.Ltmp1, $2  }
0x11b: {  	_ =	sdelay $0x2  }
0x11c: {  	s30 =	sadd.s32 $0x200, s30;
	[tilespmem:s31+$0x170] =	vst v0;
	s31 =	sadd.s32 $0x400, s31  }
0x11d: {  	s29 =	rddreg [dreg:$0x6]  }
0x11e: {  	s29 =	sadd.s32 s28, s29  }
0x11f: {  	[hbm4b:s29+s6] =	stream.linear.scatter [tilespmem:s18], [sflag:$0x3], $0x80, $0x38;
	[tilespmem:$0x1D700] =	vst v63  }
0x120: {  	s30 =	sadd.s32 $0x80, s29  }
0x121: {  	[hbm4b:s30+s6] =	stream.linear.scatter [tilespmem:s15], [sflag:$0x3], $0x80, $0x38;
	[tilespmem:$0x1D700] =	vst v63  }
0x122: {  	s30 =	sadd.s32 $0x100, s29  }
0x123: {  	[hbm4b:s30+s6] =	stream.linear.scatter [tilespmem:s16], [sflag:$0x3], $0x80, $0x38;
	[tilespmem:$0x1D700] =	vst v63  }
0x124: {  	s30 =	sadd.s32 $0x180, s29  }
0x125: {  	[hbm4b:s30+s6] =	stream.linear.scatter [tilespmem:s4], [sflag:$0x3], $0x80, $0x38;
	[tilespmem:$0x1D700] =	vst v63  }
0x126: {  	s30 =	sadd.s32 $0x200, s29  }
0x127: {  	[hbm4b:s30+s6] =	stream.linear.scatter [tilespmem:s19], [sflag:$0x3], $0x80, $0x38;
	[tilespmem:$0x1D700] =	vst v63  }
0x128: {  	s30 =	sadd.s32 $0x280, s29  }
0x129: {  	[hbm4b:s30+s6] =	stream.linear.scatter [tilespmem:s1], [sflag:$0x3], $0x80, $0x38;
	[tilespmem:$0x1D700] =	vst v63  }
0x12a: {  	s30 =	sadd.s32 $0x300, s29  }
0x12b: {  	[hbm4b:s30+s6] =	stream.linear.scatter [tilespmem:s5], [sflag:$0x3], $0x80, $0x38;
	[tilespmem:$0x1D700] =	vst v63  }
0x12c: {  	s30 =	sadd.s32 $0x380, s29  }
0x12d: {  	[hbm4b:s30+s6] =	stream.linear.scatter [tilespmem:s8], [sflag:$0x3], $0x80, $0x38;
	[tilespmem:$0x1D700] =	vst v63  }
0x12e: {  	s30 =	sadd.s32 $0x400, s29  }
0x12f: {  	[hbm4b:s30+s6] =	stream.linear.scatter [tilespmem:s9], [sflag:$0x3], $0x80, $0x38;
	[tilespmem:$0x1D700] =	vst v63  }
0x130: {  	s30 =	sadd.s32 $0x480, s29  }
0x131: {  	[hbm4b:s30+s6] =	stream.linear.scatter [tilespmem:s10], [sflag:$0x3], $0x80, $0x38;
	[tilespmem:$0x1D700] =	vst v63  }
0x132: {  	s30 =	sadd.s32 $0x500, s29  }
0x133: {  	[hbm4b:s30+s6] =	stream.linear.scatter [tilespmem:s11], [sflag:$0x3], $0x80, $0x38;
	[tilespmem:$0x1D700] =	vst v63  }
0x134: {  	s30 =	sadd.s32 $0x580, s29  }
0x135: {  	[hbm4b:s30+s6] =	stream.linear.scatter [tilespmem:s12], [sflag:$0x3], $0x80, $0x38;
	[tilespmem:$0x1D700] =	vst v63  }
0x136: {  	s30 =	sadd.s32 $0x600, s29  }
0x137: {  	[hbm4b:s30+s6] =	stream.linear.scatter [tilespmem:s13], [sflag:$0x3], $0x80, $0x38;
	[tilespmem:$0x1D700] =	vst v63  }
0x138: {  	s30 =	sadd.s32 $0x680, s29  }
0x139: {  	[hbm4b:s30+s6] =	stream.linear.scatter [tilespmem:s17], [sflag:$0x3], $0x80, $0x38;
	[tilespmem:$0x1D700] =	vst v63  }
0x13a: {  	s30 =	sadd.s32 $0x700, s29  }
0x13b: {  	[hbm4b:s30+s6] =	stream.linear.scatter [tilespmem:s20], [sflag:$0x3], $0x80, $0x38;
	[tilespmem:$0x1D700] =	vst v63  }
0x13c: {  	s29 =	sadd.s32 $0x780, s29  }
0x13d: {  	[hbm4b:s29+s6] =	stream.linear.scatter [tilespmem:s21], [sflag:$0x3], $0x80, $0x38;
	[tilespmem:$0x1D700] =	vst v63  }
0x13e: {  	_ =	swait.ge [sflag:s22], $0x800  }
0x13f: {  	s31 =	simm.s32 $0x1C900;
	[sflag:s22] =	ssyncset.done $0x0  }
0x140: {  	s30 =	simm.s32 $0x198F0;
	s29 =	simm.s32 $0xFFFFFFE0;
	[sflag:s22] =	ssyncadd.s32 $0xFFFFF800  }
.LBB2_7:
0x141: {  	v0 =	vld [tilespmem:s30+$0xFFFFFE10];
	_ =	sdelay $0x7  }
0x142: {  	v0 =	vld.idx.msk [tilespmem:v0+s6+$0x0], $0xffff;
	_ =	sdelay $0x4  }
0x143: {  	[tilespmem:s31+$0xFFFFFE00] =	vst v0  }
0x144: {  	v0 =	vld [tilespmem:s30+$0xFFFFFE20];
	_ =	sdelay $0x7  }
0x145: {  	v0 =	vld.idx.msk [tilespmem:v0+s6+$0x0], $0xffff;
	_ =	sdelay $0x4  }
0x146: {  	[tilespmem:s31+$0xFFFFFE10] =	vst v0  }
0x147: {  	v0 =	vld [tilespmem:s30+$0xFFFFFE30];
	_ =	sdelay $0x7  }
0x148: {  	v0 =	vld.idx.msk [tilespmem:v0+s6+$0x0], $0xffff;
	_ =	sdelay $0x4  }
0x149: {  	[tilespmem:s31+$0xFFFFFE20] =	vst v0  }
0x14a: {  	v0 =	vld [tilespmem:s30+$0xFFFFFE40];
	_ =	sdelay $0x7  }
0x14b: {  	v0 =	vld.idx.msk [tilespmem:v0+s6+$0x0], $0xffff;
	_ =	sdelay $0x4  }
0x14c: {  	[tilespmem:s31+$0xFFFFFE30] =	vst v0  }
0x14d: {  	v0 =	vld [tilespmem:s30+$0xFFFFFE50];
	_ =	sdelay $0x7  }
0x14e: {  	v0 =	vld.idx.msk [tilespmem:v0+s6+$0x0], $0xffff;
	_ =	sdelay $0x4  }
0x14f: {  	[tilespmem:s31+$0xFFFFFE40] =	vst v0  }
0x150: {  	v0 =	vld [tilespmem:s30+$0xFFFFFE60];
	_ =	sdelay $0x7  }
0x151: {  	v0 =	vld.idx.msk [tilespmem:v0+s6+$0x0], $0xffff;
	_ =	sdelay $0x4  }
0x152: {  	[tilespmem:s31+$0xFFFFFE50] =	vst v0  }
0x153: {  	v0 =	vld [tilespmem:s30+$0xFFFFFE70];
	_ =	sdelay $0x7  }
0x154: {  	v0 =	vld.idx.msk [tilespmem:v0+s6+$0x0], $0xffff;
	_ =	sdelay $0x4  }
0x155: {  	[tilespmem:s31+$0xFFFFFE60] =	vst v0  }
0x156: {  	v0 =	vld [tilespmem:s30+$0xFFFFFE80];
	_ =	sdelay $0x7  }
0x157: {  	v0 =	vld.idx.msk [tilespmem:v0+s6+$0x0], $0xffff;
	_ =	sdelay $0x4  }
0x158: {  	[tilespmem:s31+$0xFFFFFE70] =	vst v0  }
0x159: {  	v0 =	vld [tilespmem:s30+$0xFFFFFE90];
	_ =	sdelay $0x7  }
0x15a: {  	v0 =	vld.idx.msk [tilespmem:v0+s6+$0x0], $0xffff;
	_ =	sdelay $0x4  }
0x15b: {  	[tilespmem:s31+$0xFFFFFF00] =	vst v0  }
0x15c: {  	v0 =	vld [tilespmem:s30+$0xFFFFFEA0];
	_ =	sdelay $0x7  }
0x15d: {  	v0 =	vld.idx.msk [tilespmem:v0+s6+$0x0], $0xffff;
	_ =	sdelay $0x4  }
0x15e: {  	[tilespmem:s31+$0xFFFFFF10] =	vst v0  }
0x15f: {  	v0 =	vld [tilespmem:s30+$0xFFFFFEB0];
	_ =	sdelay $0x7  }
0x160: {  	v0 =	vld.idx.msk [tilespmem:v0+s6+$0x0], $0xffff;
	_ =	sdelay $0x4  }
0x161: {  	[tilespmem:s31+$0xFFFFFF20] =	vst v0  }
0x162: {  	v0 =	vld [tilespmem:s30+$0xFFFFFEC0];
	_ =	sdelay $0x7  }
0x163: {  	v0 =	vld.idx.msk [tilespmem:v0+s6+$0x0], $0xffff;
	_ =	sdelay $0x4  }
0x164: {  	[tilespmem:s31+$0xFFFFFF30] =	vst v0  }
0x165: {  	v0 =	vld [tilespmem:s30+$0xFFFFFED0];
	_ =	sdelay $0x7  }
0x166: {  	v0 =	vld.idx.msk [tilespmem:v0+s6+$0x0], $0xffff;
	_ =	sdelay $0x4  }
0x167: {  	[tilespmem:s31+$0xFFFFFF40] =	vst v0  }
0x168: {  	v0 =	vld [tilespmem:s30+$0xFFFFFEE0];
	_ =	sdelay $0x7  }
0x169: {  	v0 =	vld.idx.msk [tilespmem:v0+s6+$0x0], $0xffff;
	_ =	sdelay $0x4  }
0x16a: {  	[tilespmem:s31+$0xFFFFFF50] =	vst v0  }
0x16b: {  	v0 =	vld [tilespmem:s30+$0xFFFFFEF0];
	_ =	sdelay $0x7  }
0x16c: {  	v0 =	vld.idx.msk [tilespmem:v0+s6+$0x0], $0xffff;
	_ =	sdelay $0x4  }
0x16d: {  	[tilespmem:s31+$0xFFFFFF60] =	vst v0  }
0x16e: {  	v0 =	vld [tilespmem:s30+$0xFFFFFF00];
	_ =	sdelay $0x7  }
0x16f: {  	v0 =	vld.idx.msk [tilespmem:v0+s6+$0x0], $0xffff;
	_ =	sdelay $0x4  }
0x170: {  	[tilespmem:s31+$0xFFFFFF70] =	vst v0  }
0x171: {  	v0 =	vld [tilespmem:s30+$0xFFFFFF10];
	_ =	sdelay $0x7  }
0x172: {  	v0 =	vld.idx.msk [tilespmem:v0+s6+$0x0], $0xffff;
	_ =	sdelay $0x4  }
0x173: {  	[tilespmem:s31+$0x0] =	vst v0  }
0x174: {  	v0 =	vld [tilespmem:s30+$0xFFFFFF20];
	_ =	sdelay $0x7  }
0x175: {  	v0 =	vld.idx.msk [tilespmem:v0+s6+$0x0], $0xffff;
	_ =	sdelay $0x4  }
0x176: {  	[tilespmem:s31+$0x10] =	vst v0  }
0x177: {  	v0 =	vld [tilespmem:s30+$0xFFFFFF30];
	_ =	sdelay $0x7  }
0x178: {  	v0 =	vld.idx.msk [tilespmem:v0+s6+$0x0], $0xffff;
	_ =	sdelay $0x4  }
0x179: {  	[tilespmem:s31+$0x20] =	vst v0  }
0x17a: {  	v0 =	vld [tilespmem:s30+$0xFFFFFF40];
	_ =	sdelay $0x7  }
0x17b: {  	v0 =	vld.idx.msk [tilespmem:v0+s6+$0x0], $0xffff;
	_ =	sdelay $0x4  }
0x17c: {  	[tilespmem:s31+$0x30] =	vst v0  }
0x17d: {  	v0 =	vld [tilespmem:s30+$0xFFFFFF50];
	_ =	sdelay $0x7  }
0x17e: {  	v0 =	vld.idx.msk [tilespmem:v0+s6+$0x0], $0xffff;
	_ =	sdelay $0x4  }
0x17f: {  	[tilespmem:s31+$0x40] =	vst v0  }
0x180: {  	v0 =	vld [tilespmem:s30+$0xFFFFFF60];
	_ =	sdelay $0x7  }
0x181: {  	v0 =	vld.idx.msk [tilespmem:v0+s6+$0x0], $0xffff;
	_ =	sdelay $0x4  }
0x182: {  	[tilespmem:s31+$0x50] =	vst v0  }
0x183: {  	v0 =	vld [tilespmem:s30+$0xFFFFFF70];
	_ =	sdelay $0x7  }
0x184: {  	v0 =	vld.idx.msk [tilespmem:v0+s6+$0x0], $0xffff;
	_ =	sdelay $0x4  }
0x185: {  	[tilespmem:s31+$0x60] =	vst v0  }
0x186: {  	v0 =	vld [tilespmem:s30+$0xFFFFFF80];
	_ =	sdelay $0x7  }
0x187: {  	v0 =	vld.idx.msk [tilespmem:v0+s6+$0x0], $0xffff;
	_ =	sdelay $0x4  }
0x188: {  	[tilespmem:s31+$0x70] =	vst v0  }
0x189: {  	v0 =	vld [tilespmem:s30+$0xFFFFFF90];
	_ =	sdelay $0x7  }
0x18a: {  	v0 =	vld.idx.msk [tilespmem:v0+s6+$0x0], $0xffff;
	_ =	sdelay $0x4  }
0x18b: {  	[tilespmem:s31+$0x100] =	vst v0  }
0x18c: {  	v0 =	vld [tilespmem:s30+$0xFFFFFFA0];
	_ =	sdelay $0x7  }
0x18d: {  	v0 =	vld.idx.msk [tilespmem:v0+s6+$0x0], $0xffff;
	_ =	sdelay $0x4  }
0x18e: {  	[tilespmem:s31+$0x110] =	vst v0  }
0x18f: {  	v0 =	vld [tilespmem:s30+$0xFFFFFFB0];
	_ =	sdelay $0x7  }
0x190: {  	v0 =	vld.idx.msk [tilespmem:v0+s6+$0x0], $0xffff;
	_ =	sdelay $0x4  }
0x191: {  	[tilespmem:s31+$0x120] =	vst v0  }
0x192: {  	v0 =	vld [tilespmem:s30+$0xFFFFFFC0];
	_ =	sdelay $0x7  }
0x193: {  	v0 =	vld.idx.msk [tilespmem:v0+s6+$0x0], $0xffff;
	_ =	sdelay $0x4  }
0x194: {  	[tilespmem:s31+$0x130] =	vst v0  }
0x195: {  	v0 =	vld [tilespmem:s30+$0xFFFFFFD0];
	_ =	sdelay $0x7  }
0x196: {  	v0 =	vld.idx.msk [tilespmem:v0+s6+$0x0], $0xffff;
	_ =	sdelay $0x4  }
0x197: {  	[tilespmem:s31+$0x140] =	vst v0  }
0x198: {  	v0 =	vld [tilespmem:s30+$0xFFFFFFE0];
	_ =	sdelay $0x7  }
0x199: {  	v0 =	vld.idx.msk [tilespmem:v0+s6+$0x0], $0xffff;
	_ =	sdelay $0x4  }
0x19a: {  	[tilespmem:s31+$0x150] =	vst v0  }
0x19b: {  	v0 =	vld [tilespmem:s30+$0xFFFFFFF0];
	_ =	sdelay $0x7  }
0x19c: {  	v0 =	vld.idx.msk [tilespmem:v0+s6+$0x0], $0xffff;
	_ =	sdelay $0x4  }
0x19d: {  	[tilespmem:s31+$0x160] =	vst v0  }
0x19e: {  	v0 =	vld [tilespmem:s30+$0x0];
	_ =	sdelay $0x6  }
0x19f: {  	s29 =	sadd.s32 $0x20, s29  }
0x1a0: {  	p0 =	slt.u32 s29, $0x60;
	v0 =	vld.idx.msk [tilespmem:v0+s6+$0x0], $0xffff  }
.Ltmp2:
0x1a1: {  	_ = 	snop;
	(pc) =	sbr.rel @p0 .LBB2_7-.Ltmp2, $2  }
0x1a2: {  	_ =	sdelay $0x2  }
0x1a3: {  	s30 =	sadd.s32 $0x200, s30;
	[tilespmem:s31+$0x170] =	vst v0;
	s31 =	sadd.s32 $0x400, s31  }
0x1a4: {  	s29 =	rddreg [dreg:$0x7]  }
0x1a5: {  	s30 =	simm.s32 $0x1C700;
	s29 =	sadd.s32 s28, s29  }
0x1a6: {  	[hbm4b:s29+s6] =	stream.linear.scatter [tilespmem:s30], [sflag:$0x3], $0x80, $0x38;
	[tilespmem:$0x1D700] =	vst v63  }
0x1a7: {  	s31 =	simm.s32 $0x1C800;
	s30 =	sadd.s32 $0x80, s29  }
0x1a8: {  	[hbm4b:s30+s6] =	stream.linear.scatter [tilespmem:s31], [sflag:$0x3], $0x80, $0x38;
	[tilespmem:$0x1D700] =	vst v63  }
0x1a9: {  	s30 =	sadd.s32 $0x100, s29;
	s31 =	simm.s32 $0x1C900  }
0x1aa: {  	[hbm4b:s30+s6] =	stream.linear.scatter [tilespmem:s31], [sflag:$0x3], $0x80, $0x38;
	[tilespmem:$0x1D700] =	vst v63  }
0x1ab: {  	s30 =	sadd.s32 $0x180, s29;
	s31 =	simm.s32 $0x1CA00  }
0x1ac: {  	[hbm4b:s30+s6] =	stream.linear.scatter [tilespmem:s31], [sflag:$0x3], $0x80, $0x38;
	[tilespmem:$0x1D700] =	vst v63  }
0x1ad: {  	s30 =	sadd.s32 $0x200, s29;
	s31 =	simm.s32 $0x1CB00  }
0x1ae: {  	[hbm4b:s30+s6] =	stream.linear.scatter [tilespmem:s31], [sflag:$0x3], $0x80, $0x38;
	[tilespmem:$0x1D700] =	vst v63  }
0x1af: {  	s30 =	sadd.s32 $0x280, s29;
	s31 =	simm.s32 $0x1CC00  }
0x1b0: {  	[hbm4b:s30+s6] =	stream.linear.scatter [tilespmem:s31], [sflag:$0x3], $0x80, $0x38;
	[tilespmem:$0x1D700] =	vst v63  }
0x1b1: {  	s30 =	sadd.s32 $0x300, s29;
	s31 =	simm.s32 $0x1CD00  }
0x1b2: {  	[hbm4b:s30+s6] =	stream.linear.scatter [tilespmem:s31], [sflag:$0x3], $0x80, $0x38;
	[tilespmem:$0x1D700] =	vst v63  }
0x1b3: {  	s30 =	sadd.s32 $0x380, s29;
	s31 =	simm.s32 $0x1CE00  }
0x1b4: {  	[hbm4b:s30+s6] =	stream.linear.scatter [tilespmem:s31], [sflag:$0x3], $0x80, $0x38;
	[tilespmem:$0x1D700] =	vst v63  }
0x1b5: {  	s30 =	sadd.s32 $0x400, s29;
	s31 =	simm.s32 $0x1CF00  }
0x1b6: {  	[hbm4b:s30+s6] =	stream.linear.scatter [tilespmem:s31], [sflag:$0x3], $0x80, $0x38;
	[tilespmem:$0x1D700] =	vst v63  }
0x1b7: {  	s30 =	sadd.s32 $0x480, s29;
	s31 =	simm.s32 $0x1D000  }
0x1b8: {  	[hbm4b:s30+s6] =	stream.linear.scatter [tilespmem:s31], [sflag:$0x3], $0x80, $0x38;
	[tilespmem:$0x1D700] =	vst v63  }
0x1b9: {  	s30 =	sadd.s32 $0x500, s29;
	s31 =	simm.s32 $0x1D100  }
0x1ba: {  	[hbm4b:s30+s6] =	stream.linear.scatter [tilespmem:s31], [sflag:$0x3], $0x80, $0x38;
	[tilespmem:$0x1D700] =	vst v63  }
0x1bb: {  	s30 =	sadd.s32 $0x580, s29;
	s31 =	simm.s32 $0x1D200  }
0x1bc: {  	[hbm4b:s30+s6] =	stream.linear.scatter [tilespmem:s31], [sflag:$0x3], $0x80, $0x38;
	[tilespmem:$0x1D700] =	vst v63  }
0x1bd: {  	s30 =	sadd.s32 $0x600, s29  }
0x1be: {  	[hbm4b:s30+s6] =	stream.linear.scatter [tilespmem:s0], [sflag:$0x3], $0x80, $0x38;
	[tilespmem:$0x1D700] =	vst v63  }
0x1bf: {  	s30 =	sadd.s32 $0x680, s29  }
0x1c0: {  	[hbm4b:s30+s6] =	stream.linear.scatter [tilespmem:s7], [sflag:$0x3], $0x80, $0x38;
	[tilespmem:$0x1D700] =	vst v63  }
0x1c1: {  	s30 =	sadd.s32 $0x700, s29  }
0x1c2: {  	[hbm4b:s30+s6] =	stream.linear.scatter [tilespmem:s14], [sflag:$0x3], $0x80, $0x38;
	[tilespmem:$0x1D700] =	vst v63  }
0x1c3: {  	s29 =	sadd.s32 $0x780, s29  }
0x1c4: {  	[hbm4b:s29+s6] =	stream.linear.scatter [tilespmem:s2], [sflag:$0x3], $0x80, $0x38;
	[tilespmem:$0x1D700] =	vst v63  }
0x1c5: {  	_ =	swait.ge [sflag:s22], $0x800  }
0x1c6: {  	s31 =	simm.s32 $0x1C980;
	[sflag:s22] =	ssyncset.done $0x0  }
0x1c7: {  	s30 =	simm.s32 $0x1A0F0;
	s29 =	simm.s32 $0xFFFFFFE0;
	[sflag:s22] =	ssyncadd.s32 $0xFFFFF800  }
.LBB2_9:
0x1c8: {  	v0 =	vld [tilespmem:s30+$0xFFFFFE10];
	_ =	sdelay $0x7  }
0x1c9: {  	v0 =	vld.idx.msk [tilespmem:v0+s6+$0x0], $0xffff;
	_ =	sdelay $0x4  }
0x1ca: {  	[tilespmem:s31+$0xFFFFFE00] =	vst v0  }
0x1cb: {  	v0 =	vld [tilespmem:s30+$0xFFFFFE20];
	_ =	sdelay $0x7  }
0x1cc: {  	v0 =	vld.idx.msk [tilespmem:v0+s6+$0x0], $0xffff;
	_ =	sdelay $0x4  }
0x1cd: {  	[tilespmem:s31+$0xFFFFFE10] =	vst v0  }
0x1ce: {  	v0 =	vld [tilespmem:s30+$0xFFFFFE30];
	_ =	sdelay $0x7  }
0x1cf: {  	v0 =	vld.idx.msk [tilespmem:v0+s6+$0x0], $0xffff;
	_ =	sdelay $0x4  }
0x1d0: {  	[tilespmem:s31+$0xFFFFFE20] =	vst v0  }
0x1d1: {  	v0 =	vld [tilespmem:s30+$0xFFFFFE40];
	_ =	sdelay $0x7  }
0x1d2: {  	v0 =	vld.idx.msk [tilespmem:v0+s6+$0x0], $0xffff;
	_ =	sdelay $0x4  }
0x1d3: {  	[tilespmem:s31+$0xFFFFFE30] =	vst v0  }
0x1d4: {  	v0 =	vld [tilespmem:s30+$0xFFFFFE50];
	_ =	sdelay $0x7  }
0x1d5: {  	v0 =	vld.idx.msk [tilespmem:v0+s6+$0x0], $0xffff;
	_ =	sdelay $0x4  }
0x1d6: {  	[tilespmem:s31+$0xFFFFFE40] =	vst v0  }
0x1d7: {  	v0 =	vld [tilespmem:s30+$0xFFFFFE60];
	_ =	sdelay $0x7  }
0x1d8: {  	v0 =	vld.idx.msk [tilespmem:v0+s6+$0x0], $0xffff;
	_ =	sdelay $0x4  }
0x1d9: {  	[tilespmem:s31+$0xFFFFFE50] =	vst v0  }
0x1da: {  	v0 =	vld [tilespmem:s30+$0xFFFFFE70];
	_ =	sdelay $0x7  }
0x1db: {  	v0 =	vld.idx.msk [tilespmem:v0+s6+$0x0], $0xffff;
	_ =	sdelay $0x4  }
0x1dc: {  	[tilespmem:s31+$0xFFFFFE60] =	vst v0  }
0x1dd: {  	v0 =	vld [tilespmem:s30+$0xFFFFFE80];
	_ =	sdelay $0x7  }
0x1de: {  	v0 =	vld.idx.msk [tilespmem:v0+s6+$0x0], $0xffff;
	_ =	sdelay $0x4  }
0x1df: {  	[tilespmem:s31+$0xFFFFFE70] =	vst v0  }
0x1e0: {  	v0 =	vld [tilespmem:s30+$0xFFFFFE90];
	_ =	sdelay $0x7  }
0x1e1: {  	v0 =	vld.idx.msk [tilespmem:v0+s6+$0x0], $0xffff;
	_ =	sdelay $0x4  }
0x1e2: {  	[tilespmem:s31+$0xFFFFFF00] =	vst v0  }
0x1e3: {  	v0 =	vld [tilespmem:s30+$0xFFFFFEA0];
	_ =	sdelay $0x7  }
0x1e4: {  	v0 =	vld.idx.msk [tilespmem:v0+s6+$0x0], $0xffff;
	_ =	sdelay $0x4  }
0x1e5: {  	[tilespmem:s31+$0xFFFFFF10] =	vst v0  }
0x1e6: {  	v0 =	vld [tilespmem:s30+$0xFFFFFEB0];
	_ =	sdelay $0x7  }
0x1e7: {  	v0 =	vld.idx.msk [tilespmem:v0+s6+$0x0], $0xffff;
	_ =	sdelay $0x4  }
0x1e8: {  	[tilespmem:s31+$0xFFFFFF20] =	vst v0  }
0x1e9: {  	v0 =	vld [tilespmem:s30+$0xFFFFFEC0];
	_ =	sdelay $0x7  }
0x1ea: {  	v0 =	vld.idx.msk [tilespmem:v0+s6+$0x0], $0xffff;
	_ =	sdelay $0x4  }
0x1eb: {  	[tilespmem:s31+$0xFFFFFF30] =	vst v0  }
0x1ec: {  	v0 =	vld [tilespmem:s30+$0xFFFFFED0];
	_ =	sdelay $0x7  }
0x1ed: {  	v0 =	vld.idx.msk [tilespmem:v0+s6+$0x0], $0xffff;
	_ =	sdelay $0x4  }
0x1ee: {  	[tilespmem:s31+$0xFFFFFF40] =	vst v0  }
0x1ef: {  	v0 =	vld [tilespmem:s30+$0xFFFFFEE0];
	_ =	sdelay $0x7  }
0x1f0: {  	v0 =	vld.idx.msk [tilespmem:v0+s6+$0x0], $0xffff;
	_ =	sdelay $0x4  }
0x1f1: {  	[tilespmem:s31+$0xFFFFFF50] =	vst v0  }
0x1f2: {  	v0 =	vld [tilespmem:s30+$0xFFFFFEF0];
	_ =	sdelay $0x7  }
0x1f3: {  	v0 =	vld.idx.msk [tilespmem:v0+s6+$0x0], $0xffff;
	_ =	sdelay $0x4  }
0x1f4: {  	[tilespmem:s31+$0xFFFFFF60] =	vst v0  }
0x1f5: {  	v0 =	vld [tilespmem:s30+$0xFFFFFF00];
	_ =	sdelay $0x7  }
0x1f6: {  	v0 =	vld.idx.msk [tilespmem:v0+s6+$0x0], $0xffff;
	_ =	sdelay $0x4  }
0x1f7: {  	[tilespmem:s31+$0xFFFFFF70] =	vst v0  }
0x1f8: {  	v0 =	vld [tilespmem:s30+$0xFFFFFF10];
	_ =	sdelay $0x7  }
0x1f9: {  	v0 =	vld.idx.msk [tilespmem:v0+s6+$0x0], $0xffff;
	_ =	sdelay $0x4  }
0x1fa: {  	[tilespmem:s31+$0x0] =	vst v0  }
0x1fb: {  	v0 =	vld [tilespmem:s30+$0xFFFFFF20];
	_ =	sdelay $0x7  }
0x1fc: {  	v0 =	vld.idx.msk [tilespmem:v0+s6+$0x0], $0xffff;
	_ =	sdelay $0x4  }
0x1fd: {  	[tilespmem:s31+$0x10] =	vst v0  }
0x1fe: {  	v0 =	vld [tilespmem:s30+$0xFFFFFF30];
	_ =	sdelay $0x7  }
0x1ff: {  	v0 =	vld.idx.msk [tilespmem:v0+s6+$0x0], $0xffff;
	_ =	sdelay $0x4  }
0x200: {  	[tilespmem:s31+$0x20] =	vst v0  }
0x201: {  	v0 =	vld [tilespmem:s30+$0xFFFFFF40];
	_ =	sdelay $0x7  }
0x202: {  	v0 =	vld.idx.msk [tilespmem:v0+s6+$0x0], $0xffff;
	_ =	sdelay $0x4  }
0x203: {  	[tilespmem:s31+$0x30] =	vst v0  }
0x204: {  	v0 =	vld [tilespmem:s30+$0xFFFFFF50];
	_ =	sdelay $0x7  }
0x205: {  	v0 =	vld.idx.msk [tilespmem:v0+s6+$0x0], $0xffff;
	_ =	sdelay $0x4  }
0x206: {  	[tilespmem:s31+$0x40] =	vst v0  }
0x207: {  	v0 =	vld [tilespmem:s30+$0xFFFFFF60];
	_ =	sdelay $0x7  }
0x208: {  	v0 =	vld.idx.msk [tilespmem:v0+s6+$0x0], $0xffff;
	_ =	sdelay $0x4  }
0x209: {  	[tilespmem:s31+$0x50] =	vst v0  }
0x20a: {  	v0 =	vld [tilespmem:s30+$0xFFFFFF70];
	_ =	sdelay $0x7  }
0x20b: {  	v0 =	vld.idx.msk [tilespmem:v0+s6+$0x0], $0xffff;
	_ =	sdelay $0x4  }
0x20c: {  	[tilespmem:s31+$0x60] =	vst v0  }
0x20d: {  	v0 =	vld [tilespmem:s30+$0xFFFFFF80];
	_ =	sdelay $0x7  }
0x20e: {  	v0 =	vld.idx.msk [tilespmem:v0+s6+$0x0], $0xffff;
	_ =	sdelay $0x4  }
0x20f: {  	[tilespmem:s31+$0x70] =	vst v0  }
0x210: {  	v0 =	vld [tilespmem:s30+$0xFFFFFF90];
	_ =	sdelay $0x7  }
0x211: {  	v0 =	vld.idx.msk [tilespmem:v0+s6+$0x0], $0xffff;
	_ =	sdelay $0x4  }
0x212: {  	[tilespmem:s31+$0x100] =	vst v0  }
0x213: {  	v0 =	vld [tilespmem:s30+$0xFFFFFFA0];
	_ =	sdelay $0x7  }
0x214: {  	v0 =	vld.idx.msk [tilespmem:v0+s6+$0x0], $0xffff;
	_ =	sdelay $0x4  }
0x215: {  	[tilespmem:s31+$0x110] =	vst v0  }
0x216: {  	v0 =	vld [tilespmem:s30+$0xFFFFFFB0];
	_ =	sdelay $0x7  }
0x217: {  	v0 =	vld.idx.msk [tilespmem:v0+s6+$0x0], $0xffff;
	_ =	sdelay $0x4  }
0x218: {  	[tilespmem:s31+$0x120] =	vst v0  }
0x219: {  	v0 =	vld [tilespmem:s30+$0xFFFFFFC0];
	_ =	sdelay $0x7  }
0x21a: {  	v0 =	vld.idx.msk [tilespmem:v0+s6+$0x0], $0xffff;
	_ =	sdelay $0x4  }
0x21b: {  	[tilespmem:s31+$0x130] =	vst v0  }
0x21c: {  	v0 =	vld [tilespmem:s30+$0xFFFFFFD0];
	_ =	sdelay $0x7  }
0x21d: {  	v0 =	vld.idx.msk [tilespmem:v0+s6+$0x0], $0xffff;
	_ =	sdelay $0x4  }
0x21e: {  	[tilespmem:s31+$0x140] =	vst v0  }
0x21f: {  	v0 =	vld [tilespmem:s30+$0xFFFFFFE0];
	_ =	sdelay $0x7  }
0x220: {  	v0 =	vld.idx.msk [tilespmem:v0+s6+$0x0], $0xffff;
	_ =	sdelay $0x4  }
0x221: {  	[tilespmem:s31+$0x150] =	vst v0  }
0x222: {  	v0 =	vld [tilespmem:s30+$0xFFFFFFF0];
	_ =	sdelay $0x7  }
0x223: {  	v0 =	vld.idx.msk [tilespmem:v0+s6+$0x0], $0xffff;
	_ =	sdelay $0x4  }
0x224: {  	[tilespmem:s31+$0x160] =	vst v0  }
0x225: {  	v0 =	vld [tilespmem:s30+$0x0];
	_ =	sdelay $0x6  }
0x226: {  	s29 =	sadd.s32 $0x20, s29  }
0x227: {  	p0 =	slt.u32 s29, $0x60;
	v0 =	vld.idx.msk [tilespmem:v0+s6+$0x0], $0xffff  }
.Ltmp3:
0x228: {  	_ = 	snop;
	(pc) =	sbr.rel @p0 .LBB2_9-.Ltmp3, $2  }
0x229: {  	_ =	sdelay $0x2  }
0x22a: {  	s30 =	sadd.s32 $0x200, s30;
	[tilespmem:s31+$0x170] =	vst v0;
	s31 =	sadd.s32 $0x400, s31  }
0x22b: {  	s29 =	rddreg [dreg:$0x8]  }
0x22c: {  	s29 =	sadd.s32 s28, s29  }
0x22d: {  	[hbm4b:s29+s6] =	stream.linear.scatter [tilespmem:s18], [sflag:$0x3], $0x80, $0x38;
	[tilespmem:$0x1D700] =	vst v63  }
0x22e: {  	s30 =	sadd.s32 $0x80, s29  }
0x22f: {  	[hbm4b:s30+s6] =	stream.linear.scatter [tilespmem:s15], [sflag:$0x3], $0x80, $0x38;
	[tilespmem:$0x1D700] =	vst v63  }
0x230: {  	s30 =	sadd.s32 $0x100, s29  }
0x231: {  	[hbm4b:s30+s6] =	stream.linear.scatter [tilespmem:s16], [sflag:$0x3], $0x80, $0x38;
	[tilespmem:$0x1D700] =	vst v63  }
0x232: {  	s30 =	sadd.s32 $0x180, s29  }
0x233: {  	[hbm4b:s30+s6] =	stream.linear.scatter [tilespmem:s4], [sflag:$0x3], $0x80, $0x38;
	[tilespmem:$0x1D700] =	vst v63  }
0x234: {  	s30 =	sadd.s32 $0x200, s29  }
0x235: {  	[hbm4b:s30+s6] =	stream.linear.scatter [tilespmem:s19], [sflag:$0x3], $0x80, $0x38;
	[tilespmem:$0x1D700] =	vst v63  }
0x236: {  	s30 =	sadd.s32 $0x280, s29  }
0x237: {  	[hbm4b:s30+s6] =	stream.linear.scatter [tilespmem:s1], [sflag:$0x3], $0x80, $0x38;
	[tilespmem:$0x1D700] =	vst v63  }
0x238: {  	s30 =	sadd.s32 $0x300, s29  }
0x239: {  	[hbm4b:s30+s6] =	stream.linear.scatter [tilespmem:s5], [sflag:$0x3], $0x80, $0x38;
	[tilespmem:$0x1D700] =	vst v63  }
0x23a: {  	s30 =	sadd.s32 $0x380, s29  }
0x23b: {  	[hbm4b:s30+s6] =	stream.linear.scatter [tilespmem:s8], [sflag:$0x3], $0x80, $0x38;
	[tilespmem:$0x1D700] =	vst v63  }
0x23c: {  	s30 =	sadd.s32 $0x400, s29  }
0x23d: {  	[hbm4b:s30+s6] =	stream.linear.scatter [tilespmem:s9], [sflag:$0x3], $0x80, $0x38;
	[tilespmem:$0x1D700] =	vst v63  }
0x23e: {  	s30 =	sadd.s32 $0x480, s29  }
0x23f: {  	[hbm4b:s30+s6] =	stream.linear.scatter [tilespmem:s10], [sflag:$0x3], $0x80, $0x38;
	[tilespmem:$0x1D700] =	vst v63  }
0x240: {  	s30 =	sadd.s32 $0x500, s29  }
0x241: {  	[hbm4b:s30+s6] =	stream.linear.scatter [tilespmem:s11], [sflag:$0x3], $0x80, $0x38;
	[tilespmem:$0x1D700] =	vst v63  }
0x242: {  	s30 =	sadd.s32 $0x580, s29  }
0x243: {  	[hbm4b:s30+s6] =	stream.linear.scatter [tilespmem:s12], [sflag:$0x3], $0x80, $0x38;
	[tilespmem:$0x1D700] =	vst v63  }
0x244: {  	s30 =	sadd.s32 $0x600, s29  }
0x245: {  	[hbm4b:s30+s6] =	stream.linear.scatter [tilespmem:s13], [sflag:$0x3], $0x80, $0x38;
	[tilespmem:$0x1D700] =	vst v63  }
0x246: {  	s30 =	sadd.s32 $0x680, s29  }
0x247: {  	[hbm4b:s30+s6] =	stream.linear.scatter [tilespmem:s17], [sflag:$0x3], $0x80, $0x38;
	[tilespmem:$0x1D700] =	vst v63  }
0x248: {  	s30 =	sadd.s32 $0x700, s29  }
0x249: {  	[hbm4b:s30+s6] =	stream.linear.scatter [tilespmem:s20], [sflag:$0x3], $0x80, $0x38;
	[tilespmem:$0x1D700] =	vst v63  }
0x24a: {  	s29 =	sadd.s32 $0x780, s29  }
0x24b: {  	[hbm4b:s29+s6] =	stream.linear.scatter [tilespmem:s21], [sflag:$0x3], $0x80, $0x38;
	[tilespmem:$0x1D700] =	vst v63  }
0x24c: {  	_ =	swait.ge [sflag:s22], $0x800  }
0x24d: {  	s31 =	simm.s32 $0x1C900;
	[sflag:s22] =	ssyncset.done $0x0  }
0x24e: {  	s30 =	simm.s32 $0x1A8F0;
	s29 =	simm.s32 $0xFFFFFFE0;
	[sflag:s22] =	ssyncadd.s32 $0xFFFFF800  }
.LBB2_11:
0x24f: {  	v0 =	vld [tilespmem:s30+$0xFFFFFE10];
	_ =	sdelay $0x7  }
0x250: {  	v0 =	vld.idx.msk [tilespmem:v0+s6+$0x0], $0xffff;
	_ =	sdelay $0x4  }
0x251: {  	[tilespmem:s31+$0xFFFFFE00] =	vst v0  }
0x252: {  	v0 =	vld [tilespmem:s30+$0xFFFFFE20];
	_ =	sdelay $0x7  }
0x253: {  	v0 =	vld.idx.msk [tilespmem:v0+s6+$0x0], $0xffff;
	_ =	sdelay $0x4  }
0x254: {  	[tilespmem:s31+$0xFFFFFE10] =	vst v0  }
0x255: {  	v0 =	vld [tilespmem:s30+$0xFFFFFE30];
	_ =	sdelay $0x7  }
0x256: {  	v0 =	vld.idx.msk [tilespmem:v0+s6+$0x0], $0xffff;
	_ =	sdelay $0x4  }
0x257: {  	[tilespmem:s31+$0xFFFFFE20] =	vst v0  }
0x258: {  	v0 =	vld [tilespmem:s30+$0xFFFFFE40];
	_ =	sdelay $0x7  }
0x259: {  	v0 =	vld.idx.msk [tilespmem:v0+s6+$0x0], $0xffff;
	_ =	sdelay $0x4  }
0x25a: {  	[tilespmem:s31+$0xFFFFFE30] =	vst v0  }
0x25b: {  	v0 =	vld [tilespmem:s30+$0xFFFFFE50];
	_ =	sdelay $0x7  }
0x25c: {  	v0 =	vld.idx.msk [tilespmem:v0+s6+$0x0], $0xffff;
	_ =	sdelay $0x4  }
0x25d: {  	[tilespmem:s31+$0xFFFFFE40] =	vst v0  }
0x25e: {  	v0 =	vld [tilespmem:s30+$0xFFFFFE60];
	_ =	sdelay $0x7  }
0x25f: {  	v0 =	vld.idx.msk [tilespmem:v0+s6+$0x0], $0xffff;
	_ =	sdelay $0x4  }
0x260: {  	[tilespmem:s31+$0xFFFFFE50] =	vst v0  }
0x261: {  	v0 =	vld [tilespmem:s30+$0xFFFFFE70];
	_ =	sdelay $0x7  }
0x262: {  	v0 =	vld.idx.msk [tilespmem:v0+s6+$0x0], $0xffff;
	_ =	sdelay $0x4  }
0x263: {  	[tilespmem:s31+$0xFFFFFE60] =	vst v0  }
0x264: {  	v0 =	vld [tilespmem:s30+$0xFFFFFE80];
	_ =	sdelay $0x7  }
0x265: {  	v0 =	vld.idx.msk [tilespmem:v0+s6+$0x0], $0xffff;
	_ =	sdelay $0x4  }
0x266: {  	[tilespmem:s31+$0xFFFFFE70] =	vst v0  }
0x267: {  	v0 =	vld [tilespmem:s30+$0xFFFFFE90];
	_ =	sdelay $0x7  }
0x268: {  	v0 =	vld.idx.msk [tilespmem:v0+s6+$0x0], $0xffff;
	_ =	sdelay $0x4  }
0x269: {  	[tilespmem:s31+$0xFFFFFF00] =	vst v0  }
0x26a: {  	v0 =	vld [tilespmem:s30+$0xFFFFFEA0];
	_ =	sdelay $0x7  }
0x26b: {  	v0 =	vld.idx.msk [tilespmem:v0+s6+$0x0], $0xffff;
	_ =	sdelay $0x4  }
0x26c: {  	[tilespmem:s31+$0xFFFFFF10] =	vst v0  }
0x26d: {  	v0 =	vld [tilespmem:s30+$0xFFFFFEB0];
	_ =	sdelay $0x7  }
0x26e: {  	v0 =	vld.idx.msk [tilespmem:v0+s6+$0x0], $0xffff;
	_ =	sdelay $0x4  }
0x26f: {  	[tilespmem:s31+$0xFFFFFF20] =	vst v0  }
0x270: {  	v0 =	vld [tilespmem:s30+$0xFFFFFEC0];
	_ =	sdelay $0x7  }
0x271: {  	v0 =	vld.idx.msk [tilespmem:v0+s6+$0x0], $0xffff;
	_ =	sdelay $0x4  }
0x272: {  	[tilespmem:s31+$0xFFFFFF30] =	vst v0  }
0x273: {  	v0 =	vld [tilespmem:s30+$0xFFFFFED0];
	_ =	sdelay $0x7  }
0x274: {  	v0 =	vld.idx.msk [tilespmem:v0+s6+$0x0], $0xffff;
	_ =	sdelay $0x4  }
0x275: {  	[tilespmem:s31+$0xFFFFFF40] =	vst v0  }
0x276: {  	v0 =	vld [tilespmem:s30+$0xFFFFFEE0];
	_ =	sdelay $0x7  }
0x277: {  	v0 =	vld.idx.msk [tilespmem:v0+s6+$0x0], $0xffff;
	_ =	sdelay $0x4  }
0x278: {  	[tilespmem:s31+$0xFFFFFF50] =	vst v0  }
0x279: {  	v0 =	vld [tilespmem:s30+$0xFFFFFEF0];
	_ =	sdelay $0x7  }
0x27a: {  	v0 =	vld.idx.msk [tilespmem:v0+s6+$0x0], $0xffff;
	_ =	sdelay $0x4  }
0x27b: {  	[tilespmem:s31+$0xFFFFFF60] =	vst v0  }
0x27c: {  	v0 =	vld [tilespmem:s30+$0xFFFFFF00];
	_ =	sdelay $0x7  }
0x27d: {  	v0 =	vld.idx.msk [tilespmem:v0+s6+$0x0], $0xffff;
	_ =	sdelay $0x4  }
0x27e: {  	[tilespmem:s31+$0xFFFFFF70] =	vst v0  }
0x27f: {  	v0 =	vld [tilespmem:s30+$0xFFFFFF10];
	_ =	sdelay $0x7  }
0x280: {  	v0 =	vld.idx.msk [tilespmem:v0+s6+$0x0], $0xffff;
	_ =	sdelay $0x4  }
0x281: {  	[tilespmem:s31+$0x0] =	vst v0  }
0x282: {  	v0 =	vld [tilespmem:s30+$0xFFFFFF20];
	_ =	sdelay $0x7  }
0x283: {  	v0 =	vld.idx.msk [tilespmem:v0+s6+$0x0], $0xffff;
	_ =	sdelay $0x4  }
0x284: {  	[tilespmem:s31+$0x10] =	vst v0  }
0x285: {  	v0 =	vld [tilespmem:s30+$0xFFFFFF30];
	_ =	sdelay $0x7  }
0x286: {  	v0 =	vld.idx.msk [tilespmem:v0+s6+$0x0], $0xffff;
	_ =	sdelay $0x4  }
0x287: {  	[tilespmem:s31+$0x20] =	vst v0  }
0x288: {  	v0 =	vld [tilespmem:s30+$0xFFFFFF40];
	_ =	sdelay $0x7  }
0x289: {  	v0 =	vld.idx.msk [tilespmem:v0+s6+$0x0], $0xffff;
	_ =	sdelay $0x4  }
0x28a: {  	[tilespmem:s31+$0x30] =	vst v0  }
0x28b: {  	v0 =	vld [tilespmem:s30+$0xFFFFFF50];
	_ =	sdelay $0x7  }
0x28c: {  	v0 =	vld.idx.msk [tilespmem:v0+s6+$0x0], $0xffff;
	_ =	sdelay $0x4  }
0x28d: {  	[tilespmem:s31+$0x40] =	vst v0  }
0x28e: {  	v0 =	vld [tilespmem:s30+$0xFFFFFF60];
	_ =	sdelay $0x7  }
0x28f: {  	v0 =	vld.idx.msk [tilespmem:v0+s6+$0x0], $0xffff;
	_ =	sdelay $0x4  }
0x290: {  	[tilespmem:s31+$0x50] =	vst v0  }
0x291: {  	v0 =	vld [tilespmem:s30+$0xFFFFFF70];
	_ =	sdelay $0x7  }
0x292: {  	v0 =	vld.idx.msk [tilespmem:v0+s6+$0x0], $0xffff;
	_ =	sdelay $0x4  }
0x293: {  	[tilespmem:s31+$0x60] =	vst v0  }
0x294: {  	v0 =	vld [tilespmem:s30+$0xFFFFFF80];
	_ =	sdelay $0x7  }
0x295: {  	v0 =	vld.idx.msk [tilespmem:v0+s6+$0x0], $0xffff;
	_ =	sdelay $0x4  }
0x296: {  	[tilespmem:s31+$0x70] =	vst v0  }
0x297: {  	v0 =	vld [tilespmem:s30+$0xFFFFFF90];
	_ =	sdelay $0x7  }
0x298: {  	v0 =	vld.idx.msk [tilespmem:v0+s6+$0x0], $0xffff;
	_ =	sdelay $0x4  }
0x299: {  	[tilespmem:s31+$0x100] =	vst v0  }
0x29a: {  	v0 =	vld [tilespmem:s30+$0xFFFFFFA0];
	_ =	sdelay $0x7  }
0x29b: {  	v0 =	vld.idx.msk [tilespmem:v0+s6+$0x0], $0xffff;
	_ =	sdelay $0x4  }
0x29c: {  	[tilespmem:s31+$0x110] =	vst v0  }
0x29d: {  	v0 =	vld [tilespmem:s30+$0xFFFFFFB0];
	_ =	sdelay $0x7  }
0x29e: {  	v0 =	vld.idx.msk [tilespmem:v0+s6+$0x0], $0xffff;
	_ =	sdelay $0x4  }
0x29f: {  	[tilespmem:s31+$0x120] =	vst v0  }
0x2a0: {  	v0 =	vld [tilespmem:s30+$0xFFFFFFC0];
	_ =	sdelay $0x7  }
0x2a1: {  	v0 =	vld.idx.msk [tilespmem:v0+s6+$0x0], $0xffff;
	_ =	sdelay $0x4  }
0x2a2: {  	[tilespmem:s31+$0x130] =	vst v0  }
0x2a3: {  	v0 =	vld [tilespmem:s30+$0xFFFFFFD0];
	_ =	sdelay $0x7  }
0x2a4: {  	v0 =	vld.idx.msk [tilespmem:v0+s6+$0x0], $0xffff;
	_ =	sdelay $0x4  }
0x2a5: {  	[tilespmem:s31+$0x140] =	vst v0  }
0x2a6: {  	v0 =	vld [tilespmem:s30+$0xFFFFFFE0];
	_ =	sdelay $0x7  }
0x2a7: {  	v0 =	vld.idx.msk [tilespmem:v0+s6+$0x0], $0xffff;
	_ =	sdelay $0x4  }
0x2a8: {  	[tilespmem:s31+$0x150] =	vst v0  }
0x2a9: {  	v0 =	vld [tilespmem:s30+$0xFFFFFFF0];
	_ =	sdelay $0x7  }
0x2aa: {  	v0 =	vld.idx.msk [tilespmem:v0+s6+$0x0], $0xffff;
	_ =	sdelay $0x4  }
0x2ab: {  	[tilespmem:s31+$0x160] =	vst v0  }
0x2ac: {  	v0 =	vld [tilespmem:s30+$0x0];
	_ =	sdelay $0x6  }
0x2ad: {  	s29 =	sadd.s32 $0x20, s29  }
0x2ae: {  	p0 =	slt.u32 s29, $0x60;
	v0 =	vld.idx.msk [tilespmem:v0+s6+$0x0], $0xffff  }
.Ltmp4:
0x2af: {  	_ = 	snop;
	(pc) =	sbr.rel @p0 .LBB2_11-.Ltmp4, $2  }
0x2b0: {  	_ =	sdelay $0x2  }
0x2b1: {  	s30 =	sadd.s32 $0x200, s30;
	[tilespmem:s31+$0x170] =	vst v0;
	s31 =	sadd.s32 $0x400, s31  }
0x2b2: {  	s29 =	rddreg [dreg:$0x9]  }
0x2b3: {  	s30 =	simm.s32 $0x1C700;
	s29 =	sadd.s32 s28, s29  }
0x2b4: {  	[hbm4b:s29+s6] =	stream.linear.scatter [tilespmem:s30], [sflag:$0x3], $0x80, $0x38;
	[tilespmem:$0x1D700] =	vst v63  }
0x2b5: {  	s31 =	simm.s32 $0x1C800;
	s30 =	sadd.s32 $0x80, s29  }
0x2b6: {  	[hbm4b:s30+s6] =	stream.linear.scatter [tilespmem:s31], [sflag:$0x3], $0x80, $0x38;
	[tilespmem:$0x1D700] =	vst v63  }
0x2b7: {  	s30 =	sadd.s32 $0x100, s29;
	s31 =	simm.s32 $0x1C900  }
0x2b8: {  	[hbm4b:s30+s6] =	stream.linear.scatter [tilespmem:s31], [sflag:$0x3], $0x80, $0x38;
	[tilespmem:$0x1D700] =	vst v63  }
0x2b9: {  	s30 =	sadd.s32 $0x180, s29;
	s31 =	simm.s32 $0x1CA00  }
0x2ba: {  	[hbm4b:s30+s6] =	stream.linear.scatter [tilespmem:s31], [sflag:$0x3], $0x80, $0x38;
	[tilespmem:$0x1D700] =	vst v63  }
0x2bb: {  	s30 =	sadd.s32 $0x200, s29;
	s31 =	simm.s32 $0x1CB00  }
0x2bc: {  	[hbm4b:s30+s6] =	stream.linear.scatter [tilespmem:s31], [sflag:$0x3], $0x80, $0x38;
	[tilespmem:$0x1D700] =	vst v63  }
0x2bd: {  	s30 =	sadd.s32 $0x280, s29;
	s31 =	simm.s32 $0x1CC00  }
0x2be: {  	[hbm4b:s30+s6] =	stream.linear.scatter [tilespmem:s31], [sflag:$0x3], $0x80, $0x38;
	[tilespmem:$0x1D700] =	vst v63  }
0x2bf: {  	s30 =	sadd.s32 $0x300, s29;
	s31 =	simm.s32 $0x1CD00  }
0x2c0: {  	[hbm4b:s30+s6] =	stream.linear.scatter [tilespmem:s31], [sflag:$0x3], $0x80, $0x38;
	[tilespmem:$0x1D700] =	vst v63  }
0x2c1: {  	s30 =	sadd.s32 $0x380, s29;
	s31 =	simm.s32 $0x1CE00  }
0x2c2: {  	[hbm4b:s30+s6] =	stream.linear.scatter [tilespmem:s31], [sflag:$0x3], $0x80, $0x38;
	[tilespmem:$0x1D700] =	vst v63  }
0x2c3: {  	s30 =	sadd.s32 $0x400, s29;
	s31 =	simm.s32 $0x1CF00  }
0x2c4: {  	[hbm4b:s30+s6] =	stream.linear.scatter [tilespmem:s31], [sflag:$0x3], $0x80, $0x38;
	[tilespmem:$0x1D700] =	vst v63  }
0x2c5: {  	s30 =	sadd.s32 $0x480, s29;
	s31 =	simm.s32 $0x1D000  }
0x2c6: {  	[hbm4b:s30+s6] =	stream.linear.scatter [tilespmem:s31], [sflag:$0x3], $0x80, $0x38;
	[tilespmem:$0x1D700] =	vst v63  }
0x2c7: {  	s30 =	sadd.s32 $0x500, s29;
	s31 =	simm.s32 $0x1D100  }
0x2c8: {  	[hbm4b:s30+s6] =	stream.linear.scatter [tilespmem:s31], [sflag:$0x3], $0x80, $0x38;
	[tilespmem:$0x1D700] =	vst v63  }
0x2c9: {  	s30 =	sadd.s32 $0x580, s29;
	s31 =	simm.s32 $0x1D200  }
0x2ca: {  	[hbm4b:s30+s6] =	stream.linear.scatter [tilespmem:s31], [sflag:$0x3], $0x80, $0x38;
	[tilespmem:$0x1D700] =	vst v63  }
0x2cb: {  	s30 =	sadd.s32 $0x600, s29  }
0x2cc: {  	[hbm4b:s30+s6] =	stream.linear.scatter [tilespmem:s0], [sflag:$0x3], $0x80, $0x38;
	[tilespmem:$0x1D700] =	vst v63  }
0x2cd: {  	s30 =	sadd.s32 $0x680, s29  }
0x2ce: {  	[hbm4b:s30+s6] =	stream.linear.scatter [tilespmem:s7], [sflag:$0x3], $0x80, $0x38;
	[tilespmem:$0x1D700] =	vst v63  }
0x2cf: {  	s30 =	sadd.s32 $0x700, s29  }
0x2d0: {  	[hbm4b:s30+s6] =	stream.linear.scatter [tilespmem:s14], [sflag:$0x3], $0x80, $0x38;
	[tilespmem:$0x1D700] =	vst v63  }
0x2d1: {  	s29 =	sadd.s32 $0x780, s29  }
0x2d2: {  	[hbm4b:s29+s6] =	stream.linear.scatter [tilespmem:s2], [sflag:$0x3], $0x80, $0x38;
	[tilespmem:$0x1D700] =	vst v63  }
0x2d3: {  	_ =	swait.ge [sflag:s22], $0x800  }
0x2d4: {  	s31 =	simm.s32 $0x1C980;
	[sflag:s22] =	ssyncset.done $0x0  }
0x2d5: {  	s30 =	simm.s32 $0x1B0F0;
	s29 =	simm.s32 $0xFFFFFFE0;
	[sflag:s22] =	ssyncadd.s32 $0xFFFFF800  }
.LBB2_13:
0x2d6: {  	v0 =	vld [tilespmem:s30+$0xFFFFFE10];
	_ =	sdelay $0x7  }
0x2d7: {  	v0 =	vld.idx.msk [tilespmem:v0+s6+$0x0], $0xffff;
	_ =	sdelay $0x4  }
0x2d8: {  	[tilespmem:s31+$0xFFFFFE00] =	vst v0  }
0x2d9: {  	v0 =	vld [tilespmem:s30+$0xFFFFFE20];
	_ =	sdelay $0x7  }
0x2da: {  	v0 =	vld.idx.msk [tilespmem:v0+s6+$0x0], $0xffff;
	_ =	sdelay $0x4  }
0x2db: {  	[tilespmem:s31+$0xFFFFFE10] =	vst v0  }
0x2dc: {  	v0 =	vld [tilespmem:s30+$0xFFFFFE30];
	_ =	sdelay $0x7  }
0x2dd: {  	v0 =	vld.idx.msk [tilespmem:v0+s6+$0x0], $0xffff;
	_ =	sdelay $0x4  }
0x2de: {  	[tilespmem:s31+$0xFFFFFE20] =	vst v0  }
0x2df: {  	v0 =	vld [tilespmem:s30+$0xFFFFFE40];
	_ =	sdelay $0x7  }
0x2e0: {  	v0 =	vld.idx.msk [tilespmem:v0+s6+$0x0], $0xffff;
	_ =	sdelay $0x4  }
0x2e1: {  	[tilespmem:s31+$0xFFFFFE30] =	vst v0  }
0x2e2: {  	v0 =	vld [tilespmem:s30+$0xFFFFFE50];
	_ =	sdelay $0x7  }
0x2e3: {  	v0 =	vld.idx.msk [tilespmem:v0+s6+$0x0], $0xffff;
	_ =	sdelay $0x4  }
0x2e4: {  	[tilespmem:s31+$0xFFFFFE40] =	vst v0  }
0x2e5: {  	v0 =	vld [tilespmem:s30+$0xFFFFFE60];
	_ =	sdelay $0x7  }
0x2e6: {  	v0 =	vld.idx.msk [tilespmem:v0+s6+$0x0], $0xffff;
	_ =	sdelay $0x4  }
0x2e7: {  	[tilespmem:s31+$0xFFFFFE50] =	vst v0  }
0x2e8: {  	v0 =	vld [tilespmem:s30+$0xFFFFFE70];
	_ =	sdelay $0x7  }
0x2e9: {  	v0 =	vld.idx.msk [tilespmem:v0+s6+$0x0], $0xffff;
	_ =	sdelay $0x4  }
0x2ea: {  	[tilespmem:s31+$0xFFFFFE60] =	vst v0  }
0x2eb: {  	v0 =	vld [tilespmem:s30+$0xFFFFFE80];
	_ =	sdelay $0x7  }
0x2ec: {  	v0 =	vld.idx.msk [tilespmem:v0+s6+$0x0], $0xffff;
	_ =	sdelay $0x4  }
0x2ed: {  	[tilespmem:s31+$0xFFFFFE70] =	vst v0  }
0x2ee: {  	v0 =	vld [tilespmem:s30+$0xFFFFFE90];
	_ =	sdelay $0x7  }
0x2ef: {  	v0 =	vld.idx.msk [tilespmem:v0+s6+$0x0], $0xffff;
	_ =	sdelay $0x4  }
0x2f0: {  	[tilespmem:s31+$0xFFFFFF00] =	vst v0  }
0x2f1: {  	v0 =	vld [tilespmem:s30+$0xFFFFFEA0];
	_ =	sdelay $0x7  }
0x2f2: {  	v0 =	vld.idx.msk [tilespmem:v0+s6+$0x0], $0xffff;
	_ =	sdelay $0x4  }
0x2f3: {  	[tilespmem:s31+$0xFFFFFF10] =	vst v0  }
0x2f4: {  	v0 =	vld [tilespmem:s30+$0xFFFFFEB0];
	_ =	sdelay $0x7  }
0x2f5: {  	v0 =	vld.idx.msk [tilespmem:v0+s6+$0x0], $0xffff;
	_ =	sdelay $0x4  }
0x2f6: {  	[tilespmem:s31+$0xFFFFFF20] =	vst v0  }
0x2f7: {  	v0 =	vld [tilespmem:s30+$0xFFFFFEC0];
	_ =	sdelay $0x7  }
0x2f8: {  	v0 =	vld.idx.msk [tilespmem:v0+s6+$0x0], $0xffff;
	_ =	sdelay $0x4  }
0x2f9: {  	[tilespmem:s31+$0xFFFFFF30] =	vst v0  }
0x2fa: {  	v0 =	vld [tilespmem:s30+$0xFFFFFED0];
	_ =	sdelay $0x7  }
0x2fb: {  	v0 =	vld.idx.msk [tilespmem:v0+s6+$0x0], $0xffff;
	_ =	sdelay $0x4  }
0x2fc: {  	[tilespmem:s31+$0xFFFFFF40] =	vst v0  }
0x2fd: {  	v0 =	vld [tilespmem:s30+$0xFFFFFEE0];
	_ =	sdelay $0x7  }
0x2fe: {  	v0 =	vld.idx.msk [tilespmem:v0+s6+$0x0], $0xffff;
	_ =	sdelay $0x4  }
0x2ff: {  	[tilespmem:s31+$0xFFFFFF50] =	vst v0  }
0x300: {  	v0 =	vld [tilespmem:s30+$0xFFFFFEF0];
	_ =	sdelay $0x7  }
0x301: {  	v0 =	vld.idx.msk [tilespmem:v0+s6+$0x0], $0xffff;
	_ =	sdelay $0x4  }
0x302: {  	[tilespmem:s31+$0xFFFFFF60] =	vst v0  }
0x303: {  	v0 =	vld [tilespmem:s30+$0xFFFFFF00];
	_ =	sdelay $0x7  }
0x304: {  	v0 =	vld.idx.msk [tilespmem:v0+s6+$0x0], $0xffff;
	_ =	sdelay $0x4  }
0x305: {  	[tilespmem:s31+$0xFFFFFF70] =	vst v0  }
0x306: {  	v0 =	vld [tilespmem:s30+$0xFFFFFF10];
	_ =	sdelay $0x7  }
0x307: {  	v0 =	vld.idx.msk [tilespmem:v0+s6+$0x0], $0xffff;
	_ =	sdelay $0x4  }
0x308: {  	[tilespmem:s31+$0x0] =	vst v0  }
0x309: {  	v0 =	vld [tilespmem:s30+$0xFFFFFF20];
	_ =	sdelay $0x7  }
0x30a: {  	v0 =	vld.idx.msk [tilespmem:v0+s6+$0x0], $0xffff;
	_ =	sdelay $0x4  }
0x30b: {  	[tilespmem:s31+$0x10] =	vst v0  }
0x30c: {  	v0 =	vld [tilespmem:s30+$0xFFFFFF30];
	_ =	sdelay $0x7  }
0x30d: {  	v0 =	vld.idx.msk [tilespmem:v0+s6+$0x0], $0xffff;
	_ =	sdelay $0x4  }
0x30e: {  	[tilespmem:s31+$0x20] =	vst v0  }
0x30f: {  	v0 =	vld [tilespmem:s30+$0xFFFFFF40];
	_ =	sdelay $0x7  }
0x310: {  	v0 =	vld.idx.msk [tilespmem:v0+s6+$0x0], $0xffff;
	_ =	sdelay $0x4  }
0x311: {  	[tilespmem:s31+$0x30] =	vst v0  }
0x312: {  	v0 =	vld [tilespmem:s30+$0xFFFFFF50];
	_ =	sdelay $0x7  }
0x313: {  	v0 =	vld.idx.msk [tilespmem:v0+s6+$0x0], $0xffff;
	_ =	sdelay $0x4  }
0x314: {  	[tilespmem:s31+$0x40] =	vst v0  }
0x315: {  	v0 =	vld [tilespmem:s30+$0xFFFFFF60];
	_ =	sdelay $0x7  }
0x316: {  	v0 =	vld.idx.msk [tilespmem:v0+s6+$0x0], $0xffff;
	_ =	sdelay $0x4  }
0x317: {  	[tilespmem:s31+$0x50] =	vst v0  }
0x318: {  	v0 =	vld [tilespmem:s30+$0xFFFFFF70];
	_ =	sdelay $0x7  }
0x319: {  	v0 =	vld.idx.msk [tilespmem:v0+s6+$0x0], $0xffff;
	_ =	sdelay $0x4  }
0x31a: {  	[tilespmem:s31+$0x60] =	vst v0  }
0x31b: {  	v0 =	vld [tilespmem:s30+$0xFFFFFF80];
	_ =	sdelay $0x7  }
0x31c: {  	v0 =	vld.idx.msk [tilespmem:v0+s6+$0x0], $0xffff;
	_ =	sdelay $0x4  }
0x31d: {  	[tilespmem:s31+$0x70] =	vst v0  }
0x31e: {  	v0 =	vld [tilespmem:s30+$0xFFFFFF90];
	_ =	sdelay $0x7  }
0x31f: {  	v0 =	vld.idx.msk [tilespmem:v0+s6+$0x0], $0xffff;
	_ =	sdelay $0x4  }
0x320: {  	[tilespmem:s31+$0x100] =	vst v0  }
0x321: {  	v0 =	vld [tilespmem:s30+$0xFFFFFFA0];
	_ =	sdelay $0x7  }
0x322: {  	v0 =	vld.idx.msk [tilespmem:v0+s6+$0x0], $0xffff;
	_ =	sdelay $0x4  }
0x323: {  	[tilespmem:s31+$0x110] =	vst v0  }
0x324: {  	v0 =	vld [tilespmem:s30+$0xFFFFFFB0];
	_ =	sdelay $0x7  }
0x325: {  	v0 =	vld.idx.msk [tilespmem:v0+s6+$0x0], $0xffff;
	_ =	sdelay $0x4  }
0x326: {  	[tilespmem:s31+$0x120] =	vst v0  }
0x327: {  	v0 =	vld [tilespmem:s30+$0xFFFFFFC0];
	_ =	sdelay $0x7  }
0x328: {  	v0 =	vld.idx.msk [tilespmem:v0+s6+$0x0], $0xffff;
	_ =	sdelay $0x4  }
0x329: {  	[tilespmem:s31+$0x130] =	vst v0  }
0x32a: {  	v0 =	vld [tilespmem:s30+$0xFFFFFFD0];
	_ =	sdelay $0x7  }
0x32b: {  	v0 =	vld.idx.msk [tilespmem:v0+s6+$0x0], $0xffff;
	_ =	sdelay $0x4  }
0x32c: {  	[tilespmem:s31+$0x140] =	vst v0  }
0x32d: {  	v0 =	vld [tilespmem:s30+$0xFFFFFFE0];
	_ =	sdelay $0x7  }
0x32e: {  	v0 =	vld.idx.msk [tilespmem:v0+s6+$0x0], $0xffff;
	_ =	sdelay $0x4  }
0x32f: {  	[tilespmem:s31+$0x150] =	vst v0  }
0x330: {  	v0 =	vld [tilespmem:s30+$0xFFFFFFF0];
	_ =	sdelay $0x7  }
0x331: {  	v0 =	vld.idx.msk [tilespmem:v0+s6+$0x0], $0xffff;
	_ =	sdelay $0x4  }
0x332: {  	[tilespmem:s31+$0x160] =	vst v0  }
0x333: {  	v0 =	vld [tilespmem:s30+$0x0];
	_ =	sdelay $0x6  }
0x334: {  	s29 =	sadd.s32 $0x20, s29  }
0x335: {  	p0 =	slt.u32 s29, $0x60;
	v0 =	vld.idx.msk [tilespmem:v0+s6+$0x0], $0xffff  }
.Ltmp5:
0x336: {  	_ = 	snop;
	(pc) =	sbr.rel @p0 .LBB2_13-.Ltmp5, $2  }
0x337: {  	_ =	sdelay $0x2  }
0x338: {  	s30 =	sadd.s32 $0x200, s30;
	[tilespmem:s31+$0x170] =	vst v0;
	s31 =	sadd.s32 $0x400, s31  }
0x339: {  	s29 =	rddreg [dreg:$0xa]  }
0x33a: {  	s29 =	sadd.s32 s28, s29  }
0x33b: {  	[hbm4b:s29+s6] =	stream.linear.scatter [tilespmem:s18], [sflag:$0x3], $0x80, $0x38;
	[tilespmem:$0x1D700] =	vst v63  }
0x33c: {  	s30 =	sadd.s32 $0x80, s29  }
0x33d: {  	[hbm4b:s30+s6] =	stream.linear.scatter [tilespmem:s15], [sflag:$0x3], $0x80, $0x38;
	[tilespmem:$0x1D700] =	vst v63  }
0x33e: {  	s30 =	sadd.s32 $0x100, s29  }
0x33f: {  	[hbm4b:s30+s6] =	stream.linear.scatter [tilespmem:s16], [sflag:$0x3], $0x80, $0x38;
	[tilespmem:$0x1D700] =	vst v63  }
0x340: {  	s30 =	sadd.s32 $0x180, s29  }
0x341: {  	[hbm4b:s30+s6] =	stream.linear.scatter [tilespmem:s4], [sflag:$0x3], $0x80, $0x38;
	[tilespmem:$0x1D700] =	vst v63  }
0x342: {  	s30 =	sadd.s32 $0x200, s29  }
0x343: {  	[hbm4b:s30+s6] =	stream.linear.scatter [tilespmem:s19], [sflag:$0x3], $0x80, $0x38;
	[tilespmem:$0x1D700] =	vst v63  }
0x344: {  	s30 =	sadd.s32 $0x280, s29  }
0x345: {  	[hbm4b:s30+s6] =	stream.linear.scatter [tilespmem:s1], [sflag:$0x3], $0x80, $0x38;
	[tilespmem:$0x1D700] =	vst v63  }
0x346: {  	s30 =	sadd.s32 $0x300, s29  }
0x347: {  	[hbm4b:s30+s6] =	stream.linear.scatter [tilespmem:s5], [sflag:$0x3], $0x80, $0x38;
	[tilespmem:$0x1D700] =	vst v63  }
0x348: {  	s30 =	sadd.s32 $0x380, s29  }
0x349: {  	[hbm4b:s30+s6] =	stream.linear.scatter [tilespmem:s8], [sflag:$0x3], $0x80, $0x38;
	[tilespmem:$0x1D700] =	vst v63  }
0x34a: {  	s30 =	sadd.s32 $0x400, s29  }
0x34b: {  	[hbm4b:s30+s6] =	stream.linear.scatter [tilespmem:s9], [sflag:$0x3], $0x80, $0x38;
	[tilespmem:$0x1D700] =	vst v63  }
0x34c: {  	s30 =	sadd.s32 $0x480, s29  }
0x34d: {  	[hbm4b:s30+s6] =	stream.linear.scatter [tilespmem:s10], [sflag:$0x3], $0x80, $0x38;
	[tilespmem:$0x1D700] =	vst v63  }
0x34e: {  	s30 =	sadd.s32 $0x500, s29  }
0x34f: {  	[hbm4b:s30+s6] =	stream.linear.scatter [tilespmem:s11], [sflag:$0x3], $0x80, $0x38;
	[tilespmem:$0x1D700] =	vst v63  }
0x350: {  	s30 =	sadd.s32 $0x580, s29  }
0x351: {  	[hbm4b:s30+s6] =	stream.linear.scatter [tilespmem:s12], [sflag:$0x3], $0x80, $0x38;
	[tilespmem:$0x1D700] =	vst v63  }
0x352: {  	s30 =	sadd.s32 $0x600, s29  }
0x353: {  	[hbm4b:s30+s6] =	stream.linear.scatter [tilespmem:s13], [sflag:$0x3], $0x80, $0x38;
	[tilespmem:$0x1D700] =	vst v63  }
0x354: {  	s30 =	sadd.s32 $0x680, s29  }
0x355: {  	[hbm4b:s30+s6] =	stream.linear.scatter [tilespmem:s17], [sflag:$0x3], $0x80, $0x38;
	[tilespmem:$0x1D700] =	vst v63  }
0x356: {  	s30 =	sadd.s32 $0x700, s29  }
0x357: {  	[hbm4b:s30+s6] =	stream.linear.scatter [tilespmem:s20], [sflag:$0x3], $0x80, $0x38;
	[tilespmem:$0x1D700] =	vst v63  }
0x358: {  	s29 =	sadd.s32 $0x780, s29  }
0x359: {  	[hbm4b:s29+s6] =	stream.linear.scatter [tilespmem:s21], [sflag:$0x3], $0x80, $0x38;
	[tilespmem:$0x1D700] =	vst v63  }
0x35a: {  	_ =	swait.ge [sflag:s22], $0x800  }
0x35b: {  	s31 =	simm.s32 $0x1C900;
	[sflag:s22] =	ssyncset.done $0x0  }
0x35c: {  	s30 =	simm.s32 $0x1B8F0;
	s29 =	simm.s32 $0xFFFFFFE0;
	[sflag:s22] =	ssyncadd.s32 $0xFFFFF800  }
.LBB2_15:
0x35d: {  	v0 =	vld [tilespmem:s30+$0xFFFFFE10];
	_ =	sdelay $0x7  }
0x35e: {  	v0 =	vld.idx.msk [tilespmem:v0+s6+$0x0], $0xffff;
	_ =	sdelay $0x4  }
0x35f: {  	[tilespmem:s31+$0xFFFFFE00] =	vst v0  }
0x360: {  	v0 =	vld [tilespmem:s30+$0xFFFFFE20];
	_ =	sdelay $0x7  }
0x361: {  	v0 =	vld.idx.msk [tilespmem:v0+s6+$0x0], $0xffff;
	_ =	sdelay $0x4  }
0x362: {  	[tilespmem:s31+$0xFFFFFE10] =	vst v0  }
0x363: {  	v0 =	vld [tilespmem:s30+$0xFFFFFE30];
	_ =	sdelay $0x7  }
0x364: {  	v0 =	vld.idx.msk [tilespmem:v0+s6+$0x0], $0xffff;
	_ =	sdelay $0x4  }
0x365: {  	[tilespmem:s31+$0xFFFFFE20] =	vst v0  }
0x366: {  	v0 =	vld [tilespmem:s30+$0xFFFFFE40];
	_ =	sdelay $0x7  }
0x367: {  	v0 =	vld.idx.msk [tilespmem:v0+s6+$0x0], $0xffff;
	_ =	sdelay $0x4  }
0x368: {  	[tilespmem:s31+$0xFFFFFE30] =	vst v0  }
0x369: {  	v0 =	vld [tilespmem:s30+$0xFFFFFE50];
	_ =	sdelay $0x7  }
0x36a: {  	v0 =	vld.idx.msk [tilespmem:v0+s6+$0x0], $0xffff;
	_ =	sdelay $0x4  }
0x36b: {  	[tilespmem:s31+$0xFFFFFE40] =	vst v0  }
0x36c: {  	v0 =	vld [tilespmem:s30+$0xFFFFFE60];
	_ =	sdelay $0x7  }
0x36d: {  	v0 =	vld.idx.msk [tilespmem:v0+s6+$0x0], $0xffff;
	_ =	sdelay $0x4  }
0x36e: {  	[tilespmem:s31+$0xFFFFFE50] =	vst v0  }
0x36f: {  	v0 =	vld [tilespmem:s30+$0xFFFFFE70];
	_ =	sdelay $0x7  }
0x370: {  	v0 =	vld.idx.msk [tilespmem:v0+s6+$0x0], $0xffff;
	_ =	sdelay $0x4  }
0x371: {  	[tilespmem:s31+$0xFFFFFE60] =	vst v0  }
0x372: {  	v0 =	vld [tilespmem:s30+$0xFFFFFE80];
	_ =	sdelay $0x7  }
0x373: {  	v0 =	vld.idx.msk [tilespmem:v0+s6+$0x0], $0xffff;
	_ =	sdelay $0x4  }
0x374: {  	[tilespmem:s31+$0xFFFFFE70] =	vst v0  }
0x375: {  	v0 =	vld [tilespmem:s30+$0xFFFFFE90];
	_ =	sdelay $0x7  }
0x376: {  	v0 =	vld.idx.msk [tilespmem:v0+s6+$0x0], $0xffff;
	_ =	sdelay $0x4  }
0x377: {  	[tilespmem:s31+$0xFFFFFF00] =	vst v0  }
0x378: {  	v0 =	vld [tilespmem:s30+$0xFFFFFEA0];
	_ =	sdelay $0x7  }
0x379: {  	v0 =	vld.idx.msk [tilespmem:v0+s6+$0x0], $0xffff;
	_ =	sdelay $0x4  }
0x37a: {  	[tilespmem:s31+$0xFFFFFF10] =	vst v0  }
0x37b: {  	v0 =	vld [tilespmem:s30+$0xFFFFFEB0];
	_ =	sdelay $0x7  }
0x37c: {  	v0 =	vld.idx.msk [tilespmem:v0+s6+$0x0], $0xffff;
	_ =	sdelay $0x4  }
0x37d: {  	[tilespmem:s31+$0xFFFFFF20] =	vst v0  }
0x37e: {  	v0 =	vld [tilespmem:s30+$0xFFFFFEC0];
	_ =	sdelay $0x7  }
0x37f: {  	v0 =	vld.idx.msk [tilespmem:v0+s6+$0x0], $0xffff;
	_ =	sdelay $0x4  }
0x380: {  	[tilespmem:s31+$0xFFFFFF30] =	vst v0  }
0x381: {  	v0 =	vld [tilespmem:s30+$0xFFFFFED0];
	_ =	sdelay $0x7  }
0x382: {  	v0 =	vld.idx.msk [tilespmem:v0+s6+$0x0], $0xffff;
	_ =	sdelay $0x4  }
0x383: {  	[tilespmem:s31+$0xFFFFFF40] =	vst v0  }
0x384: {  	v0 =	vld [tilespmem:s30+$0xFFFFFEE0];
	_ =	sdelay $0x7  }
0x385: {  	v0 =	vld.idx.msk [tilespmem:v0+s6+$0x0], $0xffff;
	_ =	sdelay $0x4  }
0x386: {  	[tilespmem:s31+$0xFFFFFF50] =	vst v0  }
0x387: {  	v0 =	vld [tilespmem:s30+$0xFFFFFEF0];
	_ =	sdelay $0x7  }
0x388: {  	v0 =	vld.idx.msk [tilespmem:v0+s6+$0x0], $0xffff;
	_ =	sdelay $0x4  }
0x389: {  	[tilespmem:s31+$0xFFFFFF60] =	vst v0  }
0x38a: {  	v0 =	vld [tilespmem:s30+$0xFFFFFF00];
	_ =	sdelay $0x7  }
0x38b: {  	v0 =	vld.idx.msk [tilespmem:v0+s6+$0x0], $0xffff;
	_ =	sdelay $0x4  }
0x38c: {  	[tilespmem:s31+$0xFFFFFF70] =	vst v0  }
0x38d: {  	v0 =	vld [tilespmem:s30+$0xFFFFFF10];
	_ =	sdelay $0x7  }
0x38e: {  	v0 =	vld.idx.msk [tilespmem:v0+s6+$0x0], $0xffff;
	_ =	sdelay $0x4  }
0x38f: {  	[tilespmem:s31+$0x0] =	vst v0  }
0x390: {  	v0 =	vld [tilespmem:s30+$0xFFFFFF20];
	_ =	sdelay $0x7  }
0x391: {  	v0 =	vld.idx.msk [tilespmem:v0+s6+$0x0], $0xffff;
	_ =	sdelay $0x4  }
0x392: {  	[tilespmem:s31+$0x10] =	vst v0  }
0x393: {  	v0 =	vld [tilespmem:s30+$0xFFFFFF30];
	_ =	sdelay $0x7  }
0x394: {  	v0 =	vld.idx.msk [tilespmem:v0+s6+$0x0], $0xffff;
	_ =	sdelay $0x4  }
0x395: {  	[tilespmem:s31+$0x20] =	vst v0  }
0x396: {  	v0 =	vld [tilespmem:s30+$0xFFFFFF40];
	_ =	sdelay $0x7  }
0x397: {  	v0 =	vld.idx.msk [tilespmem:v0+s6+$0x0], $0xffff;
	_ =	sdelay $0x4  }
0x398: {  	[tilespmem:s31+$0x30] =	vst v0  }
0x399: {  	v0 =	vld [tilespmem:s30+$0xFFFFFF50];
	_ =	sdelay $0x7  }
0x39a: {  	v0 =	vld.idx.msk [tilespmem:v0+s6+$0x0], $0xffff;
	_ =	sdelay $0x4  }
0x39b: {  	[tilespmem:s31+$0x40] =	vst v0  }
0x39c: {  	v0 =	vld [tilespmem:s30+$0xFFFFFF60];
	_ =	sdelay $0x7  }
0x39d: {  	v0 =	vld.idx.msk [tilespmem:v0+s6+$0x0], $0xffff;
	_ =	sdelay $0x4  }
0x39e: {  	[tilespmem:s31+$0x50] =	vst v0  }
0x39f: {  	v0 =	vld [tilespmem:s30+$0xFFFFFF70];
	_ =	sdelay $0x7  }
0x3a0: {  	v0 =	vld.idx.msk [tilespmem:v0+s6+$0x0], $0xffff;
	_ =	sdelay $0x4  }
0x3a1: {  	[tilespmem:s31+$0x60] =	vst v0  }
0x3a2: {  	v0 =	vld [tilespmem:s30+$0xFFFFFF80];
	_ =	sdelay $0x7  }
0x3a3: {  	v0 =	vld.idx.msk [tilespmem:v0+s6+$0x0], $0xffff;
	_ =	sdelay $0x4  }
0x3a4: {  	[tilespmem:s31+$0x70] =	vst v0  }
0x3a5: {  	v0 =	vld [tilespmem:s30+$0xFFFFFF90];
	_ =	sdelay $0x7  }
0x3a6: {  	v0 =	vld.idx.msk [tilespmem:v0+s6+$0x0], $0xffff;
	_ =	sdelay $0x4  }
0x3a7: {  	[tilespmem:s31+$0x100] =	vst v0  }
0x3a8: {  	v0 =	vld [tilespmem:s30+$0xFFFFFFA0];
	_ =	sdelay $0x7  }
0x3a9: {  	v0 =	vld.idx.msk [tilespmem:v0+s6+$0x0], $0xffff;
	_ =	sdelay $0x4  }
0x3aa: {  	[tilespmem:s31+$0x110] =	vst v0  }
0x3ab: {  	v0 =	vld [tilespmem:s30+$0xFFFFFFB0];
	_ =	sdelay $0x7  }
0x3ac: {  	v0 =	vld.idx.msk [tilespmem:v0+s6+$0x0], $0xffff;
	_ =	sdelay $0x4  }
0x3ad: {  	[tilespmem:s31+$0x120] =	vst v0  }
0x3ae: {  	v0 =	vld [tilespmem:s30+$0xFFFFFFC0];
	_ =	sdelay $0x7  }
0x3af: {  	v0 =	vld.idx.msk [tilespmem:v0+s6+$0x0], $0xffff;
	_ =	sdelay $0x4  }
0x3b0: {  	[tilespmem:s31+$0x130] =	vst v0  }
0x3b1: {  	v0 =	vld [tilespmem:s30+$0xFFFFFFD0];
	_ =	sdelay $0x7  }
0x3b2: {  	v0 =	vld.idx.msk [tilespmem:v0+s6+$0x0], $0xffff;
	_ =	sdelay $0x4  }
0x3b3: {  	[tilespmem:s31+$0x140] =	vst v0  }
0x3b4: {  	v0 =	vld [tilespmem:s30+$0xFFFFFFE0];
	_ =	sdelay $0x7  }
0x3b5: {  	v0 =	vld.idx.msk [tilespmem:v0+s6+$0x0], $0xffff;
	_ =	sdelay $0x4  }
0x3b6: {  	[tilespmem:s31+$0x150] =	vst v0  }
0x3b7: {  	v0 =	vld [tilespmem:s30+$0xFFFFFFF0];
	_ =	sdelay $0x7  }
0x3b8: {  	v0 =	vld.idx.msk [tilespmem:v0+s6+$0x0], $0xffff;
	_ =	sdelay $0x4  }
0x3b9: {  	[tilespmem:s31+$0x160] =	vst v0  }
0x3ba: {  	v0 =	vld [tilespmem:s30+$0x0];
	_ =	sdelay $0x6  }
0x3bb: {  	s29 =	sadd.s32 $0x20, s29  }
0x3bc: {  	p0 =	slt.u32 s29, $0x60;
	v0 =	vld.idx.msk [tilespmem:v0+s6+$0x0], $0xffff  }
.Ltmp6:
0x3bd: {  	_ = 	snop;
	(pc) =	sbr.rel @p0 .LBB2_15-.Ltmp6, $2  }
0x3be: {  	_ =	sdelay $0x2  }
0x3bf: {  	s30 =	sadd.s32 $0x200, s30;
	[tilespmem:s31+$0x170] =	vst v0;
	s31 =	sadd.s32 $0x400, s31  }
0x3c0: {  	s29 =	rddreg [dreg:$0xb]  }
0x3c1: {  	s28 =	sadd.s32 s28, s29;
	s29 =	simm.s32 $0x1C700  }
0x3c2: {  	[hbm4b:s28+s6] =	stream.linear.scatter [tilespmem:s29], [sflag:$0x3], $0x80, $0x38;
	[tilespmem:$0x1D700] =	vst v63  }
0x3c3: {  	s30 =	simm.s32 $0x1C800;
	s29 =	sadd.s32 $0x80, s28  }
0x3c4: {  	[hbm4b:s29+s6] =	stream.linear.scatter [tilespmem:s30], [sflag:$0x3], $0x80, $0x38;
	[tilespmem:$0x1D700] =	vst v63  }
0x3c5: {  	s29 =	sadd.s32 $0x100, s28;
	s30 =	simm.s32 $0x1C900  }
0x3c6: {  	[hbm4b:s29+s6] =	stream.linear.scatter [tilespmem:s30], [sflag:$0x3], $0x80, $0x38;
	[tilespmem:$0x1D700] =	vst v63  }
0x3c7: {  	s29 =	sadd.s32 $0x180, s28;
	s30 =	simm.s32 $0x1CA00  }
0x3c8: {  	[hbm4b:s29+s6] =	stream.linear.scatter [tilespmem:s30], [sflag:$0x3], $0x80, $0x38;
	[tilespmem:$0x1D700] =	vst v63  }
0x3c9: {  	s29 =	sadd.s32 $0x200, s28;
	s30 =	simm.s32 $0x1CB00  }
0x3ca: {  	[hbm4b:s29+s6] =	stream.linear.scatter [tilespmem:s30], [sflag:$0x3], $0x80, $0x38;
	[tilespmem:$0x1D700] =	vst v63  }
0x3cb: {  	s29 =	sadd.s32 $0x280, s28;
	s30 =	simm.s32 $0x1CC00  }
0x3cc: {  	[hbm4b:s29+s6] =	stream.linear.scatter [tilespmem:s30], [sflag:$0x3], $0x80, $0x38;
	[tilespmem:$0x1D700] =	vst v63  }
0x3cd: {  	s29 =	sadd.s32 $0x300, s28;
	s30 =	simm.s32 $0x1CD00  }
0x3ce: {  	[hbm4b:s29+s6] =	stream.linear.scatter [tilespmem:s30], [sflag:$0x3], $0x80, $0x38;
	[tilespmem:$0x1D700] =	vst v63  }
0x3cf: {  	s29 =	sadd.s32 $0x380, s28;
	s30 =	simm.s32 $0x1CE00  }
0x3d0: {  	[hbm4b:s29+s6] =	stream.linear.scatter [tilespmem:s30], [sflag:$0x3], $0x80, $0x38;
	[tilespmem:$0x1D700] =	vst v63  }
0x3d1: {  	s29 =	sadd.s32 $0x400, s28;
	s30 =	simm.s32 $0x1CF00  }
0x3d2: {  	[hbm4b:s29+s6] =	stream.linear.scatter [tilespmem:s30], [sflag:$0x3], $0x80, $0x38;
	[tilespmem:$0x1D700] =	vst v63  }
0x3d3: {  	s29 =	sadd.s32 $0x480, s28;
	s30 =	simm.s32 $0x1D000  }
0x3d4: {  	[hbm4b:s29+s6] =	stream.linear.scatter [tilespmem:s30], [sflag:$0x3], $0x80, $0x38;
	[tilespmem:$0x1D700] =	vst v63  }
0x3d5: {  	s29 =	sadd.s32 $0x500, s28;
	s30 =	simm.s32 $0x1D100  }
0x3d6: {  	[hbm4b:s29+s6] =	stream.linear.scatter [tilespmem:s30], [sflag:$0x3], $0x80, $0x38;
	[tilespmem:$0x1D700] =	vst v63  }
0x3d7: {  	s29 =	sadd.s32 $0x580, s28;
	s30 =	simm.s32 $0x1D200  }
0x3d8: {  	[hbm4b:s29+s6] =	stream.linear.scatter [tilespmem:s30], [sflag:$0x3], $0x80, $0x38;
	[tilespmem:$0x1D700] =	vst v63  }
0x3d9: {  	s29 =	sadd.s32 $0x600, s28  }
0x3da: {  	[hbm4b:s29+s6] =	stream.linear.scatter [tilespmem:s0], [sflag:$0x3], $0x80, $0x38;
	[tilespmem:$0x1D700] =	vst v63  }
0x3db: {  	s29 =	sadd.s32 $0x680, s28  }
0x3dc: {  	[hbm4b:s29+s6] =	stream.linear.scatter [tilespmem:s7], [sflag:$0x3], $0x80, $0x38;
	[tilespmem:$0x1D700] =	vst v63  }
0x3dd: {  	s29 =	sadd.s32 $0x700, s28  }
0x3de: {  	[hbm4b:s29+s6] =	stream.linear.scatter [tilespmem:s14], [sflag:$0x3], $0x80, $0x38;
	[tilespmem:$0x1D700] =	vst v63  }
0x3df: {  	s28 =	sadd.s32 $0x780, s28  }
0x3e0: {  	[hbm4b:s28+s6] =	stream.linear.scatter [tilespmem:s2], [sflag:$0x3], $0x80, $0x38;
	[tilespmem:$0x1D700] =	vst v63  }
0x3e1: {  	_ =	swait.ge [sflag:s22], $0x800  }
0x3e2: {  	s30 =	simm.s32 $0x1C980;
	[sflag:s22] =	ssyncset.done $0x0  }
0x3e3: {  	s29 =	simm.s32 $0x1C0F0;
	s28 =	simm.s32 $0xFFFFFFE0;
	[sflag:s22] =	ssyncadd.s32 $0xFFFFF800  }
.LBB2_17:
0x3e4: {  	v0 =	vld [tilespmem:s29+$0xFFFFFE10];
	_ =	sdelay $0x7  }
0x3e5: {  	v0 =	vld.idx.msk [tilespmem:v0+s6+$0x0], $0xffff;
	_ =	sdelay $0x4  }
0x3e6: {  	[tilespmem:s30+$0xFFFFFE00] =	vst v0  }
0x3e7: {  	v0 =	vld [tilespmem:s29+$0xFFFFFE20];
	_ =	sdelay $0x7  }
0x3e8: {  	v0 =	vld.idx.msk [tilespmem:v0+s6+$0x0], $0xffff;
	_ =	sdelay $0x4  }
0x3e9: {  	[tilespmem:s30+$0xFFFFFE10] =	vst v0  }
0x3ea: {  	v0 =	vld [tilespmem:s29+$0xFFFFFE30];
	_ =	sdelay $0x7  }
0x3eb: {  	v0 =	vld.idx.msk [tilespmem:v0+s6+$0x0], $0xffff;
	_ =	sdelay $0x4  }
0x3ec: {  	[tilespmem:s30+$0xFFFFFE20] =	vst v0  }
0x3ed: {  	v0 =	vld [tilespmem:s29+$0xFFFFFE40];
	_ =	sdelay $0x7  }
0x3ee: {  	v0 =	vld.idx.msk [tilespmem:v0+s6+$0x0], $0xffff;
	_ =	sdelay $0x4  }
0x3ef: {  	[tilespmem:s30+$0xFFFFFE30] =	vst v0  }
0x3f0: {  	v0 =	vld [tilespmem:s29+$0xFFFFFE50];
	_ =	sdelay $0x7  }
0x3f1: {  	v0 =	vld.idx.msk [tilespmem:v0+s6+$0x0], $0xffff;
	_ =	sdelay $0x4  }
0x3f2: {  	[tilespmem:s30+$0xFFFFFE40] =	vst v0  }
0x3f3: {  	v0 =	vld [tilespmem:s29+$0xFFFFFE60];
	_ =	sdelay $0x7  }
0x3f4: {  	v0 =	vld.idx.msk [tilespmem:v0+s6+$0x0], $0xffff;
	_ =	sdelay $0x4  }
0x3f5: {  	[tilespmem:s30+$0xFFFFFE50] =	vst v0  }
0x3f6: {  	v0 =	vld [tilespmem:s29+$0xFFFFFE70];
	_ =	sdelay $0x7  }
0x3f7: {  	v0 =	vld.idx.msk [tilespmem:v0+s6+$0x0], $0xffff;
	_ =	sdelay $0x4  }
0x3f8: {  	[tilespmem:s30+$0xFFFFFE60] =	vst v0  }
0x3f9: {  	v0 =	vld [tilespmem:s29+$0xFFFFFE80];
	_ =	sdelay $0x7  }
0x3fa: {  	v0 =	vld.idx.msk [tilespmem:v0+s6+$0x0], $0xffff;
	_ =	sdelay $0x4  }
0x3fb: {  	[tilespmem:s30+$0xFFFFFE70] =	vst v0  }
0x3fc: {  	v0 =	vld [tilespmem:s29+$0xFFFFFE90];
	_ =	sdelay $0x7  }
0x3fd: {  	v0 =	vld.idx.msk [tilespmem:v0+s6+$0x0], $0xffff;
	_ =	sdelay $0x4  }
0x3fe: {  	[tilespmem:s30+$0xFFFFFF00] =	vst v0  }
0x3ff: {  	v0 =	vld [tilespmem:s29+$0xFFFFFEA0];
	_ =	sdelay $0x7  }
0x400: {  	v0 =	vld.idx.msk [tilespmem:v0+s6+$0x0], $0xffff;
	_ =	sdelay $0x4  }
0x401: {  	[tilespmem:s30+$0xFFFFFF10] =	vst v0  }
0x402: {  	v0 =	vld [tilespmem:s29+$0xFFFFFEB0];
	_ =	sdelay $0x7  }
0x403: {  	v0 =	vld.idx.msk [tilespmem:v0+s6+$0x0], $0xffff;
	_ =	sdelay $0x4  }
0x404: {  	[tilespmem:s30+$0xFFFFFF20] =	vst v0  }
0x405: {  	v0 =	vld [tilespmem:s29+$0xFFFFFEC0];
	_ =	sdelay $0x7  }
0x406: {  	v0 =	vld.idx.msk [tilespmem:v0+s6+$0x0], $0xffff;
	_ =	sdelay $0x4  }
0x407: {  	[tilespmem:s30+$0xFFFFFF30] =	vst v0  }
0x408: {  	v0 =	vld [tilespmem:s29+$0xFFFFFED0];
	_ =	sdelay $0x7  }
0x409: {  	v0 =	vld.idx.msk [tilespmem:v0+s6+$0x0], $0xffff;
	_ =	sdelay $0x4  }
0x40a: {  	[tilespmem:s30+$0xFFFFFF40] =	vst v0  }
0x40b: {  	v0 =	vld [tilespmem:s29+$0xFFFFFEE0];
	_ =	sdelay $0x7  }
0x40c: {  	v0 =	vld.idx.msk [tilespmem:v0+s6+$0x0], $0xffff;
	_ =	sdelay $0x4  }
0x40d: {  	[tilespmem:s30+$0xFFFFFF50] =	vst v0  }
0x40e: {  	v0 =	vld [tilespmem:s29+$0xFFFFFEF0];
	_ =	sdelay $0x7  }
0x40f: {  	v0 =	vld.idx.msk [tilespmem:v0+s6+$0x0], $0xffff;
	_ =	sdelay $0x4  }
0x410: {  	[tilespmem:s30+$0xFFFFFF60] =	vst v0  }
0x411: {  	v0 =	vld [tilespmem:s29+$0xFFFFFF00];
	_ =	sdelay $0x7  }
0x412: {  	v0 =	vld.idx.msk [tilespmem:v0+s6+$0x0], $0xffff;
	_ =	sdelay $0x4  }
0x413: {  	[tilespmem:s30+$0xFFFFFF70] =	vst v0  }
0x414: {  	v0 =	vld [tilespmem:s29+$0xFFFFFF10];
	_ =	sdelay $0x7  }
0x415: {  	v0 =	vld.idx.msk [tilespmem:v0+s6+$0x0], $0xffff;
	_ =	sdelay $0x4  }
0x416: {  	[tilespmem:s30+$0x0] =	vst v0  }
0x417: {  	v0 =	vld [tilespmem:s29+$0xFFFFFF20];
	_ =	sdelay $0x7  }
0x418: {  	v0 =	vld.idx.msk [tilespmem:v0+s6+$0x0], $0xffff;
	_ =	sdelay $0x4  }
0x419: {  	[tilespmem:s30+$0x10] =	vst v0  }
0x41a: {  	v0 =	vld [tilespmem:s29+$0xFFFFFF30];
	_ =	sdelay $0x7  }
0x41b: {  	v0 =	vld.idx.msk [tilespmem:v0+s6+$0x0], $0xffff;
	_ =	sdelay $0x4  }
0x41c: {  	[tilespmem:s30+$0x20] =	vst v0  }
0x41d: {  	v0 =	vld [tilespmem:s29+$0xFFFFFF40];
	_ =	sdelay $0x7  }
0x41e: {  	v0 =	vld.idx.msk [tilespmem:v0+s6+$0x0], $0xffff;
	_ =	sdelay $0x4  }
0x41f: {  	[tilespmem:s30+$0x30] =	vst v0  }
0x420: {  	v0 =	vld [tilespmem:s29+$0xFFFFFF50];
	_ =	sdelay $0x7  }
0x421: {  	v0 =	vld.idx.msk [tilespmem:v0+s6+$0x0], $0xffff;
	_ =	sdelay $0x4  }
0x422: {  	[tilespmem:s30+$0x40] =	vst v0  }
0x423: {  	v0 =	vld [tilespmem:s29+$0xFFFFFF60];
	_ =	sdelay $0x7  }
0x424: {  	v0 =	vld.idx.msk [tilespmem:v0+s6+$0x0], $0xffff;
	_ =	sdelay $0x4  }
0x425: {  	[tilespmem:s30+$0x50] =	vst v0  }
0x426: {  	v0 =	vld [tilespmem:s29+$0xFFFFFF70];
	_ =	sdelay $0x7  }
0x427: {  	v0 =	vld.idx.msk [tilespmem:v0+s6+$0x0], $0xffff;
	_ =	sdelay $0x4  }
0x428: {  	[tilespmem:s30+$0x60] =	vst v0  }
0x429: {  	v0 =	vld [tilespmem:s29+$0xFFFFFF80];
	_ =	sdelay $0x7  }
0x42a: {  	v0 =	vld.idx.msk [tilespmem:v0+s6+$0x0], $0xffff;
	_ =	sdelay $0x4  }
0x42b: {  	[tilespmem:s30+$0x70] =	vst v0  }
0x42c: {  	v0 =	vld [tilespmem:s29+$0xFFFFFF90];
	_ =	sdelay $0x7  }
0x42d: {  	v0 =	vld.idx.msk [tilespmem:v0+s6+$0x0], $0xffff;
	_ =	sdelay $0x4  }
0x42e: {  	[tilespmem:s30+$0x100] =	vst v0  }
0x42f: {  	v0 =	vld [tilespmem:s29+$0xFFFFFFA0];
	_ =	sdelay $0x7  }
0x430: {  	v0 =	vld.idx.msk [tilespmem:v0+s6+$0x0], $0xffff;
	_ =	sdelay $0x4  }
0x431: {  	[tilespmem:s30+$0x110] =	vst v0  }
0x432: {  	v0 =	vld [tilespmem:s29+$0xFFFFFFB0];
	_ =	sdelay $0x7  }
0x433: {  	v0 =	vld.idx.msk [tilespmem:v0+s6+$0x0], $0xffff;
	_ =	sdelay $0x4  }
0x434: {  	[tilespmem:s30+$0x120] =	vst v0  }
0x435: {  	v0 =	vld [tilespmem:s29+$0xFFFFFFC0];
	_ =	sdelay $0x7  }
0x436: {  	v0 =	vld.idx.msk [tilespmem:v0+s6+$0x0], $0xffff;
	_ =	sdelay $0x4  }
0x437: {  	[tilespmem:s30+$0x130] =	vst v0  }
0x438: {  	v0 =	vld [tilespmem:s29+$0xFFFFFFD0];
	_ =	sdelay $0x7  }
0x439: {  	v0 =	vld.idx.msk [tilespmem:v0+s6+$0x0], $0xffff;
	_ =	sdelay $0x4  }
0x43a: {  	[tilespmem:s30+$0x140] =	vst v0  }
0x43b: {  	v0 =	vld [tilespmem:s29+$0xFFFFFFE0];
	_ =	sdelay $0x7  }
0x43c: {  	v0 =	vld.idx.msk [tilespmem:v0+s6+$0x0], $0xffff;
	_ =	sdelay $0x4  }
0x43d: {  	[tilespmem:s30+$0x150] =	vst v0  }
0x43e: {  	v0 =	vld [tilespmem:s29+$0xFFFFFFF0];
	_ =	sdelay $0x7  }
0x43f: {  	v0 =	vld.idx.msk [tilespmem:v0+s6+$0x0], $0xffff;
	_ =	sdelay $0x4  }
0x440: {  	[tilespmem:s30+$0x160] =	vst v0  }
0x441: {  	v0 =	vld [tilespmem:s29+$0x0];
	_ =	sdelay $0x6  }
0x442: {  	s28 =	sadd.s32 $0x20, s28  }
0x443: {  	p0 =	slt.u32 s28, $0x60;
	v0 =	vld.idx.msk [tilespmem:v0+s6+$0x0], $0xffff  }
.Ltmp7:
0x444: {  	_ = 	snop;
	(pc) =	sbr.rel @p0 .LBB2_17-.Ltmp7, $2  }
0x445: {  	_ =	sdelay $0x2  }
0x446: {  	s29 =	sadd.s32 $0x200, s29;
	[tilespmem:s30+$0x170] =	vst v0;
	s30 =	sadd.s32 $0x400, s30  }
0x447: {  	s25 =	sor.u32 s25, s26  }
0x448: {  	s25 =	sshrl.u32 s25, $0x3  }
0x449: {  	s25 =	sor.u32 $0x3800, s25  }
0x44a: {  	s25 =	sadd.s32 s3, s25  }
0x44b: {  	[hbm4b:s25+s6] =	stream.linear.scatter [tilespmem:s18], [sflag:$0x3], $0x80, $0x38;
	[tilespmem:$0x1D700] =	vst v63  }
0x44c: {  	s30 =	sadd.s32 $0x80, s25  }
0x44d: {  	[hbm4b:s30+s6] =	stream.linear.scatter [tilespmem:s15], [sflag:$0x3], $0x80, $0x38;
	[tilespmem:$0x1D700] =	vst v63  }
0x44e: {  	s31 =	sadd.s32 $0x100, s25  }
0x44f: {  	[hbm4b:s31+s6] =	stream.linear.scatter [tilespmem:s16], [sflag:$0x3], $0x80, $0x38;
	[tilespmem:$0x1D700] =	vst v63  }
0x450: {  	s29 =	smov.u32 s3;
	s3 =	sadd.s32 $0x180, s25  }
0x451: {  	[hbm4b:s3+s6] =	stream.linear.scatter [tilespmem:s4], [sflag:$0x3], $0x80, $0x38;
	[tilespmem:$0x1D700] =	vst v63  }
0x452: {  	s28 =	sadd.s32 $0x200, s25  }
0x453: {  	[hbm4b:s28+s6] =	stream.linear.scatter [tilespmem:s19], [sflag:$0x3], $0x80, $0x38;
	[tilespmem:$0x1D700] =	vst v63  }
0x454: {  	s30 =	sadd.s32 $0x280, s25  }
0x455: {  	[hbm4b:s30+s6] =	stream.linear.scatter [tilespmem:s1], [sflag:$0x3], $0x80, $0x38;
	[tilespmem:$0x1D700] =	vst v63  }
0x456: {  	s31 =	sadd.s32 $0x300, s25  }
0x457: {  	[hbm4b:s31+s6] =	stream.linear.scatter [tilespmem:s5], [sflag:$0x3], $0x80, $0x38;
	[tilespmem:$0x1D700] =	vst v63  }
0x458: {  	s3 =	sadd.s32 $0x380, s25  }
0x459: {  	[hbm4b:s3+s6] =	stream.linear.scatter [tilespmem:s8], [sflag:$0x3], $0x80, $0x38;
	[tilespmem:$0x1D700] =	vst v63  }
0x45a: {  	s28 =	sadd.s32 $0x400, s25  }
0x45b: {  	[hbm4b:s28+s6] =	stream.linear.scatter [tilespmem:s9], [sflag:$0x3], $0x80, $0x38;
	[tilespmem:$0x1D700] =	vst v63  }
0x45c: {  	s30 =	sadd.s32 $0x480, s25  }
0x45d: {  	[hbm4b:s30+s6] =	stream.linear.scatter [tilespmem:s10], [sflag:$0x3], $0x80, $0x38;
	[tilespmem:$0x1D700] =	vst v63  }
0x45e: {  	s31 =	sadd.s32 $0x500, s25  }
0x45f: {  	[hbm4b:s31+s6] =	stream.linear.scatter [tilespmem:s11], [sflag:$0x3], $0x80, $0x38;
	[tilespmem:$0x1D700] =	vst v63  }
0x460: {  	s3 =	sadd.s32 $0x580, s25  }
0x461: {  	[hbm4b:s3+s6] =	stream.linear.scatter [tilespmem:s12], [sflag:$0x3], $0x80, $0x38;
	[tilespmem:$0x1D700] =	vst v63  }
0x462: {  	p0 =	seq.s32 s23, $0x19;
	s28 =	sadd.s32 $0x600, s25  }
0x463: {  	[hbm4b:s28+s6] =	stream.linear.scatter [tilespmem:s13], [sflag:$0x3], $0x80, $0x38;
	[tilespmem:$0x1D700] =	vst v63  }
0x464: {  	s24 =	sadd.s32 @!p0 $0x1, s24;
	s30 =	sadd.s32 $0x680, s25  }
0x465: {  	[hbm4b:s30+s6] =	stream.linear.scatter [tilespmem:s17], [sflag:$0x3], $0x80, $0x38;
	[tilespmem:$0x1D700] =	vst v63  }
0x466: {  	s26 =	sand.u32 @!p0 $0x18, s24;
	s31 =	sadd.s32 $0x700, s25  }
0x467: {  	[hbm4b:s31+s6] =	stream.linear.scatter [tilespmem:s20], [sflag:$0x3], $0x80, $0x38;
	[tilespmem:$0x1D700] =	vst v63  }
0x468: {  	s26 =	sshrl.u32 @!p0 s26, $0x3;
	s25 =	sadd.s32 $0x780, s25  }
0x469: {  	[hbm4b:s25+s6] =	stream.linear.scatter [tilespmem:s21], [sflag:$0x3], $0x80, $0x38;
	[tilespmem:$0x1D700] =	vst v63  }
0x46a: {  	s26 =	smul.u32 @!p0 $0xC3800, s26;
	s25 =	sshrl.u32 @!p0 s24, $0x5  }
0x46b: {  	s25 =	smul.u32 @!p0 $0x30E000, s25  }
0x46c: {  	s24 =	sshll.u32 @!p0 s24, $0x7  }
0x46d: {  	s24 =	sand.u32 @!p0 $0x380, s24;
	s25 =	sadd.s32 @!p0 s25, s26  }
0x46e: {  	s23 =	sadd.s32 $0x1, s23;
	s24 =	sor.u32 @!p0 s24, s25  }
0x46f: {  	s28 =	simm.s32 @!p0 $0x0;
	s25 =	rddreg [dreg:$0x1];
	s24 =	sshrl.u32 @!p0 s24, $0x3  }
0x470: {  	s26 =	simm.s32 @!p0 $0x400;
	s24 =	sadd.s32 @!p0 s25, s24;
	s25 =	simm.s32 @!p0 $0x80  }
0x471: {  	[tilespmem:s28], [sflag:$0x1] =	stream.strided.gather @!p0 [hbm4b:s24+s25], $0x18700, s26, s25, $0x38;
	[tilespmem:$0x1D700] =	vst v63  }
0x472: {  	p0 =	sne.s32 s23, $0x1A;
	_ =	swait.ge [sflag:s22], $0x800  }
.Ltmp8:
0x473: {  	[sflag:s22] =	ssyncset.done $0x0;
	(pc) =	sbr.rel @p0 .LBB2_2-.Ltmp8, $4  }
0x474: {  	[sflag:s22] =	ssyncadd.s32 $0xFFFFF800  }
0x475: {  	_ =	swait.ge [sflag:s22], $0x800  }
0x476: {  	[sflag:s22] =	ssyncset.done $0x0  }
0x477: {  	[sflag:s22] =	ssyncadd.s32 $0xFFFFF800  }
0x478: {  	s23 =	rddreg [dreg:$0xd]  }
0x479: {  	s3 =	rddreg [dreg:$0xc];
	s23 =	sadd.s32 $0x1, s23  }
0x47a: {  	p0 =	sne.s32 s23, s3  }
.Ltmp9:
0x47b: {  	_ = 	snop;
	(pc) =	sbr.rel @p0 .LBB2_1-.Ltmp9, $1  }
0x47c: {  	_ =	sdelay $0x3  }
0x47d: {  	_ =	sfence.sel $0x180000  }
0x47e: {  	[bflag:$0x0] =	sbarrier.arrive $0xFFFF  }
0x47f: {  	_ =	strace $0x90000047  }
0x480: {  	s0 =	stileid.u32;
	[bflag:$0x2] =	sbarrier.arrive $0xFFFF  }
0x481: {  	p0 =	sne.s32 s0, $0x0;
	s0 =	rddreg [dreg:$0x3]  }
0x482: {  	s0 =	sadd.s32 @!p0 $0x100000, s0  }
0x483: {  	[sflag:s0] =	ssyncadd.tile.s32 @!p0 $0x1;
	_ =	shalt  }
.Lfunc_end2:
_tile_overlayer_lowered:
.L_overlay_start_2:
0x484: {  	(tag) =	ssettag $0x2  }
0x485: {  	s0 =	rddreg [dreg:$0x0];
	s2 =	stileid.u32  }
0x486: {  	s1 =	rddreg [dreg:$0x1];
	p0 =	sne.s32 s2, $0x0  }
0x487: {  	s3 =	rddreg [dreg:$0x2];
	[bflag:$0x3] =	sbarrier.arrive $0xFFFF;
	s2 =	simm.s32 @!p0 $0x1C04  }
0x488: {  	[timem:s3], [sflag:s2] =	dma.local @!p0 [hbm:s0], s1  }
0x489: {  	s0 =	simm.s32 @!p0 $0x4  }
0x48a: {  	_ =	swait.ge @!p0 [sflag:s0], s1  }
0x48b: {  	s1 =	ssub.s32 @!p0 $0x0, s1;
	[sflag:s0] =	ssyncset.done @!p0 $0x0  }
0x48c: {  	[sflag:s0] =	ssyncadd.s32 @!p0 s1  }
0x48d: {  	[bflag:$0x3] =	sbarrier.arrive $0xFFFF  }
0x48e: {  	_ =	shalt  }

</sc_bundles>
